<compile_context>
chip_gen: v7x
topology: tpu7x:2x2x1
jax: 0.10.2.dev20260603
libtpu: 0.0.44.dev20260713+nightly
codegen_flags: <defaults>
</compile_context>

<pallas_src>
import functools

import numpy as np
import jax
import jax.numpy as jnp
from jax import lax
from jax.experimental import pallas as pl
from jax.experimental.pallas import tpu as pltpu
from jax.experimental.pallas import tpu_sc as plsc

_C = 192
_K = 16
_P = 3
_CLAMP = 1.5
_NSPAN = _K - _P
_SPAD = 16
_INVH = 6.5


def _knots_f64():
    n_int = _K - _P - 1
    interior = np.linspace(-1.0, 1.0, n_int + 2)[1:-1]
    return np.concatenate(
        [np.full(_P + 1, -1.0), interior, np.full(_P + 1, 1.0)])


def _local_basis_f64(x, i, kn):
    js = np.arange(1, _P + 1)
    left = x - kn[i + 1 - js]
    right = kn[i + js] - x
    N = np.zeros(_P + 1)
    N[0] = 1.0
    for j in range(1, _P + 1):
        saved = 0.0
        for r in range(j):
            denom = right[r] + left[j - r - 1]
            temp = N[r] / denom
            N[r] = saved + right[r] * temp
            saved = left[j - r - 1] * temp
        N[j] = saved
    return N


def _basis_matrices():
    kn = _knots_f64()
    M = np.zeros((_K, 4 * _SPAD))
    for s in range(_NSPAN):
        i = s + _P
        t0, t1 = kn[i], kn[i + 1]
        xs = t0 + (t1 - t0) * np.array([0.1, 0.35, 0.65, 0.9])
        V = np.vander(xs, 4, increasing=True)
        Nm = np.stack([_local_basis_f64(x, i, kn) for x in xs])
        Bj = np.linalg.solve(V, Nm).T
        for j in range(4):
            for d in range(4):
                M[s + j, d * _SPAD + s] = Bj[j, d]
    mask = np.zeros((1, 4 * _SPAD))
    mask[0, :_NSPAN] = 1.0
    return M.astype(np.float32), mask.astype(np.float32)


_M_NP, _MSK_NP = _basis_matrices()


def _prep_body(alpha_ref, scal_ref, mat_ref, msk_ref, coef_ref, srec_ref):
    alpha = alpha_ref[:]
    coef = jnp.dot(alpha, mat_ref[:], preferred_element_type=jnp.float32,
                   precision=lax.Precision.HIGHEST)
    coef_ref[:] = coef + scal_ref[:, 3:4] * msk_ref[:]
    srec_ref[:] = jnp.concatenate(
        [scal_ref[:, 0:3], jnp.zeros((_C, 5), jnp.float32)], axis=1)


def _prep_tables(alpha, scal):
    return pl.pallas_call(
        _prep_body,
        out_shape=[
            jax.ShapeDtypeStruct((_C, 4 * _SPAD), jnp.float32),
            jax.ShapeDtypeStruct((_C, 8), jnp.float32),
        ],
    )(alpha, scal, jnp.asarray(_M_NP), jnp.asarray(_MSK_NP))


def _make_sc_kernel(nslice):
    rows = 224
    cols = 224
    cps = 2
    crows = rows // cps
    nw = 32
    chunks = nslice * cps
    assert chunks % nw == 0
    cpw = chunks // nw
    assert cpw % 2 == 0
    cvregs = cols // 16
    plane = _C * _SPAD

    mesh = plsc.VectorSubcoreMesh(core_axis_name="c", subcore_axis_name="s")

    @functools.partial(
        pl.kernel,
        out_type=jax.ShapeDtypeStruct((nslice, rows, cols), jnp.float32),
        mesh=mesh,
        scratch_types=[
            [pltpu.VMEM((plane,), jnp.float32) for _ in range(4)],
            pltpu.VMEM((_C * 8,), jnp.float32),
            [pltpu.VMEM((crows, cols), jnp.float32) for _ in range(2)],
            [pltpu.VMEM((crows, cols), jnp.float32) for _ in range(2)],
            [pltpu.SemaphoreType.DMA for _ in range(4)],
        ],
        compiler_params=pltpu.CompilerParams(needs_layout_passes=False),
    )
    def sc_kernel(x_hbm, planes_hbm, srec_hbm, out_hbm,
                  tbl_v, srec_v, xin_v, yout_v, sems):
        wid = lax.axis_index("s") * 2 + lax.axis_index("c")
        for d in range(4):
            pltpu.sync_copy(planes_hbm.at[pl.ds(d * plane, plane)], tbl_v[d])
        pltpu.sync_copy(srec_hbm, srec_v)
        g0 = wid * cpw

        def in_copy(k, buf, sem):
            g = g0 + k
            return pltpu.make_async_copy(
                x_hbm.at[g // cps, pl.ds((g % cps) * crows, crows), :],
                buf, sem)

        def out_copy(k, buf, sem):
            g = g0 + k
            return pltpu.make_async_copy(
                buf, out_hbm.at[g // cps, pl.ds((g % cps) * crows, crows), :],
                sem)

        def compute(k, xv, yv):
            c16 = (((g0 + k) // cps) % _C) * _SPAD
            c16f = c16.astype(jnp.float32)
            ccv = jnp.full((16,), c16f + _INVH)
            blov = jnp.full((16,), c16f)
            bhiv = jnp.full((16,), c16f + 12.0)
            sidx = jnp.full((16,), (((g0 + k) // cps) % _C) * 8, jnp.int32)
            av = plsc.load_gather(srec_v, [sidx])
            bv = plsc.load_gather(srec_v, [sidx + 1])
            gv = plsc.load_gather(srec_v, [sidx + 2])

            @plsc.parallel_loop(0, crows, unroll=1)
            def _rloop(r):
                for ci in range(cvregs):
                    xx = xv[r, pl.ds(ci * 16, 16)]
                    xa = jnp.minimum(jnp.maximum(xx * av + bv, -_CLAMP),
                                     _CLAMP)
                    t = jnp.minimum(jnp.maximum(xa * _INVH + ccv, blov), bhiv)
                    s = t.astype(jnp.int32)
                    c0 = plsc.load_gather(tbl_v[0], [s])
                    c1 = plsc.load_gather(tbl_v[1], [s])
                    c2 = plsc.load_gather(tbl_v[2], [s])
                    c3 = plsc.load_gather(tbl_v[3], [s])
                    rr = ((c3 * xa + c2) * xa + c1) * xa + c0
                    yv[r, pl.ds(ci * 16, 16)] = xx * gv + rr

        in_copy(0, xin_v[0], sems[0]).start()

        @pl.loop(0, cpw // 2)
        def _outer(k2):
            k = k2 * 2
            in_copy(k + 1, xin_v[1], sems[1]).start()
            in_copy(k, xin_v[0], sems[0]).wait()

            @pl.when(k2 > 0)
            def _():
                out_copy(k - 2, yout_v[0], sems[2]).wait()

            compute(k, xin_v[0], yout_v[0])
            out_copy(k, yout_v[0], sems[2]).start()

            @pl.when(k + 2 < cpw)
            def _():
                in_copy(k + 2, xin_v[0], sems[0]).start()

            in_copy(k + 1, xin_v[1], sems[1]).wait()

            @pl.when(k2 > 0)
            def _():
                out_copy(k - 1, yout_v[1], sems[3]).wait()

            compute(k + 1, xin_v[1], yout_v[1])
            out_copy(k + 1, yout_v[1], sems[3]).start()

        out_copy(cpw - 2, yout_v[0], sems[2]).wait()
        out_copy(cpw - 1, yout_v[1], sems[3]).wait()

    return sc_kernel


def kernel(x, a, b, alpha, id_gain, bias):
    scal = jnp.stack([a, b, id_gain, bias], axis=1)
    coef, srec = _prep_tables(alpha, scal)
    planes = coef.reshape(_C, 4, _SPAD).transpose(1, 0, 2).reshape(-1)
    B, Cc, H, W = x.shape
    sc = _make_sc_kernel(B * Cc)
    y = sc(x.reshape(B * Cc, H, W), planes, srec.reshape(-1))
    return y.reshape(x.shape)

# --- scband reference (transcript-rebuilt; emitter-appended) ---
"""Pipeline reference for scband-kanspline1-d-84404697301568 (READ-ONLY COPY).

The authoritative reference and input builder live on the scoring server;
editing this copy changes nothing except your own understanding.
"""

import jax, jax.numpy as jnp
import numpy as np

C = 192
K = 16
P = 3
CLAMP = 1.5

def _open_uniform_knots(K, p):
    n_interior = K - p - 1
    if n_interior > 0:
        interior = jnp.linspace(-1.0, 1.0, n_interior + 2, dtype=jnp.float32)[1:-1]
        knots = jnp.concatenate([jnp.full((p + 1,), -1.0, dtype=jnp.float32), interior, jnp.full((p + 1,), 1.0, dtype=jnp.float32)])
    else:
        knots = jnp.concatenate([jnp.full((p + 1,), -1.0, dtype=jnp.float32), jnp.full((p + 1,), 1.0, dtype=jnp.float32)])
    return knots

def _find_span(x, knots, K, p):
    edges = knots[p:K]
    i = jnp.searchsorted(edges, x, side='left').astype(jnp.int32) + (p - 1)
    i = jnp.where(x >= knots[K], K - 1, i)
    return jnp.clip(i, p, K - 1)

def _bspline_local_values(x, knots, K, p):
    i = _find_span(x, knots, K, p)
    start = i - p
    js = jnp.arange(1, p + 1)
    idx_left = i[..., None] + 1 - js
    idx_right = i[..., None] + js
    t_left = knots[idx_left]
    t_right = knots[idx_right]
    x_exp = x[..., None]
    left = x_exp - t_left
    right = t_right - x_exp
    N = [jnp.zeros_like(x) for _ in range(p + 1)]
    N[0] = jnp.ones_like(x)
    for j in range(1, p + 1):
        saved = jnp.zeros_like(x)
        for r in range(j):
            denom = right[..., r] + left[..., j - r - 1]
            denom = jnp.where(denom == 0, jnp.ones_like(denom), denom)
            temp = N[r] / denom
            N[r] = saved + right[..., r] * temp
            saved = left[..., j - r - 1] * temp
        N[j] = saved
    return jnp.stack(N, axis=-1), start

def setup_inputs(seed: int = 0):
    key = jax.random.key(seed)
    k1, k2 = jax.random.split(key, 2)
    x = jax.random.normal(k1, (4, C, 224, 224), dtype=jnp.float32)
    a = jnp.ones((C,), dtype=jnp.float32)
    b = jnp.zeros((C,), dtype=jnp.float32)
    alpha = jax.random.normal(k2, (C, K), dtype=jnp.float32) * 0.1
    id_gain = jnp.ones((C,), dtype=jnp.float32)
    bias = jnp.zeros((C,), dtype=jnp.float32)
    return {'x': x, 'a': a, 'b': b, 'alpha': alpha, 'id_gain': id_gain, 'bias': bias}

def reference(x, a, b, alpha, id_gain, bias):
    B, Cc, H, W = x.shape
    knots = _open_uniform_knots(K, P)
    x_aff = x * a.reshape(1, Cc, 1, 1) + b.reshape(1, Cc, 1, 1)
    x_aff = jnp.clip(x_aff, -CLAMP, CLAMP)
    Nv, start = _bspline_local_values(x_aff, knots, K, P)
    offs = jnp.arange(0, P + 1).reshape(1, 1, 1, 1, P + 1)
    idx = jnp.clip(start[..., None] + offs, 0, K - 1)
    ch = jnp.arange(Cc).reshape(1, Cc, 1, 1, 1)
    alpha_loc = alpha[ch, idx]
    spline_val = (Nv * alpha_loc).sum(axis=-1)
    y = id_gain.reshape(1, Cc, 1, 1) * x + spline_val + bias.reshape(1, Cc, 1, 1)
    return y

if __name__ == "__main__":
    import jax
    _d = setup_inputs()
    print(jax.jit(kernel)(*tuple(_d.values())))

</pallas_src>

<mosaic_0001>
#map = affine_map<(d0, d1) -> (0, 0, 0)>
#map1 = affine_map<(d0, d1) -> (0)>
module attributes {stable_mosaic.version = 14 : i64} {
  func.func @sc_kernel(%arg0: i32, %arg1: i32, %arg2: memref<768x224x224xf32, #tpu.memory_space<hbm>>, %arg3: memref<12288xf32, #tpu.memory_space<hbm>>, %arg4: memref<1536xf32, #tpu.memory_space<hbm>>, %arg5: memref<768x224x224xf32, #tpu.memory_space<hbm>>, %arg6: memref<3072xf32, #tpu.memory_space<vmem>>, %arg7: memref<3072xf32, #tpu.memory_space<vmem>>, %arg8: memref<3072xf32, #tpu.memory_space<vmem>>, %arg9: memref<3072xf32, #tpu.memory_space<vmem>>, %arg10: memref<1536xf32, #tpu.memory_space<vmem>>, %arg11: memref<112x224xf32, #tpu.memory_space<vmem>>, %arg12: memref<112x224xf32, #tpu.memory_space<vmem>>, %arg13: memref<112x224xf32, #tpu.memory_space<vmem>>, %arg14: memref<112x224xf32, #tpu.memory_space<vmem>>, %arg15: memref<!tpu.dma_semaphore, #tpu.memory_space<semaphore_mem>>, %arg16: memref<!tpu.dma_semaphore, #tpu.memory_space<semaphore_mem>>, %arg17: memref<!tpu.dma_semaphore, #tpu.memory_space<semaphore_mem>>, %arg18: memref<!tpu.dma_semaphore, #tpu.memory_space<semaphore_mem>>) attributes {dimension_semantics = [#tpu.dimension_semantics<core_parallel>, #tpu.dimension_semantics<subcore_parallel>], iteration_bounds = array<i64: 2, 16>, scalar_prefetch = 0 : i64, scratch_operands = 13 : i64, tpu.core_type = #tpu.core_type<sc_vector_subcore>, window_params = [{transform_indices = #map}, {transform_indices = #map1}, {transform_indices = #map1}, {transform_indices = #map}]} {
    %mul3A = arith.constant 2 : i32
    %mul3A_0 = arith.muli %arg1, %mul3A : i32
    %add3A = arith.addi %mul3A_0, %arg0 : i32
    "tpu.region"() ({
      %run_scoped3A = tpu.sem_alloc : memref<!tpu.dma_semaphore, #tpu.memory_space<semaphore_mem>>
      %dma_start3A_145 = arith.constant 0 : i32
      %dma_start3A_146 = tpu.memref_slice %arg3[%dma_start3A_145] : memref<12288xf32, #tpu.memory_space<hbm>> -> memref<3072xf32, #tpu.memory_space<hbm>>
      %dma_start3A_147 = arith.constant 0 : i32
      %dma_start3A_148 = tpu.memref_slice %arg3[%dma_start3A_147] : memref<12288xf32, #tpu.memory_space<hbm>> -> memref<3072xf32, #tpu.memory_space<hbm>>
      tpu.enqueue_dma source(%dma_start3A_148 : memref<3072xf32, #tpu.memory_space<hbm>>) target(%arg6 : memref<3072xf32, #tpu.memory_space<vmem>>) target_semaphore(%run_scoped3A : memref<!tpu.dma_semaphore, #tpu.memory_space<semaphore_mem>>)
      %dma_wait3A_149 = arith.constant 0 : i32
      %dma_wait3A_150 = tpu.memref_slice %arg3[%dma_wait3A_149] : memref<12288xf32, #tpu.memory_space<hbm>> -> memref<3072xf32, #tpu.memory_space<hbm>>
      %dma_wait3A_151 = arith.constant 0 : i32
      %dma_wait3A_152 = tpu.memref_slice %arg3[%dma_wait3A_151] : memref<12288xf32, #tpu.memory_space<hbm>> -> memref<3072xf32, #tpu.memory_space<hbm>>
      tpu.wait_dma2 semaphore(%run_scoped3A : memref<!tpu.dma_semaphore, #tpu.memory_space<semaphore_mem>>) src(%dma_wait3A_152 : memref<3072xf32, #tpu.memory_space<hbm>>) dst(%arg6 : memref<3072xf32, #tpu.memory_space<vmem>>)
      tpu.yield
    }) : () -> ()
    "tpu.region"() ({
      %run_scoped3A = tpu.sem_alloc : memref<!tpu.dma_semaphore, #tpu.memory_space<semaphore_mem>>
      %dma_start3A_145 = arith.constant 3072 : i32
      %dma_start3A_146 = tpu.memref_slice %arg3[%dma_start3A_145] : memref<12288xf32, #tpu.memory_space<hbm>> -> memref<3072xf32, #tpu.memory_space<hbm>>
      %dma_start3A_147 = arith.constant 3072 : i32
      %dma_start3A_148 = tpu.memref_slice %arg3[%dma_start3A_147] : memref<12288xf32, #tpu.memory_space<hbm>> -> memref<3072xf32, #tpu.memory_space<hbm>>
      tpu.enqueue_dma source(%dma_start3A_148 : memref<3072xf32, #tpu.memory_space<hbm>>) target(%arg7 : memref<3072xf32, #tpu.memory_space<vmem>>) target_semaphore(%run_scoped3A : memref<!tpu.dma_semaphore, #tpu.memory_space<semaphore_mem>>)
      %dma_wait3A_149 = arith.constant 3072 : i32
      %dma_wait3A_150 = tpu.memref_slice %arg3[%dma_wait3A_149] : memref<12288xf32, #tpu.memory_space<hbm>> -> memref<3072xf32, #tpu.memory_space<hbm>>
      %dma_wait3A_151 = arith.constant 3072 : i32
      %dma_wait3A_152 = tpu.memref_slice %arg3[%dma_wait3A_151] : memref<12288xf32, #tpu.memory_space<hbm>> -> memref<3072xf32, #tpu.memory_space<hbm>>
      tpu.wait_dma2 semaphore(%run_scoped3A : memref<!tpu.dma_semaphore, #tpu.memory_space<semaphore_mem>>) src(%dma_wait3A_152 : memref<3072xf32, #tpu.memory_space<hbm>>) dst(%arg7 : memref<3072xf32, #tpu.memory_space<vmem>>)
      tpu.yield
    }) : () -> ()
    "tpu.region"() ({
      %run_scoped3A = tpu.sem_alloc : memref<!tpu.dma_semaphore, #tpu.memory_space<semaphore_mem>>
      %dma_start3A_145 = arith.constant 6144 : i32
      %dma_start3A_146 = tpu.memref_slice %arg3[%dma_start3A_145] : memref<12288xf32, #tpu.memory_space<hbm>> -> memref<3072xf32, #tpu.memory_space<hbm>>
      %dma_start3A_147 = arith.constant 6144 : i32
      %dma_start3A_148 = tpu.memref_slice %arg3[%dma_start3A_147] : memref<12288xf32, #tpu.memory_space<hbm>> -> memref<3072xf32, #tpu.memory_space<hbm>>
      tpu.enqueue_dma source(%dma_start3A_148 : memref<3072xf32, #tpu.memory_space<hbm>>) target(%arg8 : memref<3072xf32, #tpu.memory_space<vmem>>) target_semaphore(%run_scoped3A : memref<!tpu.dma_semaphore, #tpu.memory_space<semaphore_mem>>)
      %dma_wait3A_149 = arith.constant 6144 : i32
      %dma_wait3A_150 = tpu.memref_slice %arg3[%dma_wait3A_149] : memref<12288xf32, #tpu.memory_space<hbm>> -> memref<3072xf32, #tpu.memory_space<hbm>>
      %dma_wait3A_151 = arith.constant 6144 : i32
      %dma_wait3A_152 = tpu.memref_slice %arg3[%dma_wait3A_151] : memref<12288xf32, #tpu.memory_space<hbm>> -> memref<3072xf32, #tpu.memory_space<hbm>>
      tpu.wait_dma2 semaphore(%run_scoped3A : memref<!tpu.dma_semaphore, #tpu.memory_space<semaphore_mem>>) src(%dma_wait3A_152 : memref<3072xf32, #tpu.memory_space<hbm>>) dst(%arg8 : memref<3072xf32, #tpu.memory_space<vmem>>)
      tpu.yield
    }) : () -> ()
    "tpu.region"() ({
      %run_scoped3A = tpu.sem_alloc : memref<!tpu.dma_semaphore, #tpu.memory_space<semaphore_mem>>
      %dma_start3A_145 = arith.constant 9216 : i32
      %dma_start3A_146 = tpu.memref_slice %arg3[%dma_start3A_145] : memref<12288xf32, #tpu.memory_space<hbm>> -> memref<3072xf32, #tpu.memory_space<hbm>>
      %dma_start3A_147 = arith.constant 9216 : i32
      %dma_start3A_148 = tpu.memref_slice %arg3[%dma_start3A_147] : memref<12288xf32, #tpu.memory_space<hbm>> -> memref<3072xf32, #tpu.memory_space<hbm>>
      tpu.enqueue_dma source(%dma_start3A_148 : memref<3072xf32, #tpu.memory_space<hbm>>) target(%arg9 : memref<3072xf32, #tpu.memory_space<vmem>>) target_semaphore(%run_scoped3A : memref<!tpu.dma_semaphore, #tpu.memory_space<semaphore_mem>>)
      %dma_wait3A_149 = arith.constant 9216 : i32
      %dma_wait3A_150 = tpu.memref_slice %arg3[%dma_wait3A_149] : memref<12288xf32, #tpu.memory_space<hbm>> -> memref<3072xf32, #tpu.memory_space<hbm>>
      %dma_wait3A_151 = arith.constant 9216 : i32
      %dma_wait3A_152 = tpu.memref_slice %arg3[%dma_wait3A_151] : memref<12288xf32, #tpu.memory_space<hbm>> -> memref<3072xf32, #tpu.memory_space<hbm>>
      tpu.wait_dma2 semaphore(%run_scoped3A : memref<!tpu.dma_semaphore, #tpu.memory_space<semaphore_mem>>) src(%dma_wait3A_152 : memref<3072xf32, #tpu.memory_space<hbm>>) dst(%arg9 : memref<3072xf32, #tpu.memory_space<vmem>>)
      tpu.yield
    }) : () -> ()
    "tpu.region"() ({
      %run_scoped3A = tpu.sem_alloc : memref<!tpu.dma_semaphore, #tpu.memory_space<semaphore_mem>>
      tpu.enqueue_dma source(%arg4 : memref<1536xf32, #tpu.memory_space<hbm>>) target(%arg10 : memref<1536xf32, #tpu.memory_space<vmem>>) target_semaphore(%run_scoped3A : memref<!tpu.dma_semaphore, #tpu.memory_space<semaphore_mem>>)
      tpu.wait_dma2 semaphore(%run_scoped3A : memref<!tpu.dma_semaphore, #tpu.memory_space<semaphore_mem>>) src(%arg4 : memref<1536xf32, #tpu.memory_space<hbm>>) dst(%arg10 : memref<1536xf32, #tpu.memory_space<vmem>>)
      tpu.yield
    }) : () -> ()
    %mul3A_1 = arith.constant 48 : i32
    %mul3A_2 = arith.muli %add3A, %mul3A_1 : i32
    %add3A_3 = arith.constant 0 : i32
    %add3A_4 = arith.addi %mul3A_2, %add3A_3 : i32
    %jit3A = arith.constant 2 : i32
    %div3A = arith.divsi %add3A_4, %jit3A : i32
    %sign3A = arith.constant 0 : i32
    %sign3A_5 = arith.cmpi sgt, %add3A_4, %sign3A : i32
    %sign3A_6 = arith.extui %sign3A_5 : i1 to i32
    %sign3A_7 = arith.constant 0 : i32
    %sign3A_8 = arith.cmpi slt, %add3A_4, %sign3A_7 : i32
    %sign3A_9 = arith.extui %sign3A_8 : i1 to i32
    %sign3A_10 = arith.subi %sign3A_6, %sign3A_9 : i32
    %sign3A_11 = arith.constant 0 : i32
    %sign3A_12 = arith.cmpi sgt, %jit3A, %sign3A_11 : i32
    %sign3A_13 = arith.extui %sign3A_12 : i1 to i32
    %sign3A_14 = arith.constant 0 : i32
    %sign3A_15 = arith.cmpi slt, %jit3A, %sign3A_14 : i32
    %sign3A_16 = arith.extui %sign3A_15 : i1 to i32
    %sign3A_17 = arith.subi %sign3A_13, %sign3A_16 : i32
    %ne3A = arith.cmpi ne, %sign3A_10, %sign3A_17 : i32
    %rem3A = arith.remsi %add3A_4, %jit3A : i32
    %ne3A_18 = arith.constant 0 : i32
    %ne3A_19 = arith.cmpi ne, %rem3A, %ne3A_18 : i32
    %and3A = arith.andi %ne3A, %ne3A_19 : i1
    %sub3A = arith.constant 1 : i32
    %sub3A_20 = arith.subi %div3A, %sub3A : i32
    %select_n3A = arith.select %and3A, %sub3A_20, %div3A : i32
    %jit3A_21 = arith.constant 2 : i32
    %eq3A = arith.constant 0 : i32
    %eq3A_22 = arith.cmpi eq, %jit3A_21, %eq3A : i32
    %jit3A_23 = arith.constant 1 : i32
    %select_n3A_24 = arith.select %eq3A_22, %jit3A_23, %jit3A_21 : i32
    %rem3A_25 = arith.remsi %add3A_4, %select_n3A_24 : i32
    %ne3A_26 = arith.constant 0 : i32
    %ne3A_27 = arith.cmpi ne, %rem3A_25, %ne3A_26 : i32
    %lt3A = arith.constant 0 : i32
    %lt3A_28 = arith.cmpi slt, %rem3A_25, %lt3A : i32
    %lt3A_29 = arith.constant 0 : i32
    %lt3A_30 = arith.cmpi slt, %select_n3A_24, %lt3A_29 : i32
    %ne3A_31 = arith.xori %lt3A_28, %lt3A_30 : i1
    %and3A_32 = arith.andi %ne3A_31, %ne3A_27 : i1
    %add3A_33 = arith.addi %rem3A_25, %select_n3A_24 : i32
    %select_n3A_34 = arith.select %and3A_32, %add3A_33, %rem3A_25 : i32
    %mul3A_35 = arith.constant 112 : i32
    %mul3A_36 = arith.muli %select_n3A_34, %mul3A_35 : i32
    %dma_start3A = arith.constant 0 : i32
    %dma_start3A_37 = tpu.memref_slice %arg2[%select_n3A, %mul3A_36, %dma_start3A] : memref<768x224x224xf32, #tpu.memory_space<hbm>> -> memref<1x112x224xf32, #tpu.memory_space<hbm>>
    %dma_start3A_38 = tpu.memref_squeeze %dma_start3A_37 : memref<1x112x224xf32, #tpu.memory_space<hbm>> -> memref<112x224xf32, #tpu.memory_space<hbm>>
    %dma_start3A_39 = arith.constant 0 : i32
    %dma_start3A_40 = tpu.memref_slice %arg2[%select_n3A, %mul3A_36, %dma_start3A_39] : memref<768x224x224xf32, #tpu.memory_space<hbm>> -> memref<1x112x224xf32, #tpu.memory_space<hbm>>
    %dma_start3A_41 = tpu.memref_squeeze %dma_start3A_40 : memref<1x112x224xf32, #tpu.memory_space<hbm>> -> memref<112x224xf32, #tpu.memory_space<hbm>>
    tpu.enqueue_dma source(%dma_start3A_41 : memref<112x224xf32, #tpu.memory_space<hbm>>) target(%arg11 : memref<112x224xf32, #tpu.memory_space<vmem>>) target_semaphore(%arg15 : memref<!tpu.dma_semaphore, #tpu.memory_space<semaphore_mem>>)
    %scan3A = arith.constant 0 : i32
    %scan3A_42 = arith.constant 24 : i32
    %scan3A_43 = arith.addi %scan3A, %scan3A_42 : i32
    %scan3A_44 = arith.constant 1 : i32
    scf.for %scan3A_145 = %scan3A to %scan3A_43 step %scan3A_44  : i32 {
      %mul3A_146 = arith.constant 1 : i32
      %mul3A_147 = arith.muli %scan3A_145, %mul3A_146 : i32
      %add3A_148 = arith.constant 0 : i32
      %add3A_149 = arith.addi %add3A_148, %mul3A_147 : i32
      %mul3A_150 = arith.constant 2 : i32
      %mul3A_151 = arith.muli %add3A_149, %mul3A_150 : i32
      %add3A_152 = arith.constant 1 : i32
      %add3A_153 = arith.addi %mul3A_151, %add3A_152 : i32
      %add3A_154 = arith.addi %mul3A_2, %add3A_153 : i32
      %jit3A_155 = arith.constant 2 : i32
      %div3A_156 = arith.divsi %add3A_154, %jit3A_155 : i32
      %sign3A_157 = arith.constant 0 : i32
      %sign3A_158 = arith.cmpi sgt, %add3A_154, %sign3A_157 : i32
      %sign3A_159 = arith.extui %sign3A_158 : i1 to i32
      %sign3A_160 = arith.constant 0 : i32
      %sign3A_161 = arith.cmpi slt, %add3A_154, %sign3A_160 : i32
      %sign3A_162 = arith.extui %sign3A_161 : i1 to i32
      %sign3A_163 = arith.subi %sign3A_159, %sign3A_162 : i32
      %sign3A_164 = arith.constant 0 : i32
      %sign3A_165 = arith.cmpi sgt, %jit3A_155, %sign3A_164 : i32
      %sign3A_166 = arith.extui %sign3A_165 : i1 to i32
      %sign3A_167 = arith.constant 0 : i32
      %sign3A_168 = arith.cmpi slt, %jit3A_155, %sign3A_167 : i32
      %sign3A_169 = arith.extui %sign3A_168 : i1 to i32
      %sign3A_170 = arith.subi %sign3A_166, %sign3A_169 : i32
      %ne3A_171 = arith.cmpi ne, %sign3A_163, %sign3A_170 : i32
      %rem3A_172 = arith.remsi %add3A_154, %jit3A_155 : i32
      %ne3A_173 = arith.constant 0 : i32
      %ne3A_174 = arith.cmpi ne, %rem3A_172, %ne3A_173 : i32
      %and3A_175 = arith.andi %ne3A_171, %ne3A_174 : i1
      %sub3A_176 = arith.constant 1 : i32
      %sub3A_177 = arith.subi %div3A_156, %sub3A_176 : i32
      %select_n3A_178 = arith.select %and3A_175, %sub3A_177, %div3A_156 : i32
      %jit3A_179 = arith.constant 2 : i32
      %eq3A_180 = arith.constant 0 : i32
      %eq3A_181 = arith.cmpi eq, %jit3A_179, %eq3A_180 : i32
      %jit3A_182 = arith.constant 1 : i32
      %select_n3A_183 = arith.select %eq3A_181, %jit3A_182, %jit3A_179 : i32
      %rem3A_184 = arith.remsi %add3A_154, %select_n3A_183 : i32
      %ne3A_185 = arith.constant 0 : i32
      %ne3A_186 = arith.cmpi ne, %rem3A_184, %ne3A_185 : i32
      %lt3A_187 = arith.constant 0 : i32
      %lt3A_188 = arith.cmpi slt, %rem3A_184, %lt3A_187 : i32
      %lt3A_189 = arith.constant 0 : i32
      %lt3A_190 = arith.cmpi slt, %select_n3A_183, %lt3A_189 : i32
      %ne3A_191 = arith.xori %lt3A_188, %lt3A_190 : i1
      %and3A_192 = arith.andi %ne3A_191, %ne3A_186 : i1
      %add3A_193 = arith.addi %rem3A_184, %select_n3A_183 : i32
      %select_n3A_194 = arith.select %and3A_192, %add3A_193, %rem3A_184 : i32
      %mul3A_195 = arith.constant 112 : i32
      %mul3A_196 = arith.muli %select_n3A_194, %mul3A_195 : i32
      %dma_start3A_197 = arith.constant 0 : i32
      %dma_start3A_198 = tpu.memref_slice %arg2[%select_n3A_178, %mul3A_196, %dma_start3A_197] : memref<768x224x224xf32, #tpu.memory_space<hbm>> -> memref<1x112x224xf32, #tpu.memory_space<hbm>>
      %dma_start3A_199 = tpu.memref_squeeze %dma_start3A_198 : memref<1x112x224xf32, #tpu.memory_space<hbm>> -> memref<112x224xf32, #tpu.memory_space<hbm>>
      %dma_start3A_200 = arith.constant 0 : i32
      %dma_start3A_201 = tpu.memref_slice %arg2[%select_n3A_178, %mul3A_196, %dma_start3A_200] : memref<768x224x224xf32, #tpu.memory_space<hbm>> -> memref<1x112x224xf32, #tpu.memory_space<hbm>>
      %dma_start3A_202 = tpu.memref_squeeze %dma_start3A_201 : memref<1x112x224xf32, #tpu.memory_space<hbm>> -> memref<112x224xf32, #tpu.memory_space<hbm>>
      tpu.enqueue_dma source(%dma_start3A_202 : memref<112x224xf32, #tpu.memory_space<hbm>>) target(%arg12 : memref<112x224xf32, #tpu.memory_space<vmem>>) target_semaphore(%arg16 : memref<!tpu.dma_semaphore, #tpu.memory_space<semaphore_mem>>)
      %add3A_203 = arith.addi %mul3A_2, %mul3A_151 : i32
      %jit3A_204 = arith.constant 2 : i32
      %div3A_205 = arith.divsi %add3A_203, %jit3A_204 : i32
      %sign3A_206 = arith.constant 0 : i32
      %sign3A_207 = arith.cmpi sgt, %add3A_203, %sign3A_206 : i32
      %sign3A_208 = arith.extui %sign3A_207 : i1 to i32
      %sign3A_209 = arith.constant 0 : i32
      %sign3A_210 = arith.cmpi slt, %add3A_203, %sign3A_209 : i32
      %sign3A_211 = arith.extui %sign3A_210 : i1 to i32
      %sign3A_212 = arith.subi %sign3A_208, %sign3A_211 : i32
      %sign3A_213 = arith.constant 0 : i32
      %sign3A_214 = arith.cmpi sgt, %jit3A_204, %sign3A_213 : i32
      %sign3A_215 = arith.extui %sign3A_214 : i1 to i32
      %sign3A_216 = arith.constant 0 : i32
      %sign3A_217 = arith.cmpi slt, %jit3A_204, %sign3A_216 : i32
      %sign3A_218 = arith.extui %sign3A_217 : i1 to i32
      %sign3A_219 = arith.subi %sign3A_215, %sign3A_218 : i32
      %ne3A_220 = arith.cmpi ne, %sign3A_212, %sign3A_219 : i32
      %rem3A_221 = arith.remsi %add3A_203, %jit3A_204 : i32
      %ne3A_222 = arith.constant 0 : i32
      %ne3A_223 = arith.cmpi ne, %rem3A_221, %ne3A_222 : i32
      %and3A_224 = arith.andi %ne3A_220, %ne3A_223 : i1
      %sub3A_225 = arith.constant 1 : i32
      %sub3A_226 = arith.subi %div3A_205, %sub3A_225 : i32
      %select_n3A_227 = arith.select %and3A_224, %sub3A_226, %div3A_205 : i32
      %jit3A_228 = arith.constant 2 : i32
      %eq3A_229 = arith.constant 0 : i32
      %eq3A_230 = arith.cmpi eq, %jit3A_228, %eq3A_229 : i32
      %jit3A_231 = arith.constant 1 : i32
      %select_n3A_232 = arith.select %eq3A_230, %jit3A_231, %jit3A_228 : i32
      %rem3A_233 = arith.remsi %add3A_203, %select_n3A_232 : i32
      %ne3A_234 = arith.constant 0 : i32
      %ne3A_235 = arith.cmpi ne, %rem3A_233, %ne3A_234 : i32
      %lt3A_236 = arith.constant 0 : i32
      %lt3A_237 = arith.cmpi slt, %rem3A_233, %lt3A_236 : i32
      %lt3A_238 = arith.constant 0 : i32
      %lt3A_239 = arith.cmpi slt, %select_n3A_232, %lt3A_238 : i32
      %ne3A_240 = arith.xori %lt3A_237, %lt3A_239 : i1
      %and3A_241 = arith.andi %ne3A_240, %ne3A_235 : i1
      %add3A_242 = arith.addi %rem3A_233, %select_n3A_232 : i32
      %select_n3A_243 = arith.select %and3A_241, %add3A_242, %rem3A_233 : i32
      %mul3A_244 = arith.constant 112 : i32
      %mul3A_245 = arith.muli %select_n3A_243, %mul3A_244 : i32
      %dma_wait3A_246 = arith.constant 0 : i32
      %dma_wait3A_247 = tpu.memref_slice %arg2[%select_n3A_227, %mul3A_245, %dma_wait3A_246] : memref<768x224x224xf32, #tpu.memory_space<hbm>> -> memref<1x112x224xf32, #tpu.memory_space<hbm>>
      %dma_wait3A_248 = tpu.memref_squeeze %dma_wait3A_247 : memref<1x112x224xf32, #tpu.memory_space<hbm>> -> memref<112x224xf32, #tpu.memory_space<hbm>>
      %dma_wait3A_249 = arith.constant 0 : i32
      %dma_wait3A_250 = tpu.memref_slice %arg2[%select_n3A_227, %mul3A_245, %dma_wait3A_249] : memref<768x224x224xf32, #tpu.memory_space<hbm>> -> memref<1x112x224xf32, #tpu.memory_space<hbm>>
      %dma_wait3A_251 = tpu.memref_squeeze %dma_wait3A_250 : memref<1x112x224xf32, #tpu.memory_space<hbm>> -> memref<112x224xf32, #tpu.memory_space<hbm>>
      tpu.wait_dma2 semaphore(%arg15 : memref<!tpu.dma_semaphore, #tpu.memory_space<semaphore_mem>>) src(%dma_wait3A_251 : memref<112x224xf32, #tpu.memory_space<hbm>>) dst(%arg11 : memref<112x224xf32, #tpu.memory_space<vmem>>)
      %gt3A = arith.constant 0 : i32
      %gt3A_252 = arith.cmpi sgt, %add3A_149, %gt3A : i32
      %convert_element_type3A = arith.extui %gt3A_252 : i1 to i32
      %cond3A = arith.constant 0 : i32
      %cond3A_253 = arith.cmpi ne, %convert_element_type3A, %cond3A : i32
      scf.if %cond3A_253 {
        %sub3A_630 = arith.constant 2 : i32
        %sub3A_631 = arith.subi %mul3A_151, %sub3A_630 : i32
        %add3A_632 = arith.addi %mul3A_2, %sub3A_631 : i32
        %jit3A_633 = arith.constant 2 : i32
        %div3A_634 = arith.divsi %add3A_632, %jit3A_633 : i32
        %sign3A_635 = arith.constant 0 : i32
        %sign3A_636 = arith.cmpi sgt, %add3A_632, %sign3A_635 : i32
        %sign3A_637 = arith.extui %sign3A_636 : i1 to i32
        %sign3A_638 = arith.constant 0 : i32
        %sign3A_639 = arith.cmpi slt, %add3A_632, %sign3A_638 : i32
        %sign3A_640 = arith.extui %sign3A_639 : i1 to i32
        %sign3A_641 = arith.subi %sign3A_637, %sign3A_640 : i32
        %sign3A_642 = arith.constant 0 : i32
        %sign3A_643 = arith.cmpi sgt, %jit3A_633, %sign3A_642 : i32
        %sign3A_644 = arith.extui %sign3A_643 : i1 to i32
        %sign3A_645 = arith.constant 0 : i32
        %sign3A_646 = arith.cmpi slt, %jit3A_633, %sign3A_645 : i32
        %sign3A_647 = arith.extui %sign3A_646 : i1 to i32
        %sign3A_648 = arith.subi %sign3A_644, %sign3A_647 : i32
        %ne3A_649 = arith.cmpi ne, %sign3A_641, %sign3A_648 : i32
        %rem3A_650 = arith.remsi %add3A_632, %jit3A_633 : i32
        %ne3A_651 = arith.constant 0 : i32
        %ne3A_652 = arith.cmpi ne, %rem3A_650, %ne3A_651 : i32
        %and3A_653 = arith.andi %ne3A_649, %ne3A_652 : i1
        %sub3A_654 = arith.constant 1 : i32
        %sub3A_655 = arith.subi %div3A_634, %sub3A_654 : i32
        %select_n3A_656 = arith.select %and3A_653, %sub3A_655, %div3A_634 : i32
        %jit3A_657 = arith.constant 2 : i32
        %eq3A_658 = arith.constant 0 : i32
        %eq3A_659 = arith.cmpi eq, %jit3A_657, %eq3A_658 : i32
        %jit3A_660 = arith.constant 1 : i32
        %select_n3A_661 = arith.select %eq3A_659, %jit3A_660, %jit3A_657 : i32
        %rem3A_662 = arith.remsi %add3A_632, %select_n3A_661 : i32
        %ne3A_663 = arith.constant 0 : i32
        %ne3A_664 = arith.cmpi ne, %rem3A_662, %ne3A_663 : i32
        %lt3A_665 = arith.constant 0 : i32
        %lt3A_666 = arith.cmpi slt, %rem3A_662, %lt3A_665 : i32
        %lt3A_667 = arith.constant 0 : i32
        %lt3A_668 = arith.cmpi slt, %select_n3A_661, %lt3A_667 : i32
        %ne3A_669 = arith.xori %lt3A_666, %lt3A_668 : i1
        %and3A_670 = arith.andi %ne3A_669, %ne3A_664 : i1
        %add3A_671 = arith.addi %rem3A_662, %select_n3A_661 : i32
        %select_n3A_672 = arith.select %and3A_670, %add3A_671, %rem3A_662 : i32
        %mul3A_673 = arith.constant 112 : i32
        %mul3A_674 = arith.muli %select_n3A_672, %mul3A_673 : i32
        %dma_wait3A_675 = arith.constant 0 : i32
        %dma_wait3A_676 = tpu.memref_slice %arg5[%select_n3A_656, %mul3A_674, %dma_wait3A_675] : memref<768x224x224xf32, #tpu.memory_space<hbm>> -> memref<1x112x224xf32, #tpu.memory_space<hbm>>
        %dma_wait3A_677 = tpu.memref_squeeze %dma_wait3A_676 : memref<1x112x224xf32, #tpu.memory_space<hbm>> -> memref<112x224xf32, #tpu.memory_space<hbm>>
        %dma_wait3A_678 = arith.constant 0 : i32
        %dma_wait3A_679 = tpu.memref_slice %arg5[%select_n3A_656, %mul3A_674, %dma_wait3A_678] : memref<768x224x224xf32, #tpu.memory_space<hbm>> -> memref<1x112x224xf32, #tpu.memory_space<hbm>>
        %dma_wait3A_680 = tpu.memref_squeeze %dma_wait3A_679 : memref<1x112x224xf32, #tpu.memory_space<hbm>> -> memref<112x224xf32, #tpu.memory_space<hbm>>
        tpu.wait_dma2 semaphore(%arg17 : memref<!tpu.dma_semaphore, #tpu.memory_space<semaphore_mem>>) src(%arg13 : memref<112x224xf32, #tpu.memory_space<vmem>>) dst(%dma_wait3A_680 : memref<112x224xf32, #tpu.memory_space<hbm>>)
      } else {
      }
      %add3A_254 = arith.addi %mul3A_2, %mul3A_151 : i32
      %jit3A_255 = arith.constant 2 : i32
      %div3A_256 = arith.divsi %add3A_254, %jit3A_255 : i32
      %sign3A_257 = arith.constant 0 : i32
      %sign3A_258 = arith.cmpi sgt, %add3A_254, %sign3A_257 : i32
      %sign3A_259 = arith.extui %sign3A_258 : i1 to i32
      %sign3A_260 = arith.constant 0 : i32
      %sign3A_261 = arith.cmpi slt, %add3A_254, %sign3A_260 : i32
      %sign3A_262 = arith.extui %sign3A_261 : i1 to i32
      %sign3A_263 = arith.subi %sign3A_259, %sign3A_262 : i32
      %sign3A_264 = arith.constant 0 : i32
      %sign3A_265 = arith.cmpi sgt, %jit3A_255, %sign3A_264 : i32
      %sign3A_266 = arith.extui %sign3A_265 : i1 to i32
      %sign3A_267 = arith.constant 0 : i32
      %sign3A_268 = arith.cmpi slt, %jit3A_255, %sign3A_267 : i32
      %sign3A_269 = arith.extui %sign3A_268 : i1 to i32
      %sign3A_270 = arith.subi %sign3A_266, %sign3A_269 : i32
      %ne3A_271 = arith.cmpi ne, %sign3A_263, %sign3A_270 : i32
      %rem3A_272 = arith.remsi %add3A_254, %jit3A_255 : i32
      %ne3A_273 = arith.constant 0 : i32
      %ne3A_274 = arith.cmpi ne, %rem3A_272, %ne3A_273 : i32
      %and3A_275 = arith.andi %ne3A_271, %ne3A_274 : i1
      %sub3A_276 = arith.constant 1 : i32
      %sub3A_277 = arith.subi %div3A_256, %sub3A_276 : i32
      %select_n3A_278 = arith.select %and3A_275, %sub3A_277, %div3A_256 : i32
      %jit3A_279 = arith.constant 192 : i32
      %eq3A_280 = arith.constant 0 : i32
      %eq3A_281 = arith.cmpi eq, %jit3A_279, %eq3A_280 : i32
      %jit3A_282 = arith.constant 1 : i32
      %select_n3A_283 = arith.select %eq3A_281, %jit3A_282, %jit3A_279 : i32
      %rem3A_284 = arith.remsi %select_n3A_278, %select_n3A_283 : i32
      %ne3A_285 = arith.constant 0 : i32
      %ne3A_286 = arith.cmpi ne, %rem3A_284, %ne3A_285 : i32
      %lt3A_287 = arith.constant 0 : i32
      %lt3A_288 = arith.cmpi slt, %rem3A_284, %lt3A_287 : i32
      %lt3A_289 = arith.constant 0 : i32
      %lt3A_290 = arith.cmpi slt, %select_n3A_283, %lt3A_289 : i32
      %ne3A_291 = arith.xori %lt3A_288, %lt3A_290 : i1
      %and3A_292 = arith.andi %ne3A_291, %ne3A_286 : i1
      %add3A_293 = arith.addi %rem3A_284, %select_n3A_283 : i32
      %select_n3A_294 = arith.select %and3A_292, %add3A_293, %rem3A_284 : i32
      %mul3A_295 = arith.constant 16 : i32
      %mul3A_296 = arith.muli %select_n3A_294, %mul3A_295 : i32
      %convert_element_type3A_297 = arith.sitofp %mul3A_296 : i32 to f32
      %add3A_298 = arith.constant 6.500000e+00 : f32
      %add3A_299 = arith.addf %convert_element_type3A_297, %add3A_298 : f32
      %broadcast_in_dim3A = vector.broadcast %add3A_299 : f32 to vector<16xf32>
      %broadcast_in_dim3A_300 = vector.broadcast %convert_element_type3A_297 : f32 to vector<16xf32>
      %add3A_301 = arith.constant 1.200000e+01 : f32
      %add3A_302 = arith.addf %convert_element_type3A_297, %add3A_301 : f32
      %broadcast_in_dim3A_303 = vector.broadcast %add3A_302 : f32 to vector<16xf32>
      %add3A_304 = arith.addi %mul3A_2, %mul3A_151 : i32
      %jit3A_305 = arith.constant 2 : i32
      %div3A_306 = arith.divsi %add3A_304, %jit3A_305 : i32
      %sign3A_307 = arith.constant 0 : i32
      %sign3A_308 = arith.cmpi sgt, %add3A_304, %sign3A_307 : i32
      %sign3A_309 = arith.extui %sign3A_308 : i1 to i32
      %sign3A_310 = arith.constant 0 : i32
      %sign3A_311 = arith.cmpi slt, %add3A_304, %sign3A_310 : i32
      %sign3A_312 = arith.extui %sign3A_311 : i1 to i32
      %sign3A_313 = arith.subi %sign3A_309, %sign3A_312 : i32
      %sign3A_314 = arith.constant 0 : i32
      %sign3A_315 = arith.cmpi sgt, %jit3A_305, %sign3A_314 : i32
      %sign3A_316 = arith.extui %sign3A_315 : i1 to i32
      %sign3A_317 = arith.constant 0 : i32
      %sign3A_318 = arith.cmpi slt, %jit3A_305, %sign3A_317 : i32
      %sign3A_319 = arith.extui %sign3A_318 : i1 to i32
      %sign3A_320 = arith.subi %sign3A_316, %sign3A_319 : i32
      %ne3A_321 = arith.cmpi ne, %sign3A_313, %sign3A_320 : i32
      %rem3A_322 = arith.remsi %add3A_304, %jit3A_305 : i32
      %ne3A_323 = arith.constant 0 : i32
      %ne3A_324 = arith.cmpi ne, %rem3A_322, %ne3A_323 : i32
      %and3A_325 = arith.andi %ne3A_321, %ne3A_324 : i1
      %sub3A_326 = arith.constant 1 : i32
      %sub3A_327 = arith.subi %div3A_306, %sub3A_326 : i32
      %select_n3A_328 = arith.select %and3A_325, %sub3A_327, %div3A_306 : i32
      %jit3A_329 = arith.constant 192 : i32
      %eq3A_330 = arith.constant 0 : i32
      %eq3A_331 = arith.cmpi eq, %jit3A_329, %eq3A_330 : i32
      %jit3A_332 = arith.constant 1 : i32
      %select_n3A_333 = arith.select %eq3A_331, %jit3A_332, %jit3A_329 : i32
      %rem3A_334 = arith.remsi %select_n3A_328, %select_n3A_333 : i32
      %ne3A_335 = arith.constant 0 : i32
      %ne3A_336 = arith.cmpi ne, %rem3A_334, %ne3A_335 : i32
      %lt3A_337 = arith.constant 0 : i32
      %lt3A_338 = arith.cmpi slt, %rem3A_334, %lt3A_337 : i32
      %lt3A_339 = arith.constant 0 : i32
      %lt3A_340 = arith.cmpi slt, %select_n3A_333, %lt3A_339 : i32
      %ne3A_341 = arith.xori %lt3A_338, %lt3A_340 : i1
      %and3A_342 = arith.andi %ne3A_341, %ne3A_336 : i1
      %add3A_343 = arith.addi %rem3A_334, %select_n3A_333 : i32
      %select_n3A_344 = arith.select %and3A_342, %add3A_343, %rem3A_334 : i32
      %mul3A_345 = arith.constant 8 : i32
      %mul3A_346 = arith.muli %select_n3A_344, %mul3A_345 : i32
      %broadcast_in_dim3A_347 = vector.broadcast %mul3A_346 : i32 to vector<16xi32>
      %gather3A = tpu.vector_load_idx %arg10[%broadcast_in_dim3A_347] : memref<1536xf32, #tpu.memory_space<vmem>>[vector<16xi32>], vector<16xf32>,
      %add3A_348 = arith.constant 1 : i32
      %add3A_349 = vector.broadcast %add3A_348 : i32 to vector<16xi32>
      %add3A_350 = arith.addi %broadcast_in_dim3A_347, %add3A_349 : vector<16xi32>
      %gather3A_351 = tpu.vector_load_idx %arg10[%add3A_350] : memref<1536xf32, #tpu.memory_space<vmem>>[vector<16xi32>], vector<16xf32>,
      %add3A_352 = arith.constant 2 : i32
      %add3A_353 = vector.broadcast %add3A_352 : i32 to vector<16xi32>
      %add3A_354 = arith.addi %broadcast_in_dim3A_347, %add3A_353 : vector<16xi32>
      %gather3A_355 = tpu.vector_load_idx %arg10[%add3A_354] : memref<1536xf32, #tpu.memory_space<vmem>>[vector<16xi32>], vector<16xf32>,
      %parallel_loop3A = arith.constant 0 : i32
      %parallel_loop3A_356 = arith.constant 112 : i32
      %parallel_loop3A_357 = arith.constant 1 : i32
      scf.for %parallel_loop3A_630 = %parallel_loop3A to %parallel_loop3A_356 step %parallel_loop3A_357  : i32 {
        %parallel_loop3A_631 = arith.index_cast %parallel_loop3A_630 : i32 to index
        %parallel_loop3A_632 = arith.constant 0 : index
        %parallel_loop3A_633 = tpu.vector_load %arg11[%parallel_loop3A_631, %parallel_loop3A_632] {strides = array<i32>} : memref<112x224xf32, #tpu.memory_space<vmem>>, vector<16xf32>,
        %parallel_loop3A_634 = arith.mulf %parallel_loop3A_633, %gather3A : vector<16xf32>
        %parallel_loop3A_635 = arith.addf %parallel_loop3A_634, %gather3A_351 : vector<16xf32>
        %parallel_loop3A_636 = arith.constant -1.500000e+00 : f32
        %parallel_loop3A_637 = vector.broadcast %parallel_loop3A_636 : f32 to vector<16xf32>
        %parallel_loop3A_638 = arith.maximumf %parallel_loop3A_635, %parallel_loop3A_637 : vector<16xf32>
        %parallel_loop3A_639 = arith.constant 1.500000e+00 : f32
        %parallel_loop3A_640 = vector.broadcast %parallel_loop3A_639 : f32 to vector<16xf32>
        %parallel_loop3A_641 = arith.minimumf %parallel_loop3A_638, %parallel_loop3A_640 : vector<16xf32>
        %parallel_loop3A_642 = arith.constant 6.500000e+00 : f32
        %parallel_loop3A_643 = vector.broadcast %parallel_loop3A_642 : f32 to vector<16xf32>
        %parallel_loop3A_644 = arith.mulf %parallel_loop3A_641, %parallel_loop3A_643 : vector<16xf32>
        %parallel_loop3A_645 = arith.addf %parallel_loop3A_644, %broadcast_in_dim3A : vector<16xf32>
        %parallel_loop3A_646 = arith.maximumf %parallel_loop3A_645, %broadcast_in_dim3A_300 : vector<16xf32>
        %parallel_loop3A_647 = arith.minimumf %parallel_loop3A_646, %broadcast_in_dim3A_303 : vector<16xf32>
        %parallel_loop3A_648 = arith.fptosi %parallel_loop3A_647 : vector<16xf32> to vector<16xi32>
        %parallel_loop3A_649 = tpu.vector_load_idx %arg6[%parallel_loop3A_648] : memref<3072xf32, #tpu.memory_space<vmem>>[vector<16xi32>], vector<16xf32>,
        %parallel_loop3A_650 = tpu.vector_load_idx %arg7[%parallel_loop3A_648] : memref<3072xf32, #tpu.memory_space<vmem>>[vector<16xi32>], vector<16xf32>,
        %parallel_loop3A_651 = tpu.vector_load_idx %arg8[%parallel_loop3A_648] : memref<3072xf32, #tpu.memory_space<vmem>>[vector<16xi32>], vector<16xf32>,
        %parallel_loop3A_652 = tpu.vector_load_idx %arg9[%parallel_loop3A_648] : memref<3072xf32, #tpu.memory_space<vmem>>[vector<16xi32>], vector<16xf32>,
        %parallel_loop3A_653 = arith.mulf %parallel_loop3A_652, %parallel_loop3A_641 : vector<16xf32>
        %parallel_loop3A_654 = arith.addf %parallel_loop3A_653, %parallel_loop3A_651 : vector<16xf32>
        %parallel_loop3A_655 = arith.mulf %parallel_loop3A_654, %parallel_loop3A_641 : vector<16xf32>
        %parallel_loop3A_656 = arith.addf %parallel_loop3A_655, %parallel_loop3A_650 : vector<16xf32>
        %parallel_loop3A_657 = arith.mulf %parallel_loop3A_656, %parallel_loop3A_641 : vector<16xf32>
        %parallel_loop3A_658 = arith.addf %parallel_loop3A_657, %parallel_loop3A_649 : vector<16xf32>
        %parallel_loop3A_659 = arith.mulf %parallel_loop3A_633, %gather3A_355 : vector<16xf32>
        %parallel_loop3A_660 = arith.addf %parallel_loop3A_659, %parallel_loop3A_658 : vector<16xf32>
        %parallel_loop3A_661 = arith.index_cast %parallel_loop3A_630 : i32 to index
        %parallel_loop3A_662 = arith.constant 0 : index
        %parallel_loop3A_663 = tpu.vector_load %arg13[%parallel_loop3A_661, %parallel_loop3A_662] {strides = array<i32>} : memref<112x224xf32, #tpu.memory_space<vmem>>, vector<16xf32>,
        tpu.vector_store %arg13[%parallel_loop3A_661, %parallel_loop3A_662], %parallel_loop3A_660 {strides = array<i32>} : memref<112x224xf32, #tpu.memory_space<vmem>>, vector<16xf32>,
        %parallel_loop3A_664 = arith.index_cast %parallel_loop3A_630 : i32 to index
        %parallel_loop3A_665 = arith.constant 16 : index
        %parallel_loop3A_666 = tpu.vector_load %arg11[%parallel_loop3A_664, %parallel_loop3A_665] {strides = array<i32>} : memref<112x224xf32, #tpu.memory_space<vmem>>, vector<16xf32>,
        %parallel_loop3A_667 = arith.mulf %parallel_loop3A_666, %gather3A : vector<16xf32>
        %parallel_loop3A_668 = arith.addf %parallel_loop3A_667, %gather3A_351 : vector<16xf32>
        %parallel_loop3A_669 = arith.constant -1.500000e+00 : f32
        %parallel_loop3A_670 = vector.broadcast %parallel_loop3A_669 : f32 to vector<16xf32>
        %parallel_loop3A_671 = arith.maximumf %parallel_loop3A_668, %parallel_loop3A_670 : vector<16xf32>
        %parallel_loop3A_672 = arith.constant 1.500000e+00 : f32
        %parallel_loop3A_673 = vector.broadcast %parallel_loop3A_672 : f32 to vector<16xf32>
        %parallel_loop3A_674 = arith.minimumf %parallel_loop3A_671, %parallel_loop3A_673 : vector<16xf32>
        %parallel_loop3A_675 = arith.constant 6.500000e+00 : f32
        %parallel_loop3A_676 = vector.broadcast %parallel_loop3A_675 : f32 to vector<16xf32>
        %parallel_loop3A_677 = arith.mulf %parallel_loop3A_674, %parallel_loop3A_676 : vector<16xf32>
        %parallel_loop3A_678 = arith.addf %parallel_loop3A_677, %broadcast_in_dim3A : vector<16xf32>
        %parallel_loop3A_679 = arith.maximumf %parallel_loop3A_678, %broadcast_in_dim3A_300 : vector<16xf32>
        %parallel_loop3A_680 = arith.minimumf %parallel_loop3A_679, %broadcast_in_dim3A_303 : vector<16xf32>
        %parallel_loop3A_681 = arith.fptosi %parallel_loop3A_680 : vector<16xf32> to vector<16xi32>
        %parallel_loop3A_682 = tpu.vector_load_idx %arg6[%parallel_loop3A_681] : memref<3072xf32, #tpu.memory_space<vmem>>[vector<16xi32>], vector<16xf32>,
        %parallel_loop3A_683 = tpu.vector_load_idx %arg7[%parallel_loop3A_681] : memref<3072xf32, #tpu.memory_space<vmem>>[vector<16xi32>], vector<16xf32>,
        %parallel_loop3A_684 = tpu.vector_load_idx %arg8[%parallel_loop3A_681] : memref<3072xf32, #tpu.memory_space<vmem>>[vector<16xi32>], vector<16xf32>,
        %parallel_loop3A_685 = tpu.vector_load_idx %arg9[%parallel_loop3A_681] : memref<3072xf32, #tpu.memory_space<vmem>>[vector<16xi32>], vector<16xf32>,
        %parallel_loop3A_686 = arith.mulf %parallel_loop3A_685, %parallel_loop3A_674 : vector<16xf32>
        %parallel_loop3A_687 = arith.addf %parallel_loop3A_686, %parallel_loop3A_684 : vector<16xf32>
        %parallel_loop3A_688 = arith.mulf %parallel_loop3A_687, %parallel_loop3A_674 : vector<16xf32>
        %parallel_loop3A_689 = arith.addf %parallel_loop3A_688, %parallel_loop3A_683 : vector<16xf32>
        %parallel_loop3A_690 = arith.mulf %parallel_loop3A_689, %parallel_loop3A_674 : vector<16xf32>
        %parallel_loop3A_691 = arith.addf %parallel_loop3A_690, %parallel_loop3A_682 : vector<16xf32>
        %parallel_loop3A_692 = arith.mulf %parallel_loop3A_666, %gather3A_355 : vector<16xf32>
        %parallel_loop3A_693 = arith.addf %parallel_loop3A_692, %parallel_loop3A_691 : vector<16xf32>
        %parallel_loop3A_694 = arith.index_cast %parallel_loop3A_630 : i32 to index
        %parallel_loop3A_695 = arith.constant 16 : index
        %parallel_loop3A_696 = tpu.vector_load %arg13[%parallel_loop3A_694, %parallel_loop3A_695] {strides = array<i32>} : memref<112x224xf32, #tpu.memory_space<vmem>>, vector<16xf32>,
        tpu.vector_store %arg13[%parallel_loop3A_694, %parallel_loop3A_695], %parallel_loop3A_693 {strides = array<i32>} : memref<112x224xf32, #tpu.memory_space<vmem>>, vector<16xf32>,
        %parallel_loop3A_697 = arith.index_cast %parallel_loop3A_630 : i32 to index
        %parallel_loop3A_698 = arith.constant 32 : index
        %parallel_loop3A_699 = tpu.vector_load %arg11[%parallel_loop3A_697, %parallel_loop3A_698] {strides = array<i32>} : memref<112x224xf32, #tpu.memory_space<vmem>>, vector<16xf32>,
        %parallel_loop3A_700 = arith.mulf %parallel_loop3A_699, %gather3A : vector<16xf32>
        %parallel_loop3A_701 = arith.addf %parallel_loop3A_700, %gather3A_351 : vector<16xf32>
        %parallel_loop3A_702 = arith.constant -1.500000e+00 : f32
        %parallel_loop3A_703 = vector.broadcast %parallel_loop3A_702 : f32 to vector<16xf32>
        %parallel_loop3A_704 = arith.maximumf %parallel_loop3A_701, %parallel_loop3A_703 : vector<16xf32>
        %parallel_loop3A_705 = arith.constant 1.500000e+00 : f32
        %parallel_loop3A_706 = vector.broadcast %parallel_loop3A_705 : f32 to vector<16xf32>
        %parallel_loop3A_707 = arith.minimumf %parallel_loop3A_704, %parallel_loop3A_706 : vector<16xf32>
        %parallel_loop3A_708 = arith.constant 6.500000e+00 : f32
        %parallel_loop3A_709 = vector.broadcast %parallel_loop3A_708 : f32 to vector<16xf32>
        %parallel_loop3A_710 = arith.mulf %parallel_loop3A_707, %parallel_loop3A_709 : vector<16xf32>
        %parallel_loop3A_711 = arith.addf %parallel_loop3A_710, %broadcast_in_dim3A : vector<16xf32>
        %parallel_loop3A_712 = arith.maximumf %parallel_loop3A_711, %broadcast_in_dim3A_300 : vector<16xf32>
        %parallel_loop3A_713 = arith.minimumf %parallel_loop3A_712, %broadcast_in_dim3A_303 : vector<16xf32>
        %parallel_loop3A_714 = arith.fptosi %parallel_loop3A_713 : vector<16xf32> to vector<16xi32>
        %parallel_loop3A_715 = tpu.vector_load_idx %arg6[%parallel_loop3A_714] : memref<3072xf32, #tpu.memory_space<vmem>>[vector<16xi32>], vector<16xf32>,
        %parallel_loop3A_716 = tpu.vector_load_idx %arg7[%parallel_loop3A_714] : memref<3072xf32, #tpu.memory_space<vmem>>[vector<16xi32>], vector<16xf32>,
        %parallel_loop3A_717 = tpu.vector_load_idx %arg8[%parallel_loop3A_714] : memref<3072xf32, #tpu.memory_space<vmem>>[vector<16xi32>], vector<16xf32>,
        %parallel_loop3A_718 = tpu.vector_load_idx %arg9[%parallel_loop3A_714] : memref<3072xf32, #tpu.memory_space<vmem>>[vector<16xi32>], vector<16xf32>,
        %parallel_loop3A_719 = arith.mulf %parallel_loop3A_718, %parallel_loop3A_707 : vector<16xf32>
        %parallel_loop3A_720 = arith.addf %parallel_loop3A_719, %parallel_loop3A_717 : vector<16xf32>
        %parallel_loop3A_721 = arith.mulf %parallel_loop3A_720, %parallel_loop3A_707 : vector<16xf32>
        %parallel_loop3A_722 = arith.addf %parallel_loop3A_721, %parallel_loop3A_716 : vector<16xf32>
        %parallel_loop3A_723 = arith.mulf %parallel_loop3A_722, %parallel_loop3A_707 : vector<16xf32>
        %parallel_loop3A_724 = arith.addf %parallel_loop3A_723, %parallel_loop3A_715 : vector<16xf32>
        %parallel_loop3A_725 = arith.mulf %parallel_loop3A_699, %gather3A_355 : vector<16xf32>
        %parallel_loop3A_726 = arith.addf %parallel_loop3A_725, %parallel_loop3A_724 : vector<16xf32>
        %parallel_loop3A_727 = arith.index_cast %parallel_loop3A_630 : i32 to index
        %parallel_loop3A_728 = arith.constant 32 : index
        %parallel_loop3A_729 = tpu.vector_load %arg13[%parallel_loop3A_727, %parallel_loop3A_728] {strides = array<i32>} : memref<112x224xf32, #tpu.memory_space<vmem>>, vector<16xf32>,
        tpu.vector_store %arg13[%parallel_loop3A_727, %parallel_loop3A_728], %parallel_loop3A_726 {strides = array<i32>} : memref<112x224xf32, #tpu.memory_space<vmem>>, vector<16xf32>,
        %parallel_loop3A_730 = arith.index_cast %parallel_loop3A_630 : i32 to index
        %parallel_loop3A_731 = arith.constant 48 : index
        %parallel_loop3A_732 = tpu.vector_load %arg11[%parallel_loop3A_730, %parallel_loop3A_731] {strides = array<i32>} : memref<112x224xf32, #tpu.memory_space<vmem>>, vector<16xf32>,
        %parallel_loop3A_733 = arith.mulf %parallel_loop3A_732, %gather3A : vector<16xf32>
        %parallel_loop3A_734 = arith.addf %parallel_loop3A_733, %gather3A_351 : vector<16xf32>
        %parallel_loop3A_735 = arith.constant -1.500000e+00 : f32
        %parallel_loop3A_736 = vector.broadcast %parallel_loop3A_735 : f32 to vector<16xf32>
        %parallel_loop3A_737 = arith.maximumf %parallel_loop3A_734, %parallel_loop3A_736 : vector<16xf32>
        %parallel_loop3A_738 = arith.constant 1.500000e+00 : f32
        %parallel_loop3A_739 = vector.broadcast %parallel_loop3A_738 : f32 to vector<16xf32>
        %parallel_loop3A_740 = arith.minimumf %parallel_loop3A_737, %parallel_loop3A_739 : vector<16xf32>
        %parallel_loop3A_741 = arith.constant 6.500000e+00 : f32
        %parallel_loop3A_742 = vector.broadcast %parallel_loop3A_741 : f32 to vector<16xf32>
        %parallel_loop3A_743 = arith.mulf %parallel_loop3A_740, %parallel_loop3A_742 : vector<16xf32>
        %parallel_loop3A_744 = arith.addf %parallel_loop3A_743, %broadcast_in_dim3A : vector<16xf32>
        %parallel_loop3A_745 = arith.maximumf %parallel_loop3A_744, %broadcast_in_dim3A_300 : vector<16xf32>
        %parallel_loop3A_746 = arith.minimumf %parallel_loop3A_745, %broadcast_in_dim3A_303 : vector<16xf32>
        %parallel_loop3A_747 = arith.fptosi %parallel_loop3A_746 : vector<16xf32> to vector<16xi32>
        %parallel_loop3A_748 = tpu.vector_load_idx %arg6[%parallel_loop3A_747] : memref<3072xf32, #tpu.memory_space<vmem>>[vector<16xi32>], vector<16xf32>,
        %parallel_loop3A_749 = tpu.vector_load_idx %arg7[%parallel_loop3A_747] : memref<3072xf32, #tpu.memory_space<vmem>>[vector<16xi32>], vector<16xf32>,
        %parallel_loop3A_750 = tpu.vector_load_idx %arg8[%parallel_loop3A_747] : memref<3072xf32, #tpu.memory_space<vmem>>[vector<16xi32>], vector<16xf32>,
        %parallel_loop3A_751 = tpu.vector_load_idx %arg9[%parallel_loop3A_747] : memref<3072xf32, #tpu.memory_space<vmem>>[vector<16xi32>], vector<16xf32>,
        %parallel_loop3A_752 = arith.mulf %parallel_loop3A_751, %parallel_loop3A_740 : vector<16xf32>
        %parallel_loop3A_753 = arith.addf %parallel_loop3A_752, %parallel_loop3A_750 : vector<16xf32>
        %parallel_loop3A_754 = arith.mulf %parallel_loop3A_753, %parallel_loop3A_740 : vector<16xf32>
        %parallel_loop3A_755 = arith.addf %parallel_loop3A_754, %parallel_loop3A_749 : vector<16xf32>
        %parallel_loop3A_756 = arith.mulf %parallel_loop3A_755, %parallel_loop3A_740 : vector<16xf32>
        %parallel_loop3A_757 = arith.addf %parallel_loop3A_756, %parallel_loop3A_748 : vector<16xf32>
        %parallel_loop3A_758 = arith.mulf %parallel_loop3A_732, %gather3A_355 : vector<16xf32>
        %parallel_loop3A_759 = arith.addf %parallel_loop3A_758, %parallel_loop3A_757 : vector<16xf32>
        %parallel_loop3A_760 = arith.index_cast %parallel_loop3A_630 : i32 to index
        %parallel_loop3A_761 = arith.constant 48 : index
        %parallel_loop3A_762 = tpu.vector_load %arg13[%parallel_loop3A_760, %parallel_loop3A_761] {strides = array<i32>} : memref<112x224xf32, #tpu.memory_space<vmem>>, vector<16xf32>,
        tpu.vector_store %arg13[%parallel_loop3A_760, %parallel_loop3A_761], %parallel_loop3A_759 {strides = array<i32>} : memref<112x224xf32, #tpu.memory_space<vmem>>, vector<16xf32>,
        %parallel_loop3A_763 = arith.index_cast %parallel_loop3A_630 : i32 to index
        %parallel_loop3A_764 = arith.constant 64 : index
        %parallel_loop3A_765 = tpu.vector_load %arg11[%parallel_loop3A_763, %parallel_loop3A_764] {strides = array<i32>} : memref<112x224xf32, #tpu.memory_space<vmem>>, vector<16xf32>,
        %parallel_loop3A_766 = arith.mulf %parallel_loop3A_765, %gather3A : vector<16xf32>
        %parallel_loop3A_767 = arith.addf %parallel_loop3A_766, %gather3A_351 : vector<16xf32>
        %parallel_loop3A_768 = arith.constant -1.500000e+00 : f32
        %parallel_loop3A_769 = vector.broadcast %parallel_loop3A_768 : f32 to vector<16xf32>
        %parallel_loop3A_770 = arith.maximumf %parallel_loop3A_767, %parallel_loop3A_769 : vector<16xf32>
        %parallel_loop3A_771 = arith.constant 1.500000e+00 : f32
        %parallel_loop3A_772 = vector.broadcast %parallel_loop3A_771 : f32 to vector<16xf32>
        %parallel_loop3A_773 = arith.minimumf %parallel_loop3A_770, %parallel_loop3A_772 : vector<16xf32>
        %parallel_loop3A_774 = arith.constant 6.500000e+00 : f32
        %parallel_loop3A_775 = vector.broadcast %parallel_loop3A_774 : f32 to vector<16xf32>
        %parallel_loop3A_776 = arith.mulf %parallel_loop3A_773, %parallel_loop3A_775 : vector<16xf32>
        %parallel_loop3A_777 = arith.addf %parallel_loop3A_776, %broadcast_in_dim3A : vector<16xf32>
        %parallel_loop3A_778 = arith.maximumf %parallel_loop3A_777, %broadcast_in_dim3A_300 : vector<16xf32>
        %parallel_loop3A_779 = arith.minimumf %parallel_loop3A_778, %broadcast_in_dim3A_303 : vector<16xf32>
        %parallel_loop3A_780 = arith.fptosi %parallel_loop3A_779 : vector<16xf32> to vector<16xi32>
        %parallel_loop3A_781 = tpu.vector_load_idx %arg6[%parallel_loop3A_780] : memref<3072xf32, #tpu.memory_space<vmem>>[vector<16xi32>], vector<16xf32>,
        %parallel_loop3A_782 = tpu.vector_load_idx %arg7[%parallel_loop3A_780] : memref<3072xf32, #tpu.memory_space<vmem>>[vector<16xi32>], vector<16xf32>,
        %parallel_loop3A_783 = tpu.vector_load_idx %arg8[%parallel_loop3A_780] : memref<3072xf32, #tpu.memory_space<vmem>>[vector<16xi32>], vector<16xf32>,
        %parallel_loop3A_784 = tpu.vector_load_idx %arg9[%parallel_loop3A_780] : memref<3072xf32, #tpu.memory_space<vmem>>[vector<16xi32>], vector<16xf32>,
        %parallel_loop3A_785 = arith.mulf %parallel_loop3A_784, %parallel_loop3A_773 : vector<16xf32>
        %parallel_loop3A_786 = arith.addf %parallel_loop3A_785, %parallel_loop3A_783 : vector<16xf32>
        %parallel_loop3A_787 = arith.mulf %parallel_loop3A_786, %parallel_loop3A_773 : vector<16xf32>
        %parallel_loop3A_788 = arith.addf %parallel_loop3A_787, %parallel_loop3A_782 : vector<16xf32>
        %parallel_loop3A_789 = arith.mulf %parallel_loop3A_788, %parallel_loop3A_773 : vector<16xf32>
        %parallel_loop3A_790 = arith.addf %parallel_loop3A_789, %parallel_loop3A_781 : vector<16xf32>
        %parallel_loop3A_791 = arith.mulf %parallel_loop3A_765, %gather3A_355 : vector<16xf32>
        %parallel_loop3A_792 = arith.addf %parallel_loop3A_791, %parallel_loop3A_790 : vector<16xf32>
        %parallel_loop3A_793 = arith.index_cast %parallel_loop3A_630 : i32 to index
        %parallel_loop3A_794 = arith.constant 64 : index
        %parallel_loop3A_795 = tpu.vector_load %arg13[%parallel_loop3A_793, %parallel_loop3A_794] {strides = array<i32>} : memref<112x224xf32, #tpu.memory_space<vmem>>, vector<16xf32>,
        tpu.vector_store %arg13[%parallel_loop3A_793, %parallel_loop3A_794], %parallel_loop3A_792 {strides = array<i32>} : memref<112x224xf32, #tpu.memory_space<vmem>>, vector<16xf32>,
        %parallel_loop3A_796 = arith.index_cast %parallel_loop3A_630 : i32 to index
        %parallel_loop3A_797 = arith.constant 80 : index
        %parallel_loop3A_798 = tpu.vector_load %arg11[%parallel_loop3A_796, %parallel_loop3A_797] {strides = array<i32>} : memref<112x224xf32, #tpu.memory_space<vmem>>, vector<16xf32>,
        %parallel_loop3A_799 = arith.mulf %parallel_loop3A_798, %gather3A : vector<16xf32>
        %parallel_loop3A_800 = arith.addf %parallel_loop3A_799, %gather3A_351 : vector<16xf32>
        %parallel_loop3A_801 = arith.constant -1.500000e+00 : f32
        %parallel_loop3A_802 = vector.broadcast %parallel_loop3A_801 : f32 to vector<16xf32>
        %parallel_loop3A_803 = arith.maximumf %parallel_loop3A_800, %parallel_loop3A_802 : vector<16xf32>
        %parallel_loop3A_804 = arith.constant 1.500000e+00 : f32
        %parallel_loop3A_805 = vector.broadcast %parallel_loop3A_804 : f32 to vector<16xf32>
        %parallel_loop3A_806 = arith.minimumf %parallel_loop3A_803, %parallel_loop3A_805 : vector<16xf32>
        %parallel_loop3A_807 = arith.constant 6.500000e+00 : f32
        %parallel_loop3A_808 = vector.broadcast %parallel_loop3A_807 : f32 to vector<16xf32>
        %parallel_loop3A_809 = arith.mulf %parallel_loop3A_806, %parallel_loop3A_808 : vector<16xf32>
        %parallel_loop3A_810 = arith.addf %parallel_loop3A_809, %broadcast_in_dim3A : vector<16xf32>
        %parallel_loop3A_811 = arith.maximumf %parallel_loop3A_810, %broadcast_in_dim3A_300 : vector<16xf32>
        %parallel_loop3A_812 = arith.minimumf %parallel_loop3A_811, %broadcast_in_dim3A_303 : vector<16xf32>
        %parallel_loop3A_813 = arith.fptosi %parallel_loop3A_812 : vector<16xf32> to vector<16xi32>
        %parallel_loop3A_814 = tpu.vector_load_idx %arg6[%parallel_loop3A_813] : memref<3072xf32, #tpu.memory_space<vmem>>[vector<16xi32>], vector<16xf32>,
        %parallel_loop3A_815 = tpu.vector_load_idx %arg7[%parallel_loop3A_813] : memref<3072xf32, #tpu.memory_space<vmem>>[vector<16xi32>], vector<16xf32>,
        %parallel_loop3A_816 = tpu.vector_load_idx %arg8[%parallel_loop3A_813] : memref<3072xf32, #tpu.memory_space<vmem>>[vector<16xi32>], vector<16xf32>,
        %parallel_loop3A_817 = tpu.vector_load_idx %arg9[%parallel_loop3A_813] : memref<3072xf32, #tpu.memory_space<vmem>>[vector<16xi32>], vector<16xf32>,
        %parallel_loop3A_818 = arith.mulf %parallel_loop3A_817, %parallel_loop3A_806 : vector<16xf32>
        %parallel_loop3A_819 = arith.addf %parallel_loop3A_818, %parallel_loop3A_816 : vector<16xf32>
        %parallel_loop3A_820 = arith.mulf %parallel_loop3A_819, %parallel_loop3A_806 : vector<16xf32>
        %parallel_loop3A_821 = arith.addf %parallel_loop3A_820, %parallel_loop3A_815 : vector<16xf32>
        %parallel_loop3A_822 = arith.mulf %parallel_loop3A_821, %parallel_loop3A_806 : vector<16xf32>
        %parallel_loop3A_823 = arith.addf %parallel_loop3A_822, %parallel_loop3A_814 : vector<16xf32>
        %parallel_loop3A_824 = arith.mulf %parallel_loop3A_798, %gather3A_355 : vector<16xf32>
        %parallel_loop3A_825 = arith.addf %parallel_loop3A_824, %parallel_loop3A_823 : vector<16xf32>
        %parallel_loop3A_826 = arith.index_cast %parallel_loop3A_630 : i32 to index
        %parallel_loop3A_827 = arith.constant 80 : index
        %parallel_loop3A_828 = tpu.vector_load %arg13[%parallel_loop3A_826, %parallel_loop3A_827] {strides = array<i32>} : memref<112x224xf32, #tpu.memory_space<vmem>>, vector<16xf32>,
        tpu.vector_store %arg13[%parallel_loop3A_826, %parallel_loop3A_827], %parallel_loop3A_825 {strides = array<i32>} : memref<112x224xf32, #tpu.memory_space<vmem>>, vector<16xf32>,
        %parallel_loop3A_829 = arith.index_cast %parallel_loop3A_630 : i32 to index
        %parallel_loop3A_830 = arith.constant 96 : index
        %parallel_loop3A_831 = tpu.vector_load %arg11[%parallel_loop3A_829, %parallel_loop3A_830] {strides = array<i32>} : memref<112x224xf32, #tpu.memory_space<vmem>>, vector<16xf32>,
        %parallel_loop3A_832 = arith.mulf %parallel_loop3A_831, %gather3A : vector<16xf32>
        %parallel_loop3A_833 = arith.addf %parallel_loop3A_832, %gather3A_351 : vector<16xf32>
        %parallel_loop3A_834 = arith.constant -1.500000e+00 : f32
        %parallel_loop3A_835 = vector.broadcast %parallel_loop3A_834 : f32 to vector<16xf32>
        %parallel_loop3A_836 = arith.maximumf %parallel_loop3A_833, %parallel_loop3A_835 : vector<16xf32>
        %parallel_loop3A_837 = arith.constant 1.500000e+00 : f32
        %parallel_loop3A_838 = vector.broadcast %parallel_loop3A_837 : f32 to vector<16xf32>
        %parallel_loop3A_839 = arith.minimumf %parallel_loop3A_836, %parallel_loop3A_838 : vector<16xf32>
        %parallel_loop3A_840 = arith.constant 6.500000e+00 : f32
        %parallel_loop3A_841 = vector.broadcast %parallel_loop3A_840 : f32 to vector<16xf32>
        %parallel_loop3A_842 = arith.mulf %parallel_loop3A_839, %parallel_loop3A_841 : vector<16xf32>
        %parallel_loop3A_843 = arith.addf %parallel_loop3A_842, %broadcast_in_dim3A : vector<16xf32>
        %parallel_loop3A_844 = arith.maximumf %parallel_loop3A_843, %broadcast_in_dim3A_300 : vector<16xf32>
        %parallel_loop3A_845 = arith.minimumf %parallel_loop3A_844, %broadcast_in_dim3A_303 : vector<16xf32>
        %parallel_loop3A_846 = arith.fptosi %parallel_loop3A_845 : vector<16xf32> to vector<16xi32>
        %parallel_loop3A_847 = tpu.vector_load_idx %arg6[%parallel_loop3A_846] : memref<3072xf32, #tpu.memory_space<vmem>>[vector<16xi32>], vector<16xf32>,
        %parallel_loop3A_848 = tpu.vector_load_idx %arg7[%parallel_loop3A_846] : memref<3072xf32, #tpu.memory_space<vmem>>[vector<16xi32>], vector<16xf32>,
        %parallel_loop3A_849 = tpu.vector_load_idx %arg8[%parallel_loop3A_846] : memref<3072xf32, #tpu.memory_space<vmem>>[vector<16xi32>], vector<16xf32>,
        %parallel_loop3A_850 = tpu.vector_load_idx %arg9[%parallel_loop3A_846] : memref<3072xf32, #tpu.memory_space<vmem>>[vector<16xi32>], vector<16xf32>,
        %parallel_loop3A_851 = arith.mulf %parallel_loop3A_850, %parallel_loop3A_839 : vector<16xf32>
        %parallel_loop3A_852 = arith.addf %parallel_loop3A_851, %parallel_loop3A_849 : vector<16xf32>
        %parallel_loop3A_853 = arith.mulf %parallel_loop3A_852, %parallel_loop3A_839 : vector<16xf32>
        %parallel_loop3A_854 = arith.addf %parallel_loop3A_853, %parallel_loop3A_848 : vector<16xf32>
        %parallel_loop3A_855 = arith.mulf %parallel_loop3A_854, %parallel_loop3A_839 : vector<16xf32>
        %parallel_loop3A_856 = arith.addf %parallel_loop3A_855, %parallel_loop3A_847 : vector<16xf32>
        %parallel_loop3A_857 = arith.mulf %parallel_loop3A_831, %gather3A_355 : vector<16xf32>
        %parallel_loop3A_858 = arith.addf %parallel_loop3A_857, %parallel_loop3A_856 : vector<16xf32>
        %parallel_loop3A_859 = arith.index_cast %parallel_loop3A_630 : i32 to index
        %parallel_loop3A_860 = arith.constant 96 : index
        %parallel_loop3A_861 = tpu.vector_load %arg13[%parallel_loop3A_859, %parallel_loop3A_860] {strides = array<i32>} : memref<112x224xf32, #tpu.memory_space<vmem>>, vector<16xf32>,
        tpu.vector_store %arg13[%parallel_loop3A_859, %parallel_loop3A_860], %parallel_loop3A_858 {strides = array<i32>} : memref<112x224xf32, #tpu.memory_space<vmem>>, vector<16xf32>,
        %parallel_loop3A_862 = arith.index_cast %parallel_loop3A_630 : i32 to index
        %parallel_loop3A_863 = arith.constant 112 : index
        %parallel_loop3A_864 = tpu.vector_load %arg11[%parallel_loop3A_862, %parallel_loop3A_863] {strides = array<i32>} : memref<112x224xf32, #tpu.memory_space<vmem>>, vector<16xf32>,
        %parallel_loop3A_865 = arith.mulf %parallel_loop3A_864, %gather3A : vector<16xf32>
        %parallel_loop3A_866 = arith.addf %parallel_loop3A_865, %gather3A_351 : vector<16xf32>
        %parallel_loop3A_867 = arith.constant -1.500000e+00 : f32
        %parallel_loop3A_868 = vector.broadcast %parallel_loop3A_867 : f32 to vector<16xf32>
        %parallel_loop3A_869 = arith.maximumf %parallel_loop3A_866, %parallel_loop3A_868 : vector<16xf32>
        %parallel_loop3A_870 = arith.constant 1.500000e+00 : f32
        %parallel_loop3A_871 = vector.broadcast %parallel_loop3A_870 : f32 to vector<16xf32>
        %parallel_loop3A_872 = arith.minimumf %parallel_loop3A_869, %parallel_loop3A_871 : vector<16xf32>
        %parallel_loop3A_873 = arith.constant 6.500000e+00 : f32
        %parallel_loop3A_874 = vector.broadcast %parallel_loop3A_873 : f32 to vector<16xf32>
        %parallel_loop3A_875 = arith.mulf %parallel_loop3A_872, %parallel_loop3A_874 : vector<16xf32>
        %parallel_loop3A_876 = arith.addf %parallel_loop3A_875, %broadcast_in_dim3A : vector<16xf32>
        %parallel_loop3A_877 = arith.maximumf %parallel_loop3A_876, %broadcast_in_dim3A_300 : vector<16xf32>
        %parallel_loop3A_878 = arith.minimumf %parallel_loop3A_877, %broadcast_in_dim3A_303 : vector<16xf32>
        %parallel_loop3A_879 = arith.fptosi %parallel_loop3A_878 : vector<16xf32> to vector<16xi32>
        %parallel_loop3A_880 = tpu.vector_load_idx %arg6[%parallel_loop3A_879] : memref<3072xf32, #tpu.memory_space<vmem>>[vector<16xi32>], vector<16xf32>,
        %parallel_loop3A_881 = tpu.vector_load_idx %arg7[%parallel_loop3A_879] : memref<3072xf32, #tpu.memory_space<vmem>>[vector<16xi32>], vector<16xf32>,
        %parallel_loop3A_882 = tpu.vector_load_idx %arg8[%parallel_loop3A_879] : memref<3072xf32, #tpu.memory_space<vmem>>[vector<16xi32>], vector<16xf32>,
        %parallel_loop3A_883 = tpu.vector_load_idx %arg9[%parallel_loop3A_879] : memref<3072xf32, #tpu.memory_space<vmem>>[vector<16xi32>], vector<16xf32>,
        %parallel_loop3A_884 = arith.mulf %parallel_loop3A_883, %parallel_loop3A_872 : vector<16xf32>
        %parallel_loop3A_885 = arith.addf %parallel_loop3A_884, %parallel_loop3A_882 : vector<16xf32>
        %parallel_loop3A_886 = arith.mulf %parallel_loop3A_885, %parallel_loop3A_872 : vector<16xf32>
        %parallel_loop3A_887 = arith.addf %parallel_loop3A_886, %parallel_loop3A_881 : vector<16xf32>
        %parallel_loop3A_888 = arith.mulf %parallel_loop3A_887, %parallel_loop3A_872 : vector<16xf32>
        %parallel_loop3A_889 = arith.addf %parallel_loop3A_888, %parallel_loop3A_880 : vector<16xf32>
        %parallel_loop3A_890 = arith.mulf %parallel_loop3A_864, %gather3A_355 : vector<16xf32>
        %parallel_loop3A_891 = arith.addf %parallel_loop3A_890, %parallel_loop3A_889 : vector<16xf32>
        %parallel_loop3A_892 = arith.index_cast %parallel_loop3A_630 : i32 to index
        %parallel_loop3A_893 = arith.constant 112 : index
        %parallel_loop3A_894 = tpu.vector_load %arg13[%parallel_loop3A_892, %parallel_loop3A_893] {strides = array<i32>} : memref<112x224xf32, #tpu.memory_space<vmem>>, vector<16xf32>,
        tpu.vector_store %arg13[%parallel_loop3A_892, %parallel_loop3A_893], %parallel_loop3A_891 {strides = array<i32>} : memref<112x224xf32, #tpu.memory_space<vmem>>, vector<16xf32>,
        %parallel_loop3A_895 = arith.index_cast %parallel_loop3A_630 : i32 to index
        %parallel_loop3A_896 = arith.constant 128 : index
        %parallel_loop3A_897 = tpu.vector_load %arg11[%parallel_loop3A_895, %parallel_loop3A_896] {strides = array<i32>} : memref<112x224xf32, #tpu.memory_space<vmem>>, vector<16xf32>,
        %parallel_loop3A_898 = arith.mulf %parallel_loop3A_897, %gather3A : vector<16xf32>
        %parallel_loop3A_899 = arith.addf %parallel_loop3A_898, %gather3A_351 : vector<16xf32>
        %parallel_loop3A_900 = arith.constant -1.500000e+00 : f32
        %parallel_loop3A_901 = vector.broadcast %parallel_loop3A_900 : f32 to vector<16xf32>
        %parallel_loop3A_902 = arith.maximumf %parallel_loop3A_899, %parallel_loop3A_901 : vector<16xf32>
        %parallel_loop3A_903 = arith.constant 1.500000e+00 : f32
        %parallel_loop3A_904 = vector.broadcast %parallel_loop3A_903 : f32 to vector<16xf32>
        %parallel_loop3A_905 = arith.minimumf %parallel_loop3A_902, %parallel_loop3A_904 : vector<16xf32>
        %parallel_loop3A_906 = arith.constant 6.500000e+00 : f32
        %parallel_loop3A_907 = vector.broadcast %parallel_loop3A_906 : f32 to vector<16xf32>
        %parallel_loop3A_908 = arith.mulf %parallel_loop3A_905, %parallel_loop3A_907 : vector<16xf32>
        %parallel_loop3A_909 = arith.addf %parallel_loop3A_908, %broadcast_in_dim3A : vector<16xf32>
        %parallel_loop3A_910 = arith.maximumf %parallel_loop3A_909, %broadcast_in_dim3A_300 : vector<16xf32>
        %parallel_loop3A_911 = arith.minimumf %parallel_loop3A_910, %broadcast_in_dim3A_303 : vector<16xf32>
        %parallel_loop3A_912 = arith.fptosi %parallel_loop3A_911 : vector<16xf32> to vector<16xi32>
        %parallel_loop3A_913 = tpu.vector_load_idx %arg6[%parallel_loop3A_912] : memref<3072xf32, #tpu.memory_space<vmem>>[vector<16xi32>], vector<16xf32>,
        %parallel_loop3A_914 = tpu.vector_load_idx %arg7[%parallel_loop3A_912] : memref<3072xf32, #tpu.memory_space<vmem>>[vector<16xi32>], vector<16xf32>,
        %parallel_loop3A_915 = tpu.vector_load_idx %arg8[%parallel_loop3A_912] : memref<3072xf32, #tpu.memory_space<vmem>>[vector<16xi32>], vector<16xf32>,
        %parallel_loop3A_916 = tpu.vector_load_idx %arg9[%parallel_loop3A_912] : memref<3072xf32, #tpu.memory_space<vmem>>[vector<16xi32>], vector<16xf32>,
        %parallel_loop3A_917 = arith.mulf %parallel_loop3A_916, %parallel_loop3A_905 : vector<16xf32>
        %parallel_loop3A_918 = arith.addf %parallel_loop3A_917, %parallel_loop3A_915 : vector<16xf32>
        %parallel_loop3A_919 = arith.mulf %parallel_loop3A_918, %parallel_loop3A_905 : vector<16xf32>
        %parallel_loop3A_920 = arith.addf %parallel_loop3A_919, %parallel_loop3A_914 : vector<16xf32>
        %parallel_loop3A_921 = arith.mulf %parallel_loop3A_920, %parallel_loop3A_905 : vector<16xf32>
        %parallel_loop3A_922 = arith.addf %parallel_loop3A_921, %parallel_loop3A_913 : vector<16xf32>
        %parallel_loop3A_923 = arith.mulf %parallel_loop3A_897, %gather3A_355 : vector<16xf32>
        %parallel_loop3A_924 = arith.addf %parallel_loop3A_923, %parallel_loop3A_922 : vector<16xf32>
        %parallel_loop3A_925 = arith.index_cast %parallel_loop3A_630 : i32 to index
        %parallel_loop3A_926 = arith.constant 128 : index
        %parallel_loop3A_927 = tpu.vector_load %arg13[%parallel_loop3A_925, %parallel_loop3A_926] {strides = array<i32>} : memref<112x224xf32, #tpu.memory_space<vmem>>, vector<16xf32>,
        tpu.vector_store %arg13[%parallel_loop3A_925, %parallel_loop3A_926], %parallel_loop3A_924 {strides = array<i32>} : memref<112x224xf32, #tpu.memory_space<vmem>>, vector<16xf32>,
        %parallel_loop3A_928 = arith.index_cast %parallel_loop3A_630 : i32 to index
        %parallel_loop3A_929 = arith.constant 144 : index
        %parallel_loop3A_930 = tpu.vector_load %arg11[%parallel_loop3A_928, %parallel_loop3A_929] {strides = array<i32>} : memref<112x224xf32, #tpu.memory_space<vmem>>, vector<16xf32>,
        %parallel_loop3A_931 = arith.mulf %parallel_loop3A_930, %gather3A : vector<16xf32>
        %parallel_loop3A_932 = arith.addf %parallel_loop3A_931, %gather3A_351 : vector<16xf32>
        %parallel_loop3A_933 = arith.constant -1.500000e+00 : f32
        %parallel_loop3A_934 = vector.broadcast %parallel_loop3A_933 : f32 to vector<16xf32>
        %parallel_loop3A_935 = arith.maximumf %parallel_loop3A_932, %parallel_loop3A_934 : vector<16xf32>
        %parallel_loop3A_936 = arith.constant 1.500000e+00 : f32
        %parallel_loop3A_937 = vector.broadcast %parallel_loop3A_936 : f32 to vector<16xf32>
        %parallel_loop3A_938 = arith.minimumf %parallel_loop3A_935, %parallel_loop3A_937 : vector<16xf32>
        %parallel_loop3A_939 = arith.constant 6.500000e+00 : f32
        %parallel_loop3A_940 = vector.broadcast %parallel_loop3A_939 : f32 to vector<16xf32>
        %parallel_loop3A_941 = arith.mulf %parallel_loop3A_938, %parallel_loop3A_940 : vector<16xf32>
        %parallel_loop3A_942 = arith.addf %parallel_loop3A_941, %broadcast_in_dim3A : vector<16xf32>
        %parallel_loop3A_943 = arith.maximumf %parallel_loop3A_942, %broadcast_in_dim3A_300 : vector<16xf32>
        %parallel_loop3A_944 = arith.minimumf %parallel_loop3A_943, %broadcast_in_dim3A_303 : vector<16xf32>
        %parallel_loop3A_945 = arith.fptosi %parallel_loop3A_944 : vector<16xf32> to vector<16xi32>
        %parallel_loop3A_946 = tpu.vector_load_idx %arg6[%parallel_loop3A_945] : memref<3072xf32, #tpu.memory_space<vmem>>[vector<16xi32>], vector<16xf32>,
        %parallel_loop3A_947 = tpu.vector_load_idx %arg7[%parallel_loop3A_945] : memref<3072xf32, #tpu.memory_space<vmem>>[vector<16xi32>], vector<16xf32>,
        %parallel_loop3A_948 = tpu.vector_load_idx %arg8[%parallel_loop3A_945] : memref<3072xf32, #tpu.memory_space<vmem>>[vector<16xi32>], vector<16xf32>,
        %parallel_loop3A_949 = tpu.vector_load_idx %arg9[%parallel_loop3A_945] : memref<3072xf32, #tpu.memory_space<vmem>>[vector<16xi32>], vector<16xf32>,
        %parallel_loop3A_950 = arith.mulf %parallel_loop3A_949, %parallel_loop3A_938 : vector<16xf32>
        %parallel_loop3A_951 = arith.addf %parallel_loop3A_950, %parallel_loop3A_948 : vector<16xf32>
        %parallel_loop3A_952 = arith.mulf %parallel_loop3A_951, %parallel_loop3A_938 : vector<16xf32>
        %parallel_loop3A_953 = arith.addf %parallel_loop3A_952, %parallel_loop3A_947 : vector<16xf32>
        %parallel_loop3A_954 = arith.mulf %parallel_loop3A_953, %parallel_loop3A_938 : vector<16xf32>
        %parallel_loop3A_955 = arith.addf %parallel_loop3A_954, %parallel_loop3A_946 : vector<16xf32>
        %parallel_loop3A_956 = arith.mulf %parallel_loop3A_930, %gather3A_355 : vector<16xf32>
        %parallel_loop3A_957 = arith.addf %parallel_loop3A_956, %parallel_loop3A_955 : vector<16xf32>
        %parallel_loop3A_958 = arith.index_cast %parallel_loop3A_630 : i32 to index
        %parallel_loop3A_959 = arith.constant 144 : index
        %parallel_loop3A_960 = tpu.vector_load %arg13[%parallel_loop3A_958, %parallel_loop3A_959] {strides = array<i32>} : memref<112x224xf32, #tpu.memory_space<vmem>>, vector<16xf32>,
        tpu.vector_store %arg13[%parallel_loop3A_958, %parallel_loop3A_959], %parallel_loop3A_957 {strides = array<i32>} : memref<112x224xf32, #tpu.memory_space<vmem>>, vector<16xf32>,
        %parallel_loop3A_961 = arith.index_cast %parallel_loop3A_630 : i32 to index
        %parallel_loop3A_962 = arith.constant 160 : index
        %parallel_loop3A_963 = tpu.vector_load %arg11[%parallel_loop3A_961, %parallel_loop3A_962] {strides = array<i32>} : memref<112x224xf32, #tpu.memory_space<vmem>>, vector<16xf32>,
        %parallel_loop3A_964 = arith.mulf %parallel_loop3A_963, %gather3A : vector<16xf32>
        %parallel_loop3A_965 = arith.addf %parallel_loop3A_964, %gather3A_351 : vector<16xf32>
        %parallel_loop3A_966 = arith.constant -1.500000e+00 : f32
        %parallel_loop3A_967 = vector.broadcast %parallel_loop3A_966 : f32 to vector<16xf32>
        %parallel_loop3A_968 = arith.maximumf %parallel_loop3A_965, %parallel_loop3A_967 : vector<16xf32>
        %parallel_loop3A_969 = arith.constant 1.500000e+00 : f32
        %parallel_loop3A_970 = vector.broadcast %parallel_loop3A_969 : f32 to vector<16xf32>
        %parallel_loop3A_971 = arith.minimumf %parallel_loop3A_968, %parallel_loop3A_970 : vector<16xf32>
        %parallel_loop3A_972 = arith.constant 6.500000e+00 : f32
        %parallel_loop3A_973 = vector.broadcast %parallel_loop3A_972 : f32 to vector<16xf32>
        %parallel_loop3A_974 = arith.mulf %parallel_loop3A_971, %parallel_loop3A_973 : vector<16xf32>
        %parallel_loop3A_975 = arith.addf %parallel_loop3A_974, %broadcast_in_dim3A : vector<16xf32>
        %parallel_loop3A_976 = arith.maximumf %parallel_loop3A_975, %broadcast_in_dim3A_300 : vector<16xf32>
        %parallel_loop3A_977 = arith.minimumf %parallel_loop3A_976, %broadcast_in_dim3A_303 : vector<16xf32>
        %parallel_loop3A_978 = arith.fptosi %parallel_loop3A_977 : vector<16xf32> to vector<16xi32>
        %parallel_loop3A_979 = tpu.vector_load_idx %arg6[%parallel_loop3A_978] : memref<3072xf32, #tpu.memory_space<vmem>>[vector<16xi32>], vector<16xf32>,
        %parallel_loop3A_980 = tpu.vector_load_idx %arg7[%parallel_loop3A_978] : memref<3072xf32, #tpu.memory_space<vmem>>[vector<16xi32>], vector<16xf32>,
        %parallel_loop3A_981 = tpu.vector_load_idx %arg8[%parallel_loop3A_978] : memref<3072xf32, #tpu.memory_space<vmem>>[vector<16xi32>], vector<16xf32>,
        %parallel_loop3A_982 = tpu.vector_load_idx %arg9[%parallel_loop3A_978] : memref<3072xf32, #tpu.memory_space<vmem>>[vector<16xi32>], vector<16xf32>,
        %parallel_loop3A_983 = arith.mulf %parallel_loop3A_982, %parallel_loop3A_971 : vector<16xf32>
        %parallel_loop3A_984 = arith.addf %parallel_loop3A_983, %parallel_loop3A_981 : vector<16xf32>
        %parallel_loop3A_985 = arith.mulf %parallel_loop3A_984, %parallel_loop3A_971 : vector<16xf32>
        %parallel_loop3A_986 = arith.addf %parallel_loop3A_985, %parallel_loop3A_980 : vector<16xf32>
        %parallel_loop3A_987 = arith.mulf %parallel_loop3A_986, %parallel_loop3A_971 : vector<16xf32>
        %parallel_loop3A_988 = arith.addf %parallel_loop3A_987, %parallel_loop3A_979 : vector<16xf32>
        %parallel_loop3A_989 = arith.mulf %parallel_loop3A_963, %gather3A_355 : vector<16xf32>
        %parallel_loop3A_990 = arith.addf %parallel_loop3A_989, %parallel_loop3A_988 : vector<16xf32>
        %parallel_loop3A_991 = arith.index_cast %parallel_loop3A_630 : i32 to index
        %parallel_loop3A_992 = arith.constant 160 : index
        %parallel_loop3A_993 = tpu.vector_load %arg13[%parallel_loop3A_991, %parallel_loop3A_992] {strides = array<i32>} : memref<112x224xf32, #tpu.memory_space<vmem>>, vector<16xf32>,
        tpu.vector_store %arg13[%parallel_loop3A_991, %parallel_loop3A_992], %parallel_loop3A_990 {strides = array<i32>} : memref<112x224xf32, #tpu.memory_space<vmem>>, vector<16xf32>,
        %parallel_loop3A_994 = arith.index_cast %parallel_loop3A_630 : i32 to index
        %parallel_loop3A_995 = arith.constant 176 : index
        %parallel_loop3A_996 = tpu.vector_load %arg11[%parallel_loop3A_994, %parallel_loop3A_995] {strides = array<i32>} : memref<112x224xf32, #tpu.memory_space<vmem>>, vector<16xf32>,
        %parallel_loop3A_997 = arith.mulf %parallel_loop3A_996, %gather3A : vector<16xf32>
        %parallel_loop3A_998 = arith.addf %parallel_loop3A_997, %gather3A_351 : vector<16xf32>
        %parallel_loop3A_999 = arith.constant -1.500000e+00 : f32
        %parallel_loop3A_1000 = vector.broadcast %parallel_loop3A_999 : f32 to vector<16xf32>
        %parallel_loop3A_1001 = arith.maximumf %parallel_loop3A_998, %parallel_loop3A_1000 : vector<16xf32>
        %parallel_loop3A_1002 = arith.constant 1.500000e+00 : f32
        %parallel_loop3A_1003 = vector.broadcast %parallel_loop3A_1002 : f32 to vector<16xf32>
        %parallel_loop3A_1004 = arith.minimumf %parallel_loop3A_1001, %parallel_loop3A_1003 : vector<16xf32>
        %parallel_loop3A_1005 = arith.constant 6.500000e+00 : f32
        %parallel_loop3A_1006 = vector.broadcast %parallel_loop3A_1005 : f32 to vector<16xf32>
        %parallel_loop3A_1007 = arith.mulf %parallel_loop3A_1004, %parallel_loop3A_1006 : vector<16xf32>
        %parallel_loop3A_1008 = arith.addf %parallel_loop3A_1007, %broadcast_in_dim3A : vector<16xf32>
        %parallel_loop3A_1009 = arith.maximumf %parallel_loop3A_1008, %broadcast_in_dim3A_300 : vector<16xf32>
        %parallel_loop3A_1010 = arith.minimumf %parallel_loop3A_1009, %broadcast_in_dim3A_303 : vector<16xf32>
        %parallel_loop3A_1011 = arith.fptosi %parallel_loop3A_1010 : vector<16xf32> to vector<16xi32>
        %parallel_loop3A_1012 = tpu.vector_load_idx %arg6[%parallel_loop3A_1011] : memref<3072xf32, #tpu.memory_space<vmem>>[vector<16xi32>], vector<16xf32>,
        %parallel_loop3A_1013 = tpu.vector_load_idx %arg7[%parallel_loop3A_1011] : memref<3072xf32, #tpu.memory_space<vmem>>[vector<16xi32>], vector<16xf32>,
        %parallel_loop3A_1014 = tpu.vector_load_idx %arg8[%parallel_loop3A_1011] : memref<3072xf32, #tpu.memory_space<vmem>>[vector<16xi32>], vector<16xf32>,
        %parallel_loop3A_1015 = tpu.vector_load_idx %arg9[%parallel_loop3A_1011] : memref<3072xf32, #tpu.memory_space<vmem>>[vector<16xi32>], vector<16xf32>,
        %parallel_loop3A_1016 = arith.mulf %parallel_loop3A_1015, %parallel_loop3A_1004 : vector<16xf32>
        %parallel_loop3A_1017 = arith.addf %parallel_loop3A_1016, %parallel_loop3A_1014 : vector<16xf32>
        %parallel_loop3A_1018 = arith.mulf %parallel_loop3A_1017, %parallel_loop3A_1004 : vector<16xf32>
        %parallel_loop3A_1019 = arith.addf %parallel_loop3A_1018, %parallel_loop3A_1013 : vector<16xf32>
        %parallel_loop3A_1020 = arith.mulf %parallel_loop3A_1019, %parallel_loop3A_1004 : vector<16xf32>
        %parallel_loop3A_1021 = arith.addf %parallel_loop3A_1020, %parallel_loop3A_1012 : vector<16xf32>
        %parallel_loop3A_1022 = arith.mulf %parallel_loop3A_996, %gather3A_355 : vector<16xf32>
        %parallel_loop3A_1023 = arith.addf %parallel_loop3A_1022, %parallel_loop3A_1021 : vector<16xf32>
        %parallel_loop3A_1024 = arith.index_cast %parallel_loop3A_630 : i32 to index
        %parallel_loop3A_1025 = arith.constant 176 : index
        %parallel_loop3A_1026 = tpu.vector_load %arg13[%parallel_loop3A_1024, %parallel_loop3A_1025] {strides = array<i32>} : memref<112x224xf32, #tpu.memory_space<vmem>>, vector<16xf32>,
        tpu.vector_store %arg13[%parallel_loop3A_1024, %parallel_loop3A_1025], %parallel_loop3A_1023 {strides = array<i32>} : memref<112x224xf32, #tpu.memory_space<vmem>>, vector<16xf32>,
        %parallel_loop3A_1027 = arith.index_cast %parallel_loop3A_630 : i32 to index
        %parallel_loop3A_1028 = arith.constant 192 : index
        %parallel_loop3A_1029 = tpu.vector_load %arg11[%parallel_loop3A_1027, %parallel_loop3A_1028] {strides = array<i32>} : memref<112x224xf32, #tpu.memory_space<vmem>>, vector<16xf32>,
        %parallel_loop3A_1030 = arith.mulf %parallel_loop3A_1029, %gather3A : vector<16xf32>
        %parallel_loop3A_1031 = arith.addf %parallel_loop3A_1030, %gather3A_351 : vector<16xf32>
        %parallel_loop3A_1032 = arith.constant -1.500000e+00 : f32
        %parallel_loop3A_1033 = vector.broadcast %parallel_loop3A_1032 : f32 to vector<16xf32>
        %parallel_loop3A_1034 = arith.maximumf %parallel_loop3A_1031, %parallel_loop3A_1033 : vector<16xf32>
        %parallel_loop3A_1035 = arith.constant 1.500000e+00 : f32
        %parallel_loop3A_1036 = vector.broadcast %parallel_loop3A_1035 : f32 to vector<16xf32>
        %parallel_loop3A_1037 = arith.minimumf %parallel_loop3A_1034, %parallel_loop3A_1036 : vector<16xf32>
        %parallel_loop3A_1038 = arith.constant 6.500000e+00 : f32
        %parallel_loop3A_1039 = vector.broadcast %parallel_loop3A_1038 : f32 to vector<16xf32>
        %parallel_loop3A_1040 = arith.mulf %parallel_loop3A_1037, %parallel_loop3A_1039 : vector<16xf32>
        %parallel_loop3A_1041 = arith.addf %parallel_loop3A_1040, %broadcast_in_dim3A : vector<16xf32>
        %parallel_loop3A_1042 = arith.maximumf %parallel_loop3A_1041, %broadcast_in_dim3A_300 : vector<16xf32>
        %parallel_loop3A_1043 = arith.minimumf %parallel_loop3A_1042, %broadcast_in_dim3A_303 : vector<16xf32>
        %parallel_loop3A_1044 = arith.fptosi %parallel_loop3A_1043 : vector<16xf32> to vector<16xi32>
        %parallel_loop3A_1045 = tpu.vector_load_idx %arg6[%parallel_loop3A_1044] : memref<3072xf32, #tpu.memory_space<vmem>>[vector<16xi32>], vector<16xf32>,
        %parallel_loop3A_1046 = tpu.vector_load_idx %arg7[%parallel_loop3A_1044] : memref<3072xf32, #tpu.memory_space<vmem>>[vector<16xi32>], vector<16xf32>,
        %parallel_loop3A_1047 = tpu.vector_load_idx %arg8[%parallel_loop3A_1044] : memref<3072xf32, #tpu.memory_space<vmem>>[vector<16xi32>], vector<16xf32>,
        %parallel_loop3A_1048 = tpu.vector_load_idx %arg9[%parallel_loop3A_1044] : memref<3072xf32, #tpu.memory_space<vmem>>[vector<16xi32>], vector<16xf32>,
        %parallel_loop3A_1049 = arith.mulf %parallel_loop3A_1048, %parallel_loop3A_1037 : vector<16xf32>
        %parallel_loop3A_1050 = arith.addf %parallel_loop3A_1049, %parallel_loop3A_1047 : vector<16xf32>
        %parallel_loop3A_1051 = arith.mulf %parallel_loop3A_1050, %parallel_loop3A_1037 : vector<16xf32>
        %parallel_loop3A_1052 = arith.addf %parallel_loop3A_1051, %parallel_loop3A_1046 : vector<16xf32>
        %parallel_loop3A_1053 = arith.mulf %parallel_loop3A_1052, %parallel_loop3A_1037 : vector<16xf32>
        %parallel_loop3A_1054 = arith.addf %parallel_loop3A_1053, %parallel_loop3A_1045 : vector<16xf32>
        %parallel_loop3A_1055 = arith.mulf %parallel_loop3A_1029, %gather3A_355 : vector<16xf32>
        %parallel_loop3A_1056 = arith.addf %parallel_loop3A_1055, %parallel_loop3A_1054 : vector<16xf32>
        %parallel_loop3A_1057 = arith.index_cast %parallel_loop3A_630 : i32 to index
        %parallel_loop3A_1058 = arith.constant 192 : index
        %parallel_loop3A_1059 = tpu.vector_load %arg13[%parallel_loop3A_1057, %parallel_loop3A_1058] {strides = array<i32>} : memref<112x224xf32, #tpu.memory_space<vmem>>, vector<16xf32>,
        tpu.vector_store %arg13[%parallel_loop3A_1057, %parallel_loop3A_1058], %parallel_loop3A_1056 {strides = array<i32>} : memref<112x224xf32, #tpu.memory_space<vmem>>, vector<16xf32>,
        %parallel_loop3A_1060 = arith.index_cast %parallel_loop3A_630 : i32 to index
        %parallel_loop3A_1061 = arith.constant 208 : index
        %parallel_loop3A_1062 = tpu.vector_load %arg11[%parallel_loop3A_1060, %parallel_loop3A_1061] {strides = array<i32>} : memref<112x224xf32, #tpu.memory_space<vmem>>, vector<16xf32>,
        %parallel_loop3A_1063 = arith.mulf %parallel_loop3A_1062, %gather3A : vector<16xf32>
        %parallel_loop3A_1064 = arith.addf %parallel_loop3A_1063, %gather3A_351 : vector<16xf32>
        %parallel_loop3A_1065 = arith.constant -1.500000e+00 : f32
        %parallel_loop3A_1066 = vector.broadcast %parallel_loop3A_1065 : f32 to vector<16xf32>
        %parallel_loop3A_1067 = arith.maximumf %parallel_loop3A_1064, %parallel_loop3A_1066 : vector<16xf32>
        %parallel_loop3A_1068 = arith.constant 1.500000e+00 : f32
        %parallel_loop3A_1069 = vector.broadcast %parallel_loop3A_1068 : f32 to vector<16xf32>
        %parallel_loop3A_1070 = arith.minimumf %parallel_loop3A_1067, %parallel_loop3A_1069 : vector<16xf32>
        %parallel_loop3A_1071 = arith.constant 6.500000e+00 : f32
        %parallel_loop3A_1072 = vector.broadcast %parallel_loop3A_1071 : f32 to vector<16xf32>
        %parallel_loop3A_1073 = arith.mulf %parallel_loop3A_1070, %parallel_loop3A_1072 : vector<16xf32>
        %parallel_loop3A_1074 = arith.addf %parallel_loop3A_1073, %broadcast_in_dim3A : vector<16xf32>
        %parallel_loop3A_1075 = arith.maximumf %parallel_loop3A_1074, %broadcast_in_dim3A_300 : vector<16xf32>
        %parallel_loop3A_1076 = arith.minimumf %parallel_loop3A_1075, %broadcast_in_dim3A_303 : vector<16xf32>
        %parallel_loop3A_1077 = arith.fptosi %parallel_loop3A_1076 : vector<16xf32> to vector<16xi32>
        %parallel_loop3A_1078 = tpu.vector_load_idx %arg6[%parallel_loop3A_1077] : memref<3072xf32, #tpu.memory_space<vmem>>[vector<16xi32>], vector<16xf32>,
        %parallel_loop3A_1079 = tpu.vector_load_idx %arg7[%parallel_loop3A_1077] : memref<3072xf32, #tpu.memory_space<vmem>>[vector<16xi32>], vector<16xf32>,
        %parallel_loop3A_1080 = tpu.vector_load_idx %arg8[%parallel_loop3A_1077] : memref<3072xf32, #tpu.memory_space<vmem>>[vector<16xi32>], vector<16xf32>,
        %parallel_loop3A_1081 = tpu.vector_load_idx %arg9[%parallel_loop3A_1077] : memref<3072xf32, #tpu.memory_space<vmem>>[vector<16xi32>], vector<16xf32>,
        %parallel_loop3A_1082 = arith.mulf %parallel_loop3A_1081, %parallel_loop3A_1070 : vector<16xf32>
        %parallel_loop3A_1083 = arith.addf %parallel_loop3A_1082, %parallel_loop3A_1080 : vector<16xf32>
        %parallel_loop3A_1084 = arith.mulf %parallel_loop3A_1083, %parallel_loop3A_1070 : vector<16xf32>
        %parallel_loop3A_1085 = arith.addf %parallel_loop3A_1084, %parallel_loop3A_1079 : vector<16xf32>
        %parallel_loop3A_1086 = arith.mulf %parallel_loop3A_1085, %parallel_loop3A_1070 : vector<16xf32>
        %parallel_loop3A_1087 = arith.addf %parallel_loop3A_1086, %parallel_loop3A_1078 : vector<16xf32>
        %parallel_loop3A_1088 = arith.mulf %parallel_loop3A_1062, %gather3A_355 : vector<16xf32>
        %parallel_loop3A_1089 = arith.addf %parallel_loop3A_1088, %parallel_loop3A_1087 : vector<16xf32>
        %parallel_loop3A_1090 = arith.index_cast %parallel_loop3A_630 : i32 to index
        %parallel_loop3A_1091 = arith.constant 208 : index
        %parallel_loop3A_1092 = tpu.vector_load %arg13[%parallel_loop3A_1090, %parallel_loop3A_1091] {strides = array<i32>} : memref<112x224xf32, #tpu.memory_space<vmem>>, vector<16xf32>,
        tpu.vector_store %arg13[%parallel_loop3A_1090, %parallel_loop3A_1091], %parallel_loop3A_1089 {strides = array<i32>} : memref<112x224xf32, #tpu.memory_space<vmem>>, vector<16xf32>,
      } {sc.loop_unroll_factor = 1 : i64, sc.parallel_access}
      %add3A_358 = arith.addi %mul3A_2, %mul3A_151 : i32
      %jit3A_359 = arith.constant 2 : i32
      %div3A_360 = arith.divsi %add3A_358, %jit3A_359 : i32
      %sign3A_361 = arith.constant 0 : i32
      %sign3A_362 = arith.cmpi sgt, %add3A_358, %sign3A_361 : i32
      %sign3A_363 = arith.extui %sign3A_362 : i1 to i32
      %sign3A_364 = arith.constant 0 : i32
      %sign3A_365 = arith.cmpi slt, %add3A_358, %sign3A_364 : i32
      %sign3A_366 = arith.extui %sign3A_365 : i1 to i32
      %sign3A_367 = arith.subi %sign3A_363, %sign3A_366 : i32
      %sign3A_368 = arith.constant 0 : i32
      %sign3A_369 = arith.cmpi sgt, %jit3A_359, %sign3A_368 : i32
      %sign3A_370 = arith.extui %sign3A_369 : i1 to i32
      %sign3A_371 = arith.constant 0 : i32
      %sign3A_372 = arith.cmpi slt, %jit3A_359, %sign3A_371 : i32
      %sign3A_373 = arith.extui %sign3A_372 : i1 to i32
      %sign3A_374 = arith.subi %sign3A_370, %sign3A_373 : i32
      %ne3A_375 = arith.cmpi ne, %sign3A_367, %sign3A_374 : i32
      %rem3A_376 = arith.remsi %add3A_358, %jit3A_359 : i32
      %ne3A_377 = arith.constant 0 : i32
      %ne3A_378 = arith.cmpi ne, %rem3A_376, %ne3A_377 : i32
      %and3A_379 = arith.andi %ne3A_375, %ne3A_378 : i1
      %sub3A_380 = arith.constant 1 : i32
      %sub3A_381 = arith.subi %div3A_360, %sub3A_380 : i32
      %select_n3A_382 = arith.select %and3A_379, %sub3A_381, %div3A_360 : i32
      %jit3A_383 = arith.constant 2 : i32
      %eq3A_384 = arith.constant 0 : i32
      %eq3A_385 = arith.cmpi eq, %jit3A_383, %eq3A_384 : i32
      %jit3A_386 = arith.constant 1 : i32
      %select_n3A_387 = arith.select %eq3A_385, %jit3A_386, %jit3A_383 : i32
      %rem3A_388 = arith.remsi %add3A_358, %select_n3A_387 : i32
      %ne3A_389 = arith.constant 0 : i32
      %ne3A_390 = arith.cmpi ne, %rem3A_388, %ne3A_389 : i32
      %lt3A_391 = arith.constant 0 : i32
      %lt3A_392 = arith.cmpi slt, %rem3A_388, %lt3A_391 : i32
      %lt3A_393 = arith.constant 0 : i32
      %lt3A_394 = arith.cmpi slt, %select_n3A_387, %lt3A_393 : i32
      %ne3A_395 = arith.xori %lt3A_392, %lt3A_394 : i1
      %and3A_396 = arith.andi %ne3A_395, %ne3A_390 : i1
      %add3A_397 = arith.addi %rem3A_388, %select_n3A_387 : i32
      %select_n3A_398 = arith.select %and3A_396, %add3A_397, %rem3A_388 : i32
      %mul3A_399 = arith.constant 112 : i32
      %mul3A_400 = arith.muli %select_n3A_398, %mul3A_399 : i32
      %dma_start3A_401 = arith.constant 0 : i32
      %dma_start3A_402 = tpu.memref_slice %arg5[%select_n3A_382, %mul3A_400, %dma_start3A_401] : memref<768x224x224xf32, #tpu.memory_space<hbm>> -> memref<1x112x224xf32, #tpu.memory_space<hbm>>
      %dma_start3A_403 = tpu.memref_squeeze %dma_start3A_402 : memref<1x112x224xf32, #tpu.memory_space<hbm>> -> memref<112x224xf32, #tpu.memory_space<hbm>>
      %dma_start3A_404 = arith.constant 0 : i32
      %dma_start3A_405 = tpu.memref_slice %arg5[%select_n3A_382, %mul3A_400, %dma_start3A_404] : memref<768x224x224xf32, #tpu.memory_space<hbm>> -> memref<1x112x224xf32, #tpu.memory_space<hbm>>
      %dma_start3A_406 = tpu.memref_squeeze %dma_start3A_405 : memref<1x112x224xf32, #tpu.memory_space<hbm>> -> memref<112x224xf32, #tpu.memory_space<hbm>>
      tpu.enqueue_dma source(%arg13 : memref<112x224xf32, #tpu.memory_space<vmem>>) target(%dma_start3A_406 : memref<112x224xf32, #tpu.memory_space<hbm>>) target_semaphore(%arg17 : memref<!tpu.dma_semaphore, #tpu.memory_space<semaphore_mem>>)
      %add3A_407 = arith.constant 2 : i32
      %add3A_408 = arith.addi %mul3A_151, %add3A_407 : i32
      %lt3A_409 = arith.constant 48 : i32
      %lt3A_410 = arith.cmpi slt, %add3A_408, %lt3A_409 : i32
      %convert_element_type3A_411 = arith.extui %lt3A_410 : i1 to i32
      %cond3A_412 = arith.constant 0 : i32
      %cond3A_413 = arith.cmpi ne, %convert_element_type3A_411, %cond3A_412 : i32
      scf.if %cond3A_413 {
        %add3A_630 = arith.constant 2 : i32
        %add3A_631 = arith.addi %mul3A_151, %add3A_630 : i32
        %add3A_632 = arith.addi %mul3A_2, %add3A_631 : i32
        %jit3A_633 = arith.constant 2 : i32
        %div3A_634 = arith.divsi %add3A_632, %jit3A_633 : i32
        %sign3A_635 = arith.constant 0 : i32
        %sign3A_636 = arith.cmpi sgt, %add3A_632, %sign3A_635 : i32
        %sign3A_637 = arith.extui %sign3A_636 : i1 to i32
        %sign3A_638 = arith.constant 0 : i32
        %sign3A_639 = arith.cmpi slt, %add3A_632, %sign3A_638 : i32
        %sign3A_640 = arith.extui %sign3A_639 : i1 to i32
        %sign3A_641 = arith.subi %sign3A_637, %sign3A_640 : i32
        %sign3A_642 = arith.constant 0 : i32
        %sign3A_643 = arith.cmpi sgt, %jit3A_633, %sign3A_642 : i32
        %sign3A_644 = arith.extui %sign3A_643 : i1 to i32
        %sign3A_645 = arith.constant 0 : i32
        %sign3A_646 = arith.cmpi slt, %jit3A_633, %sign3A_645 : i32
        %sign3A_647 = arith.extui %sign3A_646 : i1 to i32
        %sign3A_648 = arith.subi %sign3A_644, %sign3A_647 : i32
        %ne3A_649 = arith.cmpi ne, %sign3A_641, %sign3A_648 : i32
        %rem3A_650 = arith.remsi %add3A_632, %jit3A_633 : i32
        %ne3A_651 = arith.constant 0 : i32
        %ne3A_652 = arith.cmpi ne, %rem3A_650, %ne3A_651 : i32
        %and3A_653 = arith.andi %ne3A_649, %ne3A_652 : i1
        %sub3A_654 = arith.constant 1 : i32
        %sub3A_655 = arith.subi %div3A_634, %sub3A_654 : i32
        %select_n3A_656 = arith.select %and3A_653, %sub3A_655, %div3A_634 : i32
        %jit3A_657 = arith.constant 2 : i32
        %eq3A_658 = arith.constant 0 : i32
        %eq3A_659 = arith.cmpi eq, %jit3A_657, %eq3A_658 : i32
        %jit3A_660 = arith.constant 1 : i32
        %select_n3A_661 = arith.select %eq3A_659, %jit3A_660, %jit3A_657 : i32
        %rem3A_662 = arith.remsi %add3A_632, %select_n3A_661 : i32
        %ne3A_663 = arith.constant 0 : i32
        %ne3A_664 = arith.cmpi ne, %rem3A_662, %ne3A_663 : i32
        %lt3A_665 = arith.constant 0 : i32
        %lt3A_666 = arith.cmpi slt, %rem3A_662, %lt3A_665 : i32
        %lt3A_667 = arith.constant 0 : i32
        %lt3A_668 = arith.cmpi slt, %select_n3A_661, %lt3A_667 : i32
        %ne3A_669 = arith.xori %lt3A_666, %lt3A_668 : i1
        %and3A_670 = arith.andi %ne3A_669, %ne3A_664 : i1
        %add3A_671 = arith.addi %rem3A_662, %select_n3A_661 : i32
        %select_n3A_672 = arith.select %and3A_670, %add3A_671, %rem3A_662 : i32
        %mul3A_673 = arith.constant 112 : i32
        %mul3A_674 = arith.muli %select_n3A_672, %mul3A_673 : i32
        %dma_start3A_675 = arith.constant 0 : i32
        %dma_start3A_676 = tpu.memref_slice %arg2[%select_n3A_656, %mul3A_674, %dma_start3A_675] : memref<768x224x224xf32, #tpu.memory_space<hbm>> -> memref<1x112x224xf32, #tpu.memory_space<hbm>>
        %dma_start3A_677 = tpu.memref_squeeze %dma_start3A_676 : memref<1x112x224xf32, #tpu.memory_space<hbm>> -> memref<112x224xf32, #tpu.memory_space<hbm>>
        %dma_start3A_678 = arith.constant 0 : i32
        %dma_start3A_679 = tpu.memref_slice %arg2[%select_n3A_656, %mul3A_674, %dma_start3A_678] : memref<768x224x224xf32, #tpu.memory_space<hbm>> -> memref<1x112x224xf32, #tpu.memory_space<hbm>>
        %dma_start3A_680 = tpu.memref_squeeze %dma_start3A_679 : memref<1x112x224xf32, #tpu.memory_space<hbm>> -> memref<112x224xf32, #tpu.memory_space<hbm>>
        tpu.enqueue_dma source(%dma_start3A_680 : memref<112x224xf32, #tpu.memory_space<hbm>>) target(%arg11 : memref<112x224xf32, #tpu.memory_space<vmem>>) target_semaphore(%arg15 : memref<!tpu.dma_semaphore, #tpu.memory_space<semaphore_mem>>)
      } else {
      }
      %add3A_414 = arith.constant 1 : i32
      %add3A_415 = arith.addi %mul3A_151, %add3A_414 : i32
      %add3A_416 = arith.addi %mul3A_2, %add3A_415 : i32
      %jit3A_417 = arith.constant 2 : i32
      %div3A_418 = arith.divsi %add3A_416, %jit3A_417 : i32
      %sign3A_419 = arith.constant 0 : i32
      %sign3A_420 = arith.cmpi sgt, %add3A_416, %sign3A_419 : i32
      %sign3A_421 = arith.extui %sign3A_420 : i1 to i32
      %sign3A_422 = arith.constant 0 : i32
      %sign3A_423 = arith.cmpi slt, %add3A_416, %sign3A_422 : i32
      %sign3A_424 = arith.extui %sign3A_423 : i1 to i32
      %sign3A_425 = arith.subi %sign3A_421, %sign3A_424 : i32
      %sign3A_426 = arith.constant 0 : i32
      %sign3A_427 = arith.cmpi sgt, %jit3A_417, %sign3A_426 : i32
      %sign3A_428 = arith.extui %sign3A_427 : i1 to i32
      %sign3A_429 = arith.constant 0 : i32
      %sign3A_430 = arith.cmpi slt, %jit3A_417, %sign3A_429 : i32
      %sign3A_431 = arith.extui %sign3A_430 : i1 to i32
      %sign3A_432 = arith.subi %sign3A_428, %sign3A_431 : i32
      %ne3A_433 = arith.cmpi ne, %sign3A_425, %sign3A_432 : i32
      %rem3A_434 = arith.remsi %add3A_416, %jit3A_417 : i32
      %ne3A_435 = arith.constant 0 : i32
      %ne3A_436 = arith.cmpi ne, %rem3A_434, %ne3A_435 : i32
      %and3A_437 = arith.andi %ne3A_433, %ne3A_436 : i1
      %sub3A_438 = arith.constant 1 : i32
      %sub3A_439 = arith.subi %div3A_418, %sub3A_438 : i32
      %select_n3A_440 = arith.select %and3A_437, %sub3A_439, %div3A_418 : i32
      %jit3A_441 = arith.constant 2 : i32
      %eq3A_442 = arith.constant 0 : i32
      %eq3A_443 = arith.cmpi eq, %jit3A_441, %eq3A_442 : i32
      %jit3A_444 = arith.constant 1 : i32
      %select_n3A_445 = arith.select %eq3A_443, %jit3A_444, %jit3A_441 : i32
      %rem3A_446 = arith.remsi %add3A_416, %select_n3A_445 : i32
      %ne3A_447 = arith.constant 0 : i32
      %ne3A_448 = arith.cmpi ne, %rem3A_446, %ne3A_447 : i32
      %lt3A_449 = arith.constant 0 : i32
      %lt3A_450 = arith.cmpi slt, %rem3A_446, %lt3A_449 : i32
      %lt3A_451 = arith.constant 0 : i32
      %lt3A_452 = arith.cmpi slt, %select_n3A_445, %lt3A_451 : i32
      %ne3A_453 = arith.xori %lt3A_450, %lt3A_452 : i1
      %and3A_454 = arith.andi %ne3A_453, %ne3A_448 : i1
      %add3A_455 = arith.addi %rem3A_446, %select_n3A_445 : i32
      %select_n3A_456 = arith.select %and3A_454, %add3A_455, %rem3A_446 : i32
      %mul3A_457 = arith.constant 112 : i32
      %mul3A_458 = arith.muli %select_n3A_456, %mul3A_457 : i32
      %dma_wait3A_459 = arith.constant 0 : i32
      %dma_wait3A_460 = tpu.memref_slice %arg2[%select_n3A_440, %mul3A_458, %dma_wait3A_459] : memref<768x224x224xf32, #tpu.memory_space<hbm>> -> memref<1x112x224xf32, #tpu.memory_space<hbm>>
      %dma_wait3A_461 = tpu.memref_squeeze %dma_wait3A_460 : memref<1x112x224xf32, #tpu.memory_space<hbm>> -> memref<112x224xf32, #tpu.memory_space<hbm>>
      %dma_wait3A_462 = arith.constant 0 : i32
      %dma_wait3A_463 = tpu.memref_slice %arg2[%select_n3A_440, %mul3A_458, %dma_wait3A_462] : memref<768x224x224xf32, #tpu.memory_space<hbm>> -> memref<1x112x224xf32, #tpu.memory_space<hbm>>
      %dma_wait3A_464 = tpu.memref_squeeze %dma_wait3A_463 : memref<1x112x224xf32, #tpu.memory_space<hbm>> -> memref<112x224xf32, #tpu.memory_space<hbm>>
      tpu.wait_dma2 semaphore(%arg16 : memref<!tpu.dma_semaphore, #tpu.memory_space<semaphore_mem>>) src(%dma_wait3A_464 : memref<112x224xf32, #tpu.memory_space<hbm>>) dst(%arg12 : memref<112x224xf32, #tpu.memory_space<vmem>>)
      %gt3A_465 = arith.constant 0 : i32
      %gt3A_466 = arith.cmpi sgt, %add3A_149, %gt3A_465 : i32
      %convert_element_type3A_467 = arith.extui %gt3A_466 : i1 to i32
      %cond3A_468 = arith.constant 0 : i32
      %cond3A_469 = arith.cmpi ne, %convert_element_type3A_467, %cond3A_468 : i32
      scf.if %cond3A_469 {
        %sub3A_630 = arith.constant 1 : i32
        %sub3A_631 = arith.subi %mul3A_151, %sub3A_630 : i32
        %add3A_632 = arith.addi %mul3A_2, %sub3A_631 : i32
        %jit3A_633 = arith.constant 2 : i32
        %div3A_634 = arith.divsi %add3A_632, %jit3A_633 : i32
        %sign3A_635 = arith.constant 0 : i32
        %sign3A_636 = arith.cmpi sgt, %add3A_632, %sign3A_635 : i32
        %sign3A_637 = arith.extui %sign3A_636 : i1 to i32
        %sign3A_638 = arith.constant 0 : i32
        %sign3A_639 = arith.cmpi slt, %add3A_632, %sign3A_638 : i32
        %sign3A_640 = arith.extui %sign3A_639 : i1 to i32
        %sign3A_641 = arith.subi %sign3A_637, %sign3A_640 : i32
        %sign3A_642 = arith.constant 0 : i32
        %sign3A_643 = arith.cmpi sgt, %jit3A_633, %sign3A_642 : i32
        %sign3A_644 = arith.extui %sign3A_643 : i1 to i32
        %sign3A_645 = arith.constant 0 : i32
        %sign3A_646 = arith.cmpi slt, %jit3A_633, %sign3A_645 : i32
        %sign3A_647 = arith.extui %sign3A_646 : i1 to i32
        %sign3A_648 = arith.subi %sign3A_644, %sign3A_647 : i32
        %ne3A_649 = arith.cmpi ne, %sign3A_641, %sign3A_648 : i32
        %rem3A_650 = arith.remsi %add3A_632, %jit3A_633 : i32
        %ne3A_651 = arith.constant 0 : i32
        %ne3A_652 = arith.cmpi ne, %rem3A_650, %ne3A_651 : i32
        %and3A_653 = arith.andi %ne3A_649, %ne3A_652 : i1
        %sub3A_654 = arith.constant 1 : i32
        %sub3A_655 = arith.subi %div3A_634, %sub3A_654 : i32
        %select_n3A_656 = arith.select %and3A_653, %sub3A_655, %div3A_634 : i32
        %jit3A_657 = arith.constant 2 : i32
        %eq3A_658 = arith.constant 0 : i32
        %eq3A_659 = arith.cmpi eq, %jit3A_657, %eq3A_658 : i32
        %jit3A_660 = arith.constant 1 : i32
        %select_n3A_661 = arith.select %eq3A_659, %jit3A_660, %jit3A_657 : i32
        %rem3A_662 = arith.remsi %add3A_632, %select_n3A_661 : i32
        %ne3A_663 = arith.constant 0 : i32
        %ne3A_664 = arith.cmpi ne, %rem3A_662, %ne3A_663 : i32
        %lt3A_665 = arith.constant 0 : i32
        %lt3A_666 = arith.cmpi slt, %rem3A_662, %lt3A_665 : i32
        %lt3A_667 = arith.constant 0 : i32
        %lt3A_668 = arith.cmpi slt, %select_n3A_661, %lt3A_667 : i32
        %ne3A_669 = arith.xori %lt3A_666, %lt3A_668 : i1
        %and3A_670 = arith.andi %ne3A_669, %ne3A_664 : i1
        %add3A_671 = arith.addi %rem3A_662, %select_n3A_661 : i32
        %select_n3A_672 = arith.select %and3A_670, %add3A_671, %rem3A_662 : i32
        %mul3A_673 = arith.constant 112 : i32
        %mul3A_674 = arith.muli %select_n3A_672, %mul3A_673 : i32
        %dma_wait3A_675 = arith.constant 0 : i32
        %dma_wait3A_676 = tpu.memref_slice %arg5[%select_n3A_656, %mul3A_674, %dma_wait3A_675] : memref<768x224x224xf32, #tpu.memory_space<hbm>> -> memref<1x112x224xf32, #tpu.memory_space<hbm>>
        %dma_wait3A_677 = tpu.memref_squeeze %dma_wait3A_676 : memref<1x112x224xf32, #tpu.memory_space<hbm>> -> memref<112x224xf32, #tpu.memory_space<hbm>>
        %dma_wait3A_678 = arith.constant 0 : i32
        %dma_wait3A_679 = tpu.memref_slice %arg5[%select_n3A_656, %mul3A_674, %dma_wait3A_678] : memref<768x224x224xf32, #tpu.memory_space<hbm>> -> memref<1x112x224xf32, #tpu.memory_space<hbm>>
        %dma_wait3A_680 = tpu.memref_squeeze %dma_wait3A_679 : memref<1x112x224xf32, #tpu.memory_space<hbm>> -> memref<112x224xf32, #tpu.memory_space<hbm>>
        tpu.wait_dma2 semaphore(%arg18 : memref<!tpu.dma_semaphore, #tpu.memory_space<semaphore_mem>>) src(%arg14 : memref<112x224xf32, #tpu.memory_space<vmem>>) dst(%dma_wait3A_680 : memref<112x224xf32, #tpu.memory_space<hbm>>)
      } else {
      }
      %add3A_470 = arith.constant 1 : i32
      %add3A_471 = arith.addi %mul3A_151, %add3A_470 : i32
      %add3A_472 = arith.addi %mul3A_2, %add3A_471 : i32
      %jit3A_473 = arith.constant 2 : i32
      %div3A_474 = arith.divsi %add3A_472, %jit3A_473 : i32
      %sign3A_475 = arith.constant 0 : i32
      %sign3A_476 = arith.cmpi sgt, %add3A_472, %sign3A_475 : i32
      %sign3A_477 = arith.extui %sign3A_476 : i1 to i32
      %sign3A_478 = arith.constant 0 : i32
      %sign3A_479 = arith.cmpi slt, %add3A_472, %sign3A_478 : i32
      %sign3A_480 = arith.extui %sign3A_479 : i1 to i32
      %sign3A_481 = arith.subi %sign3A_477, %sign3A_480 : i32
      %sign3A_482 = arith.constant 0 : i32
      %sign3A_483 = arith.cmpi sgt, %jit3A_473, %sign3A_482 : i32
      %sign3A_484 = arith.extui %sign3A_483 : i1 to i32
      %sign3A_485 = arith.constant 0 : i32
      %sign3A_486 = arith.cmpi slt, %jit3A_473, %sign3A_485 : i32
      %sign3A_487 = arith.extui %sign3A_486 : i1 to i32
      %sign3A_488 = arith.subi %sign3A_484, %sign3A_487 : i32
      %ne3A_489 = arith.cmpi ne, %sign3A_481, %sign3A_488 : i32
      %rem3A_490 = arith.remsi %add3A_472, %jit3A_473 : i32
      %ne3A_491 = arith.constant 0 : i32
      %ne3A_492 = arith.cmpi ne, %rem3A_490, %ne3A_491 : i32
      %and3A_493 = arith.andi %ne3A_489, %ne3A_492 : i1
      %sub3A_494 = arith.constant 1 : i32
      %sub3A_495 = arith.subi %div3A_474, %sub3A_494 : i32
      %select_n3A_496 = arith.select %and3A_493, %sub3A_495, %div3A_474 : i32
      %jit3A_497 = arith.constant 192 : i32
      %eq3A_498 = arith.constant 0 : i32
      %eq3A_499 = arith.cmpi eq, %jit3A_497, %eq3A_498 : i32
      %jit3A_500 = arith.constant 1 : i32
      %select_n3A_501 = arith.select %eq3A_499, %jit3A_500, %jit3A_497 : i32
      %rem3A_502 = arith.remsi %select_n3A_496, %select_n3A_501 : i32
      %ne3A_503 = arith.constant 0 : i32
      %ne3A_504 = arith.cmpi ne, %rem3A_502, %ne3A_503 : i32
      %lt3A_505 = arith.constant 0 : i32
      %lt3A_506 = arith.cmpi slt, %rem3A_502, %lt3A_505 : i32
      %lt3A_507 = arith.constant 0 : i32
      %lt3A_508 = arith.cmpi slt, %select_n3A_501, %lt3A_507 : i32
      %ne3A_509 = arith.xori %lt3A_506, %lt3A_508 : i1
      %and3A_510 = arith.andi %ne3A_509, %ne3A_504 : i1
      %add3A_511 = arith.addi %rem3A_502, %select_n3A_501 : i32
      %select_n3A_512 = arith.select %and3A_510, %add3A_511, %rem3A_502 : i32
      %mul3A_513 = arith.constant 16 : i32
      %mul3A_514 = arith.muli %select_n3A_512, %mul3A_513 : i32
      %convert_element_type3A_515 = arith.sitofp %mul3A_514 : i32 to f32
      %add3A_516 = arith.constant 6.500000e+00 : f32
      %add3A_517 = arith.addf %convert_element_type3A_515, %add3A_516 : f32
      %broadcast_in_dim3A_518 = vector.broadcast %add3A_517 : f32 to vector<16xf32>
      %broadcast_in_dim3A_519 = vector.broadcast %convert_element_type3A_515 : f32 to vector<16xf32>
      %add3A_520 = arith.constant 1.200000e+01 : f32
      %add3A_521 = arith.addf %convert_element_type3A_515, %add3A_520 : f32
      %broadcast_in_dim3A_522 = vector.broadcast %add3A_521 : f32 to vector<16xf32>
      %add3A_523 = arith.addi %mul3A_2, %add3A_471 : i32
      %jit3A_524 = arith.constant 2 : i32
      %div3A_525 = arith.divsi %add3A_523, %jit3A_524 : i32
      %sign3A_526 = arith.constant 0 : i32
      %sign3A_527 = arith.cmpi sgt, %add3A_523, %sign3A_526 : i32
      %sign3A_528 = arith.extui %sign3A_527 : i1 to i32
      %sign3A_529 = arith.constant 0 : i32
      %sign3A_530 = arith.cmpi slt, %add3A_523, %sign3A_529 : i32
      %sign3A_531 = arith.extui %sign3A_530 : i1 to i32
      %sign3A_532 = arith.subi %sign3A_528, %sign3A_531 : i32
      %sign3A_533 = arith.constant 0 : i32
      %sign3A_534 = arith.cmpi sgt, %jit3A_524, %sign3A_533 : i32
      %sign3A_535 = arith.extui %sign3A_534 : i1 to i32
      %sign3A_536 = arith.constant 0 : i32
      %sign3A_537 = arith.cmpi slt, %jit3A_524, %sign3A_536 : i32
      %sign3A_538 = arith.extui %sign3A_537 : i1 to i32
      %sign3A_539 = arith.subi %sign3A_535, %sign3A_538 : i32
      %ne3A_540 = arith.cmpi ne, %sign3A_532, %sign3A_539 : i32
      %rem3A_541 = arith.remsi %add3A_523, %jit3A_524 : i32
      %ne3A_542 = arith.constant 0 : i32
      %ne3A_543 = arith.cmpi ne, %rem3A_541, %ne3A_542 : i32
      %and3A_544 = arith.andi %ne3A_540, %ne3A_543 : i1
      %sub3A_545 = arith.constant 1 : i32
      %sub3A_546 = arith.subi %div3A_525, %sub3A_545 : i32
      %select_n3A_547 = arith.select %and3A_544, %sub3A_546, %div3A_525 : i32
      %jit3A_548 = arith.constant 192 : i32
      %eq3A_549 = arith.constant 0 : i32
      %eq3A_550 = arith.cmpi eq, %jit3A_548, %eq3A_549 : i32
      %jit3A_551 = arith.constant 1 : i32
      %select_n3A_552 = arith.select %eq3A_550, %jit3A_551, %jit3A_548 : i32
      %rem3A_553 = arith.remsi %select_n3A_547, %select_n3A_552 : i32
      %ne3A_554 = arith.constant 0 : i32
      %ne3A_555 = arith.cmpi ne, %rem3A_553, %ne3A_554 : i32
      %lt3A_556 = arith.constant 0 : i32
      %lt3A_557 = arith.cmpi slt, %rem3A_553, %lt3A_556 : i32
      %lt3A_558 = arith.constant 0 : i32
      %lt3A_559 = arith.cmpi slt, %select_n3A_552, %lt3A_558 : i32
      %ne3A_560 = arith.xori %lt3A_557, %lt3A_559 : i1
      %and3A_561 = arith.andi %ne3A_560, %ne3A_555 : i1
      %add3A_562 = arith.addi %rem3A_553, %select_n3A_552 : i32
      %select_n3A_563 = arith.select %and3A_561, %add3A_562, %rem3A_553 : i32
      %mul3A_564 = arith.constant 8 : i32
      %mul3A_565 = arith.muli %select_n3A_563, %mul3A_564 : i32
      %broadcast_in_dim3A_566 = vector.broadcast %mul3A_565 : i32 to vector<16xi32>
      %gather3A_567 = tpu.vector_load_idx %arg10[%broadcast_in_dim3A_566] : memref<1536xf32, #tpu.memory_space<vmem>>[vector<16xi32>], vector<16xf32>,
      %add3A_568 = arith.constant 1 : i32
      %add3A_569 = vector.broadcast %add3A_568 : i32 to vector<16xi32>
      %add3A_570 = arith.addi %broadcast_in_dim3A_566, %add3A_569 : vector<16xi32>
      %gather3A_571 = tpu.vector_load_idx %arg10[%add3A_570] : memref<1536xf32, #tpu.memory_space<vmem>>[vector<16xi32>], vector<16xf32>,
      %add3A_572 = arith.constant 2 : i32
      %add3A_573 = vector.broadcast %add3A_572 : i32 to vector<16xi32>
      %add3A_574 = arith.addi %broadcast_in_dim3A_566, %add3A_573 : vector<16xi32>
      %gather3A_575 = tpu.vector_load_idx %arg10[%add3A_574] : memref<1536xf32, #tpu.memory_space<vmem>>[vector<16xi32>], vector<16xf32>,
      %parallel_loop3A_576 = arith.constant 0 : i32
      %parallel_loop3A_577 = arith.constant 112 : i32
      %parallel_loop3A_578 = arith.constant 1 : i32
      scf.for %parallel_loop3A_630 = %parallel_loop3A_576 to %parallel_loop3A_577 step %parallel_loop3A_578  : i32 {
        %parallel_loop3A_631 = arith.index_cast %parallel_loop3A_630 : i32 to index
        %parallel_loop3A_632 = arith.constant 0 : index
        %parallel_loop3A_633 = tpu.vector_load %arg12[%parallel_loop3A_631, %parallel_loop3A_632] {strides = array<i32>} : memref<112x224xf32, #tpu.memory_space<vmem>>, vector<16xf32>,
        %parallel_loop3A_634 = arith.mulf %parallel_loop3A_633, %gather3A_567 : vector<16xf32>
        %parallel_loop3A_635 = arith.addf %parallel_loop3A_634, %gather3A_571 : vector<16xf32>
        %parallel_loop3A_636 = arith.constant -1.500000e+00 : f32
        %parallel_loop3A_637 = vector.broadcast %parallel_loop3A_636 : f32 to vector<16xf32>
        %parallel_loop3A_638 = arith.maximumf %parallel_loop3A_635, %parallel_loop3A_637 : vector<16xf32>
        %parallel_loop3A_639 = arith.constant 1.500000e+00 : f32
        %parallel_loop3A_640 = vector.broadcast %parallel_loop3A_639 : f32 to vector<16xf32>
        %parallel_loop3A_641 = arith.minimumf %parallel_loop3A_638, %parallel_loop3A_640 : vector<16xf32>
        %parallel_loop3A_642 = arith.constant 6.500000e+00 : f32
        %parallel_loop3A_643 = vector.broadcast %parallel_loop3A_642 : f32 to vector<16xf32>
        %parallel_loop3A_644 = arith.mulf %parallel_loop3A_641, %parallel_loop3A_643 : vector<16xf32>
        %parallel_loop3A_645 = arith.addf %parallel_loop3A_644, %broadcast_in_dim3A_518 : vector<16xf32>
        %parallel_loop3A_646 = arith.maximumf %parallel_loop3A_645, %broadcast_in_dim3A_519 : vector<16xf32>
        %parallel_loop3A_647 = arith.minimumf %parallel_loop3A_646, %broadcast_in_dim3A_522 : vector<16xf32>
        %parallel_loop3A_648 = arith.fptosi %parallel_loop3A_647 : vector<16xf32> to vector<16xi32>
        %parallel_loop3A_649 = tpu.vector_load_idx %arg6[%parallel_loop3A_648] : memref<3072xf32, #tpu.memory_space<vmem>>[vector<16xi32>], vector<16xf32>,
        %parallel_loop3A_650 = tpu.vector_load_idx %arg7[%parallel_loop3A_648] : memref<3072xf32, #tpu.memory_space<vmem>>[vector<16xi32>], vector<16xf32>,
        %parallel_loop3A_651 = tpu.vector_load_idx %arg8[%parallel_loop3A_648] : memref<3072xf32, #tpu.memory_space<vmem>>[vector<16xi32>], vector<16xf32>,
        %parallel_loop3A_652 = tpu.vector_load_idx %arg9[%parallel_loop3A_648] : memref<3072xf32, #tpu.memory_space<vmem>>[vector<16xi32>], vector<16xf32>,
        %parallel_loop3A_653 = arith.mulf %parallel_loop3A_652, %parallel_loop3A_641 : vector<16xf32>
        %parallel_loop3A_654 = arith.addf %parallel_loop3A_653, %parallel_loop3A_651 : vector<16xf32>
        %parallel_loop3A_655 = arith.mulf %parallel_loop3A_654, %parallel_loop3A_641 : vector<16xf32>
        %parallel_loop3A_656 = arith.addf %parallel_loop3A_655, %parallel_loop3A_650 : vector<16xf32>
        %parallel_loop3A_657 = arith.mulf %parallel_loop3A_656, %parallel_loop3A_641 : vector<16xf32>
        %parallel_loop3A_658 = arith.addf %parallel_loop3A_657, %parallel_loop3A_649 : vector<16xf32>
        %parallel_loop3A_659 = arith.mulf %parallel_loop3A_633, %gather3A_575 : vector<16xf32>
        %parallel_loop3A_660 = arith.addf %parallel_loop3A_659, %parallel_loop3A_658 : vector<16xf32>
        %parallel_loop3A_661 = arith.index_cast %parallel_loop3A_630 : i32 to index
        %parallel_loop3A_662 = arith.constant 0 : index
        %parallel_loop3A_663 = tpu.vector_load %arg14[%parallel_loop3A_661, %parallel_loop3A_662] {strides = array<i32>} : memref<112x224xf32, #tpu.memory_space<vmem>>, vector<16xf32>,
        tpu.vector_store %arg14[%parallel_loop3A_661, %parallel_loop3A_662], %parallel_loop3A_660 {strides = array<i32>} : memref<112x224xf32, #tpu.memory_space<vmem>>, vector<16xf32>,
        %parallel_loop3A_664 = arith.index_cast %parallel_loop3A_630 : i32 to index
        %parallel_loop3A_665 = arith.constant 16 : index
        %parallel_loop3A_666 = tpu.vector_load %arg12[%parallel_loop3A_664, %parallel_loop3A_665] {strides = array<i32>} : memref<112x224xf32, #tpu.memory_space<vmem>>, vector<16xf32>,
        %parallel_loop3A_667 = arith.mulf %parallel_loop3A_666, %gather3A_567 : vector<16xf32>
        %parallel_loop3A_668 = arith.addf %parallel_loop3A_667, %gather3A_571 : vector<16xf32>
        %parallel_loop3A_669 = arith.constant -1.500000e+00 : f32
        %parallel_loop3A_670 = vector.broadcast %parallel_loop3A_669 : f32 to vector<16xf32>
        %parallel_loop3A_671 = arith.maximumf %parallel_loop3A_668, %parallel_loop3A_670 : vector<16xf32>
        %parallel_loop3A_672 = arith.constant 1.500000e+00 : f32
        %parallel_loop3A_673 = vector.broadcast %parallel_loop3A_672 : f32 to vector<16xf32>
        %parallel_loop3A_674 = arith.minimumf %parallel_loop3A_671, %parallel_loop3A_673 : vector<16xf32>
        %parallel_loop3A_675 = arith.constant 6.500000e+00 : f32
        %parallel_loop3A_676 = vector.broadcast %parallel_loop3A_675 : f32 to vector<16xf32>
        %parallel_loop3A_677 = arith.mulf %parallel_loop3A_674, %parallel_loop3A_676 : vector<16xf32>
        %parallel_loop3A_678 = arith.addf %parallel_loop3A_677, %broadcast_in_dim3A_518 : vector<16xf32>
        %parallel_loop3A_679 = arith.maximumf %parallel_loop3A_678, %broadcast_in_dim3A_519 : vector<16xf32>
        %parallel_loop3A_680 = arith.minimumf %parallel_loop3A_679, %broadcast_in_dim3A_522 : vector<16xf32>
        %parallel_loop3A_681 = arith.fptosi %parallel_loop3A_680 : vector<16xf32> to vector<16xi32>
        %parallel_loop3A_682 = tpu.vector_load_idx %arg6[%parallel_loop3A_681] : memref<3072xf32, #tpu.memory_space<vmem>>[vector<16xi32>], vector<16xf32>,
        %parallel_loop3A_683 = tpu.vector_load_idx %arg7[%parallel_loop3A_681] : memref<3072xf32, #tpu.memory_space<vmem>>[vector<16xi32>], vector<16xf32>,
        %parallel_loop3A_684 = tpu.vector_load_idx %arg8[%parallel_loop3A_681] : memref<3072xf32, #tpu.memory_space<vmem>>[vector<16xi32>], vector<16xf32>,
        %parallel_loop3A_685 = tpu.vector_load_idx %arg9[%parallel_loop3A_681] : memref<3072xf32, #tpu.memory_space<vmem>>[vector<16xi32>], vector<16xf32>,
        %parallel_loop3A_686 = arith.mulf %parallel_loop3A_685, %parallel_loop3A_674 : vector<16xf32>
        %parallel_loop3A_687 = arith.addf %parallel_loop3A_686, %parallel_loop3A_684 : vector<16xf32>
        %parallel_loop3A_688 = arith.mulf %parallel_loop3A_687, %parallel_loop3A_674 : vector<16xf32>
        %parallel_loop3A_689 = arith.addf %parallel_loop3A_688, %parallel_loop3A_683 : vector<16xf32>
        %parallel_loop3A_690 = arith.mulf %parallel_loop3A_689, %parallel_loop3A_674 : vector<16xf32>
        %parallel_loop3A_691 = arith.addf %parallel_loop3A_690, %parallel_loop3A_682 : vector<16xf32>
        %parallel_loop3A_692 = arith.mulf %parallel_loop3A_666, %gather3A_575 : vector<16xf32>
        %parallel_loop3A_693 = arith.addf %parallel_loop3A_692, %parallel_loop3A_691 : vector<16xf32>
        %parallel_loop3A_694 = arith.index_cast %parallel_loop3A_630 : i32 to index
        %parallel_loop3A_695 = arith.constant 16 : index
        %parallel_loop3A_696 = tpu.vector_load %arg14[%parallel_loop3A_694, %parallel_loop3A_695] {strides = array<i32>} : memref<112x224xf32, #tpu.memory_space<vmem>>, vector<16xf32>,
        tpu.vector_store %arg14[%parallel_loop3A_694, %parallel_loop3A_695], %parallel_loop3A_693 {strides = array<i32>} : memref<112x224xf32, #tpu.memory_space<vmem>>, vector<16xf32>,
        %parallel_loop3A_697 = arith.index_cast %parallel_loop3A_630 : i32 to index
        %parallel_loop3A_698 = arith.constant 32 : index
        %parallel_loop3A_699 = tpu.vector_load %arg12[%parallel_loop3A_697, %parallel_loop3A_698] {strides = array<i32>} : memref<112x224xf32, #tpu.memory_space<vmem>>, vector<16xf32>,
        %parallel_loop3A_700 = arith.mulf %parallel_loop3A_699, %gather3A_567 : vector<16xf32>
        %parallel_loop3A_701 = arith.addf %parallel_loop3A_700, %gather3A_571 : vector<16xf32>
        %parallel_loop3A_702 = arith.constant -1.500000e+00 : f32
        %parallel_loop3A_703 = vector.broadcast %parallel_loop3A_702 : f32 to vector<16xf32>
        %parallel_loop3A_704 = arith.maximumf %parallel_loop3A_701, %parallel_loop3A_703 : vector<16xf32>
        %parallel_loop3A_705 = arith.constant 1.500000e+00 : f32
        %parallel_loop3A_706 = vector.broadcast %parallel_loop3A_705 : f32 to vector<16xf32>
        %parallel_loop3A_707 = arith.minimumf %parallel_loop3A_704, %parallel_loop3A_706 : vector<16xf32>
        %parallel_loop3A_708 = arith.constant 6.500000e+00 : f32
        %parallel_loop3A_709 = vector.broadcast %parallel_loop3A_708 : f32 to vector<16xf32>
        %parallel_loop3A_710 = arith.mulf %parallel_loop3A_707, %parallel_loop3A_709 : vector<16xf32>
        %parallel_loop3A_711 = arith.addf %parallel_loop3A_710, %broadcast_in_dim3A_518 : vector<16xf32>
        %parallel_loop3A_712 = arith.maximumf %parallel_loop3A_711, %broadcast_in_dim3A_519 : vector<16xf32>
        %parallel_loop3A_713 = arith.minimumf %parallel_loop3A_712, %broadcast_in_dim3A_522 : vector<16xf32>
        %parallel_loop3A_714 = arith.fptosi %parallel_loop3A_713 : vector<16xf32> to vector<16xi32>
        %parallel_loop3A_715 = tpu.vector_load_idx %arg6[%parallel_loop3A_714] : memref<3072xf32, #tpu.memory_space<vmem>>[vector<16xi32>], vector<16xf32>,
        %parallel_loop3A_716 = tpu.vector_load_idx %arg7[%parallel_loop3A_714] : memref<3072xf32, #tpu.memory_space<vmem>>[vector<16xi32>], vector<16xf32>,
        %parallel_loop3A_717 = tpu.vector_load_idx %arg8[%parallel_loop3A_714] : memref<3072xf32, #tpu.memory_space<vmem>>[vector<16xi32>], vector<16xf32>,
        %parallel_loop3A_718 = tpu.vector_load_idx %arg9[%parallel_loop3A_714] : memref<3072xf32, #tpu.memory_space<vmem>>[vector<16xi32>], vector<16xf32>,
        %parallel_loop3A_719 = arith.mulf %parallel_loop3A_718, %parallel_loop3A_707 : vector<16xf32>
        %parallel_loop3A_720 = arith.addf %parallel_loop3A_719, %parallel_loop3A_717 : vector<16xf32>
        %parallel_loop3A_721 = arith.mulf %parallel_loop3A_720, %parallel_loop3A_707 : vector<16xf32>
        %parallel_loop3A_722 = arith.addf %parallel_loop3A_721, %parallel_loop3A_716 : vector<16xf32>
        %parallel_loop3A_723 = arith.mulf %parallel_loop3A_722, %parallel_loop3A_707 : vector<16xf32>
        %parallel_loop3A_724 = arith.addf %parallel_loop3A_723, %parallel_loop3A_715 : vector<16xf32>
        %parallel_loop3A_725 = arith.mulf %parallel_loop3A_699, %gather3A_575 : vector<16xf32>
        %parallel_loop3A_726 = arith.addf %parallel_loop3A_725, %parallel_loop3A_724 : vector<16xf32>
        %parallel_loop3A_727 = arith.index_cast %parallel_loop3A_630 : i32 to index
        %parallel_loop3A_728 = arith.constant 32 : index
        %parallel_loop3A_729 = tpu.vector_load %arg14[%parallel_loop3A_727, %parallel_loop3A_728] {strides = array<i32>} : memref<112x224xf32, #tpu.memory_space<vmem>>, vector<16xf32>,
        tpu.vector_store %arg14[%parallel_loop3A_727, %parallel_loop3A_728], %parallel_loop3A_726 {strides = array<i32>} : memref<112x224xf32, #tpu.memory_space<vmem>>, vector<16xf32>,
        %parallel_loop3A_730 = arith.index_cast %parallel_loop3A_630 : i32 to index
        %parallel_loop3A_731 = arith.constant 48 : index
        %parallel_loop3A_732 = tpu.vector_load %arg12[%parallel_loop3A_730, %parallel_loop3A_731] {strides = array<i32>} : memref<112x224xf32, #tpu.memory_space<vmem>>, vector<16xf32>,
        %parallel_loop3A_733 = arith.mulf %parallel_loop3A_732, %gather3A_567 : vector<16xf32>
        %parallel_loop3A_734 = arith.addf %parallel_loop3A_733, %gather3A_571 : vector<16xf32>
        %parallel_loop3A_735 = arith.constant -1.500000e+00 : f32
        %parallel_loop3A_736 = vector.broadcast %parallel_loop3A_735 : f32 to vector<16xf32>
        %parallel_loop3A_737 = arith.maximumf %parallel_loop3A_734, %parallel_loop3A_736 : vector<16xf32>
        %parallel_loop3A_738 = arith.constant 1.500000e+00 : f32
        %parallel_loop3A_739 = vector.broadcast %parallel_loop3A_738 : f32 to vector<16xf32>
        %parallel_loop3A_740 = arith.minimumf %parallel_loop3A_737, %parallel_loop3A_739 : vector<16xf32>
        %parallel_loop3A_741 = arith.constant 6.500000e+00 : f32
        %parallel_loop3A_742 = vector.broadcast %parallel_loop3A_741 : f32 to vector<16xf32>
        %parallel_loop3A_743 = arith.mulf %parallel_loop3A_740, %parallel_loop3A_742 : vector<16xf32>
        %parallel_loop3A_744 = arith.addf %parallel_loop3A_743, %broadcast_in_dim3A_518 : vector<16xf32>
        %parallel_loop3A_745 = arith.maximumf %parallel_loop3A_744, %broadcast_in_dim3A_519 : vector<16xf32>
        %parallel_loop3A_746 = arith.minimumf %parallel_loop3A_745, %broadcast_in_dim3A_522 : vector<16xf32>
        %parallel_loop3A_747 = arith.fptosi %parallel_loop3A_746 : vector<16xf32> to vector<16xi32>
        %parallel_loop3A_748 = tpu.vector_load_idx %arg6[%parallel_loop3A_747] : memref<3072xf32, #tpu.memory_space<vmem>>[vector<16xi32>], vector<16xf32>,
        %parallel_loop3A_749 = tpu.vector_load_idx %arg7[%parallel_loop3A_747] : memref<3072xf32, #tpu.memory_space<vmem>>[vector<16xi32>], vector<16xf32>,
        %parallel_loop3A_750 = tpu.vector_load_idx %arg8[%parallel_loop3A_747] : memref<3072xf32, #tpu.memory_space<vmem>>[vector<16xi32>], vector<16xf32>,
        %parallel_loop3A_751 = tpu.vector_load_idx %arg9[%parallel_loop3A_747] : memref<3072xf32, #tpu.memory_space<vmem>>[vector<16xi32>], vector<16xf32>,
        %parallel_loop3A_752 = arith.mulf %parallel_loop3A_751, %parallel_loop3A_740 : vector<16xf32>
        %parallel_loop3A_753 = arith.addf %parallel_loop3A_752, %parallel_loop3A_750 : vector<16xf32>
        %parallel_loop3A_754 = arith.mulf %parallel_loop3A_753, %parallel_loop3A_740 : vector<16xf32>
        %parallel_loop3A_755 = arith.addf %parallel_loop3A_754, %parallel_loop3A_749 : vector<16xf32>
        %parallel_loop3A_756 = arith.mulf %parallel_loop3A_755, %parallel_loop3A_740 : vector<16xf32>
        %parallel_loop3A_757 = arith.addf %parallel_loop3A_756, %parallel_loop3A_748 : vector<16xf32>
        %parallel_loop3A_758 = arith.mulf %parallel_loop3A_732, %gather3A_575 : vector<16xf32>
        %parallel_loop3A_759 = arith.addf %parallel_loop3A_758, %parallel_loop3A_757 : vector<16xf32>
        %parallel_loop3A_760 = arith.index_cast %parallel_loop3A_630 : i32 to index
        %parallel_loop3A_761 = arith.constant 48 : index
        %parallel_loop3A_762 = tpu.vector_load %arg14[%parallel_loop3A_760, %parallel_loop3A_761] {strides = array<i32>} : memref<112x224xf32, #tpu.memory_space<vmem>>, vector<16xf32>,
        tpu.vector_store %arg14[%parallel_loop3A_760, %parallel_loop3A_761], %parallel_loop3A_759 {strides = array<i32>} : memref<112x224xf32, #tpu.memory_space<vmem>>, vector<16xf32>,
        %parallel_loop3A_763 = arith.index_cast %parallel_loop3A_630 : i32 to index
        %parallel_loop3A_764 = arith.constant 64 : index
        %parallel_loop3A_765 = tpu.vector_load %arg12[%parallel_loop3A_763, %parallel_loop3A_764] {strides = array<i32>} : memref<112x224xf32, #tpu.memory_space<vmem>>, vector<16xf32>,
        %parallel_loop3A_766 = arith.mulf %parallel_loop3A_765, %gather3A_567 : vector<16xf32>
        %parallel_loop3A_767 = arith.addf %parallel_loop3A_766, %gather3A_571 : vector<16xf32>
        %parallel_loop3A_768 = arith.constant -1.500000e+00 : f32
        %parallel_loop3A_769 = vector.broadcast %parallel_loop3A_768 : f32 to vector<16xf32>
        %parallel_loop3A_770 = arith.maximumf %parallel_loop3A_767, %parallel_loop3A_769 : vector<16xf32>
        %parallel_loop3A_771 = arith.constant 1.500000e+00 : f32
        %parallel_loop3A_772 = vector.broadcast %parallel_loop3A_771 : f32 to vector<16xf32>
        %parallel_loop3A_773 = arith.minimumf %parallel_loop3A_770, %parallel_loop3A_772 : vector<16xf32>
        %parallel_loop3A_774 = arith.constant 6.500000e+00 : f32
        %parallel_loop3A_775 = vector.broadcast %parallel_loop3A_774 : f32 to vector<16xf32>
        %parallel_loop3A_776 = arith.mulf %parallel_loop3A_773, %parallel_loop3A_775 : vector<16xf32>
        %parallel_loop3A_777 = arith.addf %parallel_loop3A_776, %broadcast_in_dim3A_518 : vector<16xf32>
        %parallel_loop3A_778 = arith.maximumf %parallel_loop3A_777, %broadcast_in_dim3A_519 : vector<16xf32>
        %parallel_loop3A_779 = arith.minimumf %parallel_loop3A_778, %broadcast_in_dim3A_522 : vector<16xf32>
        %parallel_loop3A_780 = arith.fptosi %parallel_loop3A_779 : vector<16xf32> to vector<16xi32>
        %parallel_loop3A_781 = tpu.vector_load_idx %arg6[%parallel_loop3A_780] : memref<3072xf32, #tpu.memory_space<vmem>>[vector<16xi32>], vector<16xf32>,
        %parallel_loop3A_782 = tpu.vector_load_idx %arg7[%parallel_loop3A_780] : memref<3072xf32, #tpu.memory_space<vmem>>[vector<16xi32>], vector<16xf32>,
        %parallel_loop3A_783 = tpu.vector_load_idx %arg8[%parallel_loop3A_780] : memref<3072xf32, #tpu.memory_space<vmem>>[vector<16xi32>], vector<16xf32>,
        %parallel_loop3A_784 = tpu.vector_load_idx %arg9[%parallel_loop3A_780] : memref<3072xf32, #tpu.memory_space<vmem>>[vector<16xi32>], vector<16xf32>,
        %parallel_loop3A_785 = arith.mulf %parallel_loop3A_784, %parallel_loop3A_773 : vector<16xf32>
        %parallel_loop3A_786 = arith.addf %parallel_loop3A_785, %parallel_loop3A_783 : vector<16xf32>
        %parallel_loop3A_787 = arith.mulf %parallel_loop3A_786, %parallel_loop3A_773 : vector<16xf32>
        %parallel_loop3A_788 = arith.addf %parallel_loop3A_787, %parallel_loop3A_782 : vector<16xf32>
        %parallel_loop3A_789 = arith.mulf %parallel_loop3A_788, %parallel_loop3A_773 : vector<16xf32>
        %parallel_loop3A_790 = arith.addf %parallel_loop3A_789, %parallel_loop3A_781 : vector<16xf32>
        %parallel_loop3A_791 = arith.mulf %parallel_loop3A_765, %gather3A_575 : vector<16xf32>
        %parallel_loop3A_792 = arith.addf %parallel_loop3A_791, %parallel_loop3A_790 : vector<16xf32>
        %parallel_loop3A_793 = arith.index_cast %parallel_loop3A_630 : i32 to index
        %parallel_loop3A_794 = arith.constant 64 : index
        %parallel_loop3A_795 = tpu.vector_load %arg14[%parallel_loop3A_793, %parallel_loop3A_794] {strides = array<i32>} : memref<112x224xf32, #tpu.memory_space<vmem>>, vector<16xf32>,
        tpu.vector_store %arg14[%parallel_loop3A_793, %parallel_loop3A_794], %parallel_loop3A_792 {strides = array<i32>} : memref<112x224xf32, #tpu.memory_space<vmem>>, vector<16xf32>,
        %parallel_loop3A_796 = arith.index_cast %parallel_loop3A_630 : i32 to index
        %parallel_loop3A_797 = arith.constant 80 : index
        %parallel_loop3A_798 = tpu.vector_load %arg12[%parallel_loop3A_796, %parallel_loop3A_797] {strides = array<i32>} : memref<112x224xf32, #tpu.memory_space<vmem>>, vector<16xf32>,
        %parallel_loop3A_799 = arith.mulf %parallel_loop3A_798, %gather3A_567 : vector<16xf32>
        %parallel_loop3A_800 = arith.addf %parallel_loop3A_799, %gather3A_571 : vector<16xf32>
        %parallel_loop3A_801 = arith.constant -1.500000e+00 : f32
        %parallel_loop3A_802 = vector.broadcast %parallel_loop3A_801 : f32 to vector<16xf32>
        %parallel_loop3A_803 = arith.maximumf %parallel_loop3A_800, %parallel_loop3A_802 : vector<16xf32>
        %parallel_loop3A_804 = arith.constant 1.500000e+00 : f32
        %parallel_loop3A_805 = vector.broadcast %parallel_loop3A_804 : f32 to vector<16xf32>
        %parallel_loop3A_806 = arith.minimumf %parallel_loop3A_803, %parallel_loop3A_805 : vector<16xf32>
        %parallel_loop3A_807 = arith.constant 6.500000e+00 : f32
        %parallel_loop3A_808 = vector.broadcast %parallel_loop3A_807 : f32 to vector<16xf32>
        %parallel_loop3A_809 = arith.mulf %parallel_loop3A_806, %parallel_loop3A_808 : vector<16xf32>
        %parallel_loop3A_810 = arith.addf %parallel_loop3A_809, %broadcast_in_dim3A_518 : vector<16xf32>
        %parallel_loop3A_811 = arith.maximumf %parallel_loop3A_810, %broadcast_in_dim3A_519 : vector<16xf32>
        %parallel_loop3A_812 = arith.minimumf %parallel_loop3A_811, %broadcast_in_dim3A_522 : vector<16xf32>
        %parallel_loop3A_813 = arith.fptosi %parallel_loop3A_812 : vector<16xf32> to vector<16xi32>
        %parallel_loop3A_814 = tpu.vector_load_idx %arg6[%parallel_loop3A_813] : memref<3072xf32, #tpu.memory_space<vmem>>[vector<16xi32>], vector<16xf32>,
        %parallel_loop3A_815 = tpu.vector_load_idx %arg7[%parallel_loop3A_813] : memref<3072xf32, #tpu.memory_space<vmem>>[vector<16xi32>], vector<16xf32>,
        %parallel_loop3A_816 = tpu.vector_load_idx %arg8[%parallel_loop3A_813] : memref<3072xf32, #tpu.memory_space<vmem>>[vector<16xi32>], vector<16xf32>,
        %parallel_loop3A_817 = tpu.vector_load_idx %arg9[%parallel_loop3A_813] : memref<3072xf32, #tpu.memory_space<vmem>>[vector<16xi32>], vector<16xf32>,
        %parallel_loop3A_818 = arith.mulf %parallel_loop3A_817, %parallel_loop3A_806 : vector<16xf32>
        %parallel_loop3A_819 = arith.addf %parallel_loop3A_818, %parallel_loop3A_816 : vector<16xf32>
        %parallel_loop3A_820 = arith.mulf %parallel_loop3A_819, %parallel_loop3A_806 : vector<16xf32>
        %parallel_loop3A_821 = arith.addf %parallel_loop3A_820, %parallel_loop3A_815 : vector<16xf32>
        %parallel_loop3A_822 = arith.mulf %parallel_loop3A_821, %parallel_loop3A_806 : vector<16xf32>
        %parallel_loop3A_823 = arith.addf %parallel_loop3A_822, %parallel_loop3A_814 : vector<16xf32>
        %parallel_loop3A_824 = arith.mulf %parallel_loop3A_798, %gather3A_575 : vector<16xf32>
        %parallel_loop3A_825 = arith.addf %parallel_loop3A_824, %parallel_loop3A_823 : vector<16xf32>
        %parallel_loop3A_826 = arith.index_cast %parallel_loop3A_630 : i32 to index
        %parallel_loop3A_827 = arith.constant 80 : index
        %parallel_loop3A_828 = tpu.vector_load %arg14[%parallel_loop3A_826, %parallel_loop3A_827] {strides = array<i32>} : memref<112x224xf32, #tpu.memory_space<vmem>>, vector<16xf32>,
        tpu.vector_store %arg14[%parallel_loop3A_826, %parallel_loop3A_827], %parallel_loop3A_825 {strides = array<i32>} : memref<112x224xf32, #tpu.memory_space<vmem>>, vector<16xf32>,
        %parallel_loop3A_829 = arith.index_cast %parallel_loop3A_630 : i32 to index
        %parallel_loop3A_830 = arith.constant 96 : index
        %parallel_loop3A_831 = tpu.vector_load %arg12[%parallel_loop3A_829, %parallel_loop3A_830] {strides = array<i32>} : memref<112x224xf32, #tpu.memory_space<vmem>>, vector<16xf32>,
        %parallel_loop3A_832 = arith.mulf %parallel_loop3A_831, %gather3A_567 : vector<16xf32>
        %parallel_loop3A_833 = arith.addf %parallel_loop3A_832, %gather3A_571 : vector<16xf32>
        %parallel_loop3A_834 = arith.constant -1.500000e+00 : f32
        %parallel_loop3A_835 = vector.broadcast %parallel_loop3A_834 : f32 to vector<16xf32>
        %parallel_loop3A_836 = arith.maximumf %parallel_loop3A_833, %parallel_loop3A_835 : vector<16xf32>
        %parallel_loop3A_837 = arith.constant 1.500000e+00 : f32
        %parallel_loop3A_838 = vector.broadcast %parallel_loop3A_837 : f32 to vector<16xf32>
        %parallel_loop3A_839 = arith.minimumf %parallel_loop3A_836, %parallel_loop3A_838 : vector<16xf32>
        %parallel_loop3A_840 = arith.constant 6.500000e+00 : f32
        %parallel_loop3A_841 = vector.broadcast %parallel_loop3A_840 : f32 to vector<16xf32>
        %parallel_loop3A_842 = arith.mulf %parallel_loop3A_839, %parallel_loop3A_841 : vector<16xf32>
        %parallel_loop3A_843 = arith.addf %parallel_loop3A_842, %broadcast_in_dim3A_518 : vector<16xf32>
        %parallel_loop3A_844 = arith.maximumf %parallel_loop3A_843, %broadcast_in_dim3A_519 : vector<16xf32>
        %parallel_loop3A_845 = arith.minimumf %parallel_loop3A_844, %broadcast_in_dim3A_522 : vector<16xf32>
        %parallel_loop3A_846 = arith.fptosi %parallel_loop3A_845 : vector<16xf32> to vector<16xi32>
        %parallel_loop3A_847 = tpu.vector_load_idx %arg6[%parallel_loop3A_846] : memref<3072xf32, #tpu.memory_space<vmem>>[vector<16xi32>], vector<16xf32>,
        %parallel_loop3A_848 = tpu.vector_load_idx %arg7[%parallel_loop3A_846] : memref<3072xf32, #tpu.memory_space<vmem>>[vector<16xi32>], vector<16xf32>,
        %parallel_loop3A_849 = tpu.vector_load_idx %arg8[%parallel_loop3A_846] : memref<3072xf32, #tpu.memory_space<vmem>>[vector<16xi32>], vector<16xf32>,
        %parallel_loop3A_850 = tpu.vector_load_idx %arg9[%parallel_loop3A_846] : memref<3072xf32, #tpu.memory_space<vmem>>[vector<16xi32>], vector<16xf32>,
        %parallel_loop3A_851 = arith.mulf %parallel_loop3A_850, %parallel_loop3A_839 : vector<16xf32>
        %parallel_loop3A_852 = arith.addf %parallel_loop3A_851, %parallel_loop3A_849 : vector<16xf32>
        %parallel_loop3A_853 = arith.mulf %parallel_loop3A_852, %parallel_loop3A_839 : vector<16xf32>
        %parallel_loop3A_854 = arith.addf %parallel_loop3A_853, %parallel_loop3A_848 : vector<16xf32>
        %parallel_loop3A_855 = arith.mulf %parallel_loop3A_854, %parallel_loop3A_839 : vector<16xf32>
        %parallel_loop3A_856 = arith.addf %parallel_loop3A_855, %parallel_loop3A_847 : vector<16xf32>
        %parallel_loop3A_857 = arith.mulf %parallel_loop3A_831, %gather3A_575 : vector<16xf32>
        %parallel_loop3A_858 = arith.addf %parallel_loop3A_857, %parallel_loop3A_856 : vector<16xf32>
        %parallel_loop3A_859 = arith.index_cast %parallel_loop3A_630 : i32 to index
        %parallel_loop3A_860 = arith.constant 96 : index
        %parallel_loop3A_861 = tpu.vector_load %arg14[%parallel_loop3A_859, %parallel_loop3A_860] {strides = array<i32>} : memref<112x224xf32, #tpu.memory_space<vmem>>, vector<16xf32>,
        tpu.vector_store %arg14[%parallel_loop3A_859, %parallel_loop3A_860], %parallel_loop3A_858 {strides = array<i32>} : memref<112x224xf32, #tpu.memory_space<vmem>>, vector<16xf32>,
        %parallel_loop3A_862 = arith.index_cast %parallel_loop3A_630 : i32 to index
        %parallel_loop3A_863 = arith.constant 112 : index
        %parallel_loop3A_864 = tpu.vector_load %arg12[%parallel_loop3A_862, %parallel_loop3A_863] {strides = array<i32>} : memref<112x224xf32, #tpu.memory_space<vmem>>, vector<16xf32>,
        %parallel_loop3A_865 = arith.mulf %parallel_loop3A_864, %gather3A_567 : vector<16xf32>
        %parallel_loop3A_866 = arith.addf %parallel_loop3A_865, %gather3A_571 : vector<16xf32>
        %parallel_loop3A_867 = arith.constant -1.500000e+00 : f32
        %parallel_loop3A_868 = vector.broadcast %parallel_loop3A_867 : f32 to vector<16xf32>
        %parallel_loop3A_869 = arith.maximumf %parallel_loop3A_866, %parallel_loop3A_868 : vector<16xf32>
        %parallel_loop3A_870 = arith.constant 1.500000e+00 : f32
        %parallel_loop3A_871 = vector.broadcast %parallel_loop3A_870 : f32 to vector<16xf32>
        %parallel_loop3A_872 = arith.minimumf %parallel_loop3A_869, %parallel_loop3A_871 : vector<16xf32>
        %parallel_loop3A_873 = arith.constant 6.500000e+00 : f32
        %parallel_loop3A_874 = vector.broadcast %parallel_loop3A_873 : f32 to vector<16xf32>
        %parallel_loop3A_875 = arith.mulf %parallel_loop3A_872, %parallel_loop3A_874 : vector<16xf32>
        %parallel_loop3A_876 = arith.addf %parallel_loop3A_875, %broadcast_in_dim3A_518 : vector<16xf32>
        %parallel_loop3A_877 = arith.maximumf %parallel_loop3A_876, %broadcast_in_dim3A_519 : vector<16xf32>
        %parallel_loop3A_878 = arith.minimumf %parallel_loop3A_877, %broadcast_in_dim3A_522 : vector<16xf32>
        %parallel_loop3A_879 = arith.fptosi %parallel_loop3A_878 : vector<16xf32> to vector<16xi32>
        %parallel_loop3A_880 = tpu.vector_load_idx %arg6[%parallel_loop3A_879] : memref<3072xf32, #tpu.memory_space<vmem>>[vector<16xi32>], vector<16xf32>,
        %parallel_loop3A_881 = tpu.vector_load_idx %arg7[%parallel_loop3A_879] : memref<3072xf32, #tpu.memory_space<vmem>>[vector<16xi32>], vector<16xf32>,
        %parallel_loop3A_882 = tpu.vector_load_idx %arg8[%parallel_loop3A_879] : memref<3072xf32, #tpu.memory_space<vmem>>[vector<16xi32>], vector<16xf32>,
        %parallel_loop3A_883 = tpu.vector_load_idx %arg9[%parallel_loop3A_879] : memref<3072xf32, #tpu.memory_space<vmem>>[vector<16xi32>], vector<16xf32>,
        %parallel_loop3A_884 = arith.mulf %parallel_loop3A_883, %parallel_loop3A_872 : vector<16xf32>
        %parallel_loop3A_885 = arith.addf %parallel_loop3A_884, %parallel_loop3A_882 : vector<16xf32>
        %parallel_loop3A_886 = arith.mulf %parallel_loop3A_885, %parallel_loop3A_872 : vector<16xf32>
        %parallel_loop3A_887 = arith.addf %parallel_loop3A_886, %parallel_loop3A_881 : vector<16xf32>
        %parallel_loop3A_888 = arith.mulf %parallel_loop3A_887, %parallel_loop3A_872 : vector<16xf32>
        %parallel_loop3A_889 = arith.addf %parallel_loop3A_888, %parallel_loop3A_880 : vector<16xf32>
        %parallel_loop3A_890 = arith.mulf %parallel_loop3A_864, %gather3A_575 : vector<16xf32>
        %parallel_loop3A_891 = arith.addf %parallel_loop3A_890, %parallel_loop3A_889 : vector<16xf32>
        %parallel_loop3A_892 = arith.index_cast %parallel_loop3A_630 : i32 to index
        %parallel_loop3A_893 = arith.constant 112 : index
        %parallel_loop3A_894 = tpu.vector_load %arg14[%parallel_loop3A_892, %parallel_loop3A_893] {strides = array<i32>} : memref<112x224xf32, #tpu.memory_space<vmem>>, vector<16xf32>,
        tpu.vector_store %arg14[%parallel_loop3A_892, %parallel_loop3A_893], %parallel_loop3A_891 {strides = array<i32>} : memref<112x224xf32, #tpu.memory_space<vmem>>, vector<16xf32>,
        %parallel_loop3A_895 = arith.index_cast %parallel_loop3A_630 : i32 to index
        %parallel_loop3A_896 = arith.constant 128 : index
        %parallel_loop3A_897 = tpu.vector_load %arg12[%parallel_loop3A_895, %parallel_loop3A_896] {strides = array<i32>} : memref<112x224xf32, #tpu.memory_space<vmem>>, vector<16xf32>,
        %parallel_loop3A_898 = arith.mulf %parallel_loop3A_897, %gather3A_567 : vector<16xf32>
        %parallel_loop3A_899 = arith.addf %parallel_loop3A_898, %gather3A_571 : vector<16xf32>
        %parallel_loop3A_900 = arith.constant -1.500000e+00 : f32
        %parallel_loop3A_901 = vector.broadcast %parallel_loop3A_900 : f32 to vector<16xf32>
        %parallel_loop3A_902 = arith.maximumf %parallel_loop3A_899, %parallel_loop3A_901 : vector<16xf32>
        %parallel_loop3A_903 = arith.constant 1.500000e+00 : f32
        %parallel_loop3A_904 = vector.broadcast %parallel_loop3A_903 : f32 to vector<16xf32>
        %parallel_loop3A_905 = arith.minimumf %parallel_loop3A_902, %parallel_loop3A_904 : vector<16xf32>
        %parallel_loop3A_906 = arith.constant 6.500000e+00 : f32
        %parallel_loop3A_907 = vector.broadcast %parallel_loop3A_906 : f32 to vector<16xf32>
        %parallel_loop3A_908 = arith.mulf %parallel_loop3A_905, %parallel_loop3A_907 : vector<16xf32>
        %parallel_loop3A_909 = arith.addf %parallel_loop3A_908, %broadcast_in_dim3A_518 : vector<16xf32>
        %parallel_loop3A_910 = arith.maximumf %parallel_loop3A_909, %broadcast_in_dim3A_519 : vector<16xf32>
        %parallel_loop3A_911 = arith.minimumf %parallel_loop3A_910, %broadcast_in_dim3A_522 : vector<16xf32>
        %parallel_loop3A_912 = arith.fptosi %parallel_loop3A_911 : vector<16xf32> to vector<16xi32>
        %parallel_loop3A_913 = tpu.vector_load_idx %arg6[%parallel_loop3A_912] : memref<3072xf32, #tpu.memory_space<vmem>>[vector<16xi32>], vector<16xf32>,
        %parallel_loop3A_914 = tpu.vector_load_idx %arg7[%parallel_loop3A_912] : memref<3072xf32, #tpu.memory_space<vmem>>[vector<16xi32>], vector<16xf32>,
        %parallel_loop3A_915 = tpu.vector_load_idx %arg8[%parallel_loop3A_912] : memref<3072xf32, #tpu.memory_space<vmem>>[vector<16xi32>], vector<16xf32>,
        %parallel_loop3A_916 = tpu.vector_load_idx %arg9[%parallel_loop3A_912] : memref<3072xf32, #tpu.memory_space<vmem>>[vector<16xi32>], vector<16xf32>,
        %parallel_loop3A_917 = arith.mulf %parallel_loop3A_916, %parallel_loop3A_905 : vector<16xf32>
        %parallel_loop3A_918 = arith.addf %parallel_loop3A_917, %parallel_loop3A_915 : vector<16xf32>
        %parallel_loop3A_919 = arith.mulf %parallel_loop3A_918, %parallel_loop3A_905 : vector<16xf32>
        %parallel_loop3A_920 = arith.addf %parallel_loop3A_919, %parallel_loop3A_914 : vector<16xf32>
        %parallel_loop3A_921 = arith.mulf %parallel_loop3A_920, %parallel_loop3A_905 : vector<16xf32>
        %parallel_loop3A_922 = arith.addf %parallel_loop3A_921, %parallel_loop3A_913 : vector<16xf32>
        %parallel_loop3A_923 = arith.mulf %parallel_loop3A_897, %gather3A_575 : vector<16xf32>
        %parallel_loop3A_924 = arith.addf %parallel_loop3A_923, %parallel_loop3A_922 : vector<16xf32>
        %parallel_loop3A_925 = arith.index_cast %parallel_loop3A_630 : i32 to index
        %parallel_loop3A_926 = arith.constant 128 : index
        %parallel_loop3A_927 = tpu.vector_load %arg14[%parallel_loop3A_925, %parallel_loop3A_926] {strides = array<i32>} : memref<112x224xf32, #tpu.memory_space<vmem>>, vector<16xf32>,
        tpu.vector_store %arg14[%parallel_loop3A_925, %parallel_loop3A_926], %parallel_loop3A_924 {strides = array<i32>} : memref<112x224xf32, #tpu.memory_space<vmem>>, vector<16xf32>,
        %parallel_loop3A_928 = arith.index_cast %parallel_loop3A_630 : i32 to index
        %parallel_loop3A_929 = arith.constant 144 : index
        %parallel_loop3A_930 = tpu.vector_load %arg12[%parallel_loop3A_928, %parallel_loop3A_929] {strides = array<i32>} : memref<112x224xf32, #tpu.memory_space<vmem>>, vector<16xf32>,
        %parallel_loop3A_931 = arith.mulf %parallel_loop3A_930, %gather3A_567 : vector<16xf32>
        %parallel_loop3A_932 = arith.addf %parallel_loop3A_931, %gather3A_571 : vector<16xf32>
        %parallel_loop3A_933 = arith.constant -1.500000e+00 : f32
        %parallel_loop3A_934 = vector.broadcast %parallel_loop3A_933 : f32 to vector<16xf32>
        %parallel_loop3A_935 = arith.maximumf %parallel_loop3A_932, %parallel_loop3A_934 : vector<16xf32>
        %parallel_loop3A_936 = arith.constant 1.500000e+00 : f32
        %parallel_loop3A_937 = vector.broadcast %parallel_loop3A_936 : f32 to vector<16xf32>
        %parallel_loop3A_938 = arith.minimumf %parallel_loop3A_935, %parallel_loop3A_937 : vector<16xf32>
        %parallel_loop3A_939 = arith.constant 6.500000e+00 : f32
        %parallel_loop3A_940 = vector.broadcast %parallel_loop3A_939 : f32 to vector<16xf32>
        %parallel_loop3A_941 = arith.mulf %parallel_loop3A_938, %parallel_loop3A_940 : vector<16xf32>
        %parallel_loop3A_942 = arith.addf %parallel_loop3A_941, %broadcast_in_dim3A_518 : vector<16xf32>
        %parallel_loop3A_943 = arith.maximumf %parallel_loop3A_942, %broadcast_in_dim3A_519 : vector<16xf32>
        %parallel_loop3A_944 = arith.minimumf %parallel_loop3A_943, %broadcast_in_dim3A_522 : vector<16xf32>
        %parallel_loop3A_945 = arith.fptosi %parallel_loop3A_944 : vector<16xf32> to vector<16xi32>
        %parallel_loop3A_946 = tpu.vector_load_idx %arg6[%parallel_loop3A_945] : memref<3072xf32, #tpu.memory_space<vmem>>[vector<16xi32>], vector<16xf32>,
        %parallel_loop3A_947 = tpu.vector_load_idx %arg7[%parallel_loop3A_945] : memref<3072xf32, #tpu.memory_space<vmem>>[vector<16xi32>], vector<16xf32>,
        %parallel_loop3A_948 = tpu.vector_load_idx %arg8[%parallel_loop3A_945] : memref<3072xf32, #tpu.memory_space<vmem>>[vector<16xi32>], vector<16xf32>,
        %parallel_loop3A_949 = tpu.vector_load_idx %arg9[%parallel_loop3A_945] : memref<3072xf32, #tpu.memory_space<vmem>>[vector<16xi32>], vector<16xf32>,
        %parallel_loop3A_950 = arith.mulf %parallel_loop3A_949, %parallel_loop3A_938 : vector<16xf32>
        %parallel_loop3A_951 = arith.addf %parallel_loop3A_950, %parallel_loop3A_948 : vector<16xf32>
        %parallel_loop3A_952 = arith.mulf %parallel_loop3A_951, %parallel_loop3A_938 : vector<16xf32>
        %parallel_loop3A_953 = arith.addf %parallel_loop3A_952, %parallel_loop3A_947 : vector<16xf32>
        %parallel_loop3A_954 = arith.mulf %parallel_loop3A_953, %parallel_loop3A_938 : vector<16xf32>
        %parallel_loop3A_955 = arith.addf %parallel_loop3A_954, %parallel_loop3A_946 : vector<16xf32>
        %parallel_loop3A_956 = arith.mulf %parallel_loop3A_930, %gather3A_575 : vector<16xf32>
        %parallel_loop3A_957 = arith.addf %parallel_loop3A_956, %parallel_loop3A_955 : vector<16xf32>
        %parallel_loop3A_958 = arith.index_cast %parallel_loop3A_630 : i32 to index
        %parallel_loop3A_959 = arith.constant 144 : index
        %parallel_loop3A_960 = tpu.vector_load %arg14[%parallel_loop3A_958, %parallel_loop3A_959] {strides = array<i32>} : memref<112x224xf32, #tpu.memory_space<vmem>>, vector<16xf32>,
        tpu.vector_store %arg14[%parallel_loop3A_958, %parallel_loop3A_959], %parallel_loop3A_957 {strides = array<i32>} : memref<112x224xf32, #tpu.memory_space<vmem>>, vector<16xf32>,
        %parallel_loop3A_961 = arith.index_cast %parallel_loop3A_630 : i32 to index
        %parallel_loop3A_962 = arith.constant 160 : index
        %parallel_loop3A_963 = tpu.vector_load %arg12[%parallel_loop3A_961, %parallel_loop3A_962] {strides = array<i32>} : memref<112x224xf32, #tpu.memory_space<vmem>>, vector<16xf32>,
        %parallel_loop3A_964 = arith.mulf %parallel_loop3A_963, %gather3A_567 : vector<16xf32>
        %parallel_loop3A_965 = arith.addf %parallel_loop3A_964, %gather3A_571 : vector<16xf32>
        %parallel_loop3A_966 = arith.constant -1.500000e+00 : f32
        %parallel_loop3A_967 = vector.broadcast %parallel_loop3A_966 : f32 to vector<16xf32>
        %parallel_loop3A_968 = arith.maximumf %parallel_loop3A_965, %parallel_loop3A_967 : vector<16xf32>
        %parallel_loop3A_969 = arith.constant 1.500000e+00 : f32
        %parallel_loop3A_970 = vector.broadcast %parallel_loop3A_969 : f32 to vector<16xf32>
        %parallel_loop3A_971 = arith.minimumf %parallel_loop3A_968, %parallel_loop3A_970 : vector<16xf32>
        %parallel_loop3A_972 = arith.constant 6.500000e+00 : f32
        %parallel_loop3A_973 = vector.broadcast %parallel_loop3A_972 : f32 to vector<16xf32>
        %parallel_loop3A_974 = arith.mulf %parallel_loop3A_971, %parallel_loop3A_973 : vector<16xf32>
        %parallel_loop3A_975 = arith.addf %parallel_loop3A_974, %broadcast_in_dim3A_518 : vector<16xf32>
        %parallel_loop3A_976 = arith.maximumf %parallel_loop3A_975, %broadcast_in_dim3A_519 : vector<16xf32>
        %parallel_loop3A_977 = arith.minimumf %parallel_loop3A_976, %broadcast_in_dim3A_522 : vector<16xf32>
        %parallel_loop3A_978 = arith.fptosi %parallel_loop3A_977 : vector<16xf32> to vector<16xi32>
        %parallel_loop3A_979 = tpu.vector_load_idx %arg6[%parallel_loop3A_978] : memref<3072xf32, #tpu.memory_space<vmem>>[vector<16xi32>], vector<16xf32>,
        %parallel_loop3A_980 = tpu.vector_load_idx %arg7[%parallel_loop3A_978] : memref<3072xf32, #tpu.memory_space<vmem>>[vector<16xi32>], vector<16xf32>,
        %parallel_loop3A_981 = tpu.vector_load_idx %arg8[%parallel_loop3A_978] : memref<3072xf32, #tpu.memory_space<vmem>>[vector<16xi32>], vector<16xf32>,
        %parallel_loop3A_982 = tpu.vector_load_idx %arg9[%parallel_loop3A_978] : memref<3072xf32, #tpu.memory_space<vmem>>[vector<16xi32>], vector<16xf32>,
        %parallel_loop3A_983 = arith.mulf %parallel_loop3A_982, %parallel_loop3A_971 : vector<16xf32>
        %parallel_loop3A_984 = arith.addf %parallel_loop3A_983, %parallel_loop3A_981 : vector<16xf32>
        %parallel_loop3A_985 = arith.mulf %parallel_loop3A_984, %parallel_loop3A_971 : vector<16xf32>
        %parallel_loop3A_986 = arith.addf %parallel_loop3A_985, %parallel_loop3A_980 : vector<16xf32>
        %parallel_loop3A_987 = arith.mulf %parallel_loop3A_986, %parallel_loop3A_971 : vector<16xf32>
        %parallel_loop3A_988 = arith.addf %parallel_loop3A_987, %parallel_loop3A_979 : vector<16xf32>
        %parallel_loop3A_989 = arith.mulf %parallel_loop3A_963, %gather3A_575 : vector<16xf32>
        %parallel_loop3A_990 = arith.addf %parallel_loop3A_989, %parallel_loop3A_988 : vector<16xf32>
        %parallel_loop3A_991 = arith.index_cast %parallel_loop3A_630 : i32 to index
        %parallel_loop3A_992 = arith.constant 160 : index
        %parallel_loop3A_993 = tpu.vector_load %arg14[%parallel_loop3A_991, %parallel_loop3A_992] {strides = array<i32>} : memref<112x224xf32, #tpu.memory_space<vmem>>, vector<16xf32>,
        tpu.vector_store %arg14[%parallel_loop3A_991, %parallel_loop3A_992], %parallel_loop3A_990 {strides = array<i32>} : memref<112x224xf32, #tpu.memory_space<vmem>>, vector<16xf32>,
        %parallel_loop3A_994 = arith.index_cast %parallel_loop3A_630 : i32 to index
        %parallel_loop3A_995 = arith.constant 176 : index
        %parallel_loop3A_996 = tpu.vector_load %arg12[%parallel_loop3A_994, %parallel_loop3A_995] {strides = array<i32>} : memref<112x224xf32, #tpu.memory_space<vmem>>, vector<16xf32>,
        %parallel_loop3A_997 = arith.mulf %parallel_loop3A_996, %gather3A_567 : vector<16xf32>
        %parallel_loop3A_998 = arith.addf %parallel_loop3A_997, %gather3A_571 : vector<16xf32>
        %parallel_loop3A_999 = arith.constant -1.500000e+00 : f32
        %parallel_loop3A_1000 = vector.broadcast %parallel_loop3A_999 : f32 to vector<16xf32>
        %parallel_loop3A_1001 = arith.maximumf %parallel_loop3A_998, %parallel_loop3A_1000 : vector<16xf32>
        %parallel_loop3A_1002 = arith.constant 1.500000e+00 : f32
        %parallel_loop3A_1003 = vector.broadcast %parallel_loop3A_1002 : f32 to vector<16xf32>
        %parallel_loop3A_1004 = arith.minimumf %parallel_loop3A_1001, %parallel_loop3A_1003 : vector<16xf32>
        %parallel_loop3A_1005 = arith.constant 6.500000e+00 : f32
        %parallel_loop3A_1006 = vector.broadcast %parallel_loop3A_1005 : f32 to vector<16xf32>
        %parallel_loop3A_1007 = arith.mulf %parallel_loop3A_1004, %parallel_loop3A_1006 : vector<16xf32>
        %parallel_loop3A_1008 = arith.addf %parallel_loop3A_1007, %broadcast_in_dim3A_518 : vector<16xf32>
        %parallel_loop3A_1009 = arith.maximumf %parallel_loop3A_1008, %broadcast_in_dim3A_519 : vector<16xf32>
        %parallel_loop3A_1010 = arith.minimumf %parallel_loop3A_1009, %broadcast_in_dim3A_522 : vector<16xf32>
        %parallel_loop3A_1011 = arith.fptosi %parallel_loop3A_1010 : vector<16xf32> to vector<16xi32>
        %parallel_loop3A_1012 = tpu.vector_load_idx %arg6[%parallel_loop3A_1011] : memref<3072xf32, #tpu.memory_space<vmem>>[vector<16xi32>], vector<16xf32>,
        %parallel_loop3A_1013 = tpu.vector_load_idx %arg7[%parallel_loop3A_1011] : memref<3072xf32, #tpu.memory_space<vmem>>[vector<16xi32>], vector<16xf32>,
        %parallel_loop3A_1014 = tpu.vector_load_idx %arg8[%parallel_loop3A_1011] : memref<3072xf32, #tpu.memory_space<vmem>>[vector<16xi32>], vector<16xf32>,
        %parallel_loop3A_1015 = tpu.vector_load_idx %arg9[%parallel_loop3A_1011] : memref<3072xf32, #tpu.memory_space<vmem>>[vector<16xi32>], vector<16xf32>,
        %parallel_loop3A_1016 = arith.mulf %parallel_loop3A_1015, %parallel_loop3A_1004 : vector<16xf32>
        %parallel_loop3A_1017 = arith.addf %parallel_loop3A_1016, %parallel_loop3A_1014 : vector<16xf32>
        %parallel_loop3A_1018 = arith.mulf %parallel_loop3A_1017, %parallel_loop3A_1004 : vector<16xf32>
        %parallel_loop3A_1019 = arith.addf %parallel_loop3A_1018, %parallel_loop3A_1013 : vector<16xf32>
        %parallel_loop3A_1020 = arith.mulf %parallel_loop3A_1019, %parallel_loop3A_1004 : vector<16xf32>
        %parallel_loop3A_1021 = arith.addf %parallel_loop3A_1020, %parallel_loop3A_1012 : vector<16xf32>
        %parallel_loop3A_1022 = arith.mulf %parallel_loop3A_996, %gather3A_575 : vector<16xf32>
        %parallel_loop3A_1023 = arith.addf %parallel_loop3A_1022, %parallel_loop3A_1021 : vector<16xf32>
        %parallel_loop3A_1024 = arith.index_cast %parallel_loop3A_630 : i32 to index
        %parallel_loop3A_1025 = arith.constant 176 : index
        %parallel_loop3A_1026 = tpu.vector_load %arg14[%parallel_loop3A_1024, %parallel_loop3A_1025] {strides = array<i32>} : memref<112x224xf32, #tpu.memory_space<vmem>>, vector<16xf32>,
        tpu.vector_store %arg14[%parallel_loop3A_1024, %parallel_loop3A_1025], %parallel_loop3A_1023 {strides = array<i32>} : memref<112x224xf32, #tpu.memory_space<vmem>>, vector<16xf32>,
        %parallel_loop3A_1027 = arith.index_cast %parallel_loop3A_630 : i32 to index
        %parallel_loop3A_1028 = arith.constant 192 : index
        %parallel_loop3A_1029 = tpu.vector_load %arg12[%parallel_loop3A_1027, %parallel_loop3A_1028] {strides = array<i32>} : memref<112x224xf32, #tpu.memory_space<vmem>>, vector<16xf32>,
        %parallel_loop3A_1030 = arith.mulf %parallel_loop3A_1029, %gather3A_567 : vector<16xf32>
        %parallel_loop3A_1031 = arith.addf %parallel_loop3A_1030, %gather3A_571 : vector<16xf32>
        %parallel_loop3A_1032 = arith.constant -1.500000e+00 : f32
        %parallel_loop3A_1033 = vector.broadcast %parallel_loop3A_1032 : f32 to vector<16xf32>
        %parallel_loop3A_1034 = arith.maximumf %parallel_loop3A_1031, %parallel_loop3A_1033 : vector<16xf32>
        %parallel_loop3A_1035 = arith.constant 1.500000e+00 : f32
        %parallel_loop3A_1036 = vector.broadcast %parallel_loop3A_1035 : f32 to vector<16xf32>
        %parallel_loop3A_1037 = arith.minimumf %parallel_loop3A_1034, %parallel_loop3A_1036 : vector<16xf32>
        %parallel_loop3A_1038 = arith.constant 6.500000e+00 : f32
        %parallel_loop3A_1039 = vector.broadcast %parallel_loop3A_1038 : f32 to vector<16xf32>
        %parallel_loop3A_1040 = arith.mulf %parallel_loop3A_1037, %parallel_loop3A_1039 : vector<16xf32>
        %parallel_loop3A_1041 = arith.addf %parallel_loop3A_1040, %broadcast_in_dim3A_518 : vector<16xf32>
        %parallel_loop3A_1042 = arith.maximumf %parallel_loop3A_1041, %broadcast_in_dim3A_519 : vector<16xf32>
        %parallel_loop3A_1043 = arith.minimumf %parallel_loop3A_1042, %broadcast_in_dim3A_522 : vector<16xf32>
        %parallel_loop3A_1044 = arith.fptosi %parallel_loop3A_1043 : vector<16xf32> to vector<16xi32>
        %parallel_loop3A_1045 = tpu.vector_load_idx %arg6[%parallel_loop3A_1044] : memref<3072xf32, #tpu.memory_space<vmem>>[vector<16xi32>], vector<16xf32>,
        %parallel_loop3A_1046 = tpu.vector_load_idx %arg7[%parallel_loop3A_1044] : memref<3072xf32, #tpu.memory_space<vmem>>[vector<16xi32>], vector<16xf32>,
        %parallel_loop3A_1047 = tpu.vector_load_idx %arg8[%parallel_loop3A_1044] : memref<3072xf32, #tpu.memory_space<vmem>>[vector<16xi32>], vector<16xf32>,
        %parallel_loop3A_1048 = tpu.vector_load_idx %arg9[%parallel_loop3A_1044] : memref<3072xf32, #tpu.memory_space<vmem>>[vector<16xi32>], vector<16xf32>,
        %parallel_loop3A_1049 = arith.mulf %parallel_loop3A_1048, %parallel_loop3A_1037 : vector<16xf32>
        %parallel_loop3A_1050 = arith.addf %parallel_loop3A_1049, %parallel_loop3A_1047 : vector<16xf32>
        %parallel_loop3A_1051 = arith.mulf %parallel_loop3A_1050, %parallel_loop3A_1037 : vector<16xf32>
        %parallel_loop3A_1052 = arith.addf %parallel_loop3A_1051, %parallel_loop3A_1046 : vector<16xf32>
        %parallel_loop3A_1053 = arith.mulf %parallel_loop3A_1052, %parallel_loop3A_1037 : vector<16xf32>
        %parallel_loop3A_1054 = arith.addf %parallel_loop3A_1053, %parallel_loop3A_1045 : vector<16xf32>
        %parallel_loop3A_1055 = arith.mulf %parallel_loop3A_1029, %gather3A_575 : vector<16xf32>
        %parallel_loop3A_1056 = arith.addf %parallel_loop3A_1055, %parallel_loop3A_1054 : vector<16xf32>
        %parallel_loop3A_1057 = arith.index_cast %parallel_loop3A_630 : i32 to index
        %parallel_loop3A_1058 = arith.constant 192 : index
        %parallel_loop3A_1059 = tpu.vector_load %arg14[%parallel_loop3A_1057, %parallel_loop3A_1058] {strides = array<i32>} : memref<112x224xf32, #tpu.memory_space<vmem>>, vector<16xf32>,
        tpu.vector_store %arg14[%parallel_loop3A_1057, %parallel_loop3A_1058], %parallel_loop3A_1056 {strides = array<i32>} : memref<112x224xf32, #tpu.memory_space<vmem>>, vector<16xf32>,
        %parallel_loop3A_1060 = arith.index_cast %parallel_loop3A_630 : i32 to index
        %parallel_loop3A_1061 = arith.constant 208 : index
        %parallel_loop3A_1062 = tpu.vector_load %arg12[%parallel_loop3A_1060, %parallel_loop3A_1061] {strides = array<i32>} : memref<112x224xf32, #tpu.memory_space<vmem>>, vector<16xf32>,
        %parallel_loop3A_1063 = arith.mulf %parallel_loop3A_1062, %gather3A_567 : vector<16xf32>
        %parallel_loop3A_1064 = arith.addf %parallel_loop3A_1063, %gather3A_571 : vector<16xf32>
        %parallel_loop3A_1065 = arith.constant -1.500000e+00 : f32
        %parallel_loop3A_1066 = vector.broadcast %parallel_loop3A_1065 : f32 to vector<16xf32>
        %parallel_loop3A_1067 = arith.maximumf %parallel_loop3A_1064, %parallel_loop3A_1066 : vector<16xf32>
        %parallel_loop3A_1068 = arith.constant 1.500000e+00 : f32
        %parallel_loop3A_1069 = vector.broadcast %parallel_loop3A_1068 : f32 to vector<16xf32>
        %parallel_loop3A_1070 = arith.minimumf %parallel_loop3A_1067, %parallel_loop3A_1069 : vector<16xf32>
        %parallel_loop3A_1071 = arith.constant 6.500000e+00 : f32
        %parallel_loop3A_1072 = vector.broadcast %parallel_loop3A_1071 : f32 to vector<16xf32>
        %parallel_loop3A_1073 = arith.mulf %parallel_loop3A_1070, %parallel_loop3A_1072 : vector<16xf32>
        %parallel_loop3A_1074 = arith.addf %parallel_loop3A_1073, %broadcast_in_dim3A_518 : vector<16xf32>
        %parallel_loop3A_1075 = arith.maximumf %parallel_loop3A_1074, %broadcast_in_dim3A_519 : vector<16xf32>
        %parallel_loop3A_1076 = arith.minimumf %parallel_loop3A_1075, %broadcast_in_dim3A_522 : vector<16xf32>
        %parallel_loop3A_1077 = arith.fptosi %parallel_loop3A_1076 : vector<16xf32> to vector<16xi32>
        %parallel_loop3A_1078 = tpu.vector_load_idx %arg6[%parallel_loop3A_1077] : memref<3072xf32, #tpu.memory_space<vmem>>[vector<16xi32>], vector<16xf32>,
        %parallel_loop3A_1079 = tpu.vector_load_idx %arg7[%parallel_loop3A_1077] : memref<3072xf32, #tpu.memory_space<vmem>>[vector<16xi32>], vector<16xf32>,
        %parallel_loop3A_1080 = tpu.vector_load_idx %arg8[%parallel_loop3A_1077] : memref<3072xf32, #tpu.memory_space<vmem>>[vector<16xi32>], vector<16xf32>,
        %parallel_loop3A_1081 = tpu.vector_load_idx %arg9[%parallel_loop3A_1077] : memref<3072xf32, #tpu.memory_space<vmem>>[vector<16xi32>], vector<16xf32>,
        %parallel_loop3A_1082 = arith.mulf %parallel_loop3A_1081, %parallel_loop3A_1070 : vector<16xf32>
        %parallel_loop3A_1083 = arith.addf %parallel_loop3A_1082, %parallel_loop3A_1080 : vector<16xf32>
        %parallel_loop3A_1084 = arith.mulf %parallel_loop3A_1083, %parallel_loop3A_1070 : vector<16xf32>
        %parallel_loop3A_1085 = arith.addf %parallel_loop3A_1084, %parallel_loop3A_1079 : vector<16xf32>
        %parallel_loop3A_1086 = arith.mulf %parallel_loop3A_1085, %parallel_loop3A_1070 : vector<16xf32>
        %parallel_loop3A_1087 = arith.addf %parallel_loop3A_1086, %parallel_loop3A_1078 : vector<16xf32>
        %parallel_loop3A_1088 = arith.mulf %parallel_loop3A_1062, %gather3A_575 : vector<16xf32>
        %parallel_loop3A_1089 = arith.addf %parallel_loop3A_1088, %parallel_loop3A_1087 : vector<16xf32>
        %parallel_loop3A_1090 = arith.index_cast %parallel_loop3A_630 : i32 to index
        %parallel_loop3A_1091 = arith.constant 208 : index
        %parallel_loop3A_1092 = tpu.vector_load %arg14[%parallel_loop3A_1090, %parallel_loop3A_1091] {strides = array<i32>} : memref<112x224xf32, #tpu.memory_space<vmem>>, vector<16xf32>,
        tpu.vector_store %arg14[%parallel_loop3A_1090, %parallel_loop3A_1091], %parallel_loop3A_1089 {strides = array<i32>} : memref<112x224xf32, #tpu.memory_space<vmem>>, vector<16xf32>,
      } {sc.loop_unroll_factor = 1 : i64, sc.parallel_access}
      %add3A_579 = arith.constant 1 : i32
      %add3A_580 = arith.addi %mul3A_151, %add3A_579 : i32
      %add3A_581 = arith.addi %mul3A_2, %add3A_580 : i32
      %jit3A_582 = arith.constant 2 : i32
      %div3A_583 = arith.divsi %add3A_581, %jit3A_582 : i32
      %sign3A_584 = arith.constant 0 : i32
      %sign3A_585 = arith.cmpi sgt, %add3A_581, %sign3A_584 : i32
      %sign3A_586 = arith.extui %sign3A_585 : i1 to i32
      %sign3A_587 = arith.constant 0 : i32
      %sign3A_588 = arith.cmpi slt, %add3A_581, %sign3A_587 : i32
      %sign3A_589 = arith.extui %sign3A_588 : i1 to i32
      %sign3A_590 = arith.subi %sign3A_586, %sign3A_589 : i32
      %sign3A_591 = arith.constant 0 : i32
      %sign3A_592 = arith.cmpi sgt, %jit3A_582, %sign3A_591 : i32
      %sign3A_593 = arith.extui %sign3A_592 : i1 to i32
      %sign3A_594 = arith.constant 0 : i32
      %sign3A_595 = arith.cmpi slt, %jit3A_582, %sign3A_594 : i32
      %sign3A_596 = arith.extui %sign3A_595 : i1 to i32
      %sign3A_597 = arith.subi %sign3A_593, %sign3A_596 : i32
      %ne3A_598 = arith.cmpi ne, %sign3A_590, %sign3A_597 : i32
      %rem3A_599 = arith.remsi %add3A_581, %jit3A_582 : i32
      %ne3A_600 = arith.constant 0 : i32
      %ne3A_601 = arith.cmpi ne, %rem3A_599, %ne3A_600 : i32
      %and3A_602 = arith.andi %ne3A_598, %ne3A_601 : i1
      %sub3A_603 = arith.constant 1 : i32
      %sub3A_604 = arith.subi %div3A_583, %sub3A_603 : i32
      %select_n3A_605 = arith.select %and3A_602, %sub3A_604, %div3A_583 : i32
      %jit3A_606 = arith.constant 2 : i32
      %eq3A_607 = arith.constant 0 : i32
      %eq3A_608 = arith.cmpi eq, %jit3A_606, %eq3A_607 : i32
      %jit3A_609 = arith.constant 1 : i32
      %select_n3A_610 = arith.select %eq3A_608, %jit3A_609, %jit3A_606 : i32
      %rem3A_611 = arith.remsi %add3A_581, %select_n3A_610 : i32
      %ne3A_612 = arith.constant 0 : i32
      %ne3A_613 = arith.cmpi ne, %rem3A_611, %ne3A_612 : i32
      %lt3A_614 = arith.constant 0 : i32
      %lt3A_615 = arith.cmpi slt, %rem3A_611, %lt3A_614 : i32
      %lt3A_616 = arith.constant 0 : i32
      %lt3A_617 = arith.cmpi slt, %select_n3A_610, %lt3A_616 : i32
      %ne3A_618 = arith.xori %lt3A_615, %lt3A_617 : i1
      %and3A_619 = arith.andi %ne3A_618, %ne3A_613 : i1
      %add3A_620 = arith.addi %rem3A_611, %select_n3A_610 : i32
      %select_n3A_621 = arith.select %and3A_619, %add3A_620, %rem3A_611 : i32
      %mul3A_622 = arith.constant 112 : i32
      %mul3A_623 = arith.muli %select_n3A_621, %mul3A_622 : i32
      %dma_start3A_624 = arith.constant 0 : i32
      %dma_start3A_625 = tpu.memref_slice %arg5[%select_n3A_605, %mul3A_623, %dma_start3A_624] : memref<768x224x224xf32, #tpu.memory_space<hbm>> -> memref<1x112x224xf32, #tpu.memory_space<hbm>>
      %dma_start3A_626 = tpu.memref_squeeze %dma_start3A_625 : memref<1x112x224xf32, #tpu.memory_space<hbm>> -> memref<112x224xf32, #tpu.memory_space<hbm>>
      %dma_start3A_627 = arith.constant 0 : i32
      %dma_start3A_628 = tpu.memref_slice %arg5[%select_n3A_605, %mul3A_623, %dma_start3A_627] : memref<768x224x224xf32, #tpu.memory_space<hbm>> -> memref<1x112x224xf32, #tpu.memory_space<hbm>>
      %dma_start3A_629 = tpu.memref_squeeze %dma_start3A_628 : memref<1x112x224xf32, #tpu.memory_space<hbm>> -> memref<112x224xf32, #tpu.memory_space<hbm>>
      tpu.enqueue_dma source(%arg14 : memref<112x224xf32, #tpu.memory_space<vmem>>) target(%dma_start3A_629 : memref<112x224xf32, #tpu.memory_space<hbm>>) target_semaphore(%arg18 : memref<!tpu.dma_semaphore, #tpu.memory_space<semaphore_mem>>)
    }
    %scan3A_45 = arith.constant 24 : i32
    %add3A_46 = arith.constant 46 : i32
    %add3A_47 = arith.addi %mul3A_2, %add3A_46 : i32
    %jit3A_48 = arith.constant 2 : i32
    %div3A_49 = arith.divsi %add3A_47, %jit3A_48 : i32
    %sign3A_50 = arith.constant 0 : i32
    %sign3A_51 = arith.cmpi sgt, %add3A_47, %sign3A_50 : i32
    %sign3A_52 = arith.extui %sign3A_51 : i1 to i32
    %sign3A_53 = arith.constant 0 : i32
    %sign3A_54 = arith.cmpi slt, %add3A_47, %sign3A_53 : i32
    %sign3A_55 = arith.extui %sign3A_54 : i1 to i32
    %sign3A_56 = arith.subi %sign3A_52, %sign3A_55 : i32
    %sign3A_57 = arith.constant 0 : i32
    %sign3A_58 = arith.cmpi sgt, %jit3A_48, %sign3A_57 : i32
    %sign3A_59 = arith.extui %sign3A_58 : i1 to i32
    %sign3A_60 = arith.constant 0 : i32
    %sign3A_61 = arith.cmpi slt, %jit3A_48, %sign3A_60 : i32
    %sign3A_62 = arith.extui %sign3A_61 : i1 to i32
    %sign3A_63 = arith.subi %sign3A_59, %sign3A_62 : i32
    %ne3A_64 = arith.cmpi ne, %sign3A_56, %sign3A_63 : i32
    %rem3A_65 = arith.remsi %add3A_47, %jit3A_48 : i32
    %ne3A_66 = arith.constant 0 : i32
    %ne3A_67 = arith.cmpi ne, %rem3A_65, %ne3A_66 : i32
    %and3A_68 = arith.andi %ne3A_64, %ne3A_67 : i1
    %sub3A_69 = arith.constant 1 : i32
    %sub3A_70 = arith.subi %div3A_49, %sub3A_69 : i32
    %select_n3A_71 = arith.select %and3A_68, %sub3A_70, %div3A_49 : i32
    %jit3A_72 = arith.constant 2 : i32
    %eq3A_73 = arith.constant 0 : i32
    %eq3A_74 = arith.cmpi eq, %jit3A_72, %eq3A_73 : i32
    %jit3A_75 = arith.constant 1 : i32
    %select_n3A_76 = arith.select %eq3A_74, %jit3A_75, %jit3A_72 : i32
    %rem3A_77 = arith.remsi %add3A_47, %select_n3A_76 : i32
    %ne3A_78 = arith.constant 0 : i32
    %ne3A_79 = arith.cmpi ne, %rem3A_77, %ne3A_78 : i32
    %lt3A_80 = arith.constant 0 : i32
    %lt3A_81 = arith.cmpi slt, %rem3A_77, %lt3A_80 : i32
    %lt3A_82 = arith.constant 0 : i32
    %lt3A_83 = arith.cmpi slt, %select_n3A_76, %lt3A_82 : i32
    %ne3A_84 = arith.xori %lt3A_81, %lt3A_83 : i1
    %and3A_85 = arith.andi %ne3A_84, %ne3A_79 : i1
    %add3A_86 = arith.addi %rem3A_77, %select_n3A_76 : i32
    %select_n3A_87 = arith.select %and3A_85, %add3A_86, %rem3A_77 : i32
    %mul3A_88 = arith.constant 112 : i32
    %mul3A_89 = arith.muli %select_n3A_87, %mul3A_88 : i32
    %dma_wait3A = arith.constant 0 : i32
    %dma_wait3A_90 = tpu.memref_slice %arg5[%select_n3A_71, %mul3A_89, %dma_wait3A] : memref<768x224x224xf32, #tpu.memory_space<hbm>> -> memref<1x112x224xf32, #tpu.memory_space<hbm>>
    %dma_wait3A_91 = tpu.memref_squeeze %dma_wait3A_90 : memref<1x112x224xf32, #tpu.memory_space<hbm>> -> memref<112x224xf32, #tpu.memory_space<hbm>>
    %dma_wait3A_92 = arith.constant 0 : i32
    %dma_wait3A_93 = tpu.memref_slice %arg5[%select_n3A_71, %mul3A_89, %dma_wait3A_92] : memref<768x224x224xf32, #tpu.memory_space<hbm>> -> memref<1x112x224xf32, #tpu.memory_space<hbm>>
    %dma_wait3A_94 = tpu.memref_squeeze %dma_wait3A_93 : memref<1x112x224xf32, #tpu.memory_space<hbm>> -> memref<112x224xf32, #tpu.memory_space<hbm>>
    tpu.wait_dma2 semaphore(%arg17 : memref<!tpu.dma_semaphore, #tpu.memory_space<semaphore_mem>>) src(%arg13 : memref<112x224xf32, #tpu.memory_space<vmem>>) dst(%dma_wait3A_94 : memref<112x224xf32, #tpu.memory_space<hbm>>)
    %add3A_95 = arith.constant 47 : i32
    %add3A_96 = arith.addi %mul3A_2, %add3A_95 : i32
    %jit3A_97 = arith.constant 2 : i32
    %div3A_98 = arith.divsi %add3A_96, %jit3A_97 : i32
    %sign3A_99 = arith.constant 0 : i32
    %sign3A_100 = arith.cmpi sgt, %add3A_96, %sign3A_99 : i32
    %sign3A_101 = arith.extui %sign3A_100 : i1 to i32
    %sign3A_102 = arith.constant 0 : i32
    %sign3A_103 = arith.cmpi slt, %add3A_96, %sign3A_102 : i32
    %sign3A_104 = arith.extui %sign3A_103 : i1 to i32
    %sign3A_105 = arith.subi %sign3A_101, %sign3A_104 : i32
    %sign3A_106 = arith.constant 0 : i32
    %sign3A_107 = arith.cmpi sgt, %jit3A_97, %sign3A_106 : i32
    %sign3A_108 = arith.extui %sign3A_107 : i1 to i32
    %sign3A_109 = arith.constant 0 : i32
    %sign3A_110 = arith.cmpi slt, %jit3A_97, %sign3A_109 : i32
    %sign3A_111 = arith.extui %sign3A_110 : i1 to i32
    %sign3A_112 = arith.subi %sign3A_108, %sign3A_111 : i32
    %ne3A_113 = arith.cmpi ne, %sign3A_105, %sign3A_112 : i32
    %rem3A_114 = arith.remsi %add3A_96, %jit3A_97 : i32
    %ne3A_115 = arith.constant 0 : i32
    %ne3A_116 = arith.cmpi ne, %rem3A_114, %ne3A_115 : i32
    %and3A_117 = arith.andi %ne3A_113, %ne3A_116 : i1
    %sub3A_118 = arith.constant 1 : i32
    %sub3A_119 = arith.subi %div3A_98, %sub3A_118 : i32
    %select_n3A_120 = arith.select %and3A_117, %sub3A_119, %div3A_98 : i32
    %jit3A_121 = arith.constant 2 : i32
    %eq3A_122 = arith.constant 0 : i32
    %eq3A_123 = arith.cmpi eq, %jit3A_121, %eq3A_122 : i32
    %jit3A_124 = arith.constant 1 : i32
    %select_n3A_125 = arith.select %eq3A_123, %jit3A_124, %jit3A_121 : i32
    %rem3A_126 = arith.remsi %add3A_96, %select_n3A_125 : i32
    %ne3A_127 = arith.constant 0 : i32
    %ne3A_128 = arith.cmpi ne, %rem3A_126, %ne3A_127 : i32
    %lt3A_129 = arith.constant 0 : i32
    %lt3A_130 = arith.cmpi slt, %rem3A_126, %lt3A_129 : i32
    %lt3A_131 = arith.constant 0 : i32
    %lt3A_132 = arith.cmpi slt, %select_n3A_125, %lt3A_131 : i32
    %ne3A_133 = arith.xori %lt3A_130, %lt3A_132 : i1
    %and3A_134 = arith.andi %ne3A_133, %ne3A_128 : i1
    %add3A_135 = arith.addi %rem3A_126, %select_n3A_125 : i32
    %select_n3A_136 = arith.select %and3A_134, %add3A_135, %rem3A_126 : i32
    %mul3A_137 = arith.constant 112 : i32
    %mul3A_138 = arith.muli %select_n3A_136, %mul3A_137 : i32
    %dma_wait3A_139 = arith.constant 0 : i32
    %dma_wait3A_140 = tpu.memref_slice %arg5[%select_n3A_120, %mul3A_138, %dma_wait3A_139] : memref<768x224x224xf32, #tpu.memory_space<hbm>> -> memref<1x112x224xf32, #tpu.memory_space<hbm>>
    %dma_wait3A_141 = tpu.memref_squeeze %dma_wait3A_140 : memref<1x112x224xf32, #tpu.memory_space<hbm>> -> memref<112x224xf32, #tpu.memory_space<hbm>>
    %dma_wait3A_142 = arith.constant 0 : i32
    %dma_wait3A_143 = tpu.memref_slice %arg5[%select_n3A_120, %mul3A_138, %dma_wait3A_142] : memref<768x224x224xf32, #tpu.memory_space<hbm>> -> memref<1x112x224xf32, #tpu.memory_space<hbm>>
    %dma_wait3A_144 = tpu.memref_squeeze %dma_wait3A_143 : memref<1x112x224xf32, #tpu.memory_space<hbm>> -> memref<112x224xf32, #tpu.memory_space<hbm>>
    tpu.wait_dma2 semaphore(%arg18 : memref<!tpu.dma_semaphore, #tpu.memory_space<semaphore_mem>>) src(%arg14 : memref<112x224xf32, #tpu.memory_space<vmem>>) dst(%dma_wait3A_144 : memref<112x224xf32, #tpu.memory_space<hbm>>)
    return
  }
}

module attributes {stable_mosaic.version = 14 : i64} {
  func.func @_prep_body(%arg0: memref<192x16xf32, #tpu.memory_space<vmem>>, %arg1: memref<192x4xf32, #tpu.memory_space<vmem>>, %arg2: memref<16x64xf32, #tpu.memory_space<vmem>>, %arg3: memref<1x64xf32, #tpu.memory_space<vmem>>, %arg4: memref<192x64xf32, #tpu.memory_space<vmem>>, %arg5: memref<192x8xf32, #tpu.memory_space<vmem>>) attributes {dimension_semantics = [], scalar_prefetch = 0 : i64, scratch_operands = 0 : i64, tpu.core_type = #tpu.core_type<tc>} {
    %get3A = arith.constant 0 : index
    %get3A_0 = arith.constant 0 : index
    %get3A_1 = vector.load %arg0[%get3A, %get3A_0] : memref<192x16xf32, #tpu.memory_space<vmem>>, vector<192x16xf32>
    %get3A_2 = arith.constant 0 : index
    %get3A_3 = arith.constant 0 : index
    %get3A_4 = vector.load %arg2[%get3A_2, %get3A_3] : memref<16x64xf32, #tpu.memory_space<vmem>>, vector<16x64xf32>
    %dot_general3A = arith.constant dense<0.000000e+00> : vector<192x64xf32>
    %dot_general3A_5 = tpu.matmul %get3A_1, %get3A_4, %dot_general3A {dimension_numbers = #tpu.dot_dimension_numbers<[1], [0], [0], [1], [0, 0, 1, 1], [], []>, precision = #tpu.contract_precision<fp32>, transpose_lhs_hint = false} : vector<192x16xf32>, vector<16x64xf32>, vector<192x64xf32> -> vector<192x64xf32>
    %get3A_6 = arith.constant 0 : index
    %get3A_7 = arith.constant 3 : index
    %get3A_8 = vector.load %arg1[%get3A_6, %get3A_7] : memref<192x4xf32, #tpu.memory_space<vmem>>, vector<192x1xf32>
    %get3A_9 = arith.constant 0 : index
    %get3A_10 = arith.constant 0 : index
    %get3A_11 = vector.load %arg3[%get3A_9, %get3A_10] : memref<1x64xf32, #tpu.memory_space<vmem>>, vector<1x64xf32>
    %mul3A = vector.broadcast %get3A_8 : vector<192x1xf32> to vector<192x64xf32>
    %mul3A_12 = vector.broadcast %get3A_11 : vector<1x64xf32> to vector<192x64xf32>
    %mul3A_13 = arith.mulf %mul3A, %mul3A_12 : vector<192x64xf32>
    %add3A = arith.addf %dot_general3A_5, %mul3A_13 : vector<192x64xf32>
    %swap3A = arith.constant 0 : index
    %swap3A_14 = arith.constant 0 : index
    %swap3A_15 = vector.load %arg4[%swap3A, %swap3A_14] : memref<192x64xf32, #tpu.memory_space<vmem>>, vector<192x64xf32>
    tpu.vector_store %arg4[%swap3A, %swap3A_14], %add3A {strides = array<i32>} : memref<192x64xf32, #tpu.memory_space<vmem>>, vector<192x64xf32>,
    %get3A_16 = arith.constant 0 : index
    %get3A_17 = arith.constant 0 : index
    %get3A_18 = vector.load %arg1[%get3A_16, %get3A_17] : memref<192x4xf32, #tpu.memory_space<vmem>>, vector<192x3xf32>
    %broadcast_in_dim3A = arith.constant 0.000000e+00 : f32
    %broadcast_in_dim3A_19 = vector.broadcast %broadcast_in_dim3A : f32 to vector<192x5xf32>
    %concatenate3A = tpu.concatenate %get3A_18, %broadcast_in_dim3A_19 in 1 : vector<192x3xf32>, vector<192x5xf32> -> vector<192x8xf32>
    %swap3A_20 = arith.constant 0 : index
    %swap3A_21 = arith.constant 0 : index
    %swap3A_22 = vector.load %arg5[%swap3A_20, %swap3A_21] : memref<192x8xf32, #tpu.memory_space<vmem>>, vector<192x8xf32>
    tpu.vector_store %arg5[%swap3A_20, %swap3A_21], %concatenate3A {strides = array<i32>} : memref<192x8xf32, #tpu.memory_space<vmem>>, vector<192x8xf32>,
    return
  }
}

</mosaic_0001>

<sc_bundles>
// kernel: kernel.4.cloned.1.call-start
scs
__scs_entry_jumppad:
0x0: {  	(pc) =	sbr.rel $0x88, $3  }
0x1: {  	(tag) =	ssettag $0x0;
	lr =	simm.s32 $0x1  }
0x2: {  	[smem:$0x3F9B] =	sst lr;
	_ =	strace $0xD0000000  }
0x3: {  	_ = 	snop  }
0x4: {  	_ = 	snop  }
0x5: {  	_ = 	snop  }
0x6: {  	_ = 	snop  }
0x7: {  	_ = 	snop  }
__scs_overlays_trampoline_lowered:
0x8: {  	[smem:$0x3FAA] =	sst s0  }
0x9: {  	[smem:$0x3FAB] =	sst s1  }
0xa: {  	[smem:$0x3FAC] =	sst s2  }
0xb: {  	[smem:$0x3FAD] =	sst s3  }
0xc: {  	[smem:$0x3FAE] =	sst s4  }
0xd: {  	[smem:$0x3FAF] =	sst s5  }
0xe: {  	[smem:$0x3FB0] =	sst s6  }
0xf: {  	[smem:$0x3FB1] =	sst s7  }
0x10: {  	[smem:$0x3FB2] =	sst s8  }
0x11: {  	[smem:$0x3FB3] =	sst s9;
	s0 =	simm.s32 @!p0 $0x0  }
0x12: {  	s1 =	sld [smem:$0x3F99];
	s0 =	simm.s32 @p0 $0x1  }
0x13: {  	[smem:$0x3FB4] =	sst s0;
	s0 =	simm.s32 @!p1 $0x0  }
0x14: {  	s2 =	sld [smem:$0x3F98];
	s0 =	simm.s32 @p1 $0x1  }
0x15: {  	[smem:$0x3FB5] =	sst s0;
	s0 =	simm.s32 @!p2 $0x0  }
0x16: {  	s3 =	sld [smem:$0x3FDB];
	s0 =	simm.s32 @p2 $0x1  }
0x17: {  	s4 =	simm.s32 $0x1BF5;
	[smem:$0x3FB7] =	sst s0  }
0x18: {  	s0 =	sld [smem:$0x3F9A];
	_ =	swait.ge [sflag:s4], $0x0  }
0x19: {  	s7 =	sld [smem:$0x3F9B]  }
0x1a: {  	s8 =	sadd.s32 $0xFFFFE003, lr  }
0x1b: {  	s9 =	sadd.s32 $0xFFFFFEF7, lr;
	s5 =	simm.s32 $0xFFFFFFFF;
	p2 =	slt.u32 s8, $0xFFFFF086  }
0x1c: {  	p1 =	slt.u32 s9, $0xF7A;
	s5 =	simm.s32 @!p2 $0x0  }
0x1d: {  	s5 =	simm.s32 @p1 $0x1;
	p0 =	seq.s32 s7, s2  }
0x1e: {  	s7 =	smul.u32 @!p0 $0xF7A, s2;
	p2 =	seq.s32 @!p0 s5, $0x0  }
0x1f: {  	s9 =	smul.u32 $0xF7A, s1;
	s8 =	simm.s32 @!p0 $0x1BF5;
	p2 =	por !p2, p0  }
0x20: {  	[sflag:s8] =	ssyncset.s32 @!p0 $0xFFFFF086;
	s6 =	sadd.s32 @!p0 s3, s7;
	s7 =	simm.s32 @!p0 $0x108  }
0x21: {  	s3 =	sadd.s32 s3, s9;
	s6 =	sadd.s32 @!p0 $0x88, s6;
	s7 =	simm.s32 @p2 $0x1082  }
0x22: {  	[simem:s7], [sflag:s8] =	dma.local @!p0 [hbm:s6], $0xF7A  }
0x23: {  	s9 =	sor.u32 $0xD0000000, s2;
	s6 =	simm.s32 $0x108;
	_ =	swait.ge @!p0 [sflag:s8], $0x0  }
0x24: {  	s3 =	sadd.s32 $0x88, s3;
	s6 =	simm.s32 @!p1 $0x1082;
	[sflag:s4] =	ssyncset.s32 $0xFFFFF086  }
0x25: {  	[simem:s6], [sflag:s4] =	dma.local [hbm:s3], $0xF7A  }
0x26: {  	[smem:$0x3F9B] =	sst s1;
	(tag) =	ssettag s2;
	_ =	strace s9  }
0x27: {  	s1 =	sld [smem:$0x3FAB]  }
0x28: {  	s2 =	sld [smem:$0x3FAC]  }
0x29: {  	s4 =	sld [smem:$0x3FAE]  }
0x2a: {  	p0 =	seq.s32 s5, $0x0;
	s5 =	sld [smem:$0x3FAF]  }
0x2b: {  	s6 =	sld [smem:$0x3FB0]  }
0x2c: {  	s7 =	sld [smem:$0x3FB1]  }
0x2d: {  	s3 =	simm.s32 $0x108;
	s8 =	sld [smem:$0x3FB2]  }
0x2e: {  	s3 =	simm.s32 @!p0 $0x1082;
	s9 =	sld [smem:$0x3FB3]  }
0x2f: {  	lr =	sadd.s32 s0, s3;
	s0 =	sld [smem:$0x3FAA]  }
0x30: {  	s3 =	sld [smem:$0x3FAD]  }
0x31: {  	[smem:$0x3FB6] =	sst s10  }
0x32: {  	s10 =	sld [smem:$0x3FB4];
	_ =	sdelay $0x3  }
0x33: {  	p0 =	seq.s32 s10, $0x1;
	s10 =	sld [smem:$0x3FB6];
	_ =	sdelay $0x3  }
0x34: {  	[smem:$0x3FB6] =	sst s10  }
0x35: {  	s10 =	sld [smem:$0x3FB5];
	_ =	sdelay $0x3  }
0x36: {  	p1 =	seq.s32 s10, $0x1;
	s10 =	sld [smem:$0x3FB6];
	_ =	sdelay $0x3  }
0x37: {  	[smem:$0x3FB6] =	sst s10  }
0x38: {  	s10 =	sld [smem:$0x3FB7]  }
0x39: {  	_ = 	snop;
	(pc) =	sbr.ind lr, $3  }
0x3a: {  	_ = 	snop  }
0x3b: {  	_ = 	snop  }
0x3c: {  	p2 =	seq.s32 s10, $0x1;
	s10 =	sld [smem:$0x3FB6]  }
0x3d: {  	_ =	shalt  }
0x3e: {  	_ =	shalt  }
0x3f: {  	_ =	shalt  }
0x40: {  	_ =	shalt  }
0x41: {  	_ =	shalt  }
0x42: {  	_ =	shalt  }
0x43: {  	_ =	shalt  }
0x44: {  	_ =	shalt  }
0x45: {  	_ =	shalt  }
0x46: {  	_ =	shalt  }
0x47: {  	_ =	shalt  }
0x48: {  	_ =	shalt  }
0x49: {  	_ =	shalt  }
0x4a: {  	_ =	shalt  }
0x4b: {  	_ =	shalt  }
0x4c: {  	_ =	shalt  }
0x4d: {  	_ =	shalt  }
0x4e: {  	_ =	shalt  }
0x4f: {  	_ =	shalt  }
0x50: {  	_ =	shalt  }
0x51: {  	_ =	shalt  }
0x52: {  	_ =	shalt  }
0x53: {  	_ =	shalt  }
0x54: {  	_ =	shalt  }
0x55: {  	_ =	shalt  }
0x56: {  	_ =	shalt  }
0x57: {  	_ =	shalt  }
0x58: {  	_ =	shalt  }
0x59: {  	_ =	shalt  }
0x5a: {  	_ =	shalt  }
0x5b: {  	_ =	shalt  }
0x5c: {  	_ =	shalt  }
0x5d: {  	_ =	shalt  }
0x5e: {  	_ =	shalt  }
0x5f: {  	_ =	shalt  }
0x60: {  	_ =	shalt  }
0x61: {  	_ =	shalt  }
0x62: {  	_ =	shalt  }
0x63: {  	_ =	shalt  }
0x64: {  	_ =	shalt  }
0x65: {  	_ =	shalt  }
0x66: {  	_ =	shalt  }
0x67: {  	_ =	shalt  }
0x68: {  	_ =	shalt  }
0x69: {  	_ =	shalt  }
0x6a: {  	_ =	shalt  }
0x6b: {  	_ =	shalt  }
0x6c: {  	_ =	shalt  }
0x6d: {  	_ =	shalt  }
0x6e: {  	_ =	shalt  }
0x6f: {  	_ =	shalt  }
0x70: {  	_ =	shalt  }
0x71: {  	_ =	shalt  }
0x72: {  	_ =	shalt  }
0x73: {  	_ =	shalt  }
0x74: {  	_ =	shalt  }
0x75: {  	_ =	shalt  }
0x76: {  	_ =	shalt  }
0x77: {  	_ =	shalt  }
0x78: {  	_ =	shalt  }
0x79: {  	_ =	shalt  }
0x7a: {  	_ =	shalt  }
0x7b: {  	_ =	shalt  }
0x7c: {  	_ =	shalt  }
0x7d: {  	_ =	shalt  }
0x7e: {  	_ =	shalt  }
0x7f: {  	_ =	shalt  }
0x80: {  	_ =	shalt  }
0x81: {  	_ =	shalt  }
0x82: {  	_ =	shalt  }
0x83: {  	_ =	shalt  }
0x84: {  	_ =	shalt  }
0x85: {  	_ =	shalt  }
0x86: {  	_ =	shalt  }
0x87: {  	_ =	shalt  }
.Lfunc_end0:
.L_simem_size_0:
called_computation_lowered:
.L_overlay_start_0:
0x88: {  	s2 =	sld [smem:$0x3FD9]  }
0x89: {  	s3 =	sld [smem:$0x3FFE];
	_ =	sdelay $0x1  }
0x8a: {  	s1 =	srdreg.scid  }
0x8b: {  	s0 =	sand.u32 $0x1, s1  }
0x8c: {  	s17 =	sshll.u32 s0, $0xA;
	s2 =	sadd.s32 s3, s2  }
0x8d: {  	s2 =	sadd.s32 s2, s17  }
0x8e: {  	[smem:$0x3FC2] =	sst s2  }
0x8f: {  	_ = 	snop  }
0x90: {  	s2 =	sld [smem:$0x3FC9]  }
0x91: {  	s18 =	sld [smem:$0x3FD0];
	(tm) =	ssettm $0x1  }
0x92: {  	s4 =	sld [smem:$0x3FFB];
	_ =	sdelay $0x3  }
0x93: {  	_ =	strace s4  }
0x94: {  	s4 =	sld [smem:$0x3FFC];
	_ =	sdelay $0x3  }
0x95: {  	_ =	strace s4  }
0x96: {  	s4 =	sld [smem:$0x3FFD];
	_ =	sdelay $0x3  }
0x97: {  	_ =	strace s4  }
0x98: {  	_ =	strace $0x8FFFFFFF  }
0x99: {  	s19 =	sld [smem:$0x3FDB];
	_ =	sdelay $0x1  }
0x9a: {  	s5 =	simm.s32 $_scs_section_size  }
0x9b: {  	s6 =	simm.s32 $_size__tile_overlayer_lowered;
	s7 =	simm.s32 $_tile_overlayer_lowered  }
0x9c: {  	s22 =	simm.s32 $0x1BFF;
	s21 =	sshll.u32 s7, $0x1;
	s4 =	sadd.s32 s5, s19  }
0x9d: {  	s8 =	simm.s32 $0x0;
	s20 =	sshll.u32 s6, $0x1;
	s6 =	sadd.s32 s21, s4  }
0x9e: {  	[timem:s8], [sflag:s22] =	dma.local [hbm:s6], s20  }
0x9f: {  	_ =	swait.ge [sflag:s22], s20  }
0xa0: {  	s5 =	ssub.s32 $0x0, s20;
	[sflag:s22] =	ssyncset.done $0x0  }
0xa1: {  	[sflag:s22] =	ssyncadd.s32 s5;
	_ =	sdelay $0x1  }
0xa2: {  	s23 =	simm.s32 $0x1B8B  }
0xa3: {  	_ =	swait.ge [sflag:s23], $0x1  }
0xa4: {  	[sflag:s23] =	ssyncset.done $0x0  }
0xa5: {  	s25 =	simm.s32 $0x1B8E;
	s24 =	sld [smem:$0x3FFE];
	[sflag:s23] =	ssyncadd.s32 $0xFFFFFFFF  }
0xa6: {  	s26 =	simm.s32 $execute0_lowered;
	[smem:$0x3FD2] =	sst s25  }
0xa7: {  	s6 =	sshll.u32 s26, $0x1;
	_ =	strace $0x80000046;
	[dreg:$0x1] =	wrdreg $0xFFFFFFFF  }
0xa8: {  	s28 =	simm.s32 $_size_execute0_lowered;
	s4 =	sadd.s32 s4, s6;
	[dreg:$0x0] =	wrdreg $0x0  }
0xa9: {  	s6 =	sshll.u32 s28, $0x1;
	[dreg:$0x2] =	wrdreg s4  }
0xaa: {  	[dreg:$0x3] =	wrdreg s6  }
0xab: {  	[dreg:$0x4] =	wrdreg $0xC0  }
0xac: {  	_ =	task [dreg:s8], $0x5FFFF  }
0xad: {  	[dreg:$0x1] =	wrdreg $0xFFFFFFFF  }
0xae: {  	[dreg:$0x0] =	wrdreg $0x60  }
0xaf: {  	[dreg:$0x2] =	wrdreg s2  }
0xb0: {  	[dreg:$0x3] =	wrdreg s24  }
0xb1: {  	[dreg:$0x4] =	wrdreg s18  }
0xb2: {  	[dreg:$0x5] =	wrdreg $0x9  }
0xb3: {  	_ =	task.clear_ibuf [dreg:s8], $0x6FFFF;
	_ =	strace $0x90000046  }
0xb4: {  	s29 =	simm.s32 $0x9;
	_ =	strace $0x80000048  }
0xb5: {  	_ =	swait.ge [sflag:s29], $0x1  }
0xb6: {  	[sflag:s29] =	ssyncadd.s32 $0xFFFFFFFF  }
0xb7: {  	_ =	strace $0x90000048  }
0xb8: {  	_ =	sfence  }
0xb9: {  	s30 =	sld [smem:$0x0];
	_ =	sdelay $0x2  }
0xba: {  	s31 =	sshll.u32 s1, $0xD;
	s1 =	sshrl.u32 s1, $0x2  }
0xbb: {  	s3 =	sand.u32 $0x4000, s31;
	s1 =	sadd.s32 s1, s30  }
0xbc: {  	s0 =	sor.u32 s3, s0;
	s1 =	sshll.u32 s1, $0x11  }
0xbd: {  	s0 =	sor.u32 s1, s0  }
0xbe: {  	s0 =	sadd.s32 $0x8F2B, s0  }
0xbf: {  	[sflag:s0] =	ssyncadd.remote.s32 $0x1  }
0xc0: {  	_ =	sfence.sel $0xFFFF  }
0xc1: {  	[dreg:$0x0] =	wrdreg $0xFFFFFFFF;
	(pc) =	sbr.abs _section_cstart, $3  }
0xc2: {  	[dreg:$0x1] =	wrdreg $0xFFFFFFFF  }
0xc3: {  	_ =	task.clear_ibuf [dreg:s8], $0x2FFFF;
	_ =	strace $0x9FFFFFFF  }
0xc4: {  	(tm) =	ssettm $0x7FFFFFFF  }
0xc5: {  	_ =	shalt  }
tec
execute0_lowered:
.L_overlay_start_1:
0x0: {  	(tag) =	ssettag $0x1  }
0x1: {  	s1 =	rddreg [dreg:$0x0]  }
0x2: {  	s0 =	rddreg [dreg:$0x1]  }
0x3: {  	s2 =	rddreg [dreg:$0x2];
	s4 =	simm.s32 $0x0  }
0x4: {  	s3 =	srdreg.scid;
	s6 =	stileid.u32;
	s14 =	simm.s32 $0x5  }
0x5: {  	s15 =	simm.s32 $0xC00;
	s16 =	simm.s32 $0x1800;
	s17 =	simm.s32 $0x2400  }
0x6: {  	s18 =	simm.s32 $0x3000;
	s19 =	simm.s32 $0x3600;
	s20 =	simm.s32 $0xA600  }
0x7: {  	s21 =	simm.s32 $0x1;
	s22 =	simm.s32 $0x11600;
	s23 =	simm.s32 $0x2  }
0x8: {  	s24 =	simm.s32 $0x4;
	s28 =	simm.s32 $0x0;
	[smem:$0x7FF] =	sst s4  }
0x9: {  	s3 =	sand.u32 $0x1, s3;
	s6 =	sshll.u32 s6, $0x1;
	s7 =	sadd.s32 $0xC00, s0  }
0xa: {  	s26 =	sadd.s32 $0xA00, s0;
	_ =	strace $0x80000047;
	[dreg:$0x4] =	wrdreg s7  }
0xb: {  	s30 =	sadd.s32 $0xD80, s0;
	s31 =	sadd.s32 $0xF00, s0;
	[dreg:$0x5] =	wrdreg s26  }
0xc: {  	s5 =	ssub.s32 $0x2, s3;
	s3 =	sor.u32 s3, s6;
	[dreg:$0x6] =	wrdreg s30  }
0xd: {  	s0 =	sadd.s32 $0x1080, s0;
	[dreg:$0x7] =	wrdreg s31;
	s29 =	smul.u32 $0x2A000, s3  }
0xe: {  	[dreg:$0x8] =	wrdreg s0;
	s25 =	sshrl.u32 s5, $0x1;
	s9 =	smul.u32 $0x18, s3  }
0xf: {  	s26 =	simm.s32 $0x3;
	s5 =	ssub.s32 s5, s25;
	s25 =	simm.s32 $0x18600  }
0x10: {  	s11 =	sadd.s32 s1, s29;
	s12 =	smax.u32 s5, $0x1;
	s13 =	sor.u32 $0x1, s9  }
.LBB2_1:
0x11: {  	s0 =	rddreg [dreg:$0x4]  }
0x12: {  	[tilespmem:s4], [sflag:$0x5] =	stream.linear.gather [hbm4b:s0+s4], $0xC00, $0x38;
	[tilespmem:$0x1F600] =	vst v63  }
0x13: {  	_ =	swait.ge [sflag:s14], $0xC00  }
0x14: {  	[sflag:s14] =	ssyncset.done $0x0  }
0x15: {  	s8 =	rddreg [dreg:$0x6];
	[sflag:s14] =	ssyncadd.s32 $0xFFFFF400  }
0x16: {  	[tilespmem:s15], [sflag:$0x5] =	stream.linear.gather [hbm4b:s8+s4], $0xC00, $0x38;
	[tilespmem:$0x1F600] =	vst v63  }
0x17: {  	_ =	swait.ge [sflag:s14], $0xC00  }
0x18: {  	[sflag:s14] =	ssyncset.done $0x0  }
0x19: {  	s10 =	rddreg [dreg:$0x7];
	[sflag:s14] =	ssyncadd.s32 $0xFFFFF400  }
0x1a: {  	[tilespmem:s16], [sflag:$0x5] =	stream.linear.gather [hbm4b:s10+s4], $0xC00, $0x38;
	[tilespmem:$0x1F600] =	vst v63  }
0x1b: {  	_ =	swait.ge [sflag:s14], $0xC00  }
0x1c: {  	[sflag:s14] =	ssyncset.done $0x0  }
0x1d: {  	s30 =	rddreg [dreg:$0x8];
	[sflag:s14] =	ssyncadd.s32 $0xFFFFF400  }
0x1e: {  	[tilespmem:s17], [sflag:$0x5] =	stream.linear.gather [hbm4b:s30+s4], $0xC00, $0x38;
	[tilespmem:$0x1F600] =	vst v63  }
0x1f: {  	_ =	swait.ge [sflag:s14], $0xC00  }
0x20: {  	[sflag:s14] =	ssyncset.done $0x0  }
0x21: {  	s31 =	rddreg [dreg:$0x5];
	[sflag:s14] =	ssyncadd.s32 $0xFFFFF400  }
0x22: {  	[tilespmem:s18], [sflag:$0x5] =	stream.linear.gather [hbm4b:s31+s4], $0x600, $0x38;
	[tilespmem:$0x1F600] =	vst v63  }
0x23: {  	_ =	swait.ge [sflag:s14], $0x600  }
0x24: {  	[sflag:s14] =	ssyncset.done $0x0  }
0x25: {  	s29 =	simm.s32 $0x0;
	[sflag:s14] =	ssyncadd.s32 $0xFFFFFA00  }
0x26: {  	[tilespmem:s19], [sflag:$0x1] =	stream.linear.gather [hbm4b:s11+s4], $0x7000, $0x38;
	[tilespmem:$0x1F600] =	vst v63  }
.LBB2_2:
0x27: {  	s31 =	sadd.s32 s29, s9  }
0x28: {  	s0 =	smul.u32 $0xE000, s31  }
0x29: {  	s3 =	smulhi.u32 $0xAAAAAAAB, s31  }
0x2a: {  	s0 =	sshrl.u32 s0, $0x3  }
0x2b: {  	s5 =	sshrl.u32 s3, $0x7;
	s30 =	sadd.s32 $0xE00, s0  }
0x2c: {  	s0 =	smul.u32 $0xC0, s5;
	s6 =	sadd.s32 s1, s30  }
0x2d: {  	[tilespmem:s20], [sflag:$0x2] =	stream.linear.gather [hbm4b:s6+s4], $0x7000, $0x38;
	[tilespmem:$0x1F600] =	vst v63  }
0x2e: {  	s7 =	ssub.s32 s31, s0  }
0x2f: {  	_ =	swait.ge [sflag:s21], $0x7000;
	s0 =	sshll.u32 s7, $0x3  }
0x30: {  	p0 =	seq.s32 s29, $0x0;
	[sflag:s21] =	ssyncset.done $0x0;
	v3 =	vmov s0  }
0x31: {  	s0 =	simm.s32 @!p0 $0x3;
	[sflag:s21] =	ssyncadd.s32 $0xFFFF9000  }
0x32: {  	_ =	swait.ge @!p0 [sflag:s0], $0x7000  }
0x33: {  	s5 =	simm.s32 $0x0;
	v4 =	vor.u32 $0x1, v3;
	[sflag:s0] =	ssyncset.done @!p0 $0x0  }
0x34: {  	s8 =	sand.u32 $0x7800, s5;
	s5 =	sand.u32 $0x380, s5;
	[sflag:s0] =	ssyncadd.s32 @!p0 $0xFFFF9000  }
0x35: {  	s0 =	sor.u32 s5, s8;
	v8 =	vld.idx.msk [tilespmem:v3+s18+$0x0], $0xffff  }
0x36: {  	v9 =	vld [tilespmem:s0+$0x3600];
	_ =	sdelay $0x1  }
0x37: {  	v7 =	vld.idx.msk [tilespmem:v4+s18+$0x0], $0xffff;
	_ =	sdelay $0x2  }
0x38: {  	v0 =	vmul.f32 v9, v8;
	_ =	sdelay $0x1  }
0x39: {  	s3 =	sshll.u32 s7, $0x4;
	v0 =	vadd.f32 v0, v7  }
0x3a: {  	s10 =	scvt.s32.f32 s3  }
0x3b: {  	v0 =	vmax.f32 v0, $-1.500000000e+00  }
0x3c: {  	s6 =	sadd.f32 $6.500000000e+00, s10;
	v10 =	vmin.f32 v0, $1.500000000e+00  }
0x3d: {  	v0 =	vmul.f32 $6.500000000e+00, v10  }
0x3e: {  	s3 =	sor.u32 $0xC, s3;
	v2 =	vmov s6  }
0x3f: {  	s3 =	scvt.s32.f32 s3;
	v5 =	vadd.f32 v0, v2  }
0x40: {  	v1 =	vmov s10  }
0x41: {  	v0 =	vmov s3;
	v5 =	vmax.f32 v5, v1  }
0x42: {  	v5 =	vmin.f32 v5, v0  }
0x43: {  	v5 =	vtrunc.f32 v5  }
0x44: {  	v11 =	vcvt.f32.s32 v5;
	_ =	sdelay $0x1  }
0x45: {  	v12 =	vld [tilespmem:s0+$0x3610];
	_ =	sdelay $0x3  }
0x46: {  	v6 =	vld.idx.msk [tilespmem:v11+s17+$0x0], $0xffff  }
0x47: {  	v5 =	vmul.f32 v12, v8  }
0x48: {  	v13 =	vld.idx.msk [tilespmem:v11+s16+$0x0], $0xffff  }
0x49: {  	v14 =	vadd.f32 v5, v7;
	_ =	sdelay $0x1  }
0x4a: {  	v5 =	vor.u32 $0x2, v3;
	v14 =	vmax.f32 v14, $-1.500000000e+00;
	v6 =	vmul.f32 v10, v6  }
0x4b: {  	v14 =	vmin.f32 v14, $1.500000000e+00;
	v15 =	vld.idx.msk [tilespmem:v11+s15+$0x0], $0xffff  }
0x4c: {  	v16 =	vmul.f32 $6.500000000e+00, v14;
	v13 =	vadd.f32 v6, v13;
	_ =	sdelay $0x1  }
0x4d: {  	v11 =	vld.idx.msk [tilespmem:v11+s4+$0x0], $0xffff;
	v16 =	vadd.f32 v16, v2;
	v13 =	vmul.f32 v13, v10  }
0x4e: {  	v6 =	vld.idx.msk [tilespmem:v5+s18+$0x0], $0xffff  }
0x4f: {  	v16 =	vmax.f32 v16, v1;
	v13 =	vadd.f32 v13, v15  }
0x50: {  	v15 =	vmin.f32 v16, v0  }
0x51: {  	v15 =	vtrunc.f32 v15;
	v10 =	vmul.f32 v13, v10  }
0x52: {  	v13 =	vcvt.f32.s32 v15  }
0x53: {  	v9 =	vmul.f32 v9, v6;
	v10 =	vadd.f32 v10, v11  }
0x54: {  	v11 =	vld [tilespmem:s0+$0x3620]  }
0x55: {  	v9 =	vadd.f32 v10, v9;
	_ =	sdelay $0x1  }
0x56: {  	[tilespmem:s0+$0x11600] =	vst v9  }
0x57: {  	v9 =	vld.idx.msk [tilespmem:v13+s17+$0x0], $0xffff  }
0x58: {  	v10 =	vmul.f32 v11, v8  }
0x59: {  	v15 =	vld.idx.msk [tilespmem:v13+s16+$0x0], $0xffff  }
0x5a: {  	v10 =	vadd.f32 v10, v7;
	_ =	sdelay $0x1  }
0x5b: {  	v10 =	vmax.f32 v10, $-1.500000000e+00;
	v9 =	vmul.f32 v14, v9  }
0x5c: {  	v16 =	vld.idx.msk [tilespmem:v13+s15+$0x0], $0xffff;
	v10 =	vmin.f32 v10, $1.500000000e+00  }
0x5d: {  	v17 =	vmul.f32 $6.500000000e+00, v10;
	v9 =	vadd.f32 v9, v15;
	_ =	sdelay $0x1  }
0x5e: {  	v15 =	vadd.f32 v17, v2;
	v9 =	vmul.f32 v9, v14  }
0x5f: {  	v13 =	vld.idx.msk [tilespmem:v13+s4+$0x0], $0xffff  }
0x60: {  	v15 =	vmax.f32 v15, v1;
	v9 =	vadd.f32 v9, v16  }
0x61: {  	v15 =	vmin.f32 v15, v0  }
0x62: {  	v9 =	vmul.f32 v9, v14;
	v14 =	vtrunc.f32 v15  }
0x63: {  	v14 =	vcvt.f32.s32 v14  }
0x64: {  	v12 =	vmul.f32 v12, v6;
	v9 =	vadd.f32 v9, v13  }
0x65: {  	v13 =	vld [tilespmem:s0+$0x3630]  }
0x66: {  	v9 =	vadd.f32 v9, v12;
	_ =	sdelay $0x1  }
0x67: {  	[tilespmem:s0+$0x11610] =	vst v9  }
0x68: {  	v9 =	vld.idx.msk [tilespmem:v14+s17+$0x0], $0xffff  }
0x69: {  	v12 =	vmul.f32 v13, v8  }
0x6a: {  	v15 =	vld.idx.msk [tilespmem:v14+s16+$0x0], $0xffff  }
0x6b: {  	v12 =	vadd.f32 v12, v7;
	_ =	sdelay $0x1  }
0x6c: {  	v12 =	vmax.f32 v12, $-1.500000000e+00;
	v9 =	vmul.f32 v10, v9  }
0x6d: {  	v16 =	vld.idx.msk [tilespmem:v14+s15+$0x0], $0xffff;
	v12 =	vmin.f32 v12, $1.500000000e+00  }
0x6e: {  	v17 =	vmul.f32 $6.500000000e+00, v12;
	v9 =	vadd.f32 v9, v15;
	_ =	sdelay $0x1  }
0x6f: {  	v15 =	vadd.f32 v17, v2;
	v9 =	vmul.f32 v9, v10  }
0x70: {  	v14 =	vld.idx.msk [tilespmem:v14+s4+$0x0], $0xffff  }
0x71: {  	s5 =	simm.s32 $0x100;
	s6 =	simm.s32 $0x80;
	v15 =	vmax.f32 v15, v1;
	v9 =	vadd.f32 v9, v16  }
0x72: {  	s3 =	sand.u32 $0x7800, s5;
	s5 =	sand.u32 $0x380, s6;
	v15 =	vmin.f32 v15, v0  }
0x73: {  	s3 =	sor.u32 s5, s3;
	v9 =	vmul.f32 v9, v10;
	v10 =	vtrunc.f32 v15  }
0x74: {  	v15 =	vld [tilespmem:s3+$0x3600];
	v10 =	vcvt.f32.s32 v10  }
0x75: {  	v11 =	vmul.f32 v11, v6;
	v9 =	vadd.f32 v9, v14  }
0x76: {  	v14 =	vld [tilespmem:s0+$0x3640]  }
0x77: {  	v9 =	vadd.f32 v9, v11;
	_ =	sdelay $0x1  }
0x78: {  	v11 =	vmul.f32 v15, v8;
	[tilespmem:s0+$0x11620] =	vst v9  }
0x79: {  	v9 =	vld.idx.msk [tilespmem:v10+s17+$0x0], $0xffff  }
0x7a: {  	v16 =	vmul.f32 v14, v8;
	v11 =	vadd.f32 v11, v7  }
0x7b: {  	v17 =	vld.idx.msk [tilespmem:v10+s16+$0x0], $0xffff  }
0x7c: {  	v16 =	vadd.f32 v16, v7;
	v11 =	vmax.f32 v11, $-1.500000000e+00  }
0x7d: {  	v11 =	vmin.f32 v11, $1.500000000e+00  }
0x7e: {  	v16 =	vmax.f32 v16, $-1.500000000e+00;
	v18 =	vmul.f32 $6.500000000e+00, v11;
	v9 =	vmul.f32 v12, v9  }
0x7f: {  	v19 =	vld.idx.msk [tilespmem:v10+s15+$0x0], $0xffff;
	v16 =	vmin.f32 v16, $1.500000000e+00  }
0x80: {  	v20 =	vmul.f32 $6.500000000e+00, v16;
	v18 =	vadd.f32 v18, v2;
	v9 =	vadd.f32 v9, v17;
	_ =	sdelay $0x1  }
0x81: {  	v17 =	vadd.f32 v20, v2;
	v18 =	vmax.f32 v18, v1;
	v9 =	vmul.f32 v9, v12  }
0x82: {  	v10 =	vld.idx.msk [tilespmem:v10+s4+$0x0], $0xffff;
	v18 =	vmin.f32 v18, v0  }
0x83: {  	v17 =	vmax.f32 v17, v1;
	v18 =	vtrunc.f32 v18;
	v9 =	vadd.f32 v9, v19  }
0x84: {  	v17 =	vmin.f32 v17, v0;
	v18 =	vcvt.f32.s32 v18  }
0x85: {  	v9 =	vmul.f32 v9, v12;
	v12 =	vtrunc.f32 v17  }
0x86: {  	v17 =	vld [tilespmem:s3+$0x3610];
	v12 =	vcvt.f32.s32 v12  }
0x87: {  	v13 =	vmul.f32 v13, v6;
	v9 =	vadd.f32 v9, v10  }
0x88: {  	v10 =	vld [tilespmem:s0+$0x3650]  }
0x89: {  	v9 =	vadd.f32 v9, v13;
	_ =	sdelay $0x1  }
0x8a: {  	v19 =	vld.idx.msk [tilespmem:v18+s17+$0x0], $0xffff;
	v13 =	vmul.f32 v17, v8;
	[tilespmem:s0+$0x11630] =	vst v9  }
0x8b: {  	v9 =	vld.idx.msk [tilespmem:v12+s17+$0x0], $0xffff  }
0x8c: {  	v21 =	vld.idx.msk [tilespmem:v18+s16+$0x0], $0xffff;
	v20 =	vmul.f32 v10, v8;
	v13 =	vadd.f32 v13, v7  }
0x8d: {  	v22 =	vld.idx.msk [tilespmem:v12+s16+$0x0], $0xffff  }
0x8e: {  	v20 =	vadd.f32 v20, v7;
	v13 =	vmax.f32 v13, $-1.500000000e+00  }
0x8f: {  	v19 =	vmul.f32 v11, v19;
	v13 =	vmin.f32 v13, $1.500000000e+00  }
0x90: {  	v23 =	vld.idx.msk [tilespmem:v18+s15+$0x0], $0xffff;
	v20 =	vmax.f32 v20, $-1.500000000e+00;
	v24 =	vmul.f32 $6.500000000e+00, v13;
	v9 =	vmul.f32 v16, v9  }
0x91: {  	v19 =	vadd.f32 v19, v21;
	v21 =	vld.idx.msk [tilespmem:v12+s15+$0x0], $0xffff;
	v20 =	vmin.f32 v20, $1.500000000e+00  }
0x92: {  	v25 =	vmul.f32 $6.500000000e+00, v20;
	v24 =	vadd.f32 v24, v2;
	v9 =	vadd.f32 v9, v22  }
0x93: {  	v19 =	vmul.f32 v19, v11  }
0x94: {  	v18 =	vld.idx.msk [tilespmem:v18+s4+$0x0], $0xffff;
	v22 =	vadd.f32 v25, v2;
	v24 =	vmax.f32 v24, v1;
	v9 =	vmul.f32 v9, v16  }
0x95: {  	v12 =	vld.idx.msk [tilespmem:v12+s4+$0x0], $0xffff;
	v19 =	vadd.f32 v19, v23;
	v24 =	vmin.f32 v24, v0  }
0x96: {  	v23 =	vtrunc.f32 v24;
	v22 =	vmax.f32 v22, v1;
	v9 =	vadd.f32 v9, v21  }
0x97: {  	v11 =	vmul.f32 v19, v11;
	v19 =	vcvt.f32.s32 v23;
	v21 =	vmin.f32 v22, v0  }
0x98: {  	v9 =	vmul.f32 v9, v16;
	v16 =	vtrunc.f32 v21  }
0x99: {  	v15 =	vmul.f32 v15, v6;
	v11 =	vadd.f32 v11, v18;
	v18 =	vld [tilespmem:s3+$0x3620];
	v16 =	vcvt.f32.s32 v16  }
0x9a: {  	v9 =	vadd.f32 v9, v12;
	v12 =	vmul.f32 v14, v6  }
0x9b: {  	v11 =	vadd.f32 v11, v15;
	v14 =	vld [tilespmem:s0+$0x3660]  }
0x9c: {  	v9 =	vadd.f32 v9, v12  }
0x9d: {  	[tilespmem:s3+$0x11600] =	vst v11  }
0x9e: {  	v11 =	vld.idx.msk [tilespmem:v19+s17+$0x0], $0xffff;
	v12 =	vmul.f32 v18, v8;
	[tilespmem:s0+$0x11640] =	vst v9  }
0x9f: {  	v9 =	vld.idx.msk [tilespmem:v16+s17+$0x0], $0xffff  }
0xa0: {  	v21 =	vld.idx.msk [tilespmem:v19+s16+$0x0], $0xffff;
	v12 =	vadd.f32 v12, v7;
	v15 =	vmul.f32 v14, v8  }
0xa1: {  	v22 =	vld.idx.msk [tilespmem:v16+s16+$0x0], $0xffff  }
0xa2: {  	v12 =	vmax.f32 v12, $-1.500000000e+00;
	v15 =	vadd.f32 v15, v7  }
0xa3: {  	v12 =	vmin.f32 v12, $1.500000000e+00;
	v11 =	vmul.f32 v13, v11  }
0xa4: {  	v23 =	vld.idx.msk [tilespmem:v19+s15+$0x0], $0xffff;
	v24 =	vmul.f32 $6.500000000e+00, v12;
	v15 =	vmax.f32 v15, $-1.500000000e+00;
	v9 =	vmul.f32 v20, v9  }
0xa5: {  	v11 =	vadd.f32 v11, v21;
	v21 =	vld.idx.msk [tilespmem:v16+s15+$0x0], $0xffff;
	v15 =	vmin.f32 v15, $1.500000000e+00  }
0xa6: {  	v24 =	vadd.f32 v24, v2;
	v25 =	vmul.f32 $6.500000000e+00, v15;
	v9 =	vadd.f32 v9, v22  }
0xa7: {  	v11 =	vmul.f32 v11, v13  }
0xa8: {  	v19 =	vld.idx.msk [tilespmem:v19+s4+$0x0], $0xffff;
	v24 =	vmax.f32 v24, v1;
	v22 =	vadd.f32 v25, v2;
	v9 =	vmul.f32 v9, v20  }
0xa9: {  	v16 =	vld.idx.msk [tilespmem:v16+s4+$0x0], $0xffff;
	v11 =	vadd.f32 v11, v23;
	v23 =	vmin.f32 v24, v0  }
0xaa: {  	v23 =	vtrunc.f32 v23;
	v22 =	vmax.f32 v22, v1;
	v9 =	vadd.f32 v9, v21  }
0xab: {  	v11 =	vmul.f32 v11, v13;
	v13 =	vcvt.f32.s32 v23;
	v21 =	vmin.f32 v22, v0  }
0xac: {  	v21 =	vtrunc.f32 v21;
	v9 =	vmul.f32 v9, v20  }
0xad: {  	v17 =	vmul.f32 v17, v6;
	v11 =	vadd.f32 v11, v19;
	v19 =	vld [tilespmem:s3+$0x3630];
	v20 =	vcvt.f32.s32 v21  }
0xae: {  	v10 =	vmul.f32 v10, v6;
	v9 =	vadd.f32 v9, v16  }
0xaf: {  	v11 =	vadd.f32 v11, v17;
	v16 =	vld [tilespmem:s0+$0x3670]  }
0xb0: {  	v10 =	vadd.f32 v9, v10  }
0xb1: {  	[tilespmem:s3+$0x11610] =	vst v11  }
0xb2: {  	v11 =	vld.idx.msk [tilespmem:v13+s17+$0x0], $0xffff;
	v17 =	vmul.f32 v19, v8;
	[tilespmem:s0+$0x11650] =	vst v10  }
0xb3: {  	v10 =	vld.idx.msk [tilespmem:v20+s17+$0x0], $0xffff  }
0xb4: {  	v22 =	vld.idx.msk [tilespmem:v13+s16+$0x0], $0xffff;
	v17 =	vadd.f32 v17, v7;
	v21 =	vmul.f32 v16, v8  }
0xb5: {  	v23 =	vld.idx.msk [tilespmem:v20+s16+$0x0], $0xffff  }
0xb6: {  	v17 =	vmax.f32 v17, $-1.500000000e+00;
	v21 =	vadd.f32 v21, v7  }
0xb7: {  	v11 =	vmul.f32 v12, v11;
	v17 =	vmin.f32 v17, $1.500000000e+00  }
0xb8: {  	v24 =	vld.idx.msk [tilespmem:v13+s15+$0x0], $0xffff;
	v25 =	vmul.f32 $6.500000000e+00, v17;
	v21 =	vmax.f32 v21, $-1.500000000e+00;
	v10 =	vmul.f32 v15, v10  }
0xb9: {  	v11 =	vadd.f32 v11, v22;
	v22 =	vld.idx.msk [tilespmem:v20+s15+$0x0], $0xffff;
	v21 =	vmin.f32 v21, $1.500000000e+00  }
0xba: {  	v25 =	vadd.f32 v25, v2;
	v26 =	vmul.f32 $6.500000000e+00, v21;
	v10 =	vadd.f32 v10, v23  }
0xbb: {  	s7 =	simm.s32 $0x200;
	s8 =	simm.s32 $0x100;
	v11 =	vmul.f32 v11, v12  }
0xbc: {  	s6 =	sand.u32 $0x380, s8;
	s5 =	sand.u32 $0x7800, s7;
	v13 =	vld.idx.msk [tilespmem:v13+s4+$0x0], $0xffff;
	v25 =	vmax.f32 v25, v1;
	v23 =	vadd.f32 v26, v2;
	v10 =	vmul.f32 v10, v15  }
0xbd: {  	s5 =	sor.u32 s6, s5;
	v20 =	vld.idx.msk [tilespmem:v20+s4+$0x0], $0xffff;
	v11 =	vadd.f32 v11, v24;
	v24 =	vmin.f32 v25, v0  }
0xbe: {  	v25 =	vld [tilespmem:s5+$0x3600];
	v24 =	vtrunc.f32 v24;
	v23 =	vmax.f32 v23, v1;
	v10 =	vadd.f32 v10, v22  }
0xbf: {  	v11 =	vmul.f32 v11, v12;
	v12 =	vcvt.f32.s32 v24;
	v22 =	vmin.f32 v23, v0  }
0xc0: {  	v22 =	vtrunc.f32 v22;
	v15 =	vmul.f32 v10, v15  }
0xc1: {  	v18 =	vmul.f32 v18, v6;
	v9 =	vld [tilespmem:s0+$0x3A00];
	v11 =	vadd.f32 v11, v13;
	v13 =	vcvt.f32.s32 v22  }
0xc2: {  	v14 =	vmul.f32 v14, v6;
	v15 =	vadd.f32 v15, v20  }
0xc3: {  	v10 =	vld [tilespmem:s3+$0x3640];
	v18 =	vadd.f32 v11, v18;
	v20 =	vmul.f32 v25, v8  }
0xc4: {  	v14 =	vadd.f32 v15, v14  }
0xc5: {  	[tilespmem:s3+$0x11620] =	vst v18;
	v15 =	vadd.f32 v20, v7  }
0xc6: {  	v18 =	vmul.f32 v9, v8;
	v20 =	vld.idx.msk [tilespmem:v12+s17+$0x0], $0xffff;
	[tilespmem:s0+$0x11660] =	vst v14  }
0xc7: {  	v15 =	vmax.f32 v15, $-1.500000000e+00;
	v22 =	vld.idx.msk [tilespmem:v13+s17+$0x0], $0xffff  }
0xc8: {  	v23 =	vld.idx.msk [tilespmem:v12+s16+$0x0], $0xffff;
	v18 =	vadd.f32 v18, v7;
	v14 =	vmul.f32 v10, v8;
	v15 =	vmin.f32 v15, $1.500000000e+00  }
0xc9: {  	v26 =	vld.idx.msk [tilespmem:v13+s16+$0x0], $0xffff;
	v24 =	vmul.f32 $6.500000000e+00, v15  }
0xca: {  	v18 =	vmax.f32 v18, $-1.500000000e+00;
	v14 =	vadd.f32 v14, v7  }
0xcb: {  	v18 =	vmin.f32 v18, $1.500000000e+00;
	v20 =	vmul.f32 v17, v20;
	v24 =	vadd.f32 v24, v2  }
0xcc: {  	v27 =	vld.idx.msk [tilespmem:v12+s15+$0x0], $0xffff;
	v28 =	vmul.f32 $6.500000000e+00, v18;
	v14 =	vmax.f32 v14, $-1.500000000e+00;
	v22 =	vmul.f32 v21, v22  }
0xcd: {  	v14 =	vmin.f32 v14, $1.500000000e+00;
	v20 =	vadd.f32 v20, v23;
	v23 =	vld.idx.msk [tilespmem:v13+s15+$0x0], $0xffff;
	v24 =	vmax.f32 v24, v1  }
0xce: {  	v29 =	vmul.f32 $6.500000000e+00, v14;
	v24 =	vmin.f32 v24, v0;
	v22 =	vadd.f32 v22, v26  }
0xcf: {  	v11 =	vld [tilespmem:s0+$0x3A10];
	v20 =	vmul.f32 v20, v17;
	v24 =	vtrunc.f32 v24  }
0xd0: {  	v26 =	vadd.f32 v28, v2;
	v28 =	vld.idx.msk [tilespmem:v12+s4+$0x0], $0xffff;
	v24 =	vcvt.f32.s32 v24;
	v12 =	vmul.f32 v22, v21  }
0xd1: {  	v13 =	vld.idx.msk [tilespmem:v13+s4+$0x0], $0xffff;
	v20 =	vadd.f32 v20, v27;
	v22 =	vadd.f32 v29, v2  }
0xd2: {  	v16 =	vmul.f32 v16, v6;
	v27 =	vld [tilespmem:s5+$0x3610];
	v26 =	vmax.f32 v26, v1;
	v23 =	vadd.f32 v12, v23  }
0xd3: {  	v26 =	vmin.f32 v26, v0;
	v17 =	vmul.f32 v20, v17;
	v22 =	vmax.f32 v22, v1  }
0xd4: {  	v26 =	vtrunc.f32 v26;
	v22 =	vmin.f32 v22, v0;
	v20 =	vmul.f32 v23, v21  }
0xd5: {  	v12 =	vld [tilespmem:s3+$0x3650];
	v21 =	vtrunc.f32 v22;
	v22 =	vcvt.f32.s32 v26  }
0xd6: {  	v29 =	vmul.f32 v11, v8;
	v21 =	vcvt.f32.s32 v21;
	v13 =	vadd.f32 v20, v13;
	v20 =	vld.idx.msk [tilespmem:v24+s17+$0x0], $0xffff  }
0xd7: {  	v19 =	vmul.f32 v19, v6;
	v17 =	vadd.f32 v17, v28;
	v23 =	vmul.f32 v27, v8  }
0xd8: {  	v28 =	vadd.f32 v29, v7;
	v29 =	vld.idx.msk [tilespmem:v24+s16+$0x0], $0xffff;
	v16 =	vadd.f32 v13, v16  }
0xd9: {  	v17 =	vadd.f32 v17, v19;
	v19 =	vadd.f32 v23, v7  }
0xda: {  	v23 =	vld.idx.msk [tilespmem:v24+s15+$0x0], $0xffff;
	v26 =	vmul.f32 v12, v8;
	[tilespmem:s0+$0x11670] =	vst v16  }
0xdb: {  	[tilespmem:s3+$0x11630] =	vst v17;
	v17 =	vmax.f32 v19, $-1.500000000e+00;
	v19 =	vld.idx.msk [tilespmem:v22+s17+$0x0], $0xffff;
	v20 =	vmul.f32 v15, v20  }
0xdc: {  	v26 =	vadd.f32 v26, v7;
	v16 =	vmax.f32 v28, $-1.500000000e+00;
	v28 =	vld.idx.msk [tilespmem:v21+s17+$0x0], $0xffff  }
0xdd: {  	v30 =	vmin.f32 v17, $1.500000000e+00;
	v16 =	vmin.f32 v16, $1.500000000e+00;
	v31 =	vld.idx.msk [tilespmem:v22+s16+$0x0], $0xffff;
	v20 =	vadd.f32 v20, v29  }
0xde: {  	v17 =	vmul.f32 $6.500000000e+00, v30;
	v26 =	vmax.f32 v26, $-1.500000000e+00;
	v33 =	vld.idx.msk [tilespmem:v21+s16+$0x0], $0xffff;
	v29 =	vmul.f32 $6.500000000e+00, v16  }
0xdf: {  	v25 =	vmul.f32 v25, v6;
	v26 =	vmin.f32 v26, $1.500000000e+00;
	v20 =	vmul.f32 v20, v15  }
0xe0: {  	v24 =	vld.idx.msk [tilespmem:v24+s4+$0x0], $0xffff;
	v17 =	vadd.f32 v17, v2;
	v29 =	vadd.f32 v29, v2;
	v19 =	vmul.f32 v18, v19  }
0xe1: {  	v34 =	vld.idx.msk [tilespmem:v22+s15+$0x0], $0xffff;
	v32 =	vmul.f32 $6.500000000e+00, v26;
	v20 =	vadd.f32 v20, v23;
	v23 =	vmul.f32 v14, v28  }
0xe2: {  	v17 =	vmax.f32 v17, v1;
	v28 =	vmax.f32 v29, v1;
	v29 =	vld.idx.msk [tilespmem:v21+s15+$0x0], $0xffff;
	v19 =	vadd.f32 v19, v31  }
0xe3: {  	v17 =	vmin.f32 v17, v0;
	v15 =	vmul.f32 v20, v15;
	v20 =	vadd.f32 v23, v33  }
0xe4: {  	v13 =	vld [tilespmem:s0+$0x3A20];
	v32 =	vadd.f32 v32, v2;
	v17 =	vtrunc.f32 v17;
	v19 =	vmul.f32 v19, v18  }
0xe5: {  	v22 =	vld.idx.msk [tilespmem:v22+s4+$0x0], $0xffff;
	v23 =	vmin.f32 v28, v0;
	v28 =	vcvt.f32.s32 v17;
	v17 =	vmul.f32 v20, v14  }
0xe6: {  	v21 =	vld.idx.msk [tilespmem:v21+s4+$0x0], $0xffff;
	v23 =	vtrunc.f32 v23;
	v15 =	vadd.f32 v15, v24;
	v19 =	vadd.f32 v19, v34  }
0xe7: {  	v31 =	vld [tilespmem:s3+$0x3660];
	v24 =	vmax.f32 v32, v1;
	v23 =	vcvt.f32.s32 v23;
	v17 =	vadd.f32 v17, v29  }
0xe8: {  	v15 =	vadd.f32 v15, v25;
	v25 =	vld [tilespmem:s5+$0x3620];
	v18 =	vmul.f32 v19, v18;
	v19 =	vmin.f32 v24, v0  }
0xe9: {  	v14 =	vmul.f32 v17, v14;
	v17 =	vtrunc.f32 v19  }
0xea: {  	v9 =	vmul.f32 v9, v6;
	[tilespmem:s5+$0x11600] =	vst v15;
	v15 =	vadd.f32 v18, v22;
	v19 =	vcvt.f32.s32 v17  }
0xeb: {  	v10 =	vmul.f32 v10, v6;
	v20 =	vmul.f32 v13, v8;
	v14 =	vadd.f32 v14, v21;
	v21 =	vld.idx.msk [tilespmem:v28+s17+$0x0], $0xffff  }
0xec: {  	v17 =	vmul.f32 v31, v8;
	v9 =	vadd.f32 v15, v9  }
0xed: {  	v15 =	vadd.f32 v20, v7;
	v20 =	vld.idx.msk [tilespmem:v28+s16+$0x0], $0xffff;
	v22 =	vmul.f32 v25, v8;
	v10 =	vadd.f32 v14, v10  }
0xee: {  	v24 =	vld.idx.msk [tilespmem:v28+s15+$0x0], $0xffff;
	v14 =	vadd.f32 v17, v7;
	[tilespmem:s0+$0x11A00] =	vst v9  }
0xef: {  	v11 =	vmul.f32 v11, v6;
	v9 =	vadd.f32 v22, v7;
	v15 =	vmax.f32 v15, $-1.500000000e+00;
	v22 =	vld.idx.msk [tilespmem:v23+s17+$0x0], $0xffff;
	[tilespmem:s3+$0x11640] =	vst v10  }
0xf0: {  	v14 =	vmax.f32 v14, $-1.500000000e+00;
	v17 =	vmin.f32 v15, $1.500000000e+00;
	v15 =	vld.idx.msk [tilespmem:v19+s17+$0x0], $0xffff;
	v21 =	vmul.f32 v30, v21  }
0xf1: {  	v27 =	vmul.f32 v27, v6;
	v29 =	vld.idx.msk [tilespmem:v23+s16+$0x0], $0xffff;
	v9 =	vmax.f32 v9, $-1.500000000e+00;
	v53 =	vmin.f32 v14, $1.500000000e+00  }
0xf2: {  	v14 =	vmul.f32 $6.500000000e+00, v17;
	v55 =	vld.idx.msk [tilespmem:v19+s16+$0x0], $0xffff;
	v54 =	vmin.f32 v9, $1.500000000e+00;
	v20 =	vadd.f32 v21, v20  }
0xf3: {  	v9 =	vmul.f32 $6.500000000e+00, v53;
	v21 =	vmul.f32 $6.500000000e+00, v54  }
0xf4: {  	v28 =	vld.idx.msk [tilespmem:v28+s4+$0x0], $0xffff;
	v22 =	vmul.f32 v16, v22;
	v20 =	vmul.f32 v20, v30  }
0xf5: {  	v35 =	vld.idx.msk [tilespmem:v23+s15+$0x0], $0xffff;
	v14 =	vadd.f32 v14, v2;
	v21 =	vadd.f32 v21, v2;
	v15 =	vmul.f32 v26, v15  }
0xf6: {  	v37 =	vmul.f32 v31, v6;
	v36 =	vld.idx.msk [tilespmem:v19+s15+$0x0], $0xffff;
	v22 =	vadd.f32 v22, v29;
	v20 =	vadd.f32 v20, v24  }
0xf7: {  	v57 =	vld [tilespmem:s3+$0x3670];
	v9 =	vadd.f32 v9, v2;
	v21 =	vmax.f32 v21, v1;
	v15 =	vadd.f32 v15, v55  }
0xf8: {  	v18 =	vld [tilespmem:s0+$0x3A40];
	v21 =	vmin.f32 v21, v0;
	v22 =	vmul.f32 v22, v16;
	v20 =	vmul.f32 v20, v30  }
0xf9: {  	v23 =	vld.idx.msk [tilespmem:v23+s4+$0x0], $0xffff;
	v14 =	vmax.f32 v14, v1;
	v21 =	vtrunc.f32 v21;
	v15 =	vmul.f32 v15, v26  }
0xfa: {  	v19 =	vld.idx.msk [tilespmem:v19+s4+$0x0], $0xffff;
	v24 =	vmax.f32 v9, v1;
	v56 =	vcvt.f32.s32 v21;
	v22 =	vadd.f32 v22, v35  }
0xfb: {  	v9 =	vld [tilespmem:s0+$0x3A50];
	v24 =	vmin.f32 v24, v0;
	v20 =	vadd.f32 v20, v28;
	v15 =	vadd.f32 v15, v36  }
0xfc: {  	v14 =	vmin.f32 v14, v0;
	v30 =	vld [tilespmem:s0+$0x3A30];
	v21 =	vtrunc.f32 v24;
	v16 =	vmul.f32 v22, v16  }
0xfd: {  	v24 =	vld [tilespmem:s5+$0x3630];
	v28 =	vtrunc.f32 v14;
	v20 =	vadd.f32 v20, v27;
	v15 =	vmul.f32 v15, v26  }
0xfe: {  	v14 =	vld [tilespmem:s3+$0x3A00];
	v22 =	vcvt.f32.s32 v28;
	v26 =	vcvt.f32.s32 v21;
	v21 =	vadd.f32 v16, v23  }
0xff: {  	v25 =	vmul.f32 v25, v6;
	[tilespmem:s5+$0x11610] =	vst v20;
	v16 =	vld [tilespmem:s5+$0x3640];
	v15 =	vadd.f32 v15, v19;
	v19 =	vmul.f32 v12, v6  }
0x100: {  	v10 =	vmul.f32 v18, v6;
	v20 =	vmul.f32 v13, v6;
	v13 =	vld.idx.msk [tilespmem:v56+s17+$0x0], $0xffff;
	v11 =	vadd.f32 v21, v11  }
0x101: {  	v18 =	vmul.f32 v18, v8;
	v21 =	vmul.f32 v30, v8;
	v15 =	vadd.f32 v15, v19  }
0x102: {  	v27 =	vmul.f32 v24, v8;
	v19 =	vmul.f32 v57, v8;
	[tilespmem:s0+$0x11A10] =	vst v11  }
0x103: {  	v12 =	vmul.f32 v9, v8;
	v23 =	vld.idx.msk [tilespmem:v56+s16+$0x0], $0xffff;
	[tilespmem:s3+$0x11650] =	vst v15;
	v15 =	vadd.f32 v21, v7  }
0x104: {  	v28 =	vmul.f32 v14, v8;
	v11 =	vadd.f32 v19, v7;
	v19 =	vld.idx.msk [tilespmem:v22+s17+$0x0], $0xffff;
	v21 =	vadd.f32 v27, v7  }
0x105: {  	v58 =	vmul.f32 v16, v8;
	v27 =	vld.idx.msk [tilespmem:v26+s17+$0x0], $0xffff;
	v13 =	vmul.f32 v54, v13;
	v15 =	vmax.f32 v15, $-1.500000000e+00  }
0x106: {  	v31 =	vld.idx.msk [tilespmem:v22+s16+$0x0], $0xffff;
	v11 =	vmax.f32 v11, $-1.500000000e+00;
	v29 =	vmax.f32 v21, $-1.500000000e+00;
	v15 =	vmin.f32 v15, $1.500000000e+00  }
0x107: {  	v38 =	vld.idx.msk [tilespmem:v26+s16+$0x0], $0xffff;
	v21 =	vmin.f32 v11, $1.500000000e+00;
	v29 =	vmin.f32 v29, $1.500000000e+00;
	v39 =	vmul.f32 $6.500000000e+00, v15  }
0x108: {  	v11 =	vld.idx.msk [tilespmem:v56+s15+$0x0], $0xffff;
	v40 =	vmul.f32 $6.500000000e+00, v29;
	v41 =	vmul.f32 $6.500000000e+00, v21  }
0x109: {  	v13 =	vadd.f32 v13, v23;
	v19 =	vmul.f32 v17, v19;
	v39 =	vadd.f32 v39, v2  }
0x10a: {  	v23 =	vld.idx.msk [tilespmem:v22+s15+$0x0], $0xffff;
	v27 =	vmul.f32 v53, v27;
	v40 =	vadd.f32 v40, v2;
	v41 =	vadd.f32 v41, v2  }
0x10b: {  	v42 =	vld.idx.msk [tilespmem:v26+s15+$0x0], $0xffff;
	v13 =	vmul.f32 v13, v54;
	v19 =	vadd.f32 v19, v31;
	v31 =	vmax.f32 v39, v1  }
0x10c: {  	s10 =	simm.s32 $0x300;
	s7 =	simm.s32 $0x180;
	v34 =	vld.idx.msk [tilespmem:v56+s4+$0x0], $0xffff;
	v27 =	vadd.f32 v27, v38;
	v59 =	vmax.f32 v40, v1;
	v60 =	vmax.f32 v41, v1  }
0x10d: {  	s6 =	sand.u32 $0x7800, s10;
	s8 =	sand.u32 $0x380, s7;
	v26 =	vld.idx.msk [tilespmem:v26+s4+$0x0], $0xffff;
	v11 =	vadd.f32 v13, v11;
	v13 =	vmul.f32 v19, v17;
	v19 =	vmin.f32 v59, v0  }
0x10e: {  	s6 =	sor.u32 s8, s6;
	v22 =	vld.idx.msk [tilespmem:v22+s4+$0x0], $0xffff;
	v61 =	vmin.f32 v31, v0;
	v39 =	vmin.f32 v60, v0;
	v27 =	vmul.f32 v27, v53  }
0x10f: {  	v31 =	vld [tilespmem:s6+$0x3600];
	v11 =	vmul.f32 v11, v54;
	v19 =	vtrunc.f32 v19;
	v23 =	vadd.f32 v13, v23  }
0x110: {  	v62 =	vtrunc.f32 v39;
	v32 =	vcvt.f32.s32 v19;
	v19 =	vadd.f32 v27, v42  }
0x111: {  	v27 =	vtrunc.f32 v61;
	v11 =	vadd.f32 v11, v34;
	v17 =	vmul.f32 v23, v17  }
0x112: {  	v63 =	vadd.f32 v18, v7;
	v13 =	vld [tilespmem:s3+$0x3A10];
	v23 =	vmul.f32 v19, v53;
	v19 =	vcvt.f32.s32 v27  }
0x113: {  	v11 =	vadd.f32 v11, v25;
	v27 =	vcvt.f32.s32 v62;
	v17 =	vadd.f32 v17, v22  }
0x114: {  	v22 =	vmul.f32 v31, v8;
	v23 =	vadd.f32 v23, v26;
	v26 =	vadd.f32 v28, v7  }
0x115: {  	v18 =	vld [tilespmem:s5+$0x3650];
	v25 =	vmul.f32 v57, v6;
	[tilespmem:s5+$0x11620] =	vst v11;
	v11 =	vadd.f32 v58, v7;
	v20 =	vadd.f32 v17, v20  }
0x116: {  	v17 =	vmul.f32 v30, v6;
	v22 =	vadd.f32 v22, v7;
	v33 =	vld.idx.msk [tilespmem:v32+s16+$0x0], $0xffff;
	v28 =	vadd.f32 v23, v37  }
0x117: {  	v35 =	vld.idx.msk [tilespmem:v32+s17+$0x0], $0xffff;
	v23 =	vmul.f32 v13, v8;
	v26 =	vmax.f32 v26, $-1.500000000e+00;
	[tilespmem:s0+$0x11A20] =	vst v20;
	v20 =	vmax.f32 v63, $-1.500000000e+00  }
0x118: {  	v30 =	vmax.f32 v11, $-1.500000000e+00;
	v34 =	vmax.f32 v22, $-1.500000000e+00;
	[tilespmem:s3+$0x11660] =	vst v28;
	v22 =	vld.idx.msk [tilespmem:v19+s17+$0x0], $0xffff;
	v11 =	vmin.f32 v20, $1.500000000e+00  }
0x119: {  	s8 =	simm.s32 $0x400;
	v28 =	vmin.f32 v30, $1.500000000e+00;
	v20 =	vmin.f32 v26, $1.500000000e+00;
	v30 =	vld.idx.msk [tilespmem:v27+s17+$0x0], $0xffff;
	v26 =	vmul.f32 $6.500000000e+00, v11  }
.LBB2_3:
0x11a: {  	p1 =	sne.s32 s8, $0x6F00;
	v34 =	vmin.f32 v34, $1.500000000e+00;
	v36 =	vmul.f32 $6.500000000e+00, v28;
	v37 =	vmul.f32 $6.500000000e+00, v20;
	v38 =	vld.idx.msk [tilespmem:v19+s16+$0x0], $0xffff  }
0x11b: {  	v40 =	vmul.f32 v18, v8;
	v39 =	vmul.f32 $6.500000000e+00, v34;
	v41 =	vld.idx.msk [tilespmem:v27+s16+$0x0], $0xffff;
	v26 =	vadd.f32 v26, v2  }
0x11c: {  	v24 =	vmul.f32 v24, v6;
	v36 =	vadd.f32 v36, v2;
	v37 =	vadd.f32 v37, v2  }
0x11d: {  	v35 =	vmul.f32 v29, v35;
	v39 =	vadd.f32 v39, v2;
	v42 =	vld.idx.msk [tilespmem:v32+s15+$0x0], $0xffff;
	v26 =	vmax.f32 v26, v1  }
0x11e: {  	v22 =	vmul.f32 v15, v22;
	v36 =	vmax.f32 v36, v1;
	v37 =	vmax.f32 v37, v1;
	v43 =	vld.idx.msk [tilespmem:v19+s15+$0x0], $0xffff  }
0x11f: {  	v33 =	vadd.f32 v35, v33;
	v30 =	vmul.f32 v21, v30;
	v39 =	vmax.f32 v39, v1;
	v35 =	vld.idx.msk [tilespmem:v27+s15+$0x0], $0xffff  }
0x120: {  	v26 =	vmin.f32 v26, v0;
	v37 =	vmin.f32 v37, v0;
	v22 =	vadd.f32 v22, v38  }
0x121: {  	v38 =	vmin.f32 v39, v0;
	v33 =	vmul.f32 v33, v29;
	v30 =	vadd.f32 v30, v41;
	v32 =	vld.idx.msk [tilespmem:v32+s4+$0x0], $0xffff  }
0x122: {  	v36 =	vmin.f32 v36, v0;
	v38 =	vtrunc.f32 v38;
	v39 =	vld.idx.msk [tilespmem:v19+s4+$0x0], $0xffff;
	v19 =	vmul.f32 v22, v15  }
0x123: {  	v38 =	vcvt.f32.s32 v38;
	v33 =	vadd.f32 v33, v42;
	v30 =	vmul.f32 v30, v21;
	v27 =	vld.idx.msk [tilespmem:v27+s4+$0x0], $0xffff  }
0x124: {  	v26 =	vtrunc.f32 v26;
	v37 =	vtrunc.f32 v37;
	v22 =	vld [tilespmem:s6+$0x3610];
	v41 =	vadd.f32 v19, v43  }
0x125: {  	v29 =	vmul.f32 v33, v29;
	v33 =	vtrunc.f32 v36;
	v30 =	vadd.f32 v30, v35;
	v19 =	vld [tilespmem:s3+$0x3A20]  }
0x126: {  	v12 =	vadd.f32 v12, v7;
	v33 =	vcvt.f32.s32 v33;
	v15 =	vmul.f32 v41, v15  }
0x127: {  	v26 =	vcvt.f32.s32 v26;
	v29 =	vadd.f32 v29, v32;
	v21 =	vmul.f32 v30, v21  }
0x128: {  	v23 =	vadd.f32 v23, v7;
	v30 =	vcvt.f32.s32 v37;
	v15 =	vadd.f32 v15, v39  }
0x129: {  	v24 =	vadd.f32 v29, v24;
	v21 =	vadd.f32 v21, v27;
	v32 =	vld.idx.msk [tilespmem:v38+s15+$0x0], $0xffff;
	v35 =	vmul.f32 v22, v8  }
0x12a: {  	v29 =	vadd.f32 v40, v7;
	v27 =	vld.idx.msk [tilespmem:v38+s17+$0x0], $0xffff;
	v36 =	vmul.f32 v19, v8;
	v15 =	vadd.f32 v15, v17  }
0x12b: {  	v21 =	vadd.f32 v21, v25;
	v17 =	vld.idx.msk [tilespmem:v38+s16+$0x0], $0xffff;
	v35 =	vadd.f32 v35, v7;
	[tilespmem:s5+$0x11630] =	vst v24  }
0x12c: {  	v12 =	vmax.f32 v12, $-1.500000000e+00;
	v37 =	vmul.f32 v14, v6;
	v25 =	vmax.f32 v23, $-1.500000000e+00;
	v24 =	vld.idx.msk [tilespmem:v33+s17+$0x0], $0xffff;
	[tilespmem:s0+$0x11A30] =	vst v15  }
0x12d: {  	v14 =	vmin.f32 v12, $1.500000000e+00;
	v29 =	vmax.f32 v29, $-1.500000000e+00;
	v15 =	vmax.f32 v35, $-1.500000000e+00;
	[tilespmem:s3+$0x11670] =	vst v21;
	v21 =	vld.idx.msk [tilespmem:v26+s17+$0x0], $0xffff  }
0x12e: {  	v23 =	vmin.f32 v15, $1.500000000e+00;
	v35 =	vld.idx.msk [tilespmem:v30+s17+$0x0], $0xffff;
	v15 =	vmin.f32 v25, $1.500000000e+00;
	v25 =	vmul.f32 $6.500000000e+00, v14  }
0x12f: {  	v12 =	vmin.f32 v29, $1.500000000e+00;
	v39 =	vmul.f32 $6.500000000e+00, v23;
	v29 =	vmul.f32 $6.500000000e+00, v15;
	v40 =	vld.idx.msk [tilespmem:v26+s16+$0x0], $0xffff  }
0x130: {  	v41 =	vmul.f32 $6.500000000e+00, v12;
	v27 =	vmul.f32 v34, v27;
	v42 =	vld.idx.msk [tilespmem:v30+s16+$0x0], $0xffff;
	v25 =	vadd.f32 v25, v2  }
0x131: {  	v31 =	vmul.f32 v31, v6;
	v38 =	vld.idx.msk [tilespmem:v38+s4+$0x0], $0xffff;
	v39 =	vadd.f32 v39, v2;
	v29 =	vadd.f32 v29, v2  }
0x132: {  	v41 =	vadd.f32 v41, v2;
	v17 =	vadd.f32 v27, v17;
	v27 =	vld.idx.msk [tilespmem:v33+s16+$0x0], $0xffff;
	v25 =	vmax.f32 v25, v1  }
0x133: {  	v21 =	vmul.f32 v11, v21;
	v39 =	vmax.f32 v39, v1;
	v29 =	vmax.f32 v29, v1;
	v43 =	vld.idx.msk [tilespmem:v26+s15+$0x0], $0xffff  }
0x134: {  	v17 =	vmul.f32 v17, v34;
	v35 =	vmul.f32 v20, v35;
	v25 =	vmin.f32 v25, v0;
	v44 =	vld.idx.msk [tilespmem:v30+s15+$0x0], $0xffff  }
0x135: {  	v39 =	vmin.f32 v39, v0;
	v21 =	vadd.f32 v21, v40;
	v25 =	vtrunc.f32 v25  }
0x136: {  	v24 =	vmul.f32 v28, v24;
	v17 =	vadd.f32 v17, v32;
	v35 =	vadd.f32 v35, v42;
	v32 =	vld.idx.msk [tilespmem:v33+s15+$0x0], $0xffff  }
0x137: {  	v29 =	vmin.f32 v29, v0;
	v39 =	vtrunc.f32 v39;
	v40 =	vmul.f32 v21, v11;
	v26 =	vld.idx.msk [tilespmem:v26+s4+$0x0], $0xffff  }
0x138: {  	v17 =	vmul.f32 v17, v34;
	v24 =	vadd.f32 v24, v27;
	v27 =	vld.idx.msk [tilespmem:v30+s4+$0x0], $0xffff;
	v30 =	vmul.f32 v35, v20  }
0x139: {  	v29 =	vtrunc.f32 v29;
	v34 =	vcvt.f32.s32 v39;
	v35 =	vadd.f32 v40, v43;
	v21 =	vld [tilespmem:s5+$0x3660]  }
0x13a: {  	v17 =	vadd.f32 v17, v38;
	v24 =	vmul.f32 v24, v28;
	v33 =	vld.idx.msk [tilespmem:v33+s4+$0x0], $0xffff;
	v30 =	vadd.f32 v30, v44  }
0x13b: {  	v38 =	vmax.f32 v41, v1;
	v11 =	vmul.f32 v35, v11;
	v35 =	vcvt.f32.s32 v25  }
0x13c: {  	v17 =	vadd.f32 v17, v31;
	v24 =	vadd.f32 v24, v32;
	v25 =	vld [tilespmem:s6+$0x3620];
	v20 =	vmul.f32 v30, v20  }
0x13d: {  	v29 =	vcvt.f32.s32 v29;
	v30 =	vmin.f32 v38, v0;
	v11 =	vadd.f32 v11, v26  }
0x13e: {  	[tilespmem:s6+$0x11600] =	vst v17;
	v17 =	vmul.f32 v24, v28;
	v24 =	vtrunc.f32 v30;
	v20 =	vadd.f32 v20, v27;
	v27 =	vld [tilespmem:s3+$0x3A40]  }
0x13f: {  	v28 =	vmul.f32 v21, v8;
	v10 =	vadd.f32 v11, v10;
	v26 =	vld.idx.msk [tilespmem:v34+s15+$0x0], $0xffff;
	v24 =	vcvt.f32.s32 v24  }
0x140: {  	v16 =	vmul.f32 v16, v6;
	v30 =	vld.idx.msk [tilespmem:v34+s16+$0x0], $0xffff;
	v11 =	vadd.f32 v17, v33;
	v17 =	vadd.f32 v20, v37  }
0x141: {  	v32 =	vadd.f32 v36, v7;
	v31 =	vld.idx.msk [tilespmem:v34+s17+$0x0], $0xffff;
	v20 =	vmul.f32 v25, v8;
	[tilespmem:s0+$0x11A40] =	vst v10  }
0x142: {  	v10 =	vadd.f32 v11, v16;
	v11 =	vadd.f32 v28, v7;
	[tilespmem:s3+$0x11A00] =	vst v17;
	v16 =	vld.idx.msk [tilespmem:v35+s17+$0x0], $0xffff  }
0x143: {  	v17 =	vadd.f32 v20, v7;
	v28 =	vld.idx.msk [tilespmem:v29+s17+$0x0], $0xffff;
	v20 =	vmax.f32 v32, $-1.500000000e+00;
	v32 =	vmul.f32 v9, v6  }
0x144: {  	[tilespmem:s5+$0x11640] =	vst v10;
	v9 =	vmax.f32 v11, $-1.500000000e+00;
	v11 =	vmin.f32 v20, $1.500000000e+00;
	v10 =	vmul.f32 v27, v6;
	v33 =	vld.idx.msk [tilespmem:v35+s16+$0x0], $0xffff  }
0x145: {  	v20 =	vmax.f32 v17, $-1.500000000e+00;
	v36 =	vld.idx.msk [tilespmem:v24+s17+$0x0], $0xffff;
	v17 =	vmin.f32 v9, $1.500000000e+00;
	v9 =	vmul.f32 $6.500000000e+00, v11  }
0x146: {  	v13 =	vmul.f32 v13, v6;
	v20 =	vmin.f32 v20, $1.500000000e+00;
	v37 =	vmul.f32 $6.500000000e+00, v17;
	v38 =	vld.idx.msk [tilespmem:v29+s16+$0x0], $0xffff  }
0x147: {  	v31 =	vmul.f32 v23, v31;
	v39 =	vmul.f32 $6.500000000e+00, v20;
	v40 =	vld.idx.msk [tilespmem:v24+s16+$0x0], $0xffff;
	v9 =	vadd.f32 v9, v2  }
0x148: {  	v41 =	vmul.f32 v22, v6;
	v16 =	vmul.f32 v14, v16;
	v22 =	vadd.f32 v37, v2;
	v37 =	vld.idx.msk [tilespmem:v35+s15+$0x0], $0xffff  }
0x149: {  	v30 =	vadd.f32 v31, v30;
	v34 =	vld.idx.msk [tilespmem:v34+s4+$0x0], $0xffff;
	v31 =	vadd.f32 v39, v2;
	v9 =	vmax.f32 v9, v1  }
0x14a: {  	v28 =	vmul.f32 v15, v28;
	v16 =	vadd.f32 v16, v33;
	v22 =	vmax.f32 v22, v1;
	v39 =	vld.idx.msk [tilespmem:v29+s15+$0x0], $0xffff  }
0x14b: {  	v30 =	vmul.f32 v30, v23;
	v36 =	vmul.f32 v12, v36;
	v31 =	vmax.f32 v31, v1;
	v33 =	vld.idx.msk [tilespmem:v24+s15+$0x0], $0xffff  }
0x14c: {  	v28 =	vadd.f32 v28, v38;
	v38 =	vmin.f32 v9, v0;
	v16 =	vmul.f32 v16, v14;
	v35 =	vld.idx.msk [tilespmem:v35+s4+$0x0], $0xffff  }
0x14d: {  	v26 =	vadd.f32 v30, v26;
	v30 =	vadd.f32 v36, v40;
	v36 =	vmin.f32 v22, v0;
	v9 =	vld [tilespmem:s3+$0x3A50]  }
0x14e: {  	v22 =	vmul.f32 v28, v15;
	v28 =	vtrunc.f32 v38;
	v16 =	vadd.f32 v16, v37;
	v29 =	vld.idx.msk [tilespmem:v29+s4+$0x0], $0xffff  }
0x14f: {  	v23 =	vmul.f32 v26, v23;
	v26 =	vmin.f32 v31, v0;
	v31 =	vld.idx.msk [tilespmem:v24+s4+$0x0], $0xffff;
	v24 =	vmul.f32 v30, v12  }
0x150: {  	v26 =	vtrunc.f32 v26;
	v30 =	vadd.f32 v22, v39;
	v16 =	vmul.f32 v16, v14;
	v22 =	vld [tilespmem:s3+$0x3A30]  }
0x151: {  	v23 =	vadd.f32 v23, v34;
	v34 =	vcvt.f32.s32 v26;
	v33 =	vadd.f32 v24, v33;
	v14 =	vld [tilespmem:s5+$0x3A00]  }
0x152: {  	v36 =	vtrunc.f32 v36;
	v15 =	vmul.f32 v30, v15;
	v16 =	vadd.f32 v16, v35;
	v26 =	vld [tilespmem:s5+$0x3670]  }
0x153: {  	v28 =	vcvt.f32.s32 v28;
	v23 =	vadd.f32 v23, v41;
	v24 =	vld [tilespmem:s6+$0x3630];
	v12 =	vmul.f32 v33, v12  }
0x154: {  	v30 =	vcvt.f32.s32 v36;
	v15 =	vadd.f32 v15, v29;
	v29 =	vadd.f32 v16, v32  }
0x155: {  	v18 =	vmul.f32 v18, v6;
	[tilespmem:s6+$0x11610] =	vst v23;
	v16 =	vld [tilespmem:s6+$0x3640];
	v23 =	vadd.f32 v12, v31;
	v12 =	vmul.f32 v9, v8  }
0x156: {  	v27 =	vmul.f32 v27, v8;
	v33 =	vmul.f32 v19, v6;
	v13 =	vadd.f32 v15, v13;
	[tilespmem:s0+$0x11A50] =	vst v29;
	s0 =	smov.u32 s3;
	s3 =	smov.u32 s5;
	s5 =	smov.u32 s6  }
0x157: {  	v19 =	vld.idx.msk [tilespmem:v34+s17+$0x0], $0xffff;
	v15 =	vadd.f32 v23, v18;
	v18 =	vmul.f32 v26, v8;
	v23 =	vmul.f32 v22, v8  }
0x158: {  	v35 =	vmul.f32 v14, v8;
	v31 =	vld.idx.msk [tilespmem:v34+s16+$0x0], $0xffff;
	v29 =	vmul.f32 v24, v8;
	[tilespmem:s0+$0x11A10] =	vst v13  }
0x159: {  	[tilespmem:s3+$0x11650] =	vst v15;
	v13 =	vadd.f32 v18, v7;
	v18 =	vld.idx.msk [tilespmem:v28+s17+$0x0], $0xffff;
	v15 =	vadd.f32 v23, v7  }
0x15a: {  	v37 =	vmul.f32 v21, v6;
	v23 =	vadd.f32 v29, v7;
	v36 =	vmul.f32 v16, v8;
	v32 =	vld.idx.msk [tilespmem:v30+s17+$0x0], $0xffff  }
0x15b: {  	v25 =	vmul.f32 v25, v6;
	v13 =	vmax.f32 v13, $-1.500000000e+00;
	v38 =	vld.idx.msk [tilespmem:v28+s16+$0x0], $0xffff;
	v15 =	vmax.f32 v15, $-1.500000000e+00  }
0x15c: {  	v23 =	vmax.f32 v23, $-1.500000000e+00;
	v39 =	vld.idx.msk [tilespmem:v30+s16+$0x0], $0xffff;
	v21 =	vmin.f32 v13, $1.500000000e+00;
	v15 =	vmin.f32 v15, $1.500000000e+00  }
0x15d: {  	v19 =	vmul.f32 v20, v19;
	v13 =	vld.idx.msk [tilespmem:v34+s15+$0x0], $0xffff;
	v29 =	vmin.f32 v23, $1.500000000e+00;
	v23 =	vmul.f32 $6.500000000e+00, v15  }
0x15e: {  	v41 =	vmul.f32 $6.500000000e+00, v21;
	v40 =	vmul.f32 $6.500000000e+00, v29  }
0x15f: {  	v19 =	vadd.f32 v19, v31;
	v18 =	vmul.f32 v11, v18;
	v42 =	vld.idx.msk [tilespmem:v28+s15+$0x0], $0xffff;
	v23 =	vadd.f32 v23, v2  }
0x160: {  	v32 =	vmul.f32 v17, v32;
	v41 =	vadd.f32 v41, v2;
	v31 =	vadd.f32 v40, v2;
	v40 =	vld.idx.msk [tilespmem:v30+s15+$0x0], $0xffff  }
0x161: {  	v19 =	vmul.f32 v19, v20;
	v18 =	vadd.f32 v18, v38;
	v34 =	vld.idx.msk [tilespmem:v34+s4+$0x0], $0xffff;
	v23 =	vmax.f32 v23, v1  }
0x162: {  	s7 =	sadd.s32 $0x80, s7;
	v32 =	vadd.f32 v32, v39;
	v38 =	vmax.f32 v41, v1;
	v31 =	vmax.f32 v31, v1  }
0x163: {  	s10 =	sand.u32 $0x380, s7;
	s6 =	sand.u32 $0x7800, s8;
	v13 =	vadd.f32 v19, v13;
	v18 =	vmul.f32 v18, v11;
	v19 =	vmin.f32 v23, v0;
	v28 =	vld.idx.msk [tilespmem:v28+s4+$0x0], $0xffff  }
0x164: {  	s6 =	sor.u32 s10, s6;
	v38 =	vmin.f32 v38, v0;
	v23 =	vmin.f32 v31, v0;
	v39 =	vmul.f32 v32, v17;
	v30 =	vld.idx.msk [tilespmem:v30+s4+$0x0], $0xffff  }
0x165: {  	v13 =	vmul.f32 v13, v20;
	v20 =	vtrunc.f32 v23;
	v18 =	vadd.f32 v18, v42;
	v31 =	vld [tilespmem:s6+$0x3600]  }
0x166: {  	v19 =	vtrunc.f32 v19;
	v32 =	vcvt.f32.s32 v20;
	v20 =	vadd.f32 v39, v40  }
0x167: {  	v23 =	vadd.f32 v13, v34;
	v34 =	vtrunc.f32 v38;
	v11 =	vmul.f32 v18, v11;
	v13 =	vld [tilespmem:s3+$0x3A10]  }
0x168: {  	v19 =	vcvt.f32.s32 v19;
	v17 =	vmul.f32 v20, v17;
	v20 =	vadd.f32 v27, v7  }
0x169: {  	v27 =	vcvt.f32.s32 v34;
	v18 =	vadd.f32 v23, v25;
	v11 =	vadd.f32 v11, v28  }
0x16a: {  	v28 =	vadd.f32 v35, v7;
	v25 =	vadd.f32 v17, v30;
	v23 =	vmul.f32 v31, v8  }
.Ltmp0:
0x16b: {  	v30 =	vadd.f32 v36, v7;
	v17 =	vmul.f32 v22, v6;
	v11 =	vadd.f32 v11, v33;
	[tilespmem:s5+$0x11620] =	vst v18;
	v18 =	vld [tilespmem:s5+$0x3650];
	(pc) =	sbr.rel @p1 .LBB2_3-.Ltmp0, $4  }
0x16c: {  	v36 =	vadd.f32 v25, v37;
	v22 =	vadd.f32 v23, v7;
	v33 =	vld.idx.msk [tilespmem:v32+s16+$0x0], $0xffff;
	v23 =	vmul.f32 v13, v8  }
0x16d: {  	v25 =	vmul.f32 v26, v6;
	v26 =	vmax.f32 v28, $-1.500000000e+00;
	v35 =	vld.idx.msk [tilespmem:v32+s17+$0x0], $0xffff;
	[tilespmem:s0+$0x11A20] =	vst v11;
	v11 =	vmax.f32 v20, $-1.500000000e+00  }
0x16e: {  	v20 =	vmax.f32 v30, $-1.500000000e+00;
	v34 =	vmax.f32 v22, $-1.500000000e+00;
	[tilespmem:s3+$0x11660] =	vst v36;
	v22 =	vld.idx.msk [tilespmem:v19+s17+$0x0], $0xffff;
	v11 =	vmin.f32 v11, $1.500000000e+00  }
0x16f: {  	s8 =	sadd.s32 $0x100, s8;
	v28 =	vmin.f32 v20, $1.500000000e+00;
	v20 =	vmin.f32 v26, $1.500000000e+00;
	v30 =	vld.idx.msk [tilespmem:v27+s17+$0x0], $0xffff;
	v26 =	vmul.f32 $6.500000000e+00, v11  }
0x170: {  	v34 =	vmin.f32 v34, $1.500000000e+00  }
0x171: {  	v36 =	vmul.f32 $6.500000000e+00, v34;
	_ =	sdelay $0x1  }
0x172: {  	v36 =	vadd.f32 v36, v2;
	_ =	sdelay $0x1  }
0x173: {  	v36 =	vmax.f32 v36, v1  }
0x174: {  	v36 =	vmin.f32 v36, v0  }
0x175: {  	v36 =	vtrunc.f32 v36  }
0x176: {  	v36 =	vcvt.f32.s32 v36;
	_ =	sdelay $0x1  }
0x177: {  	v37 =	vld [tilespmem:s6+$0x3610];
	_ =	sdelay $0x3  }
0x178: {  	v38 =	vld.idx.msk [tilespmem:v36+s17+$0x0], $0xffff  }
0x179: {  	v39 =	vmul.f32 v37, v8  }
0x17a: {  	v40 =	vld.idx.msk [tilespmem:v36+s16+$0x0], $0xffff  }
0x17b: {  	v39 =	vadd.f32 v39, v7;
	_ =	sdelay $0x1  }
0x17c: {  	v39 =	vmax.f32 v39, $-1.500000000e+00;
	v38 =	vmul.f32 v34, v38  }
0x17d: {  	v39 =	vmin.f32 v39, $1.500000000e+00;
	v41 =	vld.idx.msk [tilespmem:v36+s15+$0x0], $0xffff  }
0x17e: {  	v42 =	vmul.f32 $6.500000000e+00, v39;
	v38 =	vadd.f32 v38, v40;
	_ =	sdelay $0x1  }
0x17f: {  	v45 =	vadd.f32 v42, v2;
	v38 =	vmul.f32 v38, v34  }
0x180: {  	v36 =	vld.idx.msk [tilespmem:v36+s4+$0x0], $0xffff  }
0x181: {  	v40 =	vmax.f32 v45, v1;
	v38 =	vadd.f32 v38, v41  }
0x182: {  	v40 =	vmin.f32 v40, v0  }
0x183: {  	v40 =	vtrunc.f32 v40;
	v34 =	vmul.f32 v38, v34  }
0x184: {  	v46 =	vcvt.f32.s32 v40  }
0x185: {  	v31 =	vmul.f32 v31, v6;
	v34 =	vadd.f32 v34, v36  }
0x186: {  	v47 =	vld [tilespmem:s6+$0x3620]  }
0x187: {  	v31 =	vadd.f32 v34, v31;
	_ =	sdelay $0x1  }
0x188: {  	[tilespmem:s6+$0x11600] =	vst v31  }
0x189: {  	v31 =	vld.idx.msk [tilespmem:v46+s17+$0x0], $0xffff  }
0x18a: {  	v48 =	vmul.f32 v47, v8  }
0x18b: {  	v40 =	vld.idx.msk [tilespmem:v46+s16+$0x0], $0xffff  }
0x18c: {  	v34 =	vadd.f32 v48, v7;
	_ =	sdelay $0x1  }
0x18d: {  	v34 =	vmax.f32 v34, $-1.500000000e+00;
	v31 =	vmul.f32 v39, v31  }
0x18e: {  	v49 =	vld.idx.msk [tilespmem:v46+s15+$0x0], $0xffff;
	v34 =	vmin.f32 v34, $1.500000000e+00  }
0x18f: {  	v50 =	vmul.f32 $6.500000000e+00, v34;
	v31 =	vadd.f32 v31, v40;
	_ =	sdelay $0x1  }
0x190: {  	v51 =	vadd.f32 v50, v2;
	v31 =	vmul.f32 v31, v39  }
0x191: {  	v38 =	vld.idx.msk [tilespmem:v46+s4+$0x0], $0xffff  }
0x192: {  	v40 =	vmax.f32 v51, v1;
	v31 =	vadd.f32 v31, v49  }
0x193: {  	v40 =	vmin.f32 v40, v0  }
0x194: {  	v52 =	vtrunc.f32 v40;
	v31 =	vmul.f32 v31, v39  }
0x195: {  	v39 =	vcvt.f32.s32 v52  }
0x196: {  	v37 =	vmul.f32 v37, v6;
	v31 =	vadd.f32 v31, v38  }
0x197: {  	v53 =	vld [tilespmem:s6+$0x3630]  }
0x198: {  	v31 =	vadd.f32 v31, v37;
	_ =	sdelay $0x1  }
0x199: {  	[tilespmem:s6+$0x11610] =	vst v31  }
0x19a: {  	v31 =	vld.idx.msk [tilespmem:v39+s17+$0x0], $0xffff  }
0x19b: {  	v54 =	vmul.f32 v53, v8  }
0x19c: {  	v55 =	vld.idx.msk [tilespmem:v39+s16+$0x0], $0xffff  }
0x19d: {  	v37 =	vadd.f32 v54, v7;
	_ =	sdelay $0x1  }
0x19e: {  	v37 =	vmax.f32 v37, $-1.500000000e+00;
	v31 =	vmul.f32 v34, v31  }
0x19f: {  	v56 =	vld.idx.msk [tilespmem:v39+s15+$0x0], $0xffff;
	v37 =	vmin.f32 v37, $1.500000000e+00  }
0x1a0: {  	v57 =	vmul.f32 $6.500000000e+00, v37;
	v31 =	vadd.f32 v31, v55;
	_ =	sdelay $0x1  }
0x1a1: {  	v58 =	vadd.f32 v57, v2;
	v31 =	vmul.f32 v31, v34  }
0x1a2: {  	v39 =	vld.idx.msk [tilespmem:v39+s4+$0x0], $0xffff  }
0x1a3: {  	v40 =	vmax.f32 v58, v1;
	v31 =	vadd.f32 v31, v56  }
0x1a4: {  	v40 =	vmin.f32 v40, v0  }
0x1a5: {  	v59 =	vtrunc.f32 v40;
	v31 =	vmul.f32 v31, v34  }
0x1a6: {  	v34 =	vcvt.f32.s32 v59  }
0x1a7: {  	v36 =	vmul.f32 v47, v6;
	v31 =	vadd.f32 v31, v39  }
0x1a8: {  	v39 =	vld [tilespmem:s6+$0x3640]  }
0x1a9: {  	v31 =	vadd.f32 v31, v36;
	_ =	sdelay $0x1  }
0x1aa: {  	[tilespmem:s6+$0x11620] =	vst v31  }
0x1ab: {  	v31 =	vld.idx.msk [tilespmem:v34+s17+$0x0], $0xffff  }
0x1ac: {  	v60 =	vmul.f32 v39, v8  }
0x1ad: {  	v35 =	vmul.f32 v29, v35;
	v61 =	vld.idx.msk [tilespmem:v34+s16+$0x0], $0xffff  }
0x1ae: {  	v63 =	vld.idx.msk [tilespmem:v32+s15+$0x0], $0xffff;
	v36 =	vadd.f32 v60, v7  }
0x1af: {  	v33 =	vadd.f32 v35, v33  }
0x1b0: {  	v62 =	vmul.f32 $6.500000000e+00, v28;
	v36 =	vmax.f32 v36, $-1.500000000e+00;
	v31 =	vmul.f32 v37, v31  }
0x1b1: {  	v33 =	vmul.f32 v33, v29;
	v45 =	vld.idx.msk [tilespmem:v34+s15+$0x0], $0xffff;
	v35 =	vmin.f32 v36, $1.500000000e+00  }
0x1b2: {  	v41 =	vadd.f32 v62, v2;
	v43 =	vmul.f32 $6.500000000e+00, v35;
	v31 =	vadd.f32 v31, v61  }
0x1b3: {  	v33 =	vadd.f32 v33, v63;
	v47 =	vld.idx.msk [tilespmem:v32+s4+$0x0], $0xffff  }
0x1b4: {  	v46 =	vmax.f32 v41, v1;
	v48 =	vadd.f32 v43, v2;
	v31 =	vmul.f32 v31, v37  }
0x1b5: {  	v49 =	vmul.f32 v33, v29;
	v40 =	vmin.f32 v46, v0;
	v34 =	vld.idx.msk [tilespmem:v34+s4+$0x0], $0xffff  }
0x1b6: {  	v40 =	vtrunc.f32 v40;
	v41 =	vmax.f32 v48, v1;
	v31 =	vadd.f32 v31, v45  }
0x1b7: {  	v24 =	vmul.f32 v24, v6;
	v50 =	vcvt.f32.s32 v40;
	v51 =	vmin.f32 v41, v0  }
0x1b8: {  	v29 =	vadd.f32 v49, v47;
	v36 =	vtrunc.f32 v51;
	v31 =	vmul.f32 v31, v37  }
0x1b9: {  	v52 =	vcvt.f32.s32 v36  }
0x1ba: {  	v53 =	vmul.f32 v53, v6;
	v24 =	vadd.f32 v29, v24;
	v31 =	vadd.f32 v31, v34  }
0x1bb: {  	v29 =	vld [tilespmem:s6+$0x3650];
	v54 =	vmul.f32 v18, v8  }
0x1bc: {  	[tilespmem:s5+$0x11630] =	vst v24;
	v31 =	vadd.f32 v31, v53  }
0x1bd: {  	v24 =	vadd.f32 v54, v7;
	v55 =	vld.idx.msk [tilespmem:v50+s17+$0x0], $0xffff  }
0x1be: {  	v56 =	vld.idx.msk [tilespmem:v50+s16+$0x0], $0xffff;
	[tilespmem:s6+$0x11630] =	vst v31  }
0x1bf: {  	v24 =	vmax.f32 v24, $-1.500000000e+00;
	v31 =	vld.idx.msk [tilespmem:v52+s17+$0x0], $0xffff  }
0x1c0: {  	v24 =	vmin.f32 v24, $1.500000000e+00;
	v57 =	vmul.f32 v29, v8  }
0x1c1: {  	v59 =	vmul.f32 $6.500000000e+00, v24;
	v58 =	vld.idx.msk [tilespmem:v52+s16+$0x0], $0xffff  }
0x1c2: {  	v37 =	vadd.f32 v57, v7;
	v34 =	vmul.f32 v28, v55  }
0x1c3: {  	v40 =	vadd.f32 v59, v2;
	v60 =	vld.idx.msk [tilespmem:v50+s15+$0x0], $0xffff  }
0x1c4: {  	v37 =	vmax.f32 v37, $-1.500000000e+00;
	v34 =	vadd.f32 v34, v56;
	v31 =	vmul.f32 v35, v31  }
0x1c5: {  	v63 =	vmax.f32 v40, v1;
	v36 =	vmin.f32 v37, $1.500000000e+00;
	v61 =	vld.idx.msk [tilespmem:v52+s15+$0x0], $0xffff  }
0x1c6: {  	v62 =	vmul.f32 $6.500000000e+00, v36;
	v34 =	vmul.f32 v34, v28;
	v31 =	vadd.f32 v31, v58  }
0x1c7: {  	v33 =	vld.idx.msk [tilespmem:v50+s4+$0x0], $0xffff;
	v38 =	vmin.f32 v63, v0  }
0x1c8: {  	v44 =	vadd.f32 v62, v2;
	v34 =	vadd.f32 v34, v60;
	v31 =	vmul.f32 v31, v35  }
0x1c9: {  	v38 =	vtrunc.f32 v38;
	v32 =	vld.idx.msk [tilespmem:v52+s4+$0x0], $0xffff  }
0x1ca: {  	v37 =	vld [tilespmem:s5+$0x3660];
	v40 =	vmax.f32 v44, v1;
	v45 =	vmul.f32 v34, v28;
	v31 =	vadd.f32 v31, v61  }
0x1cb: {  	v16 =	vmul.f32 v16, v6;
	v46 =	vcvt.f32.s32 v38;
	v47 =	vmin.f32 v40, v0  }
0x1cc: {  	v48 =	vtrunc.f32 v47;
	v28 =	vadd.f32 v45, v33;
	v31 =	vmul.f32 v31, v35  }
0x1cd: {  	v49 =	vcvt.f32.s32 v48  }
0x1ce: {  	v50 =	vmul.f32 v39, v6;
	v16 =	vadd.f32 v28, v16;
	v31 =	vadd.f32 v31, v32  }
0x1cf: {  	v52 =	vmul.f32 v37, v8;
	v35 =	vld [tilespmem:s6+$0x3660]  }
0x1d0: {  	[tilespmem:s5+$0x11640] =	vst v16;
	v51 =	vadd.f32 v31, v50  }
0x1d1: {  	v16 =	vadd.f32 v52, v7;
	v53 =	vld.idx.msk [tilespmem:v46+s17+$0x0], $0xffff  }
0x1d2: {  	v54 =	vld.idx.msk [tilespmem:v46+s16+$0x0], $0xffff;
	[tilespmem:s6+$0x11640] =	vst v51  }
0x1d3: {  	v16 =	vmax.f32 v16, $-1.500000000e+00;
	v28 =	vld.idx.msk [tilespmem:v49+s17+$0x0], $0xffff  }
0x1d4: {  	v16 =	vmin.f32 v16, $1.500000000e+00;
	v55 =	vmul.f32 v35, v8  }
0x1d5: {  	v57 =	vmul.f32 $6.500000000e+00, v16;
	v56 =	vld.idx.msk [tilespmem:v49+s16+$0x0], $0xffff  }
0x1d6: {  	v31 =	vmul.f32 v24, v53;
	v38 =	vadd.f32 v55, v7  }
0x1d7: {  	v58 =	vld.idx.msk [tilespmem:v46+s15+$0x0], $0xffff;
	v40 =	vadd.f32 v57, v2  }
0x1d8: {  	v31 =	vadd.f32 v31, v54;
	v38 =	vmax.f32 v38, $-1.500000000e+00;
	v28 =	vmul.f32 v36, v28  }
0x1d9: {  	v61 =	vmax.f32 v40, v1;
	v59 =	vld.idx.msk [tilespmem:v49+s15+$0x0], $0xffff;
	v32 =	vmin.f32 v38, $1.500000000e+00  }
0x1da: {  	v31 =	vmul.f32 v31, v24;
	v60 =	vmul.f32 $6.500000000e+00, v32;
	v28 =	vadd.f32 v28, v56  }
0x1db: {  	v34 =	vld.idx.msk [tilespmem:v46+s4+$0x0], $0xffff;
	v39 =	vmin.f32 v61, v0  }
0x1dc: {  	v31 =	vadd.f32 v31, v58;
	v62 =	vadd.f32 v60, v2;
	v28 =	vmul.f32 v28, v36  }
0x1dd: {  	v39 =	vtrunc.f32 v39;
	v33 =	vld.idx.msk [tilespmem:v49+s4+$0x0], $0xffff  }
0x1de: {  	v24 =	vmul.f32 v31, v24;
	v40 =	vmax.f32 v62, v1;
	v28 =	vadd.f32 v28, v59  }
0x1df: {  	v45 =	vld.idx.msk [tilespmem:v27+s16+$0x0], $0xffff;
	v46 =	vmul.f32 v18, v6;
	v63 =	vcvt.f32.s32 v39;
	v44 =	vmin.f32 v40, v0  }
0x1e0: {  	v24 =	vadd.f32 v24, v34;
	v40 =	vld [tilespmem:s6+$0x3670];
	v38 =	vtrunc.f32 v44;
	v28 =	vmul.f32 v28, v36  }
0x1e1: {  	v30 =	vmul.f32 v21, v30;
	v34 =	vcvt.f32.s32 v38  }
0x1e2: {  	v48 =	vmul.f32 v29, v6;
	v18 =	vadd.f32 v24, v46;
	v36 =	vld [tilespmem:s5+$0x3670];
	v28 =	vadd.f32 v28, v33  }
0x1e3: {  	v47 =	vld.idx.msk [tilespmem:v27+s15+$0x0], $0xffff  }
0x1e4: {  	v30 =	vadd.f32 v30, v45;
	[tilespmem:s5+$0x11650] =	vst v18;
	v33 =	vadd.f32 v28, v48  }
0x1e5: {  	v49 =	vmul.f32 $6.500000000e+00, v20;
	v52 =	vld.idx.msk [tilespmem:v63+s17+$0x0], $0xffff;
	v54 =	vmul.f32 v40, v8  }
0x1e6: {  	v30 =	vmul.f32 v30, v21;
	v53 =	vld.idx.msk [tilespmem:v63+s16+$0x0], $0xffff;
	[tilespmem:s6+$0x11650] =	vst v33  }
0x1e7: {  	v50 =	vadd.f32 v49, v2;
	v42 =	vadd.f32 v54, v7;
	v51 =	vmul.f32 v36, v8;
	v33 =	vld.idx.msk [tilespmem:v34+s17+$0x0], $0xffff  }
0x1e8: {  	v30 =	vadd.f32 v30, v47  }
0x1e9: {  	v18 =	vmax.f32 v50, v1;
	v42 =	vmax.f32 v42, $-1.500000000e+00;
	v24 =	vadd.f32 v51, v7;
	v55 =	vld.idx.msk [tilespmem:v34+s16+$0x0], $0xffff  }
0x1ea: {  	v59 =	vmul.f32 v30, v21;
	v57 =	vmul.f32 v16, v52;
	v30 =	vmin.f32 v42, $1.500000000e+00  }
0x1eb: {  	v18 =	vmin.f32 v18, v0;
	v44 =	vld.idx.msk [tilespmem:v63+s15+$0x0], $0xffff;
	v42 =	vmul.f32 $6.500000000e+00, v30;
	v24 =	vmax.f32 v24, $-1.500000000e+00  }
0x1ec: {  	v38 =	vmin.f32 v24, $1.500000000e+00;
	v24 =	vadd.f32 v57, v53;
	v33 =	vmul.f32 v32, v33  }
0x1ed: {  	v18 =	vtrunc.f32 v18;
	v60 =	vld.idx.msk [tilespmem:v34+s15+$0x0], $0xffff;
	v58 =	vmul.f32 $6.500000000e+00, v38  }
0x1ee: {  	v31 =	vld.idx.msk [tilespmem:v63+s4+$0x0], $0xffff;
	v63 =	vadd.f32 v42, v2;
	v61 =	vmul.f32 v24, v16;
	v33 =	vadd.f32 v33, v55  }
0x1ef: {  	v56 =	vld.idx.msk [tilespmem:v27+s4+$0x0], $0xffff;
	v43 =	vcvt.f32.s32 v18;
	v41 =	vadd.f32 v58, v2  }
0x1f0: {  	v18 =	vadd.f32 v61, v44;
	v44 =	vmax.f32 v63, v1;
	v33 =	vmul.f32 v33, v32  }
0x1f1: {  	v42 =	vld.idx.msk [tilespmem:v34+s4+$0x0], $0xffff;
	v62 =	vmax.f32 v41, v1;
	v45 =	vmin.f32 v44, v0  }
0x1f2: {  	v24 =	vmin.f32 v62, v0;
	v16 =	vmul.f32 v18, v16;
	v33 =	vadd.f32 v33, v60  }
0x1f3: {  	v46 =	vtrunc.f32 v45;
	v24 =	vtrunc.f32 v24  }
0x1f4: {  	v21 =	vadd.f32 v59, v56;
	v39 =	vcvt.f32.s32 v24;
	v47 =	vmul.f32 v33, v32  }
0x1f5: {  	v28 =	vld [tilespmem:s6+$0x3A00];
	v48 =	vmul.f32 v37, v6;
	v16 =	vadd.f32 v16, v31;
	v31 =	vcvt.f32.s32 v46  }
0x1f6: {  	v29 =	vld [tilespmem:s5+$0x3A00];
	v49 =	vmul.f32 v35, v6;
	v21 =	vadd.f32 v21, v25;
	v50 =	vadd.f32 v47, v42  }
0x1f7: {  	v16 =	vadd.f32 v16, v48  }
0x1f8: {  	[tilespmem:s3+$0x11670] =	vst v21;
	v21 =	vadd.f32 v50, v49  }
0x1f9: {  	v51 =	vld.idx.msk [tilespmem:v43+s17+$0x0], $0xffff;
	[tilespmem:s5+$0x11660] =	vst v16  }
0x1fa: {  	v57 =	vmul.f32 v28, v8;
	v53 =	vld.idx.msk [tilespmem:v39+s17+$0x0], $0xffff;
	[tilespmem:s6+$0x11660] =	vst v21  }
0x1fb: {  	v52 =	vmul.f32 v29, v8;
	v55 =	vld.idx.msk [tilespmem:v31+s17+$0x0], $0xffff  }
0x1fc: {  	v35 =	vadd.f32 v57, v7;
	v56 =	vld.idx.msk [tilespmem:v39+s16+$0x0], $0xffff  }
0x1fd: {  	v14 =	vmul.f32 v14, v6;
	v13 =	vmul.f32 v13, v6;
	v16 =	vadd.f32 v52, v7;
	v58 =	vld.idx.msk [tilespmem:v31+s16+$0x0], $0xffff  }
0x1fe: {  	v26 =	vadd.f32 v26, v2;
	v54 =	vadd.f32 v23, v7;
	v35 =	vmax.f32 v35, $-1.500000000e+00  }
0x1ff: {  	v34 =	vmin.f32 v35, $1.500000000e+00;
	v16 =	vmax.f32 v16, $-1.500000000e+00;
	v61 =	vmul.f32 v38, v53  }
0x200: {  	v63 =	vld.idx.msk [tilespmem:v39+s15+$0x0], $0xffff;
	v49 =	vmul.f32 $6.500000000e+00, v34;
	v42 =	vmin.f32 v16, $1.500000000e+00;
	v23 =	vmul.f32 v30, v55  }
0x201: {  	v22 =	vmul.f32 v15, v22;
	v62 =	vmul.f32 $6.500000000e+00, v42;
	v48 =	vld.idx.msk [tilespmem:v31+s15+$0x0], $0xffff;
	v16 =	vadd.f32 v61, v56  }
0x202: {  	v33 =	vmul.f32 v20, v51;
	v37 =	vadd.f32 v49, v2;
	v23 =	vadd.f32 v23, v58  }
0x203: {  	v59 =	vld.idx.msk [tilespmem:v43+s16+$0x0], $0xffff;
	v21 =	vmax.f32 v54, $-1.500000000e+00;
	v32 =	vadd.f32 v62, v2;
	v16 =	vmul.f32 v16, v38  }
0x204: {  	v39 =	vld.idx.msk [tilespmem:v39+s4+$0x0], $0xffff;
	v54 =	vmul.f32 v36, v6;
	v37 =	vmax.f32 v37, v1;
	v23 =	vmul.f32 v23, v30  }
0x205: {  	v31 =	vld.idx.msk [tilespmem:v31+s4+$0x0], $0xffff;
	v51 =	vmin.f32 v37, v0;
	v32 =	vmax.f32 v32, v1;
	v16 =	vadd.f32 v16, v63  }
0x206: {  	v25 =	vld [tilespmem:s5+$0x3A10];
	v53 =	vtrunc.f32 v51;
	v32 =	vmin.f32 v32, v0;
	v23 =	vadd.f32 v23, v48  }
0x207: {  	v50 =	vld.idx.msk [tilespmem:v43+s15+$0x0], $0xffff;
	v27 =	vmin.f32 v21, $1.500000000e+00;
	v32 =	vtrunc.f32 v32;
	v16 =	vmul.f32 v16, v38  }
0x208: {  	v24 =	vld [tilespmem:s6+$0x3A10];
	v21 =	vadd.f32 v33, v59;
	v32 =	vcvt.f32.s32 v32;
	v23 =	vmul.f32 v23, v30  }
0x209: {  	v60 =	vmul.f32 $6.500000000e+00, v27;
	v33 =	vcvt.f32.s32 v53;
	v55 =	vadd.f32 v16, v39  }
0x20a: {  	v18 =	vld [tilespmem:s3+$0x3A20];
	v21 =	vmul.f32 v21, v20;
	v58 =	vmul.f32 v40, v6;
	v23 =	vadd.f32 v23, v31  }
0x20b: {  	v29 =	vmul.f32 v29, v6;
	v52 =	vld.idx.msk [tilespmem:v43+s4+$0x0], $0xffff;
	v41 =	vadd.f32 v60, v2;
	v30 =	vadd.f32 v55, v54  }
0x20c: {  	v28 =	vmul.f32 v28, v6;
	v21 =	vadd.f32 v21, v50;
	v23 =	vadd.f32 v23, v58  }
0x20d: {  	v44 =	vmax.f32 v26, v1;
	v49 =	vmul.f32 v24, v8;
	v62 =	vmul.f32 v25, v8;
	[tilespmem:s5+$0x11670] =	vst v30  }
0x20e: {  	v57 =	vmax.f32 v41, v1;
	v21 =	vmul.f32 v21, v20;
	v63 =	vld.idx.msk [tilespmem:v32+s17+$0x0], $0xffff;
	[tilespmem:s6+$0x11670] =	vst v23  }
0x20f: {  	v61 =	vmul.f32 v18, v8;
	v59 =	vmin.f32 v57, v0;
	v39 =	vadd.f32 v49, v7;
	v45 =	vld.idx.msk [tilespmem:v33+s17+$0x0], $0xffff  }
0x210: {  	v47 =	vadd.f32 v62, v7;
	v60 =	vadd.f32 v21, v52;
	v31 =	vtrunc.f32 v59;
	v48 =	vld.idx.msk [tilespmem:v32+s16+$0x0], $0xffff  }
0x211: {  	v46 =	vadd.f32 v61, v7;
	v39 =	vmax.f32 v39, $-1.500000000e+00;
	v31 =	vcvt.f32.s32 v31;
	v50 =	vld.idx.msk [tilespmem:v33+s16+$0x0], $0xffff  }
0x212: {  	v56 =	vld.idx.msk [tilespmem:v19+s16+$0x0], $0xffff;
	v14 =	vadd.f32 v60, v14;
	v37 =	vmin.f32 v39, $1.500000000e+00;
	v30 =	vmax.f32 v47, $-1.500000000e+00  }
0x213: {  	v30 =	vmin.f32 v30, $1.500000000e+00;
	v58 =	vmul.f32 $6.500000000e+00, v37;
	v53 =	vmul.f32 v42, v63  }
0x214: {  	v51 =	vmax.f32 v46, $-1.500000000e+00;
	[tilespmem:s3+$0x11A00] =	vst v14;
	v55 =	vld.idx.msk [tilespmem:v32+s15+$0x0], $0xffff;
	v54 =	vmul.f32 $6.500000000e+00, v30;
	v35 =	vmul.f32 v34, v45  }
0x215: {  	v23 =	vmin.f32 v44, v0;
	v44 =	vadd.f32 v58, v2;
	v57 =	vld.idx.msk [tilespmem:v33+s15+$0x0], $0xffff;
	v14 =	vadd.f32 v53, v48  }
0x216: {  	v26 =	vmin.f32 v51, $1.500000000e+00;
	v32 =	vld.idx.msk [tilespmem:v32+s4+$0x0], $0xffff;
	v38 =	vadd.f32 v54, v2;
	v35 =	vadd.f32 v35, v50  }
0x217: {  	v22 =	vadd.f32 v22, v56;
	v56 =	vmul.f32 $6.500000000e+00, v26;
	v52 =	vld.idx.msk [tilespmem:v31+s17+$0x0], $0xffff;
	v14 =	vmul.f32 v14, v42  }
0x218: {  	v33 =	vld.idx.msk [tilespmem:v33+s4+$0x0], $0xffff;
	v44 =	vmax.f32 v44, v1;
	v38 =	vmax.f32 v38, v1;
	v35 =	vmul.f32 v35, v34  }
0x219: {  	v59 =	vld.idx.msk [tilespmem:v31+s16+$0x0], $0xffff;
	v62 =	vmin.f32 v44, v0;
	v38 =	vmin.f32 v38, v0;
	v14 =	vadd.f32 v14, v55  }
0x21a: {  	v20 =	vld [tilespmem:s5+$0x3A20];
	v63 =	vtrunc.f32 v62;
	v38 =	vtrunc.f32 v38;
	v35 =	vadd.f32 v35, v57  }
0x21b: {  	v21 =	vld [tilespmem:s6+$0x3A20];
	v38 =	vcvt.f32.s32 v38;
	v14 =	vmul.f32 v14, v42  }
0x21c: {  	v60 =	vld.idx.msk [tilespmem:v19+s15+$0x0], $0xffff;
	v40 =	vmul.f32 v27, v52;
	v34 =	vmul.f32 v35, v34  }
0x21d: {  	v43 =	vadd.f32 v56, v2;
	v61 =	vld.idx.msk [tilespmem:v31+s15+$0x0], $0xffff;
	v14 =	vadd.f32 v14, v32;
	v32 =	vcvt.f32.s32 v63  }
0x21e: {  	v22 =	vmul.f32 v22, v15;
	v36 =	vadd.f32 v40, v59;
	v33 =	vadd.f32 v34, v33  }
0x21f: {  	v49 =	vmul.f32 v20, v8;
	v45 =	vtrunc.f32 v23;
	v23 =	vld [tilespmem:s3+$0x3A30];
	v29 =	vadd.f32 v14, v29  }
0x220: {  	v46 =	vmax.f32 v43, v1;
	v42 =	vld.idx.msk [tilespmem:v19+s4+$0x0], $0xffff;
	v44 =	vmul.f32 v36, v27;
	v28 =	vadd.f32 v33, v28  }
0x221: {  	v22 =	vadd.f32 v22, v60;
	v54 =	vmul.f32 v21, v8;
	v31 =	vld.idx.msk [tilespmem:v31+s4+$0x0], $0xffff;
	[tilespmem:s5+$0x11A00] =	vst v29  }
0x222: {  	v48 =	vmin.f32 v46, v0;
	v35 =	vadd.f32 v44, v61;
	v50 =	vld.idx.msk [tilespmem:v38+s17+$0x0], $0xffff;
	[tilespmem:s6+$0x11A00] =	vst v28  }
0x223: {  	v47 =	vmul.f32 v22, v15;
	v51 =	vtrunc.f32 v48;
	v36 =	vadd.f32 v54, v7;
	v52 =	vld.idx.msk [tilespmem:v32+s17+$0x0], $0xffff  }
0x224: {  	v22 =	vcvt.f32.s32 v45;
	v27 =	vmul.f32 v35, v27;
	v29 =	vadd.f32 v49, v7;
	v53 =	vld.idx.msk [tilespmem:v38+s16+$0x0], $0xffff  }
0x225: {  	v55 =	vmul.f32 v23, v8;
	v36 =	vmax.f32 v36, $-1.500000000e+00;
	v19 =	vadd.f32 v47, v42;
	v56 =	vld.idx.msk [tilespmem:v32+s16+$0x0], $0xffff  }
0x226: {  	v49 =	vmul.f32 v25, v6;
	v27 =	vadd.f32 v27, v31;
	v29 =	vmax.f32 v29, $-1.500000000e+00  }
0x227: {  	v28 =	vcvt.f32.s32 v51;
	v29 =	vmin.f32 v29, $1.500000000e+00;
	v35 =	vmul.f32 v30, v50  }
0x228: {  	v33 =	vadd.f32 v55, v7;
	v58 =	vld.idx.msk [tilespmem:v38+s15+$0x0], $0xffff;
	v57 =	vmul.f32 $6.500000000e+00, v29;
	v34 =	vmul.f32 v37, v52  }
0x229: {  	v27 =	vadd.f32 v27, v13;
	v59 =	vld.idx.msk [tilespmem:v32+s15+$0x0], $0xffff;
	v31 =	vadd.f32 v35, v53;
	v35 =	vmin.f32 v36, $1.500000000e+00  }
0x22a: {  	v38 =	vld.idx.msk [tilespmem:v38+s4+$0x0], $0xffff;
	v40 =	vadd.f32 v57, v2;
	v60 =	vmul.f32 $6.500000000e+00, v35;
	v34 =	vadd.f32 v34, v56  }
0x22b: {  	v17 =	vadd.f32 v19, v17;
	v33 =	vmax.f32 v33, $-1.500000000e+00;
	v32 =	vld.idx.msk [tilespmem:v32+s4+$0x0], $0xffff;
	v31 =	vmul.f32 v31, v30  }
0x22c: {  	[tilespmem:s3+$0x11A10] =	vst v27;
	v62 =	vmax.f32 v40, v1;
	v63 =	vadd.f32 v60, v2;
	v34 =	vmul.f32 v34, v37  }
0x22d: {  	v27 =	vmin.f32 v33, $1.500000000e+00;
	v61 =	vld.idx.msk [tilespmem:v28+s17+$0x0], $0xffff;
	v33 =	vmin.f32 v62, v0;
	v31 =	vadd.f32 v31, v58  }
0x22e: {  	v33 =	vtrunc.f32 v33;
	v39 =	vmax.f32 v63, v1;
	v34 =	vadd.f32 v34, v59  }
0x22f: {  	v46 =	vld.idx.msk [tilespmem:v28+s16+$0x0], $0xffff;
	v30 =	vmul.f32 v31, v30;
	v31 =	vcvt.f32.s32 v33;
	v47 =	vmin.f32 v39, v0  }
0x230: {  	v25 =	vld [tilespmem:s5+$0x3A30];
	[tilespmem:s0+$0x11A30] =	vst v17;
	v33 =	vtrunc.f32 v47;
	v34 =	vmul.f32 v34, v37  }
0x231: {  	v45 =	vld.idx.msk [tilespmem:v22+s17+$0x0], $0xffff;
	v30 =	vadd.f32 v30, v38;
	v33 =	vcvt.f32.s32 v33  }
0x232: {  	v50 =	vmul.f32 v24, v6;
	v24 =	vld [tilespmem:s6+$0x3A30];
	v19 =	vmul.f32 v26, v61;
	v32 =	vadd.f32 v34, v32  }
0x233: {  	v18 =	vmul.f32 v18, v6;
	v44 =	vmul.f32 $6.500000000e+00, v27;
	v48 =	vld.idx.msk [tilespmem:v28+s15+$0x0], $0xffff;
	v30 =	vadd.f32 v30, v49  }
0x234: {  	v20 =	vmul.f32 v20, v6;
	v19 =	vadd.f32 v19, v46;
	v32 =	vadd.f32 v32, v50  }
0x235: {  	v21 =	vmul.f32 v21, v6;
	v51 =	vadd.f32 v44, v2;
	v28 =	vld.idx.msk [tilespmem:v28+s4+$0x0], $0xffff;
	[tilespmem:s5+$0x11A10] =	vst v30  }
0x236: {  	v53 =	vmul.f32 v25, v8;
	v19 =	vmul.f32 v19, v26;
	v54 =	vld.idx.msk [tilespmem:v31+s17+$0x0], $0xffff;
	[tilespmem:s6+$0x11A10] =	vst v32  }
0x237: {  	v52 =	vadd.f32 v12, v7;
	v36 =	vmul.f32 v11, v45;
	v58 =	vmul.f32 v24, v8;
	v56 =	vld.idx.msk [tilespmem:v33+s17+$0x0], $0xffff  }
0x238: {  	v34 =	vmax.f32 v51, v1;
	v39 =	vadd.f32 v19, v48;
	v30 =	vadd.f32 v53, v7;
	v57 =	vld.idx.msk [tilespmem:v31+s16+$0x0], $0xffff  }
0x239: {  	v55 =	vmax.f32 v52, $-1.500000000e+00;
	v61 =	vadd.f32 v58, v7;
	v34 =	vmin.f32 v34, v0;
	v60 =	vld.idx.msk [tilespmem:v33+s16+$0x0], $0xffff  }
0x23a: {  	v16 =	vld [tilespmem:s3+$0x3A40];
	v59 =	vtrunc.f32 v34;
	v26 =	vmul.f32 v39, v26;
	v30 =	vmax.f32 v30, $-1.500000000e+00  }
0x23b: {  	v32 =	vcvt.f32.s32 v59;
	v30 =	vmin.f32 v30, $1.500000000e+00;
	v37 =	vmul.f32 v29, v54  }
0x23c: {  	v63 =	vld.idx.msk [tilespmem:v31+s15+$0x0], $0xffff;
	v39 =	vmax.f32 v61, $-1.500000000e+00;
	v62 =	vmul.f32 $6.500000000e+00, v30;
	v38 =	vmul.f32 v35, v56  }
0x23d: {  	v26 =	vadd.f32 v26, v28;
	v46 =	vld.idx.msk [tilespmem:v33+s15+$0x0], $0xffff;
	v45 =	vadd.f32 v37, v57;
	v37 =	vmin.f32 v39, $1.500000000e+00  }
0x23e: {  	v47 =	vadd.f32 v62, v2;
	v48 =	vmul.f32 $6.500000000e+00, v37;
	v34 =	vadd.f32 v38, v60  }
0x23f: {  	v49 =	vmul.f32 v16, v8;
	v18 =	vadd.f32 v26, v18;
	v50 =	vmul.f32 v45, v29  }
0x240: {  	v31 =	vld.idx.msk [tilespmem:v31+s4+$0x0], $0xffff;
	v51 =	vmax.f32 v47, v1;
	v52 =	vadd.f32 v48, v2;
	v34 =	vmul.f32 v34, v35  }
0x241: {  	v19 =	vmin.f32 v55, $1.500000000e+00;
	v55 =	vld.idx.msk [tilespmem:v33+s4+$0x0], $0xffff;
	[tilespmem:s3+$0x11A20] =	vst v18;
	v54 =	vmin.f32 v51, v0;
	v26 =	vadd.f32 v50, v63  }
0x242: {  	v56 =	vld.idx.msk [tilespmem:v32+s17+$0x0], $0xffff;
	v18 =	vtrunc.f32 v54;
	v40 =	vmax.f32 v52, v1;
	v34 =	vadd.f32 v34, v46  }
0x243: {  	v15 =	vld [tilespmem:s6+$0x3A40];
	v18 =	vcvt.f32.s32 v18;
	v26 =	vmul.f32 v26, v29;
	v58 =	vmin.f32 v40, v0  }
0x244: {  	v59 =	vld.idx.msk [tilespmem:v32+s16+$0x0], $0xffff;
	v29 =	vtrunc.f32 v58;
	v34 =	vmul.f32 v34, v35  }
0x245: {  	v23 =	vmul.f32 v23, v6;
	v14 =	vld [tilespmem:s5+$0x3A40];
	v26 =	vadd.f32 v26, v31;
	v29 =	vcvt.f32.s32 v29  }
0x246: {  	v13 =	vld [tilespmem:s3+$0x3A50];
	v25 =	vmul.f32 v25, v6;
	v38 =	vadd.f32 v49, v7;
	v28 =	vadd.f32 v34, v55  }
0x247: {  	v24 =	vmul.f32 v24, v6;
	v57 =	vld.idx.msk [tilespmem:v22+s16+$0x0], $0xffff;
	v33 =	vmul.f32 v27, v56;
	v20 =	vadd.f32 v26, v20  }
0x248: {  	v53 =	vmul.f32 $6.500000000e+00, v19;
	v63 =	vld.idx.msk [tilespmem:v32+s15+$0x0], $0xffff;
	v60 =	vmax.f32 v38, $-1.500000000e+00;
	v21 =	vadd.f32 v28, v21  }
0x249: {  	v52 =	vmul.f32 v15, v8;
	v31 =	vmin.f32 v60, $1.500000000e+00;
	v33 =	vadd.f32 v33, v59;
	[tilespmem:s5+$0x11A20] =	vst v20  }
0x24a: {  	v61 =	vadd.f32 v53, v2;
	v45 =	vmul.f32 v14, v8;
	v62 =	vmul.f32 $6.500000000e+00, v31;
	v46 =	vld.idx.msk [tilespmem:v18+s17+$0x0], $0xffff;
	[tilespmem:s6+$0x11A20] =	vst v21  }
0x24b: {  	v53 =	vmul.f32 v13, v8;
	v39 =	vadd.f32 v52, v7;
	v49 =	vmul.f32 v33, v27;
	v50 =	vld.idx.msk [tilespmem:v29+s17+$0x0], $0xffff  }
0x24c: {  	v47 =	vmax.f32 v61, v1;
	v44 =	vadd.f32 v62, v2;
	v34 =	vadd.f32 v45, v7;
	v51 =	vld.idx.msk [tilespmem:v18+s16+$0x0], $0xffff  }
0x24d: {  	v43 =	vadd.f32 v36, v57;
	v39 =	vmax.f32 v39, $-1.500000000e+00;
	v28 =	vadd.f32 v49, v63;
	v54 =	vld.idx.msk [tilespmem:v29+s16+$0x0], $0xffff  }
0x24e: {  	v32 =	vld.idx.msk [tilespmem:v32+s4+$0x0], $0xffff;
	v38 =	vmin.f32 v39, $1.500000000e+00;
	v20 =	vmax.f32 v44, v1;
	v34 =	vmax.f32 v34, $-1.500000000e+00  }
0x24f: {  	v27 =	vmul.f32 v28, v27;
	v28 =	vmin.f32 v34, $1.500000000e+00;
	v55 =	vmul.f32 v30, v46  }
0x250: {  	v57 =	vld.idx.msk [tilespmem:v18+s15+$0x0], $0xffff;
	v20 =	vmin.f32 v20, v0;
	v56 =	vmul.f32 $6.500000000e+00, v28;
	v33 =	vmul.f32 v37, v50  }
0x251: {  	v59 =	vmul.f32 $6.500000000e+00, v38;
	v20 =	vtrunc.f32 v20;
	v58 =	vld.idx.msk [tilespmem:v29+s15+$0x0], $0xffff;
	v34 =	vadd.f32 v55, v51  }
0x252: {  	v20 =	vcvt.f32.s32 v20;
	v36 =	vadd.f32 v56, v2;
	v33 =	vadd.f32 v33, v54  }
0x253: {  	v48 =	vmul.f32 v43, v11;
	v18 =	vld.idx.msk [tilespmem:v18+s4+$0x0], $0xffff;
	v27 =	vadd.f32 v27, v32;
	v60 =	vmul.f32 v34, v30  }
0x254: {  	v62 =	vadd.f32 v59, v2;
	v29 =	vld.idx.msk [tilespmem:v29+s4+$0x0], $0xffff;
	v61 =	vmax.f32 v36, v1;
	v33 =	vmul.f32 v33, v37  }
0x255: {  	v23 =	vadd.f32 v27, v23;
	v36 =	vld.idx.msk [tilespmem:v22+s15+$0x0], $0xffff;
	v63 =	vmin.f32 v61, v0;
	v32 =	vadd.f32 v60, v57  }
0x256: {  	v17 =	vld [tilespmem:s5+$0x3A50];
	v35 =	vmax.f32 v62, v1;
	v27 =	vtrunc.f32 v63;
	v33 =	vadd.f32 v33, v58  }
0x257: {  	v12 =	vld [tilespmem:s6+$0x3A50];
	v42 =	vmin.f32 v35, v0;
	[tilespmem:s3+$0x11A30] =	vst v23;
	v27 =	vcvt.f32.s32 v27;
	v41 =	vmul.f32 v32, v30  }
0x258: {  	v44 =	vld.idx.msk [tilespmem:v20+s17+$0x0], $0xffff;
	v30 =	vtrunc.f32 v42;
	v33 =	vmul.f32 v33, v37  }
0x259: {  	v43 =	vadd.f32 v53, v7;
	v22 =	vld.idx.msk [tilespmem:v22+s4+$0x0], $0xffff;
	v23 =	vcvt.f32.s32 v30;
	v18 =	vadd.f32 v41, v18  }
0x25a: {  	v16 =	vmul.f32 v16, v6;
	v46 =	vld.idx.msk [tilespmem:v20+s16+$0x0], $0xffff;
	v26 =	vadd.f32 v48, v36;
	v29 =	vadd.f32 v33, v29  }
0x25b: {  	v53 =	vmul.f32 v17, v8;
	v45 =	vmax.f32 v43, $-1.500000000e+00;
	v18 =	vadd.f32 v18, v25  }
0x25c: {  	v30 =	vmin.f32 v45, $1.500000000e+00;
	v48 =	vmul.f32 v26, v11;
	v24 =	vadd.f32 v29, v24  }
0x25d: {  	v21 =	vmin.f32 v47, v0;
	v49 =	vld.idx.msk [tilespmem:v20+s15+$0x0], $0xffff;
	v50 =	vmul.f32 v31, v44;
	v47 =	vmul.f32 $6.500000000e+00, v30;
	[tilespmem:s5+$0x11A30] =	vst v18  }
0x25e: {  	v57 =	vmul.f32 v12, v8;
	v11 =	vadd.f32 v48, v22;
	v54 =	vld.idx.msk [tilespmem:v27+s17+$0x0], $0xffff;
	[tilespmem:s6+$0x11A30] =	vst v24  }
0x25f: {  	v51 =	vtrunc.f32 v21;
	v55 =	vadd.f32 v50, v46;
	v52 =	vadd.f32 v47, v2;
	v24 =	vld.idx.msk [tilespmem:v23+s17+$0x0], $0xffff  }
0x260: {  	v25 =	vadd.f32 v53, v7;
	v7 =	vadd.f32 v57, v7;
	v47 =	vmul.f32 v14, v6;
	v56 =	vld.idx.msk [tilespmem:v27+s16+$0x0], $0xffff  }
0x261: {  	v22 =	vmul.f32 v55, v31;
	v18 =	vcvt.f32.s32 v51;
	v21 =	vmax.f32 v52, v1;
	v58 =	vld.idx.msk [tilespmem:v23+s16+$0x0], $0xffff  }
0x262: {  	v25 =	vmax.f32 v25, $-1.500000000e+00;
	v7 =	vmax.f32 v7, $-1.500000000e+00;
	v21 =	vmin.f32 v21, v0  }
0x263: {  	v59 =	vld.idx.msk [tilespmem:v20+s4+$0x0], $0xffff;
	v60 =	vadd.f32 v22, v49;
	v22 =	vmin.f32 v25, $1.500000000e+00;
	v61 =	vmul.f32 v28, v54  }
0x264: {  	v63 =	vld.idx.msk [tilespmem:v27+s15+$0x0], $0xffff;
	v7 =	vmin.f32 v7, $1.500000000e+00;
	v62 =	vmul.f32 $6.500000000e+00, v22;
	v24 =	vmul.f32 v38, v24  }
0x265: {  	v21 =	vtrunc.f32 v21;
	v37 =	vmul.f32 $6.500000000e+00, v7;
	v36 =	vld.idx.msk [tilespmem:v23+s15+$0x0], $0xffff;
	v25 =	vadd.f32 v61, v56  }
0x266: {  	v20 =	vmul.f32 v60, v31;
	v26 =	vadd.f32 v62, v2;
	v24 =	vadd.f32 v24, v58  }
0x267: {  	v10 =	vadd.f32 v11, v10;
	v39 =	vcvt.f32.s32 v21;
	v40 =	vmul.f32 v25, v28  }
0x268: {  	v42 =	vld.idx.msk [tilespmem:v27+s4+$0x0], $0xffff;
	v43 =	vadd.f32 v37, v2;
	v41 =	vmax.f32 v26, v1;
	v24 =	vmul.f32 v24, v38  }
0x269: {  	v23 =	vld.idx.msk [tilespmem:v23+s4+$0x0], $0xffff;
	v8 =	vadd.f32 v20, v59;
	v44 =	vmin.f32 v41, v0;
	v21 =	vadd.f32 v40, v63  }
0x26a: {  	v45 =	vmax.f32 v43, v1;
	v20 =	vtrunc.f32 v44;
	v24 =	vadd.f32 v24, v36  }
0x26b: {  	v20 =	vcvt.f32.s32 v20;
	v25 =	vmin.f32 v45, v0;
	v21 =	vmul.f32 v21, v28  }
0x26c: {  	v46 =	vtrunc.f32 v25;
	v24 =	vmul.f32 v24, v38  }
0x26d: {  	[tilespmem:s0+$0x11A40] =	vst v10;
	v8 =	vadd.f32 v8, v16;
	v16 =	vcvt.f32.s32 v46;
	v48 =	vadd.f32 v21, v42  }
0x26e: {  	v15 =	vmul.f32 v15, v6;
	v49 =	vld.idx.msk [tilespmem:v18+s17+$0x0], $0xffff;
	v23 =	vadd.f32 v24, v23  }
0x26f: {  	v50 =	vld.idx.msk [tilespmem:v18+s16+$0x0], $0xffff;
	[tilespmem:s3+$0x11A40] =	vst v8;
	v51 =	vadd.f32 v48, v47  }
0x270: {  	v52 =	vld.idx.msk [tilespmem:v39+s17+$0x0], $0xffff;
	v53 =	vadd.f32 v23, v15  }
0x271: {  	v54 =	vld.idx.msk [tilespmem:v39+s16+$0x0], $0xffff;
	[tilespmem:s5+$0x11A40] =	vst v51  }
0x272: {  	v8 =	vld.idx.msk [tilespmem:v20+s17+$0x0], $0xffff;
	[tilespmem:s6+$0x11A40] =	vst v53  }
0x273: {  	v14 =	vld.idx.msk [tilespmem:v16+s17+$0x0], $0xffff  }
0x274: {  	v55 =	vld.idx.msk [tilespmem:v20+s16+$0x0], $0xffff  }
0x275: {  	v10 =	vmul.f32 v30, v52;
	v56 =	vld.idx.msk [tilespmem:v16+s16+$0x0], $0xffff  }
0x276: {  	v58 =	vld.idx.msk [tilespmem:v39+s15+$0x0], $0xffff;
	v21 =	vmul.f32 v19, v49  }
0x277: {  	v57 =	vld.idx.msk [tilespmem:v18+s15+$0x0], $0xffff;
	v10 =	vadd.f32 v10, v54;
	v8 =	vmul.f32 v22, v8  }
0x278: {  	v21 =	vadd.f32 v21, v50;
	v59 =	vld.idx.msk [tilespmem:v20+s15+$0x0], $0xffff;
	v14 =	vmul.f32 v7, v14  }
0x279: {  	v10 =	vmul.f32 v10, v30;
	v60 =	vld.idx.msk [tilespmem:v16+s15+$0x0], $0xffff;
	v8 =	vadd.f32 v8, v55  }
0x27a: {  	v11 =	vld.idx.msk [tilespmem:v39+s4+$0x0], $0xffff;
	v21 =	vmul.f32 v21, v19;
	v14 =	vadd.f32 v14, v56  }
0x27b: {  	v18 =	vld.idx.msk [tilespmem:v18+s4+$0x0], $0xffff;
	v10 =	vadd.f32 v10, v58;
	v8 =	vmul.f32 v8, v22  }
0x27c: {  	v20 =	vld.idx.msk [tilespmem:v20+s4+$0x0], $0xffff;
	v21 =	vadd.f32 v21, v57;
	v14 =	vmul.f32 v14, v7  }
0x27d: {  	v10 =	vmul.f32 v10, v30;
	v61 =	vld.idx.msk [tilespmem:v16+s4+$0x0], $0xffff;
	v8 =	vadd.f32 v8, v59  }
0x27e: {  	v19 =	vmul.f32 v21, v19;
	v14 =	vadd.f32 v14, v60  }
0x27f: {  	v13 =	vmul.f32 v13, v6;
	v10 =	vadd.f32 v10, v11;
	v8 =	vmul.f32 v8, v22  }
0x280: {  	v9 =	vmul.f32 v9, v6;
	v62 =	vadd.f32 v19, v18;
	v7 =	vmul.f32 v14, v7  }
0x281: {  	v63 =	vmul.f32 v17, v6;
	v10 =	vadd.f32 v10, v13;
	v8 =	vadd.f32 v8, v20  }
0x282: {  	p1 =	sne.s32 s29, $0x17;
	v6 =	vmul.f32 v12, v6;
	v9 =	vadd.f32 v62, v9;
	v7 =	vadd.f32 v7, v61  }
.Ltmp1:
0x283: {  	[tilespmem:s3+$0x11A50] =	vst v10;
	v8 =	vadd.f32 v8, v63;
	(pc) =	sbr.rel @p1 .LBB2_6-.Ltmp1, $4  }
0x284: {  	s31 =	smul.u32 $0x1C00, s31;
	[tilespmem:s0+$0x11A50] =	vst v9;
	v6 =	vadd.f32 v7, v6  }
0x285: {  	[tilespmem:s5+$0x11A50] =	vst v8  }
0x286: {  	s0 =	sadd.s32 s2, s31;
	[tilespmem:s6+$0x11A50] =	vst v6  }
0x287: {  	[hbm4b:s0+s4] =	stream.linear.scatter [tilespmem:s22], [sflag:$0x3], $0x7000, $0x38;
	[tilespmem:$0x1F600] =	vst v63  }
.Ltmp2:
0x288: {  	(pc) =	sbr.rel .LBB2_7-.Ltmp2, $4  }
0x289: {  	_ = 	snop  }
0x28a: {  	_ =	swait.ge [sflag:s23], $0x7000  }
0x28b: {  	[sflag:s23] =	ssyncset.done $0x0  }
0x28c: {  	[sflag:s23] =	ssyncadd.s32 $0xFFFF9000  }
.LBB2_6:
0x28d: {  	s0 =	sadd.s32 s29, s13  }
0x28e: {  	s0 =	smul.u32 $0x1C00, s0;
	_ =	sdelay $0x1  }
.Ltmp3:
0x28f: {  	s0 =	sadd.s32 s1, s0;
	(pc) =	sbr.rel @p0 .LBB2_8-.Ltmp3, $4  }
0x290: {  	[tilespmem:s19], [sflag:$0x1] =	stream.linear.gather [hbm4b:s0+s4], $0x7000, $0x38;
	[tilespmem:$0x1F600] =	vst v63  }
0x291: {  	_ =	swait.ge [sflag:s23], $0x7000  }
0x292: {  	[sflag:s23] =	ssyncset.done $0x0  }
0x293: {  	[sflag:s23] =	ssyncadd.s32 $0xFFFF9000  }
.LBB2_7:
0x294: {  	_ =	swait.ge [sflag:s24], $0x7000  }
0x295: {  	[sflag:s24] =	ssyncset.done $0x0  }
0x296: {  	[sflag:s24] =	ssyncadd.s32 $0xFFFF9000  }
.LBB2_8:
0x297: {  	_ =	sdelay $0x1  }
0x298: {  	s0 =	simm.s32 $0x0  }
0x299: {  	s3 =	sand.u32 $0x7800, s0;
	s0 =	sand.u32 $0x380, s0  }
0x29a: {  	v6 =	vld.idx.msk [tilespmem:v3+s18+$0x0], $0xffff;
	s0 =	sor.u32 s0, s3  }
0x29b: {  	v7 =	vld [tilespmem:s0+$0xA600];
	_ =	sdelay $0x1  }
0x29c: {  	v4 =	vld.idx.msk [tilespmem:v4+s18+$0x0], $0xffff;
	_ =	sdelay $0x2  }
0x29d: {  	v3 =	vmul.f32 v7, v6;
	_ =	sdelay $0x1  }
0x29e: {  	v3 =	vadd.f32 v3, v4;
	_ =	sdelay $0x1  }
0x29f: {  	v3 =	vmax.f32 v3, $-1.500000000e+00  }
0x2a0: {  	v8 =	vmin.f32 v3, $1.500000000e+00  }
0x2a1: {  	v3 =	vmul.f32 $6.500000000e+00, v8;
	_ =	sdelay $0x1  }
0x2a2: {  	v3 =	vadd.f32 v3, v2;
	_ =	sdelay $0x1  }
0x2a3: {  	v3 =	vmax.f32 v3, v1  }
0x2a4: {  	v3 =	vmin.f32 v3, v0  }
0x2a5: {  	v3 =	vtrunc.f32 v3  }
0x2a6: {  	v9 =	vcvt.f32.s32 v3;
	_ =	sdelay $0x1  }
0x2a7: {  	v10 =	vld [tilespmem:s0+$0xA610];
	_ =	sdelay $0x3  }
0x2a8: {  	v3 =	vld.idx.msk [tilespmem:v9+s17+$0x0], $0xffff  }
0x2a9: {  	v11 =	vmul.f32 v10, v6  }
0x2aa: {  	v12 =	vld.idx.msk [tilespmem:v9+s16+$0x0], $0xffff  }
0x2ab: {  	v11 =	vadd.f32 v11, v4;
	_ =	sdelay $0x1  }
0x2ac: {  	v11 =	vmax.f32 v11, $-1.500000000e+00;
	v3 =	vmul.f32 v8, v3  }
0x2ad: {  	v11 =	vmin.f32 v11, $1.500000000e+00;
	v13 =	vld.idx.msk [tilespmem:v9+s15+$0x0], $0xffff  }
0x2ae: {  	v14 =	vmul.f32 $6.500000000e+00, v11;
	v12 =	vadd.f32 v3, v12;
	_ =	sdelay $0x1  }
0x2af: {  	v3 =	vld.idx.msk [tilespmem:v5+s18+$0x0], $0xffff;
	v5 =	vadd.f32 v14, v2;
	v12 =	vmul.f32 v12, v8  }
0x2b0: {  	v9 =	vld.idx.msk [tilespmem:v9+s4+$0x0], $0xffff  }
0x2b1: {  	v5 =	vmax.f32 v5, v1;
	v12 =	vadd.f32 v12, v13  }
0x2b2: {  	v5 =	vmin.f32 v5, v0  }
0x2b3: {  	v5 =	vtrunc.f32 v5;
	v8 =	vmul.f32 v12, v8  }
0x2b4: {  	v5 =	vcvt.f32.s32 v5  }
0x2b5: {  	v7 =	vmul.f32 v7, v3;
	v8 =	vadd.f32 v8, v9  }
0x2b6: {  	v9 =	vld [tilespmem:s0+$0xA620]  }
0x2b7: {  	v7 =	vadd.f32 v8, v7;
	_ =	sdelay $0x1  }
0x2b8: {  	[tilespmem:s0+$0x18600] =	vst v7  }
0x2b9: {  	v7 =	vld.idx.msk [tilespmem:v5+s17+$0x0], $0xffff  }
0x2ba: {  	v8 =	vmul.f32 v9, v6  }
0x2bb: {  	v12 =	vld.idx.msk [tilespmem:v5+s16+$0x0], $0xffff  }
0x2bc: {  	v8 =	vadd.f32 v8, v4;
	_ =	sdelay $0x1  }
0x2bd: {  	v8 =	vmax.f32 v8, $-1.500000000e+00;
	v7 =	vmul.f32 v11, v7  }
0x2be: {  	v13 =	vld.idx.msk [tilespmem:v5+s15+$0x0], $0xffff;
	v8 =	vmin.f32 v8, $1.500000000e+00  }
0x2bf: {  	v14 =	vmul.f32 $6.500000000e+00, v8;
	v7 =	vadd.f32 v7, v12;
	_ =	sdelay $0x1  }
0x2c0: {  	v12 =	vadd.f32 v14, v2;
	v7 =	vmul.f32 v7, v11  }
0x2c1: {  	v5 =	vld.idx.msk [tilespmem:v5+s4+$0x0], $0xffff  }
0x2c2: {  	v12 =	vmax.f32 v12, v1;
	v7 =	vadd.f32 v7, v13  }
0x2c3: {  	v12 =	vmin.f32 v12, v0  }
0x2c4: {  	v7 =	vmul.f32 v7, v11;
	v11 =	vtrunc.f32 v12  }
0x2c5: {  	v11 =	vcvt.f32.s32 v11  }
0x2c6: {  	v10 =	vmul.f32 v10, v3;
	v5 =	vadd.f32 v7, v5  }
0x2c7: {  	v7 =	vld [tilespmem:s0+$0xA630]  }
0x2c8: {  	v5 =	vadd.f32 v5, v10;
	_ =	sdelay $0x1  }
0x2c9: {  	[tilespmem:s0+$0x18610] =	vst v5  }
0x2ca: {  	v5 =	vld.idx.msk [tilespmem:v11+s17+$0x0], $0xffff  }
0x2cb: {  	v10 =	vmul.f32 v7, v6  }
0x2cc: {  	v12 =	vld.idx.msk [tilespmem:v11+s16+$0x0], $0xffff  }
0x2cd: {  	v10 =	vadd.f32 v10, v4;
	_ =	sdelay $0x1  }
0x2ce: {  	v10 =	vmax.f32 v10, $-1.500000000e+00;
	v5 =	vmul.f32 v8, v5  }
0x2cf: {  	v13 =	vld.idx.msk [tilespmem:v11+s15+$0x0], $0xffff;
	v10 =	vmin.f32 v10, $1.500000000e+00  }
0x2d0: {  	v14 =	vmul.f32 $6.500000000e+00, v10;
	v5 =	vadd.f32 v5, v12;
	_ =	sdelay $0x1  }
0x2d1: {  	v12 =	vadd.f32 v14, v2;
	v5 =	vmul.f32 v5, v8  }
0x2d2: {  	v11 =	vld.idx.msk [tilespmem:v11+s4+$0x0], $0xffff  }
0x2d3: {  	s8 =	simm.s32 $0x100;
	s5 =	simm.s32 $0x80;
	v12 =	vmax.f32 v12, v1;
	v5 =	vadd.f32 v5, v13  }
0x2d4: {  	s5 =	sand.u32 $0x380, s5;
	s3 =	sand.u32 $0x7800, s8;
	v12 =	vmin.f32 v12, v0  }
0x2d5: {  	s3 =	sor.u32 s5, s3;
	v5 =	vmul.f32 v5, v8;
	v8 =	vtrunc.f32 v12  }
0x2d6: {  	v12 =	vld [tilespmem:s3+$0xA600];
	v8 =	vcvt.f32.s32 v8  }
0x2d7: {  	v9 =	vmul.f32 v9, v3;
	v5 =	vadd.f32 v5, v11  }
0x2d8: {  	v11 =	vld [tilespmem:s0+$0xA640]  }
0x2d9: {  	v5 =	vadd.f32 v5, v9;
	_ =	sdelay $0x1  }
0x2da: {  	v9 =	vmul.f32 v12, v6;
	[tilespmem:s0+$0x18620] =	vst v5  }
0x2db: {  	v5 =	vld.idx.msk [tilespmem:v8+s17+$0x0], $0xffff  }
0x2dc: {  	v13 =	vmul.f32 v11, v6;
	v9 =	vadd.f32 v9, v4  }
0x2dd: {  	v14 =	vld.idx.msk [tilespmem:v8+s16+$0x0], $0xffff  }
0x2de: {  	v13 =	vadd.f32 v13, v4;
	v9 =	vmax.f32 v9, $-1.500000000e+00  }
0x2df: {  	v9 =	vmin.f32 v9, $1.500000000e+00  }
0x2e0: {  	v13 =	vmax.f32 v13, $-1.500000000e+00;
	v15 =	vmul.f32 $6.500000000e+00, v9;
	v5 =	vmul.f32 v10, v5  }
0x2e1: {  	v16 =	vld.idx.msk [tilespmem:v8+s15+$0x0], $0xffff;
	v13 =	vmin.f32 v13, $1.500000000e+00  }
0x2e2: {  	v17 =	vmul.f32 $6.500000000e+00, v13;
	v15 =	vadd.f32 v15, v2;
	v5 =	vadd.f32 v5, v14;
	_ =	sdelay $0x1  }
0x2e3: {  	v14 =	vadd.f32 v17, v2;
	v15 =	vmax.f32 v15, v1;
	v5 =	vmul.f32 v5, v10  }
0x2e4: {  	v8 =	vld.idx.msk [tilespmem:v8+s4+$0x0], $0xffff;
	v15 =	vmin.f32 v15, v0  }
0x2e5: {  	v14 =	vmax.f32 v14, v1;
	v15 =	vtrunc.f32 v15;
	v5 =	vadd.f32 v5, v16  }
0x2e6: {  	v14 =	vmin.f32 v14, v0;
	v15 =	vcvt.f32.s32 v15  }
0x2e7: {  	v5 =	vmul.f32 v5, v10;
	v10 =	vtrunc.f32 v14  }
0x2e8: {  	v14 =	vld [tilespmem:s3+$0xA610];
	v10 =	vcvt.f32.s32 v10  }
0x2e9: {  	v7 =	vmul.f32 v7, v3;
	v5 =	vadd.f32 v5, v8  }
0x2ea: {  	v8 =	vld [tilespmem:s0+$0xA650]  }
0x2eb: {  	v5 =	vadd.f32 v5, v7;
	_ =	sdelay $0x1  }
0x2ec: {  	v16 =	vld.idx.msk [tilespmem:v15+s17+$0x0], $0xffff;
	v7 =	vmul.f32 v14, v6;
	[tilespmem:s0+$0x18630] =	vst v5  }
0x2ed: {  	v5 =	vld.idx.msk [tilespmem:v10+s17+$0x0], $0xffff  }
0x2ee: {  	v18 =	vld.idx.msk [tilespmem:v15+s16+$0x0], $0xffff;
	v17 =	vmul.f32 v8, v6;
	v7 =	vadd.f32 v7, v4  }
0x2ef: {  	v19 =	vld.idx.msk [tilespmem:v10+s16+$0x0], $0xffff  }
0x2f0: {  	v17 =	vadd.f32 v17, v4;
	v7 =	vmax.f32 v7, $-1.500000000e+00  }
0x2f1: {  	v16 =	vmul.f32 v9, v16;
	v7 =	vmin.f32 v7, $1.500000000e+00  }
0x2f2: {  	v20 =	vld.idx.msk [tilespmem:v15+s15+$0x0], $0xffff;
	v17 =	vmax.f32 v17, $-1.500000000e+00;
	v21 =	vmul.f32 $6.500000000e+00, v7;
	v5 =	vmul.f32 v13, v5  }
0x2f3: {  	v16 =	vadd.f32 v16, v18;
	v18 =	vld.idx.msk [tilespmem:v10+s15+$0x0], $0xffff;
	v17 =	vmin.f32 v17, $1.500000000e+00  }
0x2f4: {  	v22 =	vmul.f32 $6.500000000e+00, v17;
	v21 =	vadd.f32 v21, v2;
	v5 =	vadd.f32 v5, v19  }
0x2f5: {  	v16 =	vmul.f32 v16, v9  }
0x2f6: {  	v15 =	vld.idx.msk [tilespmem:v15+s4+$0x0], $0xffff;
	v19 =	vadd.f32 v22, v2;
	v21 =	vmax.f32 v21, v1;
	v5 =	vmul.f32 v5, v13  }
0x2f7: {  	v10 =	vld.idx.msk [tilespmem:v10+s4+$0x0], $0xffff;
	v16 =	vadd.f32 v16, v20;
	v21 =	vmin.f32 v21, v0  }
0x2f8: {  	v20 =	vtrunc.f32 v21;
	v19 =	vmax.f32 v19, v1;
	v5 =	vadd.f32 v5, v18  }
0x2f9: {  	v9 =	vmul.f32 v16, v9;
	v16 =	vcvt.f32.s32 v20;
	v18 =	vmin.f32 v19, v0  }
0x2fa: {  	v5 =	vmul.f32 v5, v13;
	v13 =	vtrunc.f32 v18  }
0x2fb: {  	v12 =	vmul.f32 v12, v3;
	v9 =	vadd.f32 v9, v15;
	v15 =	vld [tilespmem:s3+$0xA620];
	v13 =	vcvt.f32.s32 v13  }
0x2fc: {  	v5 =	vadd.f32 v5, v10;
	v10 =	vmul.f32 v11, v3  }
0x2fd: {  	v9 =	vadd.f32 v9, v12;
	v11 =	vld [tilespmem:s0+$0xA660]  }
0x2fe: {  	v5 =	vadd.f32 v5, v10  }
0x2ff: {  	[tilespmem:s3+$0x18600] =	vst v9  }
0x300: {  	v9 =	vld.idx.msk [tilespmem:v16+s17+$0x0], $0xffff;
	v10 =	vmul.f32 v15, v6;
	[tilespmem:s0+$0x18640] =	vst v5  }
0x301: {  	v5 =	vld.idx.msk [tilespmem:v13+s17+$0x0], $0xffff  }
0x302: {  	v18 =	vld.idx.msk [tilespmem:v16+s16+$0x0], $0xffff;
	v10 =	vadd.f32 v10, v4;
	v12 =	vmul.f32 v11, v6  }
0x303: {  	v19 =	vld.idx.msk [tilespmem:v13+s16+$0x0], $0xffff  }
0x304: {  	v10 =	vmax.f32 v10, $-1.500000000e+00;
	v12 =	vadd.f32 v12, v4  }
0x305: {  	v10 =	vmin.f32 v10, $1.500000000e+00;
	v9 =	vmul.f32 v7, v9  }
0x306: {  	v20 =	vld.idx.msk [tilespmem:v16+s15+$0x0], $0xffff;
	v21 =	vmul.f32 $6.500000000e+00, v10;
	v12 =	vmax.f32 v12, $-1.500000000e+00;
	v5 =	vmul.f32 v17, v5  }
0x307: {  	v9 =	vadd.f32 v9, v18;
	v18 =	vld.idx.msk [tilespmem:v13+s15+$0x0], $0xffff;
	v12 =	vmin.f32 v12, $1.500000000e+00  }
0x308: {  	v21 =	vadd.f32 v21, v2;
	v22 =	vmul.f32 $6.500000000e+00, v12;
	v5 =	vadd.f32 v5, v19  }
0x309: {  	v9 =	vmul.f32 v9, v7  }
0x30a: {  	v16 =	vld.idx.msk [tilespmem:v16+s4+$0x0], $0xffff;
	v21 =	vmax.f32 v21, v1;
	v19 =	vadd.f32 v22, v2;
	v5 =	vmul.f32 v5, v17  }
0x30b: {  	v13 =	vld.idx.msk [tilespmem:v13+s4+$0x0], $0xffff;
	v9 =	vadd.f32 v9, v20;
	v20 =	vmin.f32 v21, v0  }
0x30c: {  	v20 =	vtrunc.f32 v20;
	v19 =	vmax.f32 v19, v1;
	v5 =	vadd.f32 v5, v18  }
0x30d: {  	v7 =	vmul.f32 v9, v7;
	v9 =	vcvt.f32.s32 v20;
	v18 =	vmin.f32 v19, v0  }
0x30e: {  	v18 =	vtrunc.f32 v18;
	v5 =	vmul.f32 v5, v17  }
0x30f: {  	v14 =	vmul.f32 v14, v3;
	v7 =	vadd.f32 v7, v16;
	v16 =	vld [tilespmem:s3+$0xA630];
	v17 =	vcvt.f32.s32 v18  }
0x310: {  	v8 =	vmul.f32 v8, v3;
	v5 =	vadd.f32 v5, v13  }
0x311: {  	v7 =	vadd.f32 v7, v14;
	v13 =	vld [tilespmem:s0+$0xA670]  }
0x312: {  	v8 =	vadd.f32 v5, v8  }
0x313: {  	[tilespmem:s3+$0x18610] =	vst v7  }
0x314: {  	v7 =	vld.idx.msk [tilespmem:v9+s17+$0x0], $0xffff;
	v14 =	vmul.f32 v16, v6;
	[tilespmem:s0+$0x18650] =	vst v8  }
0x315: {  	v8 =	vld.idx.msk [tilespmem:v17+s17+$0x0], $0xffff  }
0x316: {  	v19 =	vld.idx.msk [tilespmem:v9+s16+$0x0], $0xffff;
	v14 =	vadd.f32 v14, v4;
	v18 =	vmul.f32 v13, v6  }
0x317: {  	v20 =	vld.idx.msk [tilespmem:v17+s16+$0x0], $0xffff  }
0x318: {  	v14 =	vmax.f32 v14, $-1.500000000e+00;
	v18 =	vadd.f32 v18, v4  }
0x319: {  	v7 =	vmul.f32 v10, v7;
	v14 =	vmin.f32 v14, $1.500000000e+00  }
0x31a: {  	v21 =	vld.idx.msk [tilespmem:v9+s15+$0x0], $0xffff;
	v22 =	vmul.f32 $6.500000000e+00, v14;
	v18 =	vmax.f32 v18, $-1.500000000e+00;
	v8 =	vmul.f32 v12, v8  }
0x31b: {  	v7 =	vadd.f32 v7, v19;
	v19 =	vld.idx.msk [tilespmem:v17+s15+$0x0], $0xffff;
	v18 =	vmin.f32 v18, $1.500000000e+00  }
0x31c: {  	v22 =	vadd.f32 v22, v2;
	v23 =	vmul.f32 $6.500000000e+00, v18;
	v8 =	vadd.f32 v8, v20  }
0x31d: {  	s10 =	simm.s32 $0x200;
	s6 =	simm.s32 $0x100;
	v7 =	vmul.f32 v7, v10  }
0x31e: {  	s6 =	sand.u32 $0x380, s6;
	s5 =	sand.u32 $0x7800, s10;
	v9 =	vld.idx.msk [tilespmem:v9+s4+$0x0], $0xffff;
	v22 =	vmax.f32 v22, v1;
	v20 =	vadd.f32 v23, v2;
	v8 =	vmul.f32 v8, v12  }
0x31f: {  	s5 =	sor.u32 s6, s5;
	v17 =	vld.idx.msk [tilespmem:v17+s4+$0x0], $0xffff;
	v7 =	vadd.f32 v7, v21;
	v21 =	vmin.f32 v22, v0  }
0x320: {  	v22 =	vld [tilespmem:s5+$0xA600];
	v21 =	vtrunc.f32 v21;
	v20 =	vmax.f32 v20, v1;
	v8 =	vadd.f32 v8, v19  }
0x321: {  	v7 =	vmul.f32 v7, v10;
	v10 =	vcvt.f32.s32 v21;
	v19 =	vmin.f32 v20, v0  }
0x322: {  	v19 =	vtrunc.f32 v19;
	v8 =	vmul.f32 v8, v12  }
0x323: {  	v5 =	vld [tilespmem:s0+$0xAA00];
	v9 =	vadd.f32 v7, v9;
	v12 =	vmul.f32 v15, v3;
	v15 =	vcvt.f32.s32 v19  }
0x324: {  	v11 =	vmul.f32 v11, v3;
	v7 =	vld [tilespmem:s3+$0xA640];
	v8 =	vadd.f32 v8, v17  }
0x325: {  	v9 =	vadd.f32 v9, v12;
	v12 =	vmul.f32 v22, v6  }
0x326: {  	v11 =	vadd.f32 v8, v11  }
0x327: {  	[tilespmem:s3+$0x18620] =	vst v9;
	v9 =	vadd.f32 v12, v4  }
0x328: {  	v12 =	vmul.f32 v5, v6;
	v17 =	vld.idx.msk [tilespmem:v10+s17+$0x0], $0xffff;
	[tilespmem:s0+$0x18660] =	vst v11  }
0x329: {  	v11 =	vmul.f32 v7, v6;
	v9 =	vmax.f32 v9, $-1.500000000e+00;
	v19 =	vld.idx.msk [tilespmem:v15+s17+$0x0], $0xffff  }
0x32a: {  	v20 =	vld.idx.msk [tilespmem:v10+s16+$0x0], $0xffff;
	v12 =	vadd.f32 v12, v4;
	v21 =	vmin.f32 v9, $1.500000000e+00  }
0x32b: {  	v23 =	vld.idx.msk [tilespmem:v15+s16+$0x0], $0xffff;
	v9 =	vadd.f32 v11, v4;
	v11 =	vmul.f32 $6.500000000e+00, v21  }
0x32c: {  	v12 =	vmax.f32 v12, $-1.500000000e+00  }
0x32d: {  	v9 =	vmax.f32 v9, $-1.500000000e+00;
	v11 =	vadd.f32 v11, v2;
	v17 =	vmul.f32 v14, v17  }
0x32e: {  	v12 =	vmin.f32 v12, $1.500000000e+00;
	v24 =	vmin.f32 v9, $1.500000000e+00;
	v9 =	vld.idx.msk [tilespmem:v10+s15+$0x0], $0xffff;
	v19 =	vmul.f32 v18, v19  }
0x32f: {  	v25 =	vmul.f32 $6.500000000e+00, v12;
	v11 =	vmax.f32 v11, v1;
	v17 =	vadd.f32 v17, v20;
	v20 =	vld.idx.msk [tilespmem:v15+s15+$0x0], $0xffff  }
0x330: {  	v26 =	vmul.f32 $6.500000000e+00, v24;
	v11 =	vmin.f32 v11, v0;
	v19 =	vadd.f32 v19, v23  }
0x331: {  	v23 =	vadd.f32 v25, v2;
	v17 =	vmul.f32 v17, v14;
	v11 =	vtrunc.f32 v11  }
0x332: {  	v10 =	vld.idx.msk [tilespmem:v10+s4+$0x0], $0xffff;
	v11 =	vcvt.f32.s32 v11;
	v19 =	vmul.f32 v19, v18  }
0x333: {  	v15 =	vld.idx.msk [tilespmem:v15+s4+$0x0], $0xffff;
	v25 =	vadd.f32 v26, v2;
	v23 =	vmax.f32 v23, v1  }
0x334: {  	v26 =	vld [tilespmem:s5+$0xA610];
	v17 =	vadd.f32 v17, v9;
	v23 =	vmin.f32 v23, v0;
	v19 =	vadd.f32 v19, v20  }
0x335: {  	v8 =	vld [tilespmem:s0+$0xAA10];
	v25 =	vmax.f32 v25, v1;
	v23 =	vtrunc.f32 v23  }
0x336: {  	v25 =	vmin.f32 v25, v0;
	v14 =	vmul.f32 v17, v14;
	v17 =	vmul.f32 v19, v18  }
0x337: {  	v9 =	vld [tilespmem:s3+$0xA650];
	v18 =	vtrunc.f32 v25;
	v19 =	vcvt.f32.s32 v23  }
0x338: {  	v13 =	vmul.f32 v13, v3;
	v18 =	vcvt.f32.s32 v18;
	v15 =	vadd.f32 v17, v15;
	v17 =	vld.idx.msk [tilespmem:v11+s17+$0x0], $0xffff  }
0x339: {  	v16 =	vmul.f32 v16, v3;
	v14 =	vadd.f32 v14, v10;
	v23 =	vmul.f32 v26, v6  }
0x33a: {  	v20 =	vmul.f32 v8, v6;
	v27 =	vld.idx.msk [tilespmem:v11+s16+$0x0], $0xffff;
	v13 =	vadd.f32 v15, v13  }
0x33b: {  	v14 =	vadd.f32 v14, v16;
	v15 =	vadd.f32 v23, v4  }
0x33c: {  	v20 =	vadd.f32 v20, v4;
	v25 =	vmul.f32 v9, v6;
	v16 =	vld.idx.msk [tilespmem:v11+s15+$0x0], $0xffff;
	[tilespmem:s0+$0x18670] =	vst v13  }
0x33d: {  	[tilespmem:s3+$0x18630] =	vst v14;
	v14 =	vmax.f32 v15, $-1.500000000e+00;
	v15 =	vld.idx.msk [tilespmem:v19+s17+$0x0], $0xffff;
	v17 =	vmul.f32 v21, v17  }
0x33e: {  	v23 =	vadd.f32 v25, v4;
	v13 =	vmax.f32 v20, $-1.500000000e+00;
	v20 =	vld.idx.msk [tilespmem:v18+s17+$0x0], $0xffff;
	v25 =	vmin.f32 v14, $1.500000000e+00  }
0x33f: {  	v13 =	vmin.f32 v13, $1.500000000e+00;
	v28 =	vld.idx.msk [tilespmem:v19+s16+$0x0], $0xffff;
	v14 =	vmul.f32 $6.500000000e+00, v25;
	v17 =	vadd.f32 v17, v27  }
0x340: {  	v23 =	vmax.f32 v23, $-1.500000000e+00;
	v30 =	vld.idx.msk [tilespmem:v18+s16+$0x0], $0xffff;
	v27 =	vmul.f32 $6.500000000e+00, v13  }
0x341: {  	v23 =	vmin.f32 v23, $1.500000000e+00;
	v14 =	vadd.f32 v14, v2;
	v17 =	vmul.f32 v17, v21  }
0x342: {  	v11 =	vld.idx.msk [tilespmem:v11+s4+$0x0], $0xffff;
	v29 =	vmul.f32 $6.500000000e+00, v23;
	v27 =	vadd.f32 v27, v2;
	v15 =	vmul.f32 v12, v15  }
0x343: {  	v31 =	vld.idx.msk [tilespmem:v19+s15+$0x0], $0xffff;
	v14 =	vmax.f32 v14, v1;
	v16 =	vadd.f32 v17, v16;
	v17 =	vmul.f32 v24, v20  }
0x344: {  	v20 =	vmax.f32 v27, v1;
	v27 =	vld.idx.msk [tilespmem:v18+s15+$0x0], $0xffff;
	v14 =	vmin.f32 v14, v0;
	v15 =	vadd.f32 v15, v28  }
0x345: {  	v22 =	vmul.f32 v22, v3;
	v14 =	vtrunc.f32 v14;
	v17 =	vadd.f32 v17, v30  }
0x346: {  	v10 =	vld [tilespmem:s0+$0xAA20];
	v29 =	vadd.f32 v29, v2;
	v16 =	vmul.f32 v16, v21;
	v15 =	vmul.f32 v15, v12  }
0x347: {  	v19 =	vld.idx.msk [tilespmem:v19+s4+$0x0], $0xffff;
	v20 =	vmin.f32 v20, v0;
	v21 =	vcvt.f32.s32 v14;
	v14 =	vmul.f32 v17, v24  }
0x348: {  	v18 =	vld.idx.msk [tilespmem:v18+s4+$0x0], $0xffff;
	v11 =	vadd.f32 v16, v11;
	v17 =	vtrunc.f32 v20;
	v15 =	vadd.f32 v15, v31  }
0x349: {  	v28 =	vld [tilespmem:s3+$0xA660];
	v20 =	vmax.f32 v29, v1;
	v17 =	vcvt.f32.s32 v17;
	v14 =	vadd.f32 v14, v27  }
0x34a: {  	v11 =	vadd.f32 v11, v22;
	v22 =	vld [tilespmem:s5+$0xA620];
	v12 =	vmul.f32 v15, v12;
	v15 =	vmin.f32 v20, v0  }
0x34b: {  	v14 =	vmul.f32 v14, v24;
	v15 =	vtrunc.f32 v15  }
0x34c: {  	v5 =	vmul.f32 v5, v3;
	[tilespmem:s5+$0x18600] =	vst v11;
	v11 =	vadd.f32 v12, v19;
	v15 =	vcvt.f32.s32 v15  }
0x34d: {  	v7 =	vmul.f32 v7, v3;
	v16 =	vmul.f32 v10, v6;
	v14 =	vadd.f32 v14, v18  }
0x34e: {  	v19 =	vmul.f32 v28, v6;
	v18 =	vld.idx.msk [tilespmem:v21+s17+$0x0], $0xffff;
	v5 =	vadd.f32 v11, v5  }
0x34f: {  	v11 =	vadd.f32 v16, v4;
	v16 =	vld.idx.msk [tilespmem:v21+s16+$0x0], $0xffff;
	v20 =	vmul.f32 v22, v6;
	v7 =	vadd.f32 v14, v7  }
0x350: {  	v14 =	vadd.f32 v19, v4;
	v19 =	vld.idx.msk [tilespmem:v21+s15+$0x0], $0xffff;
	[tilespmem:s0+$0x18A00] =	vst v5  }
0x351: {  	v5 =	vadd.f32 v20, v4;
	v11 =	vmax.f32 v11, $-1.500000000e+00;
	v20 =	vld.idx.msk [tilespmem:v17+s17+$0x0], $0xffff;
	[tilespmem:s3+$0x18640] =	vst v7  }
0x352: {  	v24 =	vmax.f32 v14, $-1.500000000e+00;
	v14 =	vmin.f32 v11, $1.500000000e+00;
	v11 =	vld.idx.msk [tilespmem:v15+s17+$0x0], $0xffff  }
0x353: {  	v8 =	vmul.f32 v8, v3;
	v29 =	vld.idx.msk [tilespmem:v17+s16+$0x0], $0xffff;
	v18 =	vmul.f32 v25, v18  }
0x354: {  	v5 =	vmax.f32 v5, $-1.500000000e+00;
	v24 =	vmin.f32 v24, $1.500000000e+00;
	v27 =	vmul.f32 $6.500000000e+00, v14;
	v31 =	vld.idx.msk [tilespmem:v15+s16+$0x0], $0xffff  }
0x355: {  	v30 =	vmin.f32 v5, $1.500000000e+00;
	v5 =	vmul.f32 $6.500000000e+00, v24;
	v16 =	vadd.f32 v18, v16  }
0x356: {  	v21 =	vld.idx.msk [tilespmem:v21+s4+$0x0], $0xffff;
	v18 =	vmul.f32 $6.500000000e+00, v30;
	v27 =	vadd.f32 v27, v2;
	v20 =	vmul.f32 v13, v20  }
0x357: {  	v32 =	vld.idx.msk [tilespmem:v17+s15+$0x0], $0xffff;
	v5 =	vadd.f32 v5, v2;
	v16 =	vmul.f32 v16, v25;
	v11 =	vmul.f32 v23, v11  }
0x358: {  	v26 =	vmul.f32 v26, v3;
	v33 =	vld.idx.msk [tilespmem:v15+s15+$0x0], $0xffff;
	v18 =	vadd.f32 v18, v2;
	v20 =	vadd.f32 v20, v29  }
0x359: {  	v27 =	vmax.f32 v27, v1;
	v16 =	vadd.f32 v16, v19;
	v11 =	vadd.f32 v11, v31  }
0x35a: {  	v12 =	vld [tilespmem:s0+$0xAA40];
	v27 =	vmin.f32 v27, v0;
	v18 =	vmax.f32 v18, v1;
	v20 =	vmul.f32 v20, v13  }
0x35b: {  	v17 =	vld.idx.msk [tilespmem:v17+s4+$0x0], $0xffff;
	v18 =	vmin.f32 v18, v0;
	v16 =	vmul.f32 v16, v25;
	v11 =	vmul.f32 v11, v23  }
0x35c: {  	v15 =	vld.idx.msk [tilespmem:v15+s4+$0x0], $0xffff;
	v19 =	vmax.f32 v5, v1;
	v18 =	vtrunc.f32 v18;
	v20 =	vadd.f32 v20, v32  }
0x35d: {  	v31 =	vld [tilespmem:s3+$0xA670];
	v29 =	vcvt.f32.s32 v18;
	v16 =	vadd.f32 v16, v21;
	v18 =	vadd.f32 v11, v33  }
0x35e: {  	v27 =	vtrunc.f32 v27;
	v19 =	vmin.f32 v19, v0;
	v25 =	vld [tilespmem:s0+$0xAA30];
	v13 =	vmul.f32 v20, v13  }
0x35f: {  	v21 =	vld [tilespmem:s5+$0xA630];
	v16 =	vadd.f32 v16, v26;
	v20 =	vcvt.f32.s32 v27;
	v18 =	vmul.f32 v18, v23  }
0x360: {  	v7 =	vmul.f32 v12, v3;
	v5 =	vld [tilespmem:s0+$0xAA50];
	v19 =	vtrunc.f32 v19;
	v17 =	vadd.f32 v13, v17  }
0x361: {  	v19 =	vcvt.f32.s32 v19;
	v11 =	vld [tilespmem:s3+$0xAA00];
	[tilespmem:s5+$0x18610] =	vst v16;
	v16 =	vmul.f32 v9, v3;
	v15 =	vadd.f32 v18, v15  }
0x362: {  	v23 =	vmul.f32 v12, v6;
	v13 =	vld [tilespmem:s5+$0xA640];
	v8 =	vadd.f32 v17, v8;
	v17 =	vmul.f32 v10, v3  }
0x363: {  	v10 =	vld.idx.msk [tilespmem:v29+s17+$0x0], $0xffff;
	v12 =	vadd.f32 v15, v16;
	v15 =	vmul.f32 v31, v6;
	v16 =	vmul.f32 v25, v6  }
0x364: {  	v35 =	vmul.f32 v28, v3;
	v27 =	vld.idx.msk [tilespmem:v29+s16+$0x0], $0xffff;
	v18 =	vmul.f32 v21, v6;
	[tilespmem:s0+$0x18A10] =	vst v8  }
0x365: {  	[tilespmem:s3+$0x18650] =	vst v12;
	v8 =	vadd.f32 v15, v4;
	v15 =	vld.idx.msk [tilespmem:v20+s17+$0x0], $0xffff;
	v12 =	vadd.f32 v16, v4  }
0x366: {  	v22 =	vmul.f32 v22, v3;
	v9 =	vmul.f32 v5, v6;
	v16 =	vadd.f32 v18, v4;
	v28 =	vld.idx.msk [tilespmem:v20+s16+$0x0], $0xffff  }
0x367: {  	v60 =	vmul.f32 v11, v6;
	v34 =	vld.idx.msk [tilespmem:v19+s17+$0x0], $0xffff;
	v8 =	vmax.f32 v8, $-1.500000000e+00;
	v12 =	vmax.f32 v12, $-1.500000000e+00  }
0x368: {  	v36 =	vld.idx.msk [tilespmem:v19+s16+$0x0], $0xffff;
	v16 =	vmax.f32 v16, $-1.500000000e+00;
	v10 =	vmul.f32 v30, v10;
	v12 =	vmin.f32 v12, $1.500000000e+00  }
0x369: {  	v18 =	vmin.f32 v8, $1.500000000e+00;
	v8 =	vld.idx.msk [tilespmem:v29+s15+$0x0], $0xffff;
	v26 =	vmin.f32 v16, $1.500000000e+00;
	v16 =	vmul.f32 $6.500000000e+00, v12  }
0x36a: {  	v61 =	vmul.f32 v13, v6;
	v37 =	vmul.f32 $6.500000000e+00, v26;
	v10 =	vadd.f32 v10, v27  }
0x36b: {  	v38 =	vmul.f32 $6.500000000e+00, v18;
	v15 =	vmul.f32 v14, v15;
	v16 =	vadd.f32 v16, v2  }
0x36c: {  	v27 =	vld.idx.msk [tilespmem:v20+s15+$0x0], $0xffff;
	v34 =	vmul.f32 v24, v34;
	v37 =	vadd.f32 v37, v2;
	v10 =	vmul.f32 v10, v30  }
0x36d: {  	v39 =	vld.idx.msk [tilespmem:v19+s15+$0x0], $0xffff;
	v38 =	vadd.f32 v38, v2;
	v15 =	vadd.f32 v15, v28;
	v16 =	vmax.f32 v16, v1  }
0x36e: {  	s31 =	simm.s32 $0x300;
	s7 =	simm.s32 $0x180;
	v40 =	vld.idx.msk [tilespmem:v29+s4+$0x0], $0xffff;
	v28 =	vadd.f32 v34, v36;
	v29 =	vmax.f32 v37, v1;
	v8 =	vadd.f32 v10, v8  }
0x36f: {  	s8 =	sand.u32 $0x380, s7;
	s6 =	sand.u32 $0x7800, s31;
	v19 =	vld.idx.msk [tilespmem:v19+s4+$0x0], $0xffff;
	v62 =	vmax.f32 v38, v1;
	v10 =	vmul.f32 v15, v14;
	v15 =	vmin.f32 v29, v0  }
0x370: {  	s6 =	sor.u32 s8, s6;
	v20 =	vld.idx.msk [tilespmem:v20+s4+$0x0], $0xffff;
	v16 =	vmin.f32 v16, v0;
	v36 =	vmul.f32 v28, v24;
	v8 =	vmul.f32 v8, v30  }
0x371: {  	v15 =	vtrunc.f32 v15;
	v30 =	vmin.f32 v62, v0;
	v28 =	vld [tilespmem:s6+$0xA600];
	v27 =	vadd.f32 v10, v27  }
0x372: {  	v16 =	vtrunc.f32 v16;
	v29 =	vcvt.f32.s32 v15;
	v15 =	vadd.f32 v36, v39  }
0x373: {  	v30 =	vtrunc.f32 v30;
	v8 =	vadd.f32 v8, v40;
	v14 =	vmul.f32 v27, v14  }
0x374: {  	v23 =	vadd.f32 v23, v4;
	v10 =	vld [tilespmem:s3+$0xAA10];
	v16 =	vcvt.f32.s32 v16;
	v15 =	vmul.f32 v15, v24  }
0x375: {  	v8 =	vadd.f32 v8, v22;
	v24 =	vcvt.f32.s32 v30;
	v14 =	vadd.f32 v14, v20  }
0x376: {  	v27 =	vadd.f32 v60, v4;
	v20 =	vmul.f32 v28, v6;
	v19 =	vadd.f32 v15, v19  }
0x377: {  	v22 =	vmul.f32 v31, v3;
	[tilespmem:s5+$0x18620] =	vst v8;
	v8 =	vadd.f32 v61, v4;
	v15 =	vld [tilespmem:s5+$0xA650];
	v17 =	vadd.f32 v14, v17  }
0x378: {  	v14 =	vmul.f32 v25, v3;
	v25 =	vadd.f32 v20, v4;
	v30 =	vld.idx.msk [tilespmem:v29+s16+$0x0], $0xffff;
	v19 =	vadd.f32 v19, v35  }
0x379: {  	v63 =	vmax.f32 v27, $-1.500000000e+00;
	v20 =	vmul.f32 v10, v6;
	v32 =	vld.idx.msk [tilespmem:v29+s17+$0x0], $0xffff;
	[tilespmem:s0+$0x18A20] =	vst v17;
	v17 =	vmax.f32 v23, $-1.500000000e+00  }
0x37a: {  	v31 =	vmax.f32 v25, $-1.500000000e+00;
	v23 =	vmax.f32 v8, $-1.500000000e+00;
	[tilespmem:s3+$0x18660] =	vst v19;
	v19 =	vld.idx.msk [tilespmem:v16+s17+$0x0], $0xffff;
	v8 =	vmin.f32 v17, $1.500000000e+00  }
0x37b: {  	s8 =	simm.s32 $0x400;
	v25 =	vmin.f32 v23, $1.500000000e+00;
	v17 =	vmin.f32 v63, $1.500000000e+00;
	v27 =	vld.idx.msk [tilespmem:v24+s17+$0x0], $0xffff;
	v23 =	vmul.f32 $6.500000000e+00, v8  }
.LBB2_9:
0x37c: {  	p0 =	sne.s32 s8, $0x6F00;
	v31 =	vmin.f32 v31, $1.500000000e+00;
	v33 =	vmul.f32 $6.500000000e+00, v25;
	v34 =	vmul.f32 $6.500000000e+00, v17;
	v35 =	vld.idx.msk [tilespmem:v16+s16+$0x0], $0xffff  }
0x37d: {  	v37 =	vmul.f32 v15, v6;
	v36 =	vmul.f32 $6.500000000e+00, v31;
	v38 =	vld.idx.msk [tilespmem:v24+s16+$0x0], $0xffff;
	v23 =	vadd.f32 v23, v2  }
0x37e: {  	v21 =	vmul.f32 v21, v3;
	v33 =	vadd.f32 v33, v2;
	v34 =	vadd.f32 v34, v2  }
0x37f: {  	v32 =	vmul.f32 v26, v32;
	v36 =	vadd.f32 v36, v2;
	v39 =	vld.idx.msk [tilespmem:v29+s15+$0x0], $0xffff;
	v23 =	vmax.f32 v23, v1  }
0x380: {  	v19 =	vmul.f32 v12, v19;
	v33 =	vmax.f32 v33, v1;
	v34 =	vmax.f32 v34, v1;
	v40 =	vld.idx.msk [tilespmem:v16+s15+$0x0], $0xffff  }
0x381: {  	v30 =	vadd.f32 v32, v30;
	v27 =	vmul.f32 v18, v27;
	v36 =	vmax.f32 v36, v1;
	v32 =	vld.idx.msk [tilespmem:v24+s15+$0x0], $0xffff  }
0x382: {  	v23 =	vmin.f32 v23, v0;
	v34 =	vmin.f32 v34, v0;
	v19 =	vadd.f32 v19, v35  }
0x383: {  	v35 =	vmin.f32 v36, v0;
	v30 =	vmul.f32 v30, v26;
	v27 =	vadd.f32 v27, v38;
	v29 =	vld.idx.msk [tilespmem:v29+s4+$0x0], $0xffff  }
0x384: {  	v33 =	vmin.f32 v33, v0;
	v35 =	vtrunc.f32 v35;
	v36 =	vld.idx.msk [tilespmem:v16+s4+$0x0], $0xffff;
	v16 =	vmul.f32 v19, v12  }
0x385: {  	v35 =	vcvt.f32.s32 v35;
	v30 =	vadd.f32 v30, v39;
	v27 =	vmul.f32 v27, v18;
	v24 =	vld.idx.msk [tilespmem:v24+s4+$0x0], $0xffff  }
0x386: {  	v23 =	vtrunc.f32 v23;
	v34 =	vtrunc.f32 v34;
	v19 =	vld [tilespmem:s6+$0xA610];
	v38 =	vadd.f32 v16, v40  }
0x387: {  	v26 =	vmul.f32 v30, v26;
	v30 =	vtrunc.f32 v33;
	v27 =	vadd.f32 v27, v32;
	v16 =	vld [tilespmem:s3+$0xAA20]  }
0x388: {  	v9 =	vadd.f32 v9, v4;
	v30 =	vcvt.f32.s32 v30;
	v12 =	vmul.f32 v38, v12  }
0x389: {  	v23 =	vcvt.f32.s32 v23;
	v26 =	vadd.f32 v26, v29;
	v18 =	vmul.f32 v27, v18  }
0x38a: {  	v20 =	vadd.f32 v20, v4;
	v27 =	vcvt.f32.s32 v34;
	v12 =	vadd.f32 v12, v36  }
0x38b: {  	v21 =	vadd.f32 v26, v21;
	v18 =	vadd.f32 v18, v24;
	v29 =	vld.idx.msk [tilespmem:v35+s15+$0x0], $0xffff;
	v32 =	vmul.f32 v19, v6  }
0x38c: {  	v26 =	vadd.f32 v37, v4;
	v24 =	vld.idx.msk [tilespmem:v35+s17+$0x0], $0xffff;
	v33 =	vmul.f32 v16, v6;
	v12 =	vadd.f32 v12, v14  }
0x38d: {  	v18 =	vadd.f32 v18, v22;
	v14 =	vld.idx.msk [tilespmem:v35+s16+$0x0], $0xffff;
	v32 =	vadd.f32 v32, v4;
	[tilespmem:s5+$0x18630] =	vst v21  }
0x38e: {  	v9 =	vmax.f32 v9, $-1.500000000e+00;
	v34 =	vmul.f32 v11, v3;
	v22 =	vmax.f32 v20, $-1.500000000e+00;
	v21 =	vld.idx.msk [tilespmem:v30+s17+$0x0], $0xffff;
	[tilespmem:s0+$0x18A30] =	vst v12  }
0x38f: {  	v11 =	vmin.f32 v9, $1.500000000e+00;
	v26 =	vmax.f32 v26, $-1.500000000e+00;
	v12 =	vmax.f32 v32, $-1.500000000e+00;
	[tilespmem:s3+$0x18670] =	vst v18;
	v18 =	vld.idx.msk [tilespmem:v23+s17+$0x0], $0xffff  }
0x390: {  	v20 =	vmin.f32 v12, $1.500000000e+00;
	v32 =	vld.idx.msk [tilespmem:v27+s17+$0x0], $0xffff;
	v12 =	vmin.f32 v22, $1.500000000e+00;
	v22 =	vmul.f32 $6.500000000e+00, v11  }
0x391: {  	v9 =	vmin.f32 v26, $1.500000000e+00;
	v36 =	vmul.f32 $6.500000000e+00, v20;
	v26 =	vmul.f32 $6.500000000e+00, v12;
	v37 =	vld.idx.msk [tilespmem:v23+s16+$0x0], $0xffff  }
0x392: {  	v38 =	vmul.f32 $6.500000000e+00, v9;
	v24 =	vmul.f32 v31, v24;
	v39 =	vld.idx.msk [tilespmem:v27+s16+$0x0], $0xffff;
	v22 =	vadd.f32 v22, v2  }
0x393: {  	v28 =	vmul.f32 v28, v3;
	v35 =	vld.idx.msk [tilespmem:v35+s4+$0x0], $0xffff;
	v36 =	vadd.f32 v36, v2;
	v26 =	vadd.f32 v26, v2  }
0x394: {  	v38 =	vadd.f32 v38, v2;
	v14 =	vadd.f32 v24, v14;
	v24 =	vld.idx.msk [tilespmem:v30+s16+$0x0], $0xffff;
	v22 =	vmax.f32 v22, v1  }
0x395: {  	v18 =	vmul.f32 v8, v18;
	v36 =	vmax.f32 v36, v1;
	v26 =	vmax.f32 v26, v1;
	v40 =	vld.idx.msk [tilespmem:v23+s15+$0x0], $0xffff  }
0x396: {  	v14 =	vmul.f32 v14, v31;
	v32 =	vmul.f32 v17, v32;
	v22 =	vmin.f32 v22, v0;
	v41 =	vld.idx.msk [tilespmem:v27+s15+$0x0], $0xffff  }
0x397: {  	v36 =	vmin.f32 v36, v0;
	v18 =	vadd.f32 v18, v37;
	v22 =	vtrunc.f32 v22  }
0x398: {  	v21 =	vmul.f32 v25, v21;
	v14 =	vadd.f32 v14, v29;
	v32 =	vadd.f32 v32, v39;
	v29 =	vld.idx.msk [tilespmem:v30+s15+$0x0], $0xffff  }
0x399: {  	v26 =	vmin.f32 v26, v0;
	v36 =	vtrunc.f32 v36;
	v37 =	vmul.f32 v18, v8;
	v23 =	vld.idx.msk [tilespmem:v23+s4+$0x0], $0xffff  }
0x39a: {  	v14 =	vmul.f32 v14, v31;
	v21 =	vadd.f32 v21, v24;
	v24 =	vld.idx.msk [tilespmem:v27+s4+$0x0], $0xffff;
	v27 =	vmul.f32 v32, v17  }
0x39b: {  	v26 =	vtrunc.f32 v26;
	v31 =	vcvt.f32.s32 v36;
	v32 =	vadd.f32 v37, v40;
	v18 =	vld [tilespmem:s5+$0xA660]  }
0x39c: {  	v14 =	vadd.f32 v14, v35;
	v21 =	vmul.f32 v21, v25;
	v30 =	vld.idx.msk [tilespmem:v30+s4+$0x0], $0xffff;
	v27 =	vadd.f32 v27, v41  }
0x39d: {  	v35 =	vmax.f32 v38, v1;
	v8 =	vmul.f32 v32, v8;
	v32 =	vcvt.f32.s32 v22  }
0x39e: {  	v14 =	vadd.f32 v14, v28;
	v21 =	vadd.f32 v21, v29;
	v22 =	vld [tilespmem:s6+$0xA620];
	v17 =	vmul.f32 v27, v17  }
0x39f: {  	v26 =	vcvt.f32.s32 v26;
	v27 =	vmin.f32 v35, v0;
	v8 =	vadd.f32 v8, v23  }
0x3a0: {  	[tilespmem:s6+$0x18600] =	vst v14;
	v14 =	vmul.f32 v21, v25;
	v21 =	vtrunc.f32 v27;
	v17 =	vadd.f32 v17, v24;
	v24 =	vld [tilespmem:s3+$0xAA40]  }
0x3a1: {  	v25 =	vmul.f32 v18, v6;
	v7 =	vadd.f32 v8, v7;
	v23 =	vld.idx.msk [tilespmem:v31+s15+$0x0], $0xffff;
	v21 =	vcvt.f32.s32 v21  }
0x3a2: {  	v13 =	vmul.f32 v13, v3;
	v27 =	vld.idx.msk [tilespmem:v31+s16+$0x0], $0xffff;
	v8 =	vadd.f32 v14, v30;
	v14 =	vadd.f32 v17, v34  }
0x3a3: {  	v29 =	vadd.f32 v33, v4;
	v28 =	vld.idx.msk [tilespmem:v31+s17+$0x0], $0xffff;
	v17 =	vmul.f32 v22, v6;
	[tilespmem:s0+$0x18A40] =	vst v7  }
0x3a4: {  	v7 =	vadd.f32 v8, v13;
	v8 =	vadd.f32 v25, v4;
	[tilespmem:s3+$0x18A00] =	vst v14;
	v13 =	vld.idx.msk [tilespmem:v32+s17+$0x0], $0xffff  }
0x3a5: {  	v14 =	vadd.f32 v17, v4;
	v25 =	vld.idx.msk [tilespmem:v26+s17+$0x0], $0xffff;
	v17 =	vmax.f32 v29, $-1.500000000e+00;
	v29 =	vmul.f32 v5, v3  }
0x3a6: {  	[tilespmem:s5+$0x18640] =	vst v7;
	v5 =	vmax.f32 v8, $-1.500000000e+00;
	v8 =	vmin.f32 v17, $1.500000000e+00;
	v7 =	vmul.f32 v24, v3;
	v30 =	vld.idx.msk [tilespmem:v32+s16+$0x0], $0xffff  }
0x3a7: {  	v17 =	vmax.f32 v14, $-1.500000000e+00;
	v33 =	vld.idx.msk [tilespmem:v21+s17+$0x0], $0xffff;
	v14 =	vmin.f32 v5, $1.500000000e+00;
	v5 =	vmul.f32 $6.500000000e+00, v8  }
0x3a8: {  	v10 =	vmul.f32 v10, v3;
	v17 =	vmin.f32 v17, $1.500000000e+00;
	v34 =	vmul.f32 $6.500000000e+00, v14;
	v35 =	vld.idx.msk [tilespmem:v26+s16+$0x0], $0xffff  }
0x3a9: {  	v28 =	vmul.f32 v20, v28;
	v36 =	vmul.f32 $6.500000000e+00, v17;
	v37 =	vld.idx.msk [tilespmem:v21+s16+$0x0], $0xffff;
	v5 =	vadd.f32 v5, v2  }
0x3aa: {  	v38 =	vmul.f32 v19, v3;
	v13 =	vmul.f32 v11, v13;
	v19 =	vadd.f32 v34, v2;
	v34 =	vld.idx.msk [tilespmem:v32+s15+$0x0], $0xffff  }
0x3ab: {  	v27 =	vadd.f32 v28, v27;
	v31 =	vld.idx.msk [tilespmem:v31+s4+$0x0], $0xffff;
	v28 =	vadd.f32 v36, v2;
	v5 =	vmax.f32 v5, v1  }
0x3ac: {  	v25 =	vmul.f32 v12, v25;
	v13 =	vadd.f32 v13, v30;
	v19 =	vmax.f32 v19, v1;
	v36 =	vld.idx.msk [tilespmem:v26+s15+$0x0], $0xffff  }
0x3ad: {  	v27 =	vmul.f32 v27, v20;
	v33 =	vmul.f32 v9, v33;
	v28 =	vmax.f32 v28, v1;
	v30 =	vld.idx.msk [tilespmem:v21+s15+$0x0], $0xffff  }
0x3ae: {  	v25 =	vadd.f32 v25, v35;
	v35 =	vmin.f32 v5, v0;
	v13 =	vmul.f32 v13, v11;
	v32 =	vld.idx.msk [tilespmem:v32+s4+$0x0], $0xffff  }
0x3af: {  	v23 =	vadd.f32 v27, v23;
	v27 =	vadd.f32 v33, v37;
	v33 =	vmin.f32 v19, v0;
	v5 =	vld [tilespmem:s3+$0xAA50]  }
0x3b0: {  	v19 =	vmul.f32 v25, v12;
	v25 =	vtrunc.f32 v35;
	v13 =	vadd.f32 v13, v34;
	v26 =	vld.idx.msk [tilespmem:v26+s4+$0x0], $0xffff  }
0x3b1: {  	v20 =	vmul.f32 v23, v20;
	v23 =	vmin.f32 v28, v0;
	v28 =	vld.idx.msk [tilespmem:v21+s4+$0x0], $0xffff;
	v21 =	vmul.f32 v27, v9  }
0x3b2: {  	v23 =	vtrunc.f32 v23;
	v27 =	vadd.f32 v19, v36;
	v13 =	vmul.f32 v13, v11;
	v19 =	vld [tilespmem:s3+$0xAA30]  }
0x3b3: {  	v20 =	vadd.f32 v20, v31;
	v31 =	vcvt.f32.s32 v23;
	v30 =	vadd.f32 v21, v30;
	v11 =	vld [tilespmem:s5+$0xAA00]  }
0x3b4: {  	v33 =	vtrunc.f32 v33;
	v12 =	vmul.f32 v27, v12;
	v13 =	vadd.f32 v13, v32;
	v23 =	vld [tilespmem:s5+$0xA670]  }
0x3b5: {  	v25 =	vcvt.f32.s32 v25;
	v20 =	vadd.f32 v20, v38;
	v21 =	vld [tilespmem:s6+$0xA630];
	v9 =	vmul.f32 v30, v9  }
0x3b6: {  	v27 =	vcvt.f32.s32 v33;
	v12 =	vadd.f32 v12, v26;
	v26 =	vadd.f32 v13, v29  }
0x3b7: {  	v15 =	vmul.f32 v15, v3;
	[tilespmem:s6+$0x18610] =	vst v20;
	v13 =	vld [tilespmem:s6+$0xA640];
	v20 =	vadd.f32 v9, v28;
	v9 =	vmul.f32 v5, v6  }
0x3b8: {  	v24 =	vmul.f32 v24, v6;
	v30 =	vmul.f32 v16, v3;
	v10 =	vadd.f32 v12, v10;
	[tilespmem:s0+$0x18A50] =	vst v26;
	s0 =	smov.u32 s3;
	s3 =	smov.u32 s5;
	s5 =	smov.u32 s6  }
0x3b9: {  	v16 =	vld.idx.msk [tilespmem:v31+s17+$0x0], $0xffff;
	v12 =	vadd.f32 v20, v15;
	v15 =	vmul.f32 v23, v6;
	v20 =	vmul.f32 v19, v6  }
0x3ba: {  	v32 =	vmul.f32 v11, v6;
	v28 =	vld.idx.msk [tilespmem:v31+s16+$0x0], $0xffff;
	v26 =	vmul.f32 v21, v6;
	[tilespmem:s0+$0x18A10] =	vst v10  }
0x3bb: {  	[tilespmem:s3+$0x18650] =	vst v12;
	v10 =	vadd.f32 v15, v4;
	v15 =	vld.idx.msk [tilespmem:v25+s17+$0x0], $0xffff;
	v12 =	vadd.f32 v20, v4  }
0x3bc: {  	v34 =	vmul.f32 v18, v3;
	v20 =	vadd.f32 v26, v4;
	v33 =	vmul.f32 v13, v6;
	v29 =	vld.idx.msk [tilespmem:v27+s17+$0x0], $0xffff  }
0x3bd: {  	v22 =	vmul.f32 v22, v3;
	v10 =	vmax.f32 v10, $-1.500000000e+00;
	v35 =	vld.idx.msk [tilespmem:v25+s16+$0x0], $0xffff;
	v12 =	vmax.f32 v12, $-1.500000000e+00  }
0x3be: {  	v20 =	vmax.f32 v20, $-1.500000000e+00;
	v36 =	vld.idx.msk [tilespmem:v27+s16+$0x0], $0xffff;
	v18 =	vmin.f32 v10, $1.500000000e+00;
	v12 =	vmin.f32 v12, $1.500000000e+00  }
0x3bf: {  	v16 =	vmul.f32 v17, v16;
	v10 =	vld.idx.msk [tilespmem:v31+s15+$0x0], $0xffff;
	v26 =	vmin.f32 v20, $1.500000000e+00;
	v20 =	vmul.f32 $6.500000000e+00, v12  }
0x3c0: {  	v38 =	vmul.f32 $6.500000000e+00, v18;
	v37 =	vmul.f32 $6.500000000e+00, v26  }
0x3c1: {  	v16 =	vadd.f32 v16, v28;
	v15 =	vmul.f32 v8, v15;
	v39 =	vld.idx.msk [tilespmem:v25+s15+$0x0], $0xffff;
	v20 =	vadd.f32 v20, v2  }
0x3c2: {  	v29 =	vmul.f32 v14, v29;
	v38 =	vadd.f32 v38, v2;
	v28 =	vadd.f32 v37, v2;
	v37 =	vld.idx.msk [tilespmem:v27+s15+$0x0], $0xffff  }
0x3c3: {  	v16 =	vmul.f32 v16, v17;
	v15 =	vadd.f32 v15, v35;
	v31 =	vld.idx.msk [tilespmem:v31+s4+$0x0], $0xffff;
	v20 =	vmax.f32 v20, v1  }
0x3c4: {  	s7 =	sadd.s32 $0x80, s7;
	v29 =	vadd.f32 v29, v36;
	v35 =	vmax.f32 v38, v1;
	v28 =	vmax.f32 v28, v1  }
0x3c5: {  	s10 =	sand.u32 $0x380, s7;
	s6 =	sand.u32 $0x7800, s8;
	v10 =	vadd.f32 v16, v10;
	v15 =	vmul.f32 v15, v8;
	v16 =	vmin.f32 v20, v0;
	v25 =	vld.idx.msk [tilespmem:v25+s4+$0x0], $0xffff  }
0x3c6: {  	s6 =	sor.u32 s10, s6;
	v35 =	vmin.f32 v35, v0;
	v20 =	vmin.f32 v28, v0;
	v36 =	vmul.f32 v29, v14;
	v27 =	vld.idx.msk [tilespmem:v27+s4+$0x0], $0xffff  }
0x3c7: {  	v10 =	vmul.f32 v10, v17;
	v17 =	vtrunc.f32 v20;
	v15 =	vadd.f32 v15, v39;
	v28 =	vld [tilespmem:s6+$0xA600]  }
0x3c8: {  	v16 =	vtrunc.f32 v16;
	v29 =	vcvt.f32.s32 v17;
	v17 =	vadd.f32 v36, v37  }
0x3c9: {  	v20 =	vadd.f32 v10, v31;
	v31 =	vtrunc.f32 v35;
	v8 =	vmul.f32 v15, v8;
	v10 =	vld [tilespmem:s3+$0xAA10]  }
0x3ca: {  	v16 =	vcvt.f32.s32 v16;
	v14 =	vmul.f32 v17, v14;
	v17 =	vadd.f32 v24, v4  }
0x3cb: {  	v24 =	vcvt.f32.s32 v31;
	v15 =	vadd.f32 v20, v22;
	v8 =	vadd.f32 v8, v25  }
0x3cc: {  	v25 =	vadd.f32 v32, v4;
	v22 =	vadd.f32 v14, v27;
	v20 =	vmul.f32 v28, v6  }
.Ltmp4:
0x3cd: {  	v27 =	vadd.f32 v33, v4;
	v14 =	vmul.f32 v19, v3;
	v8 =	vadd.f32 v8, v30;
	[tilespmem:s5+$0x18620] =	vst v15;
	v15 =	vld [tilespmem:s5+$0xA650];
	(pc) =	sbr.rel @p0 .LBB2_9-.Ltmp4, $4  }
0x3ce: {  	v33 =	vadd.f32 v22, v34;
	v19 =	vadd.f32 v20, v4;
	v30 =	vld.idx.msk [tilespmem:v29+s16+$0x0], $0xffff;
	v20 =	vmul.f32 v10, v6  }
0x3cf: {  	v22 =	vmul.f32 v23, v3;
	v23 =	vmax.f32 v25, $-1.500000000e+00;
	v32 =	vld.idx.msk [tilespmem:v29+s17+$0x0], $0xffff;
	[tilespmem:s0+$0x18A20] =	vst v8;
	v8 =	vmax.f32 v17, $-1.500000000e+00  }
0x3d0: {  	v17 =	vmax.f32 v27, $-1.500000000e+00;
	v31 =	vmax.f32 v19, $-1.500000000e+00;
	[tilespmem:s3+$0x18660] =	vst v33;
	v19 =	vld.idx.msk [tilespmem:v16+s17+$0x0], $0xffff;
	v8 =	vmin.f32 v8, $1.500000000e+00  }
0x3d1: {  	s8 =	sadd.s32 $0x100, s8;
	v25 =	vmin.f32 v17, $1.500000000e+00;
	v17 =	vmin.f32 v23, $1.500000000e+00;
	v27 =	vld.idx.msk [tilespmem:v24+s17+$0x0], $0xffff;
	v23 =	vmul.f32 $6.500000000e+00, v8  }
0x3d2: {  	v31 =	vmin.f32 v31, $1.500000000e+00  }
0x3d3: {  	v33 =	vmul.f32 $6.500000000e+00, v31;
	_ =	sdelay $0x1  }
0x3d4: {  	v33 =	vadd.f32 v33, v2;
	_ =	sdelay $0x1  }
0x3d5: {  	v33 =	vmax.f32 v33, v1  }
0x3d6: {  	v33 =	vmin.f32 v33, v0  }
0x3d7: {  	v33 =	vtrunc.f32 v33  }
0x3d8: {  	v33 =	vcvt.f32.s32 v33;
	_ =	sdelay $0x1  }
0x3d9: {  	v34 =	vld [tilespmem:s6+$0xA610];
	_ =	sdelay $0x3  }
0x3da: {  	v35 =	vld.idx.msk [tilespmem:v33+s17+$0x0], $0xffff  }
0x3db: {  	v36 =	vmul.f32 v34, v6  }
0x3dc: {  	v37 =	vld.idx.msk [tilespmem:v33+s16+$0x0], $0xffff  }
0x3dd: {  	v36 =	vadd.f32 v36, v4;
	_ =	sdelay $0x1  }
0x3de: {  	v36 =	vmax.f32 v36, $-1.500000000e+00;
	v35 =	vmul.f32 v31, v35  }
0x3df: {  	v36 =	vmin.f32 v36, $1.500000000e+00;
	v38 =	vld.idx.msk [tilespmem:v33+s15+$0x0], $0xffff  }
0x3e0: {  	v39 =	vmul.f32 $6.500000000e+00, v36;
	v35 =	vadd.f32 v35, v37;
	_ =	sdelay $0x1  }
0x3e1: {  	v47 =	vadd.f32 v39, v2;
	v35 =	vmul.f32 v35, v31  }
0x3e2: {  	v33 =	vld.idx.msk [tilespmem:v33+s4+$0x0], $0xffff  }
0x3e3: {  	v37 =	vmax.f32 v47, v1;
	v35 =	vadd.f32 v35, v38  }
0x3e4: {  	v37 =	vmin.f32 v37, v0  }
0x3e5: {  	v37 =	vtrunc.f32 v37;
	v31 =	vmul.f32 v35, v31  }
0x3e6: {  	v48 =	vcvt.f32.s32 v37  }
0x3e7: {  	v28 =	vmul.f32 v28, v3;
	v31 =	vadd.f32 v31, v33  }
0x3e8: {  	v49 =	vld [tilespmem:s6+$0xA620]  }
0x3e9: {  	v28 =	vadd.f32 v31, v28;
	_ =	sdelay $0x1  }
0x3ea: {  	[tilespmem:s6+$0x18600] =	vst v28  }
0x3eb: {  	v28 =	vld.idx.msk [tilespmem:v48+s17+$0x0], $0xffff  }
0x3ec: {  	v50 =	vmul.f32 v49, v6  }
0x3ed: {  	v37 =	vld.idx.msk [tilespmem:v48+s16+$0x0], $0xffff  }
0x3ee: {  	v31 =	vadd.f32 v50, v4;
	_ =	sdelay $0x1  }
0x3ef: {  	v31 =	vmax.f32 v31, $-1.500000000e+00;
	v28 =	vmul.f32 v36, v28  }
0x3f0: {  	v51 =	vld.idx.msk [tilespmem:v48+s15+$0x0], $0xffff;
	v31 =	vmin.f32 v31, $1.500000000e+00  }
0x3f1: {  	v52 =	vmul.f32 $6.500000000e+00, v31;
	v28 =	vadd.f32 v28, v37;
	_ =	sdelay $0x1  }
0x3f2: {  	v53 =	vadd.f32 v52, v2;
	v28 =	vmul.f32 v28, v36  }
0x3f3: {  	v35 =	vld.idx.msk [tilespmem:v48+s4+$0x0], $0xffff  }
0x3f4: {  	v37 =	vmax.f32 v53, v1;
	v28 =	vadd.f32 v28, v51  }
0x3f5: {  	v37 =	vmin.f32 v37, v0  }
0x3f6: {  	v54 =	vtrunc.f32 v37;
	v28 =	vmul.f32 v28, v36  }
0x3f7: {  	v36 =	vcvt.f32.s32 v54  }
0x3f8: {  	v34 =	vmul.f32 v34, v3;
	v28 =	vadd.f32 v28, v35  }
0x3f9: {  	v55 =	vld [tilespmem:s6+$0xA630]  }
0x3fa: {  	v28 =	vadd.f32 v28, v34;
	_ =	sdelay $0x1  }
0x3fb: {  	[tilespmem:s6+$0x18610] =	vst v28  }
0x3fc: {  	v28 =	vld.idx.msk [tilespmem:v36+s17+$0x0], $0xffff  }
0x3fd: {  	v56 =	vmul.f32 v55, v6  }
0x3fe: {  	v57 =	vld.idx.msk [tilespmem:v36+s16+$0x0], $0xffff  }
0x3ff: {  	v34 =	vadd.f32 v56, v4;
	_ =	sdelay $0x1  }
0x400: {  	v34 =	vmax.f32 v34, $-1.500000000e+00;
	v28 =	vmul.f32 v31, v28  }
0x401: {  	v58 =	vld.idx.msk [tilespmem:v36+s15+$0x0], $0xffff;
	v34 =	vmin.f32 v34, $1.500000000e+00  }
0x402: {  	v59 =	vmul.f32 $6.500000000e+00, v34;
	v28 =	vadd.f32 v28, v57;
	_ =	sdelay $0x1  }
0x403: {  	v60 =	vadd.f32 v59, v2;
	v28 =	vmul.f32 v28, v31  }
0x404: {  	v36 =	vld.idx.msk [tilespmem:v36+s4+$0x0], $0xffff  }
0x405: {  	v37 =	vmax.f32 v60, v1;
	v28 =	vadd.f32 v28, v58  }
0x406: {  	v37 =	vmin.f32 v37, v0  }
0x407: {  	v61 =	vtrunc.f32 v37;
	v28 =	vmul.f32 v28, v31  }
0x408: {  	v31 =	vcvt.f32.s32 v61  }
0x409: {  	v33 =	vmul.f32 v49, v3;
	v28 =	vadd.f32 v28, v36  }
0x40a: {  	v36 =	vld [tilespmem:s6+$0xA640]  }
0x40b: {  	v28 =	vadd.f32 v28, v33;
	_ =	sdelay $0x1  }
0x40c: {  	[tilespmem:s6+$0x18620] =	vst v28  }
0x40d: {  	v28 =	vld.idx.msk [tilespmem:v31+s17+$0x0], $0xffff  }
0x40e: {  	v62 =	vmul.f32 v36, v6  }
0x40f: {  	v63 =	vld.idx.msk [tilespmem:v31+s16+$0x0], $0xffff  }
0x410: {  	v33 =	vadd.f32 v62, v4  }
0x411: {  	v32 =	vmul.f32 v26, v32  }
0x412: {  	v43 =	vmul.f32 $6.500000000e+00, v25;
	v44 =	vld.idx.msk [tilespmem:v29+s15+$0x0], $0xffff;
	v33 =	vmax.f32 v33, $-1.500000000e+00;
	v28 =	vmul.f32 v34, v28  }
0x413: {  	v30 =	vadd.f32 v32, v30;
	v46 =	vld.idx.msk [tilespmem:v31+s15+$0x0], $0xffff;
	v45 =	vmin.f32 v33, $1.500000000e+00  }
0x414: {  	v38 =	vadd.f32 v43, v2;
	v40 =	vmul.f32 $6.500000000e+00, v45;
	v28 =	vadd.f32 v28, v63  }
0x415: {  	v30 =	vmul.f32 v30, v26  }
0x416: {  	v47 =	vmax.f32 v38, v1;
	v48 =	vld.idx.msk [tilespmem:v29+s4+$0x0], $0xffff;
	v49 =	vadd.f32 v40, v2;
	v28 =	vmul.f32 v28, v34  }
0x417: {  	v30 =	vadd.f32 v30, v44;
	v37 =	vmin.f32 v47, v0;
	v31 =	vld.idx.msk [tilespmem:v31+s4+$0x0], $0xffff  }
0x418: {  	v37 =	vtrunc.f32 v37;
	v38 =	vmax.f32 v49, v1;
	v28 =	vadd.f32 v28, v46  }
0x419: {  	v50 =	vmul.f32 v30, v26;
	v51 =	vcvt.f32.s32 v37;
	v52 =	vmin.f32 v38, v0  }
0x41a: {  	v33 =	vtrunc.f32 v52;
	v28 =	vmul.f32 v28, v34  }
0x41b: {  	v21 =	vmul.f32 v21, v3;
	v26 =	vadd.f32 v50, v48;
	v53 =	vcvt.f32.s32 v33  }
0x41c: {  	v54 =	vmul.f32 v55, v3;
	v28 =	vadd.f32 v28, v31  }
0x41d: {  	v21 =	vadd.f32 v26, v21;
	v26 =	vld [tilespmem:s6+$0xA650]  }
0x41e: {  	v28 =	vadd.f32 v28, v54  }
0x41f: {  	[tilespmem:s5+$0x18630] =	vst v21  }
0x420: {  	v55 =	vmul.f32 v15, v6;
	v56 =	vld.idx.msk [tilespmem:v51+s17+$0x0], $0xffff;
	[tilespmem:s6+$0x18630] =	vst v28  }
0x421: {  	v28 =	vld.idx.msk [tilespmem:v53+s17+$0x0], $0xffff  }
0x422: {  	v21 =	vadd.f32 v55, v4;
	v58 =	vmul.f32 v26, v6;
	v57 =	vld.idx.msk [tilespmem:v51+s16+$0x0], $0xffff  }
0x423: {  	v59 =	vld.idx.msk [tilespmem:v53+s16+$0x0], $0xffff  }
0x424: {  	v21 =	vmax.f32 v21, $-1.500000000e+00;
	v34 =	vadd.f32 v58, v4  }
0x425: {  	v21 =	vmin.f32 v21, $1.500000000e+00;
	v31 =	vmul.f32 v25, v56  }
0x426: {  	v60 =	vmul.f32 $6.500000000e+00, v21;
	v61 =	vld.idx.msk [tilespmem:v51+s15+$0x0], $0xffff;
	v34 =	vmax.f32 v34, $-1.500000000e+00;
	v28 =	vmul.f32 v45, v28  }
0x427: {  	v33 =	vmin.f32 v34, $1.500000000e+00;
	v31 =	vadd.f32 v31, v57;
	v62 =	vld.idx.msk [tilespmem:v53+s15+$0x0], $0xffff  }
0x428: {  	v37 =	vadd.f32 v60, v2;
	v63 =	vmul.f32 $6.500000000e+00, v33;
	v28 =	vadd.f32 v28, v59  }
0x429: {  	v31 =	vmul.f32 v31, v25  }
0x42a: {  	v30 =	vld.idx.msk [tilespmem:v51+s4+$0x0], $0xffff;
	v40 =	vmax.f32 v37, v1;
	v41 =	vadd.f32 v63, v2;
	v28 =	vmul.f32 v28, v45  }
0x42b: {  	v35 =	vmin.f32 v40, v0;
	v29 =	vld.idx.msk [tilespmem:v53+s4+$0x0], $0xffff;
	v31 =	vadd.f32 v31, v61  }
0x42c: {  	v35 =	vtrunc.f32 v35;
	v37 =	vmax.f32 v41, v1;
	v28 =	vadd.f32 v28, v62  }
0x42d: {  	v43 =	vcvt.f32.s32 v35;
	v44 =	vmin.f32 v37, v0;
	v42 =	vmul.f32 v31, v25  }
0x42e: {  	v28 =	vmul.f32 v28, v45;
	v45 =	vtrunc.f32 v44  }
0x42f: {  	v13 =	vmul.f32 v13, v3;
	v34 =	vld [tilespmem:s5+$0xA660];
	v25 =	vadd.f32 v42, v30;
	v46 =	vcvt.f32.s32 v45  }
0x430: {  	v32 =	vld [tilespmem:s6+$0xA660];
	v47 =	vmul.f32 v36, v3;
	v28 =	vadd.f32 v28, v29  }
0x431: {  	v13 =	vadd.f32 v25, v13  }
0x432: {  	v48 =	vadd.f32 v28, v47  }
0x433: {  	[tilespmem:s5+$0x18640] =	vst v13  }
0x434: {  	v49 =	vmul.f32 v34, v6;
	v50 =	vld.idx.msk [tilespmem:v43+s17+$0x0], $0xffff;
	[tilespmem:s6+$0x18640] =	vst v48  }
0x435: {  	v52 =	vmul.f32 v32, v6;
	v25 =	vld.idx.msk [tilespmem:v46+s17+$0x0], $0xffff  }
0x436: {  	v13 =	vadd.f32 v49, v4;
	v51 =	vld.idx.msk [tilespmem:v43+s16+$0x0], $0xffff  }
0x437: {  	v35 =	vadd.f32 v52, v4;
	v53 =	vld.idx.msk [tilespmem:v46+s16+$0x0], $0xffff  }
0x438: {  	v13 =	vmax.f32 v13, $-1.500000000e+00  }
0x439: {  	v35 =	vmax.f32 v35, $-1.500000000e+00;
	v13 =	vmin.f32 v13, $1.500000000e+00;
	v28 =	vmul.f32 v21, v50  }
0x43a: {  	v55 =	vld.idx.msk [tilespmem:v43+s15+$0x0], $0xffff;
	v54 =	vmul.f32 $6.500000000e+00, v13;
	v29 =	vmin.f32 v35, $1.500000000e+00;
	v25 =	vmul.f32 v33, v25  }
0x43b: {  	v57 =	vmul.f32 $6.500000000e+00, v29;
	v28 =	vadd.f32 v28, v51;
	v56 =	vld.idx.msk [tilespmem:v46+s15+$0x0], $0xffff  }
0x43c: {  	v37 =	vadd.f32 v54, v2;
	v25 =	vadd.f32 v25, v53  }
0x43d: {  	v59 =	vadd.f32 v57, v2;
	v28 =	vmul.f32 v28, v21  }
0x43e: {  	v31 =	vld.idx.msk [tilespmem:v43+s4+$0x0], $0xffff;
	v58 =	vmax.f32 v37, v1;
	v25 =	vmul.f32 v25, v33  }
0x43f: {  	v36 =	vmin.f32 v58, v0;
	v30 =	vld.idx.msk [tilespmem:v46+s4+$0x0], $0xffff;
	v37 =	vmax.f32 v59, v1;
	v28 =	vadd.f32 v28, v55  }
0x440: {  	v36 =	vtrunc.f32 v36;
	v60 =	vmin.f32 v37, v0;
	v25 =	vadd.f32 v25, v56  }
0x441: {  	v61 =	vld.idx.msk [tilespmem:v24+s16+$0x0], $0xffff;
	v35 =	vtrunc.f32 v60;
	v21 =	vmul.f32 v28, v21  }
0x442: {  	v28 =	vcvt.f32.s32 v36;
	v25 =	vmul.f32 v25, v33  }
0x443: {  	v62 =	vmul.f32 v15, v3;
	v37 =	vld [tilespmem:s6+$0xA670];
	v63 =	vcvt.f32.s32 v35;
	v21 =	vadd.f32 v21, v31  }
0x444: {  	v27 =	vmul.f32 v18, v27;
	v45 =	vmul.f32 v26, v3;
	v33 =	vld [tilespmem:s5+$0xA670];
	v25 =	vadd.f32 v25, v30  }
0x445: {  	v44 =	vld.idx.msk [tilespmem:v24+s15+$0x0], $0xffff;
	v15 =	vadd.f32 v21, v62  }
0x446: {  	v27 =	vadd.f32 v27, v61;
	v30 =	vadd.f32 v25, v45  }
0x447: {  	[tilespmem:s5+$0x18650] =	vst v15  }
0x448: {  	v27 =	vmul.f32 v27, v18;
	v51 =	vmul.f32 v37, v6;
	v49 =	vld.idx.msk [tilespmem:v28+s17+$0x0], $0xffff;
	[tilespmem:s6+$0x18650] =	vst v30  }
0x449: {  	v48 =	vmul.f32 v33, v6;
	v30 =	vld.idx.msk [tilespmem:v63+s17+$0x0], $0xffff  }
0x44a: {  	v27 =	vadd.f32 v27, v44;
	v46 =	vmul.f32 $6.500000000e+00, v17;
	v39 =	vadd.f32 v51, v4;
	v50 =	vld.idx.msk [tilespmem:v28+s16+$0x0], $0xffff  }
0x44b: {  	v21 =	vadd.f32 v48, v4;
	v52 =	vld.idx.msk [tilespmem:v63+s16+$0x0], $0xffff  }
0x44c: {  	v47 =	vadd.f32 v46, v2;
	v39 =	vmax.f32 v39, $-1.500000000e+00;
	v56 =	vmul.f32 v27, v18  }
0x44d: {  	v27 =	vmin.f32 v39, $1.500000000e+00;
	v54 =	vmul.f32 v13, v49;
	v21 =	vmax.f32 v21, $-1.500000000e+00  }
0x44e: {  	v41 =	vld.idx.msk [tilespmem:v28+s15+$0x0], $0xffff;
	v39 =	vmul.f32 $6.500000000e+00, v27;
	v35 =	vmin.f32 v21, $1.500000000e+00;
	v30 =	vmul.f32 v29, v30  }
0x44f: {  	v15 =	vmax.f32 v47, v1;
	v57 =	vld.idx.msk [tilespmem:v63+s15+$0x0], $0xffff;
	v21 =	vadd.f32 v54, v50;
	v55 =	vmul.f32 $6.500000000e+00, v35  }
0x450: {  	v15 =	vmin.f32 v15, v0;
	v60 =	vadd.f32 v39, v2;
	v30 =	vadd.f32 v30, v52  }
0x451: {  	v53 =	vld.idx.msk [tilespmem:v24+s4+$0x0], $0xffff;
	v15 =	vtrunc.f32 v15;
	v58 =	vmul.f32 v21, v13;
	v38 =	vadd.f32 v55, v2  }
0x452: {  	v28 =	vld.idx.msk [tilespmem:v28+s4+$0x0], $0xffff;
	v40 =	vcvt.f32.s32 v15;
	v62 =	vmax.f32 v60, v1;
	v30 =	vmul.f32 v30, v29  }
0x453: {  	v39 =	vmin.f32 v62, v0;
	v61 =	vld.idx.msk [tilespmem:v63+s4+$0x0], $0xffff;
	v15 =	vadd.f32 v58, v41;
	v59 =	vmax.f32 v38, v1  }
0x454: {  	v41 =	vtrunc.f32 v39;
	v21 =	vmin.f32 v59, v0;
	v30 =	vadd.f32 v30, v57  }
0x455: {  	v13 =	vmul.f32 v15, v13;
	v21 =	vtrunc.f32 v21  }
0x456: {  	v18 =	vadd.f32 v56, v53;
	v63 =	vcvt.f32.s32 v21;
	v42 =	vmul.f32 v30, v29  }
0x457: {  	v43 =	vmul.f32 v34, v3;
	v25 =	vld [tilespmem:s6+$0xAA00];
	v44 =	vcvt.f32.s32 v41;
	v13 =	vadd.f32 v13, v28  }
0x458: {  	v26 =	vld [tilespmem:s5+$0xAA00];
	v18 =	vadd.f32 v18, v22;
	v45 =	vmul.f32 v32, v3;
	v46 =	vadd.f32 v42, v61  }
0x459: {  	v13 =	vadd.f32 v13, v43  }
0x45a: {  	[tilespmem:s3+$0x18670] =	vst v18;
	v18 =	vadd.f32 v46, v45  }
0x45b: {  	v47 =	vld.idx.msk [tilespmem:v40+s17+$0x0], $0xffff;
	[tilespmem:s5+$0x18660] =	vst v13  }
0x45c: {  	v53 =	vmul.f32 v25, v6;
	v49 =	vld.idx.msk [tilespmem:v63+s17+$0x0], $0xffff;
	[tilespmem:s6+$0x18660] =	vst v18  }
0x45d: {  	v48 =	vmul.f32 v26, v6;
	v51 =	vld.idx.msk [tilespmem:v44+s17+$0x0], $0xffff  }
0x45e: {  	v11 =	vmul.f32 v11, v3;
	v32 =	vadd.f32 v53, v4;
	v52 =	vld.idx.msk [tilespmem:v63+s16+$0x0], $0xffff  }
0x45f: {  	v10 =	vmul.f32 v10, v3;
	v23 =	vadd.f32 v23, v2;
	v13 =	vadd.f32 v48, v4;
	v54 =	vld.idx.msk [tilespmem:v44+s16+$0x0], $0xffff  }
0x460: {  	v19 =	vmul.f32 v12, v19;
	v50 =	vadd.f32 v20, v4;
	v32 =	vmax.f32 v32, $-1.500000000e+00  }
0x461: {  	v31 =	vmin.f32 v32, $1.500000000e+00;
	v13 =	vmax.f32 v13, $-1.500000000e+00;
	v57 =	vmul.f32 v35, v49  }
0x462: {  	v61 =	vmul.f32 $6.500000000e+00, v31;
	v59 =	vld.idx.msk [tilespmem:v63+s15+$0x0], $0xffff;
	v39 =	vmin.f32 v13, $1.500000000e+00;
	v20 =	vmul.f32 v27, v51  }
0x463: {  	v26 =	vmul.f32 v26, v3;
	v58 =	vmul.f32 $6.500000000e+00, v39;
	v60 =	vld.idx.msk [tilespmem:v44+s15+$0x0], $0xffff;
	v13 =	vadd.f32 v57, v52  }
0x464: {  	v30 =	vmul.f32 v17, v47;
	v34 =	vadd.f32 v61, v2;
	v20 =	vadd.f32 v20, v54  }
0x465: {  	v55 =	vld.idx.msk [tilespmem:v40+s16+$0x0], $0xffff;
	v43 =	vmul.f32 v33, v3;
	v29 =	vadd.f32 v58, v2;
	v13 =	vmul.f32 v13, v35  }
0x466: {  	v36 =	vld.idx.msk [tilespmem:v63+s4+$0x0], $0xffff;
	v18 =	vmax.f32 v50, $-1.500000000e+00;
	v34 =	vmax.f32 v34, v1;
	v20 =	vmul.f32 v20, v27  }
0x467: {  	v28 =	vld.idx.msk [tilespmem:v44+s4+$0x0], $0xffff;
	v63 =	vmin.f32 v34, v0;
	v29 =	vmax.f32 v29, v1;
	v13 =	vadd.f32 v13, v59  }
0x468: {  	v15 =	vld [tilespmem:s3+$0xAA20];
	v42 =	vtrunc.f32 v63;
	v29 =	vmin.f32 v29, v0;
	v20 =	vadd.f32 v20, v60  }
0x469: {  	v62 =	vld.idx.msk [tilespmem:v40+s15+$0x0], $0xffff;
	v24 =	vmin.f32 v18, $1.500000000e+00;
	v29 =	vtrunc.f32 v29;
	v13 =	vmul.f32 v13, v35  }
0x46a: {  	v21 =	vld [tilespmem:s6+$0xAA10];
	v18 =	vadd.f32 v30, v55;
	v29 =	vcvt.f32.s32 v29;
	v20 =	vmul.f32 v20, v27  }
0x46b: {  	v22 =	vld [tilespmem:s5+$0xAA10];
	v56 =	vmul.f32 $6.500000000e+00, v24;
	v30 =	vcvt.f32.s32 v42;
	v44 =	vadd.f32 v13, v36  }
0x46c: {  	v47 =	vmul.f32 v37, v3;
	v45 =	vld.idx.msk [tilespmem:v16+s16+$0x0], $0xffff;
	v18 =	vmul.f32 v18, v17;
	v20 =	vadd.f32 v20, v28  }
0x46d: {  	v41 =	vld.idx.msk [tilespmem:v40+s4+$0x0], $0xffff;
	v50 =	vmul.f32 v15, v6;
	v38 =	vadd.f32 v56, v2;
	v27 =	vadd.f32 v44, v43  }
0x46e: {  	v25 =	vmul.f32 v25, v3;
	v18 =	vadd.f32 v18, v62;
	v20 =	vadd.f32 v20, v47  }
0x46f: {  	v55 =	vadd.f32 v50, v4;
	v58 =	vmul.f32 v21, v6;
	v46 =	vmax.f32 v38, v1;
	[tilespmem:s5+$0x18670] =	vst v27  }
0x470: {  	v51 =	vmul.f32 v22, v6;
	v18 =	vmul.f32 v18, v17;
	v52 =	vld.idx.msk [tilespmem:v29+s17+$0x0], $0xffff;
	[tilespmem:s6+$0x18670] =	vst v20  }
0x471: {  	v19 =	vadd.f32 v19, v45;
	v48 =	vmin.f32 v46, v0;
	v36 =	vadd.f32 v58, v4;
	v54 =	vld.idx.msk [tilespmem:v30+s17+$0x0], $0xffff  }
0x472: {  	v56 =	vadd.f32 v51, v4;
	v49 =	vadd.f32 v18, v41;
	v28 =	vtrunc.f32 v48;
	v57 =	vld.idx.msk [tilespmem:v29+s16+$0x0], $0xffff  }
0x473: {  	v19 =	vmul.f32 v19, v12;
	v36 =	vmax.f32 v36, $-1.500000000e+00;
	v28 =	vcvt.f32.s32 v28;
	v59 =	vld.idx.msk [tilespmem:v30+s16+$0x0], $0xffff  }
0x474: {  	v11 =	vadd.f32 v49, v11;
	v34 =	vmin.f32 v36, $1.500000000e+00;
	v27 =	vmax.f32 v56, $-1.500000000e+00  }
0x475: {  	v17 =	vld [tilespmem:s5+$0xAA20];
	v27 =	vmin.f32 v27, $1.500000000e+00;
	v47 =	vmul.f32 $6.500000000e+00, v34;
	v62 =	vmul.f32 v39, v52  }
0x476: {  	v53 =	vmax.f32 v23, v1;
	v44 =	vld.idx.msk [tilespmem:v29+s15+$0x0], $0xffff;
	v63 =	vmul.f32 $6.500000000e+00, v27;
	v32 =	vmul.f32 v31, v54  }
0x477: {  	v60 =	vmax.f32 v55, $-1.500000000e+00;
	[tilespmem:s3+$0x18A00] =	vst v11;
	v41 =	vadd.f32 v47, v2;
	v46 =	vld.idx.msk [tilespmem:v30+s15+$0x0], $0xffff;
	v11 =	vadd.f32 v62, v57  }
0x478: {  	v23 =	vmin.f32 v60, $1.500000000e+00;
	v29 =	vld.idx.msk [tilespmem:v29+s4+$0x0], $0xffff;
	v35 =	vadd.f32 v63, v2;
	v32 =	vadd.f32 v32, v59  }
0x479: {  	v45 =	vmul.f32 $6.500000000e+00, v23;
	v61 =	vld.idx.msk [tilespmem:v28+s17+$0x0], $0xffff;
	v11 =	vmul.f32 v11, v39  }
0x47a: {  	v30 =	vld.idx.msk [tilespmem:v30+s4+$0x0], $0xffff;
	v41 =	vmax.f32 v41, v1;
	v35 =	vmax.f32 v35, v1;
	v32 =	vmul.f32 v32, v31  }
0x47b: {  	v48 =	vld.idx.msk [tilespmem:v28+s16+$0x0], $0xffff;
	v51 =	vmin.f32 v41, v0;
	v35 =	vmin.f32 v35, v0;
	v11 =	vadd.f32 v11, v44  }
0x47c: {  	v49 =	vld.idx.msk [tilespmem:v16+s15+$0x0], $0xffff;
	v52 =	vtrunc.f32 v51;
	v35 =	vtrunc.f32 v35;
	v32 =	vadd.f32 v32, v46  }
0x47d: {  	v35 =	vcvt.f32.s32 v35;
	v11 =	vmul.f32 v11, v39  }
0x47e: {  	v18 =	vld [tilespmem:s6+$0xAA20];
	v37 =	vmul.f32 v24, v61;
	v31 =	vmul.f32 v32, v31  }
0x47f: {  	v40 =	vadd.f32 v45, v2;
	v50 =	vld.idx.msk [tilespmem:v28+s15+$0x0], $0xffff;
	v54 =	vcvt.f32.s32 v52;
	v11 =	vadd.f32 v11, v29  }
0x480: {  	v60 =	vmul.f32 v17, v6;
	v33 =	vadd.f32 v37, v48;
	v30 =	vadd.f32 v31, v30  }
0x481: {  	v19 =	vadd.f32 v19, v49;
	v20 =	vmin.f32 v53, v0;
	v26 =	vadd.f32 v11, v26  }
0x482: {  	v56 =	vtrunc.f32 v20;
	v20 =	vld [tilespmem:s3+$0xAA30];
	v55 =	vmul.f32 v33, v24;
	v25 =	vadd.f32 v30, v25  }
0x483: {  	v58 =	vmul.f32 v19, v12;
	v28 =	vld.idx.msk [tilespmem:v28+s4+$0x0], $0xffff;
	v41 =	vmul.f32 v18, v6;
	[tilespmem:s5+$0x18A00] =	vst v26  }
0x484: {  	v57 =	vmax.f32 v40, v1;
	v32 =	vadd.f32 v55, v50;
	v61 =	vld.idx.msk [tilespmem:v35+s17+$0x0], $0xffff;
	[tilespmem:s6+$0x18A00] =	vst v25  }
0x485: {  	v19 =	vcvt.f32.s32 v56;
	v56 =	vmul.f32 v22, v3;
	v59 =	vmin.f32 v57, v0;
	v63 =	vld.idx.msk [tilespmem:v54+s17+$0x0], $0xffff  }
0x486: {  	v33 =	vadd.f32 v41, v4;
	v24 =	vmul.f32 v32, v24;
	v26 =	vadd.f32 v60, v4;
	v40 =	vld.idx.msk [tilespmem:v35+s16+$0x0], $0xffff  }
0x487: {  	v42 =	vmul.f32 v20, v6;
	v62 =	vtrunc.f32 v59;
	v43 =	vld.idx.msk [tilespmem:v54+s16+$0x0], $0xffff  }
0x488: {  	v53 =	vld.idx.msk [tilespmem:v16+s4+$0x0], $0xffff;
	v33 =	vmax.f32 v33, $-1.500000000e+00;
	v24 =	vadd.f32 v24, v28;
	v26 =	vmax.f32 v26, $-1.500000000e+00  }
0x489: {  	v25 =	vcvt.f32.s32 v62;
	v26 =	vmin.f32 v26, $1.500000000e+00;
	v32 =	vmul.f32 v27, v61  }
0x48a: {  	v30 =	vadd.f32 v42, v4;
	v45 =	vld.idx.msk [tilespmem:v35+s15+$0x0], $0xffff;
	v44 =	vmul.f32 $6.500000000e+00, v26;
	v31 =	vmul.f32 v34, v63  }
0x48b: {  	v24 =	vadd.f32 v24, v10;
	v46 =	vld.idx.msk [tilespmem:v54+s15+$0x0], $0xffff;
	v28 =	vadd.f32 v32, v40;
	v32 =	vmin.f32 v33, $1.500000000e+00  }
0x48c: {  	v35 =	vld.idx.msk [tilespmem:v35+s4+$0x0], $0xffff;
	v37 =	vadd.f32 v44, v2;
	v47 =	vmul.f32 $6.500000000e+00, v32;
	v31 =	vadd.f32 v31, v43  }
0x48d: {  	v16 =	vadd.f32 v58, v53;
	v30 =	vmax.f32 v30, $-1.500000000e+00;
	v29 =	vld.idx.msk [tilespmem:v54+s4+$0x0], $0xffff;
	v28 =	vmul.f32 v28, v27  }
0x48e: {  	[tilespmem:s3+$0x18A10] =	vst v24;
	v49 =	vmax.f32 v37, v1;
	v50 =	vadd.f32 v47, v2;
	v31 =	vmul.f32 v31, v34  }
0x48f: {  	v24 =	vmin.f32 v30, $1.500000000e+00;
	v48 =	vld.idx.msk [tilespmem:v25+s17+$0x0], $0xffff;
	v30 =	vmin.f32 v49, v0;
	v28 =	vadd.f32 v28, v45  }
0x490: {  	v30 =	vtrunc.f32 v30;
	v36 =	vmax.f32 v50, v1;
	v31 =	vadd.f32 v31, v46  }
0x491: {  	v53 =	vld.idx.msk [tilespmem:v25+s16+$0x0], $0xffff;
	v27 =	vmul.f32 v28, v27;
	v28 =	vcvt.f32.s32 v30;
	v54 =	vmin.f32 v36, v0  }
0x492: {  	v22 =	vld [tilespmem:s5+$0xAA30];
	v30 =	vtrunc.f32 v54;
	v31 =	vmul.f32 v31, v34  }
0x493: {  	v14 =	vadd.f32 v16, v14;
	v27 =	vadd.f32 v27, v35;
	v30 =	vcvt.f32.s32 v30  }
0x494: {  	v57 =	vmul.f32 v21, v3;
	v21 =	vld [tilespmem:s6+$0xAA30];
	v16 =	vmul.f32 v23, v48;
	v29 =	vadd.f32 v31, v29  }
0x495: {  	v15 =	vmul.f32 v15, v3;
	[tilespmem:s0+$0x18A30] =	vst v14;
	v55 =	vld.idx.msk [tilespmem:v25+s15+$0x0], $0xffff;
	v27 =	vadd.f32 v27, v56  }
0x496: {  	v52 =	vld.idx.msk [tilespmem:v19+s17+$0x0], $0xffff;
	v51 =	vmul.f32 $6.500000000e+00, v24;
	v16 =	vadd.f32 v16, v53;
	v29 =	vadd.f32 v29, v57  }
0x497: {  	v59 =	vadd.f32 v9, v4;
	v60 =	vmul.f32 v22, v6;
	v25 =	vld.idx.msk [tilespmem:v25+s4+$0x0], $0xffff;
	[tilespmem:s5+$0x18A10] =	vst v27  }
0x498: {  	v58 =	vadd.f32 v51, v2;
	v16 =	vmul.f32 v16, v23;
	v61 =	vld.idx.msk [tilespmem:v28+s17+$0x0], $0xffff;
	[tilespmem:s6+$0x18A10] =	vst v29  }
0x499: {  	v17 =	vmul.f32 v17, v3;
	v62 =	vmax.f32 v59, $-1.500000000e+00;
	v43 =	vmul.f32 v21, v6;
	v63 =	vld.idx.msk [tilespmem:v30+s17+$0x0], $0xffff  }
0x49a: {  	v31 =	vmax.f32 v58, v1;
	v36 =	vadd.f32 v16, v55;
	v27 =	vadd.f32 v60, v4;
	v42 =	vld.idx.msk [tilespmem:v28+s16+$0x0], $0xffff  }
0x49b: {  	v33 =	vmul.f32 v8, v52;
	v46 =	vadd.f32 v43, v4;
	v31 =	vmin.f32 v31, v0;
	v45 =	vld.idx.msk [tilespmem:v30+s16+$0x0], $0xffff  }
0x49c: {  	v13 =	vld [tilespmem:s3+$0xAA40];
	v44 =	vtrunc.f32 v31;
	v23 =	vmul.f32 v36, v23;
	v27 =	vmax.f32 v27, $-1.500000000e+00  }
0x49d: {  	v29 =	vcvt.f32.s32 v44;
	v27 =	vmin.f32 v27, $1.500000000e+00;
	v34 =	vmul.f32 v26, v61  }
0x49e: {  	v48 =	vld.idx.msk [tilespmem:v28+s15+$0x0], $0xffff;
	v36 =	vmax.f32 v46, $-1.500000000e+00;
	v47 =	vmul.f32 $6.500000000e+00, v27;
	v35 =	vmul.f32 v32, v63  }
0x49f: {  	v23 =	vadd.f32 v23, v25;
	v50 =	vld.idx.msk [tilespmem:v30+s15+$0x0], $0xffff;
	v49 =	vadd.f32 v34, v42;
	v34 =	vmin.f32 v36, $1.500000000e+00  }
0x4a0: {  	v51 =	vadd.f32 v47, v2;
	v52 =	vmul.f32 $6.500000000e+00, v34;
	v31 =	vadd.f32 v35, v45  }
0x4a1: {  	v53 =	vmul.f32 v13, v6;
	v15 =	vadd.f32 v23, v15;
	v54 =	vmul.f32 v49, v26  }
0x4a2: {  	v28 =	vld.idx.msk [tilespmem:v28+s4+$0x0], $0xffff;
	v55 =	vmax.f32 v51, v1;
	v56 =	vadd.f32 v52, v2;
	v31 =	vmul.f32 v31, v32  }
0x4a3: {  	v16 =	vmin.f32 v62, $1.500000000e+00;
	v59 =	vld.idx.msk [tilespmem:v30+s4+$0x0], $0xffff;
	[tilespmem:s3+$0x18A20] =	vst v15;
	v58 =	vmin.f32 v55, v0;
	v23 =	vadd.f32 v54, v48  }
0x4a4: {  	v60 =	vld.idx.msk [tilespmem:v29+s17+$0x0], $0xffff;
	v15 =	vtrunc.f32 v58;
	v37 =	vmax.f32 v56, v1;
	v31 =	vadd.f32 v31, v50  }
0x4a5: {  	v12 =	vld [tilespmem:s6+$0xAA40];
	v15 =	vcvt.f32.s32 v15;
	v23 =	vmul.f32 v23, v26;
	v62 =	vmin.f32 v37, v0  }
0x4a6: {  	v63 =	vld.idx.msk [tilespmem:v29+s16+$0x0], $0xffff;
	v26 =	vtrunc.f32 v62;
	v31 =	vmul.f32 v31, v32  }
0x4a7: {  	v18 =	vmul.f32 v18, v3;
	v11 =	vld [tilespmem:s5+$0xAA40];
	v23 =	vadd.f32 v23, v28;
	v26 =	vcvt.f32.s32 v26  }
0x4a8: {  	v20 =	vmul.f32 v20, v3;
	v61 =	vld.idx.msk [tilespmem:v19+s16+$0x0], $0xffff;
	v35 =	vadd.f32 v53, v4;
	v25 =	vadd.f32 v31, v59  }
0x4a9: {  	v22 =	vmul.f32 v22, v3;
	v10 =	vld [tilespmem:s3+$0xAA50];
	v30 =	vmul.f32 v24, v60;
	v17 =	vadd.f32 v23, v17  }
0x4aa: {  	v57 =	vmul.f32 $6.500000000e+00, v16;
	v43 =	vld.idx.msk [tilespmem:v29+s15+$0x0], $0xffff;
	v40 =	vmax.f32 v35, $-1.500000000e+00;
	v18 =	vadd.f32 v25, v18  }
0x4ab: {  	v53 =	vmul.f32 v12, v6;
	v28 =	vmin.f32 v40, $1.500000000e+00;
	v30 =	vadd.f32 v30, v63;
	[tilespmem:s5+$0x18A20] =	vst v17  }
0x4ac: {  	v46 =	vmul.f32 v11, v6;
	v41 =	vadd.f32 v57, v2;
	v42 =	vmul.f32 $6.500000000e+00, v28;
	v47 =	vld.idx.msk [tilespmem:v15+s17+$0x0], $0xffff;
	[tilespmem:s6+$0x18A20] =	vst v18  }
0x4ad: {  	v44 =	vadd.f32 v33, v61;
	v36 =	vadd.f32 v53, v4;
	v50 =	vmul.f32 v30, v24;
	v51 =	vld.idx.msk [tilespmem:v26+s17+$0x0], $0xffff  }
0x4ae: {  	v48 =	vmax.f32 v41, v1;
	v45 =	vadd.f32 v42, v2;
	v31 =	vadd.f32 v46, v4;
	v52 =	vld.idx.msk [tilespmem:v15+s16+$0x0], $0xffff  }
0x4af: {  	v54 =	vmul.f32 v10, v6;
	v36 =	vmax.f32 v36, $-1.500000000e+00;
	v25 =	vadd.f32 v50, v43;
	v55 =	vld.idx.msk [tilespmem:v26+s16+$0x0], $0xffff  }
0x4b0: {  	v29 =	vld.idx.msk [tilespmem:v29+s4+$0x0], $0xffff;
	v35 =	vmin.f32 v36, $1.500000000e+00;
	v17 =	vmax.f32 v45, v1;
	v31 =	vmax.f32 v31, $-1.500000000e+00  }
0x4b1: {  	v24 =	vmul.f32 v25, v24;
	v25 =	vmin.f32 v31, $1.500000000e+00;
	v56 =	vmul.f32 v27, v47  }
0x4b2: {  	v58 =	vld.idx.msk [tilespmem:v15+s15+$0x0], $0xffff;
	v17 =	vmin.f32 v17, v0;
	v57 =	vmul.f32 $6.500000000e+00, v25;
	v30 =	vmul.f32 v34, v51  }
0x4b3: {  	v60 =	vmul.f32 $6.500000000e+00, v35;
	v17 =	vtrunc.f32 v17;
	v59 =	vld.idx.msk [tilespmem:v26+s15+$0x0], $0xffff;
	v31 =	vadd.f32 v56, v52  }
0x4b4: {  	v17 =	vcvt.f32.s32 v17;
	v33 =	vadd.f32 v57, v2;
	v30 =	vadd.f32 v30, v55  }
0x4b5: {  	v38 =	vld.idx.msk [tilespmem:v19+s15+$0x0], $0xffff;
	v49 =	vmul.f32 v44, v8;
	v24 =	vadd.f32 v24, v29;
	v61 =	vmul.f32 v31, v27  }
0x4b6: {  	v63 =	vadd.f32 v60, v2;
	v15 =	vld.idx.msk [tilespmem:v15+s4+$0x0], $0xffff;
	v62 =	vmax.f32 v33, v1;
	v30 =	vmul.f32 v30, v34  }
0x4b7: {  	v26 =	vld.idx.msk [tilespmem:v26+s4+$0x0], $0xffff;
	v20 =	vadd.f32 v24, v20;
	v33 =	vmin.f32 v62, v0;
	v29 =	vadd.f32 v61, v58  }
0x4b8: {  	v9 =	vld [tilespmem:s6+$0xAA50];
	v32 =	vmax.f32 v63, v1;
	v24 =	vtrunc.f32 v33;
	v30 =	vadd.f32 v30, v59  }
0x4b9: {  	v19 =	vld.idx.msk [tilespmem:v19+s4+$0x0], $0xffff;
	v40 =	vmin.f32 v32, v0;
	[tilespmem:s3+$0x18A30] =	vst v20;
	v24 =	vcvt.f32.s32 v24;
	v39 =	vmul.f32 v29, v27  }
0x4ba: {  	v23 =	vadd.f32 v49, v38;
	v42 =	vld.idx.msk [tilespmem:v17+s17+$0x0], $0xffff;
	v27 =	vtrunc.f32 v40;
	v30 =	vmul.f32 v30, v34  }
0x4bb: {  	v14 =	vld [tilespmem:s5+$0xAA50];
	v41 =	vadd.f32 v54, v4;
	v43 =	vcvt.f32.s32 v27;
	v15 =	vadd.f32 v39, v15  }
0x4bc: {  	v21 =	vmul.f32 v21, v3;
	v47 =	vmul.f32 v23, v8;
	v45 =	vld.idx.msk [tilespmem:v17+s16+$0x0], $0xffff;
	v26 =	vadd.f32 v30, v26  }
0x4bd: {  	v44 =	vmax.f32 v41, $-1.500000000e+00;
	v15 =	vadd.f32 v15, v22  }
0x4be: {  	v18 =	vmin.f32 v48, v0;
	v8 =	vadd.f32 v47, v19;
	v21 =	vadd.f32 v26, v21  }
0x4bf: {  	v56 =	vmul.f32 v9, v6;
	v48 =	vld.idx.msk [tilespmem:v17+s15+$0x0], $0xffff;
	v27 =	vmin.f32 v44, $1.500000000e+00;
	v49 =	vmul.f32 v28, v42;
	[tilespmem:s5+$0x18A30] =	vst v15  }
0x4c0: {  	v52 =	vmul.f32 v14, v6;
	v7 =	vadd.f32 v8, v7;
	v46 =	vmul.f32 $6.500000000e+00, v27;
	v53 =	vld.idx.msk [tilespmem:v24+s17+$0x0], $0xffff;
	[tilespmem:s6+$0x18A30] =	vst v21  }
0x4c1: {  	v13 =	vmul.f32 v13, v3;
	v58 =	vadd.f32 v56, v4;
	v54 =	vadd.f32 v49, v45;
	v21 =	vld.idx.msk [tilespmem:v43+s17+$0x0], $0xffff  }
0x4c2: {  	v50 =	vtrunc.f32 v18;
	v51 =	vadd.f32 v46, v2;
	v22 =	vadd.f32 v52, v4;
	v55 =	vld.idx.msk [tilespmem:v24+s16+$0x0], $0xffff  }
0x4c3: {  	v4 =	vmax.f32 v58, $-1.500000000e+00;
	v46 =	vmul.f32 v11, v3;
	v19 =	vmul.f32 v54, v28;
	v57 =	vld.idx.msk [tilespmem:v43+s16+$0x0], $0xffff  }
0x4c4: {  	v4 =	vmin.f32 v4, $1.500000000e+00;
	v15 =	vcvt.f32.s32 v50;
	v18 =	vmax.f32 v51, v1  }
0x4c5: {  	v22 =	vmax.f32 v22, $-1.500000000e+00;
	v34 =	vmul.f32 $6.500000000e+00, v4;
	v61 =	vmul.f32 v25, v53  }
0x4c6: {  	v60 =	vadd.f32 v19, v48;
	v19 =	vmin.f32 v22, $1.500000000e+00;
	v63 =	vld.idx.msk [tilespmem:v24+s15+$0x0], $0xffff;
	v21 =	vmul.f32 v35, v21  }
0x4c7: {  	v18 =	vmin.f32 v18, v0;
	v62 =	vmul.f32 $6.500000000e+00, v19;
	v33 =	vld.idx.msk [tilespmem:v43+s15+$0x0], $0xffff;
	v22 =	vadd.f32 v61, v55  }
0x4c8: {  	v59 =	vld.idx.msk [tilespmem:v17+s4+$0x0], $0xffff;
	v18 =	vtrunc.f32 v18;
	v40 =	vadd.f32 v34, v2;
	v21 =	vadd.f32 v21, v57  }
0x4c9: {  	v17 =	vmul.f32 v60, v28;
	v23 =	vadd.f32 v62, v2;
	v37 =	vmul.f32 v22, v25  }
0x4ca: {  	v39 =	vld.idx.msk [tilespmem:v24+s4+$0x0], $0xffff;
	v36 =	vcvt.f32.s32 v18;
	v42 =	vmax.f32 v40, v1;
	v21 =	vmul.f32 v21, v35  }
0x4cb: {  	v20 =	vld.idx.msk [tilespmem:v43+s4+$0x0], $0xffff;
	v44 =	vmin.f32 v42, v0;
	v38 =	vmax.f32 v23, v1;
	v18 =	vadd.f32 v37, v63  }
0x4cc: {  	v41 =	vmin.f32 v38, v0;
	v0 =	vtrunc.f32 v44;
	v43 =	vadd.f32 v21, v33  }
0x4cd: {  	v6 =	vadd.f32 v17, v59;
	v17 =	vtrunc.f32 v41;
	v18 =	vmul.f32 v18, v25  }
0x4ce: {  	v17 =	vcvt.f32.s32 v17;
	v2 =	vmul.f32 v43, v35  }
0x4cf: {  	[tilespmem:s0+$0x18A40] =	vst v7;
	v45 =	vadd.f32 v6, v13;
	v0 =	vcvt.f32.s32 v0;
	v47 =	vadd.f32 v18, v39  }
0x4d0: {  	v12 =	vmul.f32 v12, v3;
	v48 =	vld.idx.msk [tilespmem:v15+s17+$0x0], $0xffff;
	v2 =	vadd.f32 v2, v20  }
0x4d1: {  	v49 =	vld.idx.msk [tilespmem:v15+s16+$0x0], $0xffff;
	[tilespmem:s3+$0x18A40] =	vst v45;
	v50 =	vadd.f32 v47, v46  }
0x4d2: {  	v51 =	vld.idx.msk [tilespmem:v36+s17+$0x0], $0xffff;
	v2 =	vadd.f32 v2, v12  }
0x4d3: {  	v52 =	vld.idx.msk [tilespmem:v36+s16+$0x0], $0xffff;
	[tilespmem:s5+$0x18A40] =	vst v50  }
0x4d4: {  	v1 =	vld.idx.msk [tilespmem:v17+s17+$0x0], $0xffff;
	[tilespmem:s6+$0x18A40] =	vst v2  }
0x4d5: {  	v2 =	vld.idx.msk [tilespmem:v0+s17+$0x0], $0xffff  }
0x4d6: {  	v53 =	vld.idx.msk [tilespmem:v17+s16+$0x0], $0xffff  }
0x4d7: {  	v11 =	vmul.f32 v16, v48;
	v54 =	vld.idx.msk [tilespmem:v0+s16+$0x0], $0xffff  }
0x4d8: {  	v55 =	vld.idx.msk [tilespmem:v15+s15+$0x0], $0xffff;
	v6 =	vmul.f32 v27, v51  }
0x4d9: {  	v56 =	vld.idx.msk [tilespmem:v36+s15+$0x0], $0xffff;
	v11 =	vadd.f32 v11, v49;
	v1 =	vmul.f32 v19, v1  }
0x4da: {  	v6 =	vadd.f32 v6, v52;
	v57 =	vld.idx.msk [tilespmem:v17+s15+$0x0], $0xffff;
	v2 =	vmul.f32 v4, v2  }
0x4db: {  	v11 =	vmul.f32 v11, v16;
	v58 =	vld.idx.msk [tilespmem:v0+s15+$0x0], $0xffff;
	v1 =	vadd.f32 v1, v53  }
0x4dc: {  	v15 =	vld.idx.msk [tilespmem:v15+s4+$0x0], $0xffff;
	v6 =	vmul.f32 v6, v27;
	v2 =	vadd.f32 v2, v54  }
0x4dd: {  	v8 =	vld.idx.msk [tilespmem:v36+s4+$0x0], $0xffff;
	v11 =	vadd.f32 v11, v55;
	v1 =	vmul.f32 v1, v19  }
0x4de: {  	v6 =	vadd.f32 v6, v56;
	v59 =	vld.idx.msk [tilespmem:v17+s4+$0x0], $0xffff;
	v2 =	vmul.f32 v2, v4  }
0x4df: {  	v11 =	vmul.f32 v11, v16;
	v0 =	vld.idx.msk [tilespmem:v0+s4+$0x0], $0xffff;
	v1 =	vadd.f32 v1, v57  }
0x4e0: {  	v6 =	vmul.f32 v6, v27;
	v2 =	vadd.f32 v2, v58  }
0x4e1: {  	v5 =	vmul.f32 v5, v3;
	v60 =	vadd.f32 v11, v15;
	v1 =	vmul.f32 v1, v19  }
0x4e2: {  	v10 =	vmul.f32 v10, v3;
	v6 =	vadd.f32 v6, v8;
	v2 =	vmul.f32 v2, v4  }
0x4e3: {  	s29 =	sadd.s32 $0x1, s29;
	v62 =	vmul.f32 v14, v3;
	v61 =	vadd.f32 v60, v5;
	v1 =	vadd.f32 v1, v59  }
0x4e4: {  	p0 =	sne.s32 s29, $0x18;
	v63 =	vmul.f32 v9, v3;
	v6 =	vadd.f32 v6, v10;
	v0 =	vadd.f32 v2, v0  }
.Ltmp5:
0x4e5: {  	[tilespmem:s0+$0x18A50] =	vst v61;
	v1 =	vadd.f32 v1, v62;
	(pc) =	sbr.rel @p0 .LBB2_2-.Ltmp5, $4  }
0x4e6: {  	[tilespmem:s3+$0x18A50] =	vst v6;
	v0 =	vadd.f32 v0, v63  }
0x4e7: {  	[tilespmem:s5+$0x18A50] =	vst v1  }
0x4e8: {  	s31 =	sadd.s32 s2, s30;
	[tilespmem:s6+$0x18A50] =	vst v0  }
0x4e9: {  	[hbm4b:s31+s4] =	stream.linear.scatter [tilespmem:s25], [sflag:$0x4], $0x7000, $0x38;
	[tilespmem:$0x1F600] =	vst v63  }
0x4ea: {  	s28 =	sadd.s32 $0x1, s28  }
0x4eb: {  	_ =	swait.ge [sflag:s26], $0x7000;
	p0 =	sne.s32 s28, s12  }
.Ltmp6:
0x4ec: {  	[sflag:s26] =	ssyncset.done $0x0;
	(pc) =	sbr.rel @p0 .LBB2_1-.Ltmp6, $4  }
0x4ed: {  	[sflag:s26] =	ssyncadd.s32 $0xFFFF9000  }
0x4ee: {  	_ =	swait.ge [sflag:s24], $0x7000  }
0x4ef: {  	[sflag:s24] =	ssyncset.done $0x0  }
0x4f0: {  	[sflag:s24] =	ssyncadd.s32 $0xFFFF9000  }
0x4f1: {  	_ =	sfence.sel $0x180000  }
0x4f2: {  	[bflag:$0x0] =	sbarrier.arrive $0xFFFF  }
0x4f3: {  	_ =	strace $0x90000047  }
0x4f4: {  	s0 =	stileid.u32;
	[bflag:$0x2] =	sbarrier.arrive $0xFFFF  }
0x4f5: {  	p0 =	sne.s32 s0, $0x0;
	s0 =	rddreg [dreg:$0x3]  }
0x4f6: {  	s0 =	sadd.s32 @!p0 $0x100000, s0  }
0x4f7: {  	[sflag:s0] =	ssyncadd.tile.s32 @!p0 $0x1;
	_ =	shalt  }
.Lfunc_end2:
_tile_overlayer_lowered:
.L_overlay_start_2:
0x4f8: {  	(tag) =	ssettag $0x2  }
0x4f9: {  	s0 =	rddreg [dreg:$0x0];
	s2 =	stileid.u32  }
0x4fa: {  	s1 =	rddreg [dreg:$0x1];
	p0 =	sne.s32 s2, $0x0  }
0x4fb: {  	s3 =	rddreg [dreg:$0x2];
	[bflag:$0x3] =	sbarrier.arrive $0xFFFF;
	s2 =	simm.s32 @!p0 $0x1C05  }
0x4fc: {  	[timem:s3], [sflag:s2] =	dma.local @!p0 [hbm:s0], s1  }
0x4fd: {  	s0 =	simm.s32 @!p0 $0x5  }
0x4fe: {  	_ =	swait.ge @!p0 [sflag:s0], s1  }
0x4ff: {  	s1 =	ssub.s32 @!p0 $0x0, s1;
	[sflag:s0] =	ssyncset.done @!p0 $0x0  }
0x500: {  	[sflag:s0] =	ssyncadd.s32 @!p0 s1  }
0x501: {  	[bflag:$0x3] =	sbarrier.arrive $0xFFFF  }
0x502: {  	_ =	shalt  }

</sc_bundles>
